<compile_context>
chip_gen: v7x
topology: tpu7x:2x2x1
jax: 0.10.2.dev20260603
libtpu: 0.0.44.dev20260713+nightly
codegen_flags: <defaults>
</compile_context>

<pallas_src>
import functools

import jax
import jax.numpy as jnp
import numpy as np
from jax import lax
from jax.experimental import pallas as pl
from jax.experimental.pallas import tpu as pltpu
from jax.experimental.pallas import tpu_sc as plsc

N = 10000
E = 320000
F = 128
NUM_GRAPHS = 32

NCORE = 2
NSUB = 16
NT = NCORE * NSUB
CH = 112
K = 90
SB = 6
T = K // SB
E_PAD = NT * K * CH
NP = 10240
RB = 2048
NBLK = NP // RB
ZSIZES = (112, 112, 112, 112, 112, 80)




def _deg_body(dst_hbm, ones_hbm, zeros_hbm, out_hbm, idx_v, ones_v, deg_sh,
              dsem0, dsem1):
    c = lax.axis_index("c")
    s = lax.axis_index("s")
    wid = c * NSUB + s
    pltpu.sync_copy(ones_hbm, ones_v)
    base = s * (NP // NSUB)
    off = 0
    for sz in ZSIZES:
        pltpu.sync_copy(zeros_hbm.at[pl.ds(0, sz)],
                        deg_sh.at[pl.ds(base + off, sz)])
        off += sz
    pltpu.sync_copy(dst_hbm.at[wid], idx_v)
    plsc.subcore_barrier()

    def body(m, carry):
        g = m * 2

        @pl.when(m >= 1)
        def _():
            pltpu.make_async_copy(ones_v, deg_sh.at[idx_v.at[g]],
                                  dsem0).wait()

        pltpu.async_copy(ones_v, deg_sh.at[idx_v.at[g]], dsem0, add=True)

        @pl.when(m >= 1)
        def _():
            pltpu.make_async_copy(ones_v, deg_sh.at[idx_v.at[g + 1]],
                                  dsem1).wait()

        pltpu.async_copy(ones_v, deg_sh.at[idx_v.at[g + 1]], dsem1, add=True)
        return carry

    lax.fori_loop(0, K // 2, body, 0)
    pltpu.make_async_copy(ones_v, deg_sh.at[idx_v.at[0]], dsem0).wait()
    pltpu.make_async_copy(ones_v, deg_sh.at[idx_v.at[0]], dsem1).wait()
    plsc.subcore_barrier()
    off = 0
    for sz in ZSIZES:
        r = base + off
        pltpu.sync_copy(deg_sh.at[pl.ds(r, sz)], out_hbm.at[c, pl.ds(r, sz)])
        off += sz


def _scatter_body(lin_hbm, src_hbm, dst_hbm, zeros_hbm, out_hbm,
                  isrc_v, idst_v, rb0, rb1, rb2, acc_sh,
                  g0, g1, g2, s0, s1, s2, semi):
    c = lax.axis_index("c")
    s = lax.axis_index("s")
    wid = c * NSUB + s
    pltpu.sync_copy(zeros_hbm, rb0)
    base = s * (NP // NSUB)
    off = 0
    for sz in ZSIZES:
        pltpu.sync_copy(rb0.at[pl.ds(0, sz)],
                        acc_sh.at[pl.ds(base + off, sz)])
        off += sz
    pltpu.sync_copy(src_hbm.at[wid, 0], isrc_v.at[0])
    pltpu.sync_copy(dst_hbm.at[wid, 0], idst_v.at[0])
    pltpu.async_copy(src_hbm.at[wid, 1], isrc_v.at[1], semi)
    pltpu.async_copy(dst_hbm.at[wid, 1], idst_v.at[1], semi)
    plsc.subcore_barrier()

    rbs = (rb0, rb1, rb2)
    gs = (g0, g1, g2)
    ss = (s0, s1, s2)
    pltpu.async_copy(lin_hbm.at[isrc_v.at[0, 0]], rb0, g0)
    pltpu.async_copy(lin_hbm.at[isrc_v.at[0, 1]], rb1, g1)

    def outer(t, carry):
        slot = lax.rem(t, 2)
        nslot = 1 - slot
        for j in range(SB):
            g = t * SB + j
            b = j % 3
            b2 = (j + 2) % 3
            if j == 0:
                @pl.when(g >= 1)
                def _():
                    pltpu.make_async_copy(
                        rbs[b2], acc_sh.at[idst_v.at[nslot, SB - 1]],
                        ss[b2]).wait()

                @pl.when(jnp.logical_and(t >= 1, t + 1 < T))
                def _():
                    pltpu.async_copy(src_hbm.at[wid, t + 1],
                                     isrc_v.at[nslot], semi)
                    pltpu.async_copy(dst_hbm.at[wid, t + 1],
                                     idst_v.at[nslot], semi)
            else:
                pltpu.make_async_copy(
                    rbs[b2], acc_sh.at[idst_v.at[slot, j - 1]],
                    ss[b2]).wait()
            if j < SB - 2:
                pltpu.async_copy(lin_hbm.at[isrc_v.at[slot, j + 2]],
                                 rbs[b2], gs[b2])
            else:
                @pl.when(t + 1 < T)
                def _():
                    if j == SB - 2:
                        pltpu.make_async_copy(src_hbm.at[wid, t + 1],
                                              isrc_v.at[nslot], semi).wait()
                        pltpu.make_async_copy(dst_hbm.at[wid, t + 1],
                                              idst_v.at[nslot], semi).wait()
                    pltpu.async_copy(lin_hbm.at[isrc_v.at[nslot, j + 2 - SB]],
                                     rbs[b2], gs[b2])
            pltpu.make_async_copy(lin_hbm.at[isrc_v.at[slot, j]], rbs[b],
                                  gs[b]).wait()
            pltpu.async_copy(rbs[b], acc_sh.at[idst_v.at[slot, j]], ss[b],
                             add=True)
        return carry

    lax.fori_loop(0, T, outer, 0)
    pltpu.make_async_copy(rbs[(SB - 1) % 3],
                          acc_sh.at[idst_v.at[(T - 1) % 2, SB - 1]],
                          ss[(SB - 1) % 3]).wait()
    plsc.subcore_barrier()
    off = 0
    for sz in ZSIZES:
        r = base + off
        pltpu.sync_copy(acc_sh.at[pl.ds(r, sz)], out_hbm.at[c, pl.ds(r, sz)])
        off += sz


@functools.lru_cache(maxsize=None)
def _sc_kernels():
    mesh = plsc.VectorSubcoreMesh(
        core_axis_name="c", subcore_axis_name="s", num_cores=NCORE,
        num_subcores=NSUB)
    deg_kernel = pl.kernel(
        _deg_body,
        out_type=jax.ShapeDtypeStruct((NCORE, NP, F), jnp.float32),
        mesh=mesh,
        scratch_types=[
            pltpu.VMEM((K, CH), jnp.int32),
            pltpu.VMEM((CH, F), jnp.float32),
            pltpu.VMEM_SHARED((NP, F), jnp.float32),
            pltpu.SemaphoreType.DMA,
            pltpu.SemaphoreType.DMA,
        ],
    )
    scatter_kernel = pl.kernel(
        _scatter_body,
        out_type=jax.ShapeDtypeStruct((NCORE, NP, F), jnp.float32),
        mesh=mesh,
        scratch_types=[
            pltpu.VMEM((2, SB, CH), jnp.int32),
            pltpu.VMEM((2, SB, CH), jnp.int32),
            pltpu.VMEM((CH, F), jnp.float32),
            pltpu.VMEM((CH, F), jnp.float32),
            pltpu.VMEM((CH, F), jnp.float32),
            pltpu.VMEM_SHARED((NP, F), jnp.float32),
            pltpu.SemaphoreType.DMA,
            pltpu.SemaphoreType.DMA,
            pltpu.SemaphoreType.DMA,
            pltpu.SemaphoreType.DMA,
            pltpu.SemaphoreType.DMA,
            pltpu.SemaphoreType.DMA,
            pltpu.SemaphoreType.DMA,
        ],
    )
    return deg_kernel, scatter_kernel



def _tpre_body(x_ref, deg_ref, w_ref, lin_ref, dinv_ref):
    deg = deg_ref[0][:, 0:1] + deg_ref[1][:, 0:1] + 1.0
    dinv_c = lax.rsqrt(deg)
    dinv = jnp.broadcast_to(dinv_c, (RB, F))
    dinv_ref[...] = jnp.broadcast_to(dinv_c, (RB, 8))
    lin_ref[...] = jnp.dot(x_ref[...], w_ref[...],
                           preferred_element_type=jnp.float32) * dinv


def _tlayer_body(s_ref, lin_ref, dinv_ref, w_ref, b_ref, out_ref):
    dinv = jnp.broadcast_to(dinv_ref[...][:, 0:1], (RB, F))
    h = jnp.maximum(dinv * (s_ref[0] + s_ref[1] + lin_ref[...]) + b_ref[...],
                    0.0)
    out_ref[...] = jnp.dot(h, w_ref[...],
                           preferred_element_type=jnp.float32) * dinv


def _tfinal_body(s_ref, lin_ref, dinv_ref, bc_ref, batch_ref,
                 wf0_ref, bf0_ref, wf1_ref, bf1_ref, wf2_ref, bf2_ref,
                 out_ref, acc_ref):
    i = pl.program_id(0)
    dinv = jnp.broadcast_to(dinv_ref[...][:, 0:1], (RB, F))
    h = jnp.maximum(
        dinv * (s_ref[0] + s_ref[1] + lin_ref[...]) + bc_ref[...], 0.0)
    gid = lax.broadcasted_iota(jnp.int32, (NUM_GRAPHS, RB), 0)
    onehot_t = (batch_ref[0] == gid).astype(jnp.float32)
    contrib = jnp.dot(onehot_t, h, preferred_element_type=jnp.float32)

    @pl.when(i == 0)
    def _():
        acc_ref[...] = contrib

    @pl.when(i > 0)
    def _():
        acc_ref[...] += contrib

    @pl.when(i == NBLK - 1)
    def _():
        o = acc_ref[...]
        o = jnp.maximum(jnp.dot(o, wf0_ref[...],
                                preferred_element_type=jnp.float32)
                        + bf0_ref[...], 0.0)
        o = jnp.maximum(jnp.dot(o, wf1_ref[...],
                                preferred_element_type=jnp.float32)
                        + bf1_ref[...], 0.0)
        o = jnp.maximum(jnp.dot(o, wf2_ref[...],
                                preferred_element_type=jnp.float32)
                        + bf2_ref[...], 0.0)
        out_ref[...] = o


_row_spec = pl.BlockSpec((RB, F), lambda i: (i, 0))
_s_spec = pl.BlockSpec((NCORE, RB, F), lambda i: (0, i, 0))
_w_spec = pl.BlockSpec((F, F), lambda i: (0, 0))
_b_spec = pl.BlockSpec((1, F), lambda i: (0, 0))
_dinv_spec = pl.BlockSpec((RB, 8), lambda i: (i, 0))

_tpre = pl.pallas_call(
    _tpre_body,
    grid=(NBLK,),
    in_specs=[
        _row_spec,
        pl.BlockSpec((NCORE, RB, F), lambda i: (0, i, 0)),
        _w_spec,
    ],
    out_specs=[_row_spec, _dinv_spec],
    out_shape=[jax.ShapeDtypeStruct((NP, F), jnp.float32),
               jax.ShapeDtypeStruct((NP, 8), jnp.float32)],
)

_tlayer = pl.pallas_call(
    _tlayer_body,
    grid=(NBLK,),
    in_specs=[_s_spec, _row_spec, _dinv_spec, _w_spec, _b_spec],
    out_specs=_row_spec,
    out_shape=jax.ShapeDtypeStruct((NP, F), jnp.float32),
)

_tfinal = pl.pallas_call(
    _tfinal_body,
    grid=(NBLK,),
    in_specs=[
        _s_spec, _row_spec, _dinv_spec, _b_spec,
        pl.BlockSpec((1, 1, RB), lambda i: (i, 0, 0)),
        _w_spec, _b_spec, _w_spec, _b_spec, _w_spec, _b_spec,
    ],
    out_specs=pl.BlockSpec((NUM_GRAPHS, F), lambda i: (0, 0)),
    out_shape=jax.ShapeDtypeStruct((NUM_GRAPHS, F), jnp.float32),
    scratch_shapes=[pltpu.VMEM((NUM_GRAPHS, F), jnp.float32)],
)


def kernel(x, edge_index, batch, Wc0, bc0, Wc1, bc1, Wc2, bc2,
           Wf0, bf0, Wf1, bf1, Wf2, bf2):
    x_p = jnp.pad(x, ((0, NP - N), (0, 0)))
    pad_tail = jnp.asarray(
        N + np.arange(E_PAD - E, dtype=np.int32) % (NP - N))
    src_flat = jnp.concatenate([edge_index[0], pad_tail])
    dst_flat = jnp.concatenate([edge_index[1], pad_tail])
    src_p = src_flat.reshape(NT, T, SB, CH)
    dst_p = dst_flat.reshape(NT, T, SB, CH)
    dst_deg = dst_flat.reshape(NT, K, CH)
    batch_p = jnp.pad(batch, (0, NP - N),
                      constant_values=NUM_GRAPHS).reshape(NBLK, 1, RB)
    zeros128 = jnp.zeros((CH, F), jnp.float32)
    ones128 = jnp.ones((CH, F), jnp.float32)
    bc0_ = bc0.reshape(1, F)
    bc1_ = bc1.reshape(1, F)
    bc2_ = bc2.reshape(1, F)
    bf0_ = bf0.reshape(1, F)
    bf1_ = bf1.reshape(1, F)
    bf2_ = bf2.reshape(1, F)

    _deg_kernel, _scatter_kernel = _sc_kernels()
    deg = _deg_kernel(dst_deg, ones128, zeros128)

    lin0, dinv = _tpre(x_p, deg, Wc0)
    s0 = _scatter_kernel(lin0, src_p, dst_p, zeros128)
    lin1 = _tlayer(s0, lin0, dinv, Wc1, bc0_)
    s1 = _scatter_kernel(lin1, src_p, dst_p, zeros128)
    lin2 = _tlayer(s1, lin1, dinv, Wc2, bc1_)
    s2 = _scatter_kernel(lin2, src_p, dst_p, zeros128)
    out = _tfinal(s2, lin2, dinv, bc2_, batch_p,
                  Wf0, bf0_, Wf1, bf1_, Wf2, bf2_)
    return out

# --- scband reference (transcript-rebuilt; emitter-appended) ---
"""Pipeline reference for scband-time-series-convolutional-graph-model-20667382628588 (READ-ONLY COPY).

The authoritative reference and input builder live on the scoring server;
editing this copy changes nothing except your own understanding.
"""

import jax, jax.numpy as jnp
import numpy as np

N = 10000
E = 320000
F_IN = 128
H = 128
OUT = 128
NUM_LAYERS = 3
NUM_GRAPHS = 32


def setup_inputs(seed: int = 0) -> dict:
    key = jax.random.key(seed)
    ks = jax.random.split(key, 20)
    x = jax.random.normal(ks[0], (N, F_IN), dtype=jnp.float32)
    edge_index = jax.random.randint(ks[1], (2, E), 0, N, dtype=jnp.int32)
    batch = jnp.sort(jax.random.randint(ks[2], (N,), 0, NUM_GRAPHS, dtype=jnp.int32))
    inp = {"x": x, "edge_index": edge_index, "batch": batch}
    dims_in = [F_IN, H, H]
    for i in range(NUM_LAYERS):
        s = 1.0 / np.sqrt(dims_in[i])
        inp[f"Wc{i}"] = jax.random.uniform(ks[3 + 2 * i], (dims_in[i], H), dtype=jnp.float32, minval=-s, maxval=s)
        inp[f"bc{i}"] = jnp.zeros((H,), dtype=jnp.float32)
    fc_in = [H, OUT, OUT]
    for i in range(NUM_LAYERS):
        s = 1.0 / np.sqrt(fc_in[i])
        inp[f"Wf{i}"] = jax.random.uniform(ks[10 + 2 * i], (fc_in[i], OUT), dtype=jnp.float32, minval=-s, maxval=s)
        inp[f"bf{i}"] = jnp.zeros((OUT,), dtype=jnp.float32)
    return inp


def _gcn_norm(edge_index, n):
    loop = jnp.arange(n, dtype=edge_index.dtype)
    src = jnp.concatenate([edge_index[0], loop])
    dst = jnp.concatenate([edge_index[1], loop])
    deg = jax.ops.segment_sum(jnp.ones_like(dst, dtype=jnp.float32), dst, num_segments=n)
    dinv = jnp.where(deg > 0, 1.0 / jnp.sqrt(deg), 0.0)
    norm = dinv[src] * dinv[dst]
    return src, dst, norm


def reference(x, edge_index, batch, Wc0, bc0, Wc1, bc1, Wc2, bc2, Wf0, bf0, Wf1, bf1, Wf2, bf2):
    src, dst, norm = _gcn_norm(edge_index, N)
    Wcs = [(Wc0, bc0), (Wc1, bc1), (Wc2, bc2)]
    h = x
    for W, b in Wcs:
        lin = h @ W
        msg = lin[src] * norm[:, None]
        agg = jax.ops.segment_sum(msg, dst, num_segments=N)
        h = jax.nn.relu(agg + b)
    pooled = jax.ops.segment_sum(h, batch, num_segments=NUM_GRAPHS)
    Wfs = [(Wf0, bf0), (Wf1, bf1), (Wf2, bf2)]
    out = pooled
    for W, b in Wfs:
        out = jax.nn.relu(out @ W + b)
    return out

if __name__ == "__main__":
    import jax
    _d = setup_inputs()
    print(jax.jit(kernel)(*tuple(_d.values())))

</pallas_src>

<mosaic_0001>
#map = affine_map<(d0, d1) -> (0, 0)>
#map1 = affine_map<(d0, d1) -> (0, 0, 0, 0)>
#map2 = affine_map<(d0, d1) -> (0, 0, 0)>
module attributes {stable_mosaic.version = 14 : i64} {
  func.func @_scatter_body(%arg0: i32, %arg1: i32, %arg2: memref<10240x128xf32, #tpu.memory_space<hbm>>, %arg3: memref<32x15x6x112xi32, #tpu.memory_space<hbm>>, %arg4: memref<32x15x6x112xi32, #tpu.memory_space<hbm>>, %arg5: memref<112x128xf32, #tpu.memory_space<hbm>>, %arg6: memref<2x10240x128xf32, #tpu.memory_space<hbm>>, %arg7: memref<2x6x112xi32, #tpu.memory_space<vmem>>, %arg8: memref<2x6x112xi32, #tpu.memory_space<vmem>>, %arg9: memref<112x128xf32, #tpu.memory_space<vmem>>, %arg10: memref<112x128xf32, #tpu.memory_space<vmem>>, %arg11: memref<112x128xf32, #tpu.memory_space<vmem>>, %arg12: memref<10240x128xf32, #tpu.memory_space<vmem_shared>>, %arg13: memref<!tpu.dma_semaphore, #tpu.memory_space<semaphore_mem>>, %arg14: memref<!tpu.dma_semaphore, #tpu.memory_space<semaphore_mem>>, %arg15: memref<!tpu.dma_semaphore, #tpu.memory_space<semaphore_mem>>, %arg16: memref<!tpu.dma_semaphore, #tpu.memory_space<semaphore_mem>>, %arg17: memref<!tpu.dma_semaphore, #tpu.memory_space<semaphore_mem>>, %arg18: memref<!tpu.dma_semaphore, #tpu.memory_space<semaphore_mem>>, %arg19: memref<!tpu.dma_semaphore, #tpu.memory_space<semaphore_mem>>) attributes {dimension_semantics = [#tpu.dimension_semantics<core_parallel>, #tpu.dimension_semantics<subcore_parallel>], iteration_bounds = array<i64: 2, 16>, scalar_prefetch = 0 : i64, scratch_operands = 13 : i64, tpu.core_type = #tpu.core_type<sc_vector_subcore>, window_params = [{transform_indices = #map}, {transform_indices = #map1}, {transform_indices = #map1}, {transform_indices = #map}, {transform_indices = #map2}]} {
    %mul3A = arith.constant 16 : i32
    %mul3A_0 = arith.muli %arg0, %mul3A : i32
    %add3A = arith.addi %mul3A_0, %arg1 : i32
    "tpu.region"() ({
      %run_scoped3A_94 = tpu.sem_alloc : memref<!tpu.dma_semaphore, #tpu.memory_space<semaphore_mem>>
      tpu.enqueue_dma source(%arg5 : memref<112x128xf32, #tpu.memory_space<hbm>>) target(%arg9 : memref<112x128xf32, #tpu.memory_space<vmem>>) target_semaphore(%run_scoped3A_94 : memref<!tpu.dma_semaphore, #tpu.memory_space<semaphore_mem>>)
      tpu.wait_dma2 semaphore(%run_scoped3A_94 : memref<!tpu.dma_semaphore, #tpu.memory_space<semaphore_mem>>) src(%arg5 : memref<112x128xf32, #tpu.memory_space<hbm>>) dst(%arg9 : memref<112x128xf32, #tpu.memory_space<vmem>>)
      tpu.yield
    }) : () -> ()
    %mul3A_1 = arith.constant 640 : i32
    %mul3A_2 = arith.muli %arg1, %mul3A_1 : i32
    %add3A_3 = arith.constant 0 : i32
    %add3A_4 = arith.addi %mul3A_2, %add3A_3 : i32
    "tpu.region"() ({
      %run_scoped3A_94 = tpu.sem_alloc : memref<!tpu.dma_semaphore, #tpu.memory_space<semaphore_mem>>
      %dma_start3A_95 = arith.constant 0 : i32
      %dma_start3A_96 = arith.constant 0 : i32
      %dma_start3A_97 = tpu.memref_slice %arg9[%dma_start3A_95, %dma_start3A_96] : memref<112x128xf32, #tpu.memory_space<vmem>> -> memref<112x128xf32, #tpu.memory_space<vmem>>
      %dma_start3A_98 = arith.constant 0 : i32
      %dma_start3A_99 = tpu.memref_slice %arg12[%add3A_4, %dma_start3A_98] : memref<10240x128xf32, #tpu.memory_space<vmem_shared>> -> memref<112x128xf32, #tpu.memory_space<vmem_shared>>
      %dma_start3A_100 = arith.constant 0 : i32
      %dma_start3A_101 = tpu.memref_slice %arg12[%add3A_4, %dma_start3A_100] : memref<10240x128xf32, #tpu.memory_space<vmem_shared>> -> memref<112x128xf32, #tpu.memory_space<vmem_shared>>
      %dma_start3A_102 = arith.constant 0 : i32
      %dma_start3A_103 = arith.constant 0 : i32
      %dma_start3A_104 = tpu.memref_slice %arg9[%dma_start3A_102, %dma_start3A_103] : memref<112x128xf32, #tpu.memory_space<vmem>> -> memref<112x128xf32, #tpu.memory_space<vmem>>
      tpu.enqueue_dma source(%dma_start3A_104 : memref<112x128xf32, #tpu.memory_space<vmem>>) target(%dma_start3A_101 : memref<112x128xf32, #tpu.memory_space<vmem_shared>>) target_semaphore(%run_scoped3A_94 : memref<!tpu.dma_semaphore, #tpu.memory_space<semaphore_mem>>)
      %dma_wait3A_105 = arith.constant 0 : i32
      %dma_wait3A_106 = arith.constant 0 : i32
      %dma_wait3A_107 = tpu.memref_slice %arg9[%dma_wait3A_105, %dma_wait3A_106] : memref<112x128xf32, #tpu.memory_space<vmem>> -> memref<112x128xf32, #tpu.memory_space<vmem>>
      %dma_wait3A_108 = arith.constant 0 : i32
      %dma_wait3A_109 = tpu.memref_slice %arg12[%add3A_4, %dma_wait3A_108] : memref<10240x128xf32, #tpu.memory_space<vmem_shared>> -> memref<112x128xf32, #tpu.memory_space<vmem_shared>>
      %dma_wait3A_110 = arith.constant 0 : i32
      %dma_wait3A_111 = tpu.memref_slice %arg12[%add3A_4, %dma_wait3A_110] : memref<10240x128xf32, #tpu.memory_space<vmem_shared>> -> memref<112x128xf32, #tpu.memory_space<vmem_shared>>
      %dma_wait3A_112 = arith.constant 0 : i32
      %dma_wait3A_113 = arith.constant 0 : i32
      %dma_wait3A_114 = tpu.memref_slice %arg9[%dma_wait3A_112, %dma_wait3A_113] : memref<112x128xf32, #tpu.memory_space<vmem>> -> memref<112x128xf32, #tpu.memory_space<vmem>>
      tpu.wait_dma2 semaphore(%run_scoped3A_94 : memref<!tpu.dma_semaphore, #tpu.memory_space<semaphore_mem>>) src(%dma_wait3A_114 : memref<112x128xf32, #tpu.memory_space<vmem>>) dst(%dma_wait3A_111 : memref<112x128xf32, #tpu.memory_space<vmem_shared>>)
      tpu.yield
    }) : () -> ()
    %add3A_5 = arith.constant 112 : i32
    %add3A_6 = arith.addi %mul3A_2, %add3A_5 : i32
    "tpu.region"() ({
      %run_scoped3A_94 = tpu.sem_alloc : memref<!tpu.dma_semaphore, #tpu.memory_space<semaphore_mem>>
      %dma_start3A_95 = arith.constant 0 : i32
      %dma_start3A_96 = arith.constant 0 : i32
      %dma_start3A_97 = tpu.memref_slice %arg9[%dma_start3A_95, %dma_start3A_96] : memref<112x128xf32, #tpu.memory_space<vmem>> -> memref<112x128xf32, #tpu.memory_space<vmem>>
      %dma_start3A_98 = arith.constant 0 : i32
      %dma_start3A_99 = tpu.memref_slice %arg12[%add3A_6, %dma_start3A_98] : memref<10240x128xf32, #tpu.memory_space<vmem_shared>> -> memref<112x128xf32, #tpu.memory_space<vmem_shared>>
      %dma_start3A_100 = arith.constant 0 : i32
      %dma_start3A_101 = tpu.memref_slice %arg12[%add3A_6, %dma_start3A_100] : memref<10240x128xf32, #tpu.memory_space<vmem_shared>> -> memref<112x128xf32, #tpu.memory_space<vmem_shared>>
      %dma_start3A_102 = arith.constant 0 : i32
      %dma_start3A_103 = arith.constant 0 : i32
      %dma_start3A_104 = tpu.memref_slice %arg9[%dma_start3A_102, %dma_start3A_103] : memref<112x128xf32, #tpu.memory_space<vmem>> -> memref<112x128xf32, #tpu.memory_space<vmem>>
      tpu.enqueue_dma source(%dma_start3A_104 : memref<112x128xf32, #tpu.memory_space<vmem>>) target(%dma_start3A_101 : memref<112x128xf32, #tpu.memory_space<vmem_shared>>) target_semaphore(%run_scoped3A_94 : memref<!tpu.dma_semaphore, #tpu.memory_space<semaphore_mem>>)
      %dma_wait3A_105 = arith.constant 0 : i32
      %dma_wait3A_106 = arith.constant 0 : i32
      %dma_wait3A_107 = tpu.memref_slice %arg9[%dma_wait3A_105, %dma_wait3A_106] : memref<112x128xf32, #tpu.memory_space<vmem>> -> memref<112x128xf32, #tpu.memory_space<vmem>>
      %dma_wait3A_108 = arith.constant 0 : i32
      %dma_wait3A_109 = tpu.memref_slice %arg12[%add3A_6, %dma_wait3A_108] : memref<10240x128xf32, #tpu.memory_space<vmem_shared>> -> memref<112x128xf32, #tpu.memory_space<vmem_shared>>
      %dma_wait3A_110 = arith.constant 0 : i32
      %dma_wait3A_111 = tpu.memref_slice %arg12[%add3A_6, %dma_wait3A_110] : memref<10240x128xf32, #tpu.memory_space<vmem_shared>> -> memref<112x128xf32, #tpu.memory_space<vmem_shared>>
      %dma_wait3A_112 = arith.constant 0 : i32
      %dma_wait3A_113 = arith.constant 0 : i32
      %dma_wait3A_114 = tpu.memref_slice %arg9[%dma_wait3A_112, %dma_wait3A_113] : memref<112x128xf32, #tpu.memory_space<vmem>> -> memref<112x128xf32, #tpu.memory_space<vmem>>
      tpu.wait_dma2 semaphore(%run_scoped3A_94 : memref<!tpu.dma_semaphore, #tpu.memory_space<semaphore_mem>>) src(%dma_wait3A_114 : memref<112x128xf32, #tpu.memory_space<vmem>>) dst(%dma_wait3A_111 : memref<112x128xf32, #tpu.memory_space<vmem_shared>>)
      tpu.yield
    }) : () -> ()
    %add3A_7 = arith.constant 224 : i32
    %add3A_8 = arith.addi %mul3A_2, %add3A_7 : i32
    "tpu.region"() ({
      %run_scoped3A_94 = tpu.sem_alloc : memref<!tpu.dma_semaphore, #tpu.memory_space<semaphore_mem>>
      %dma_start3A_95 = arith.constant 0 : i32
      %dma_start3A_96 = arith.constant 0 : i32
      %dma_start3A_97 = tpu.memref_slice %arg9[%dma_start3A_95, %dma_start3A_96] : memref<112x128xf32, #tpu.memory_space<vmem>> -> memref<112x128xf32, #tpu.memory_space<vmem>>
      %dma_start3A_98 = arith.constant 0 : i32
      %dma_start3A_99 = tpu.memref_slice %arg12[%add3A_8, %dma_start3A_98] : memref<10240x128xf32, #tpu.memory_space<vmem_shared>> -> memref<112x128xf32, #tpu.memory_space<vmem_shared>>
      %dma_start3A_100 = arith.constant 0 : i32
      %dma_start3A_101 = tpu.memref_slice %arg12[%add3A_8, %dma_start3A_100] : memref<10240x128xf32, #tpu.memory_space<vmem_shared>> -> memref<112x128xf32, #tpu.memory_space<vmem_shared>>
      %dma_start3A_102 = arith.constant 0 : i32
      %dma_start3A_103 = arith.constant 0 : i32
      %dma_start3A_104 = tpu.memref_slice %arg9[%dma_start3A_102, %dma_start3A_103] : memref<112x128xf32, #tpu.memory_space<vmem>> -> memref<112x128xf32, #tpu.memory_space<vmem>>
      tpu.enqueue_dma source(%dma_start3A_104 : memref<112x128xf32, #tpu.memory_space<vmem>>) target(%dma_start3A_101 : memref<112x128xf32, #tpu.memory_space<vmem_shared>>) target_semaphore(%run_scoped3A_94 : memref<!tpu.dma_semaphore, #tpu.memory_space<semaphore_mem>>)
      %dma_wait3A_105 = arith.constant 0 : i32
      %dma_wait3A_106 = arith.constant 0 : i32
      %dma_wait3A_107 = tpu.memref_slice %arg9[%dma_wait3A_105, %dma_wait3A_106] : memref<112x128xf32, #tpu.memory_space<vmem>> -> memref<112x128xf32, #tpu.memory_space<vmem>>
      %dma_wait3A_108 = arith.constant 0 : i32
      %dma_wait3A_109 = tpu.memref_slice %arg12[%add3A_8, %dma_wait3A_108] : memref<10240x128xf32, #tpu.memory_space<vmem_shared>> -> memref<112x128xf32, #tpu.memory_space<vmem_shared>>
      %dma_wait3A_110 = arith.constant 0 : i32
      %dma_wait3A_111 = tpu.memref_slice %arg12[%add3A_8, %dma_wait3A_110] : memref<10240x128xf32, #tpu.memory_space<vmem_shared>> -> memref<112x128xf32, #tpu.memory_space<vmem_shared>>
      %dma_wait3A_112 = arith.constant 0 : i32
      %dma_wait3A_113 = arith.constant 0 : i32
      %dma_wait3A_114 = tpu.memref_slice %arg9[%dma_wait3A_112, %dma_wait3A_113] : memref<112x128xf32, #tpu.memory_space<vmem>> -> memref<112x128xf32, #tpu.memory_space<vmem>>
      tpu.wait_dma2 semaphore(%run_scoped3A_94 : memref<!tpu.dma_semaphore, #tpu.memory_space<semaphore_mem>>) src(%dma_wait3A_114 : memref<112x128xf32, #tpu.memory_space<vmem>>) dst(%dma_wait3A_111 : memref<112x128xf32, #tpu.memory_space<vmem_shared>>)
      tpu.yield
    }) : () -> ()
    %add3A_9 = arith.constant 336 : i32
    %add3A_10 = arith.addi %mul3A_2, %add3A_9 : i32
    "tpu.region"() ({
      %run_scoped3A_94 = tpu.sem_alloc : memref<!tpu.dma_semaphore, #tpu.memory_space<semaphore_mem>>
      %dma_start3A_95 = arith.constant 0 : i32
      %dma_start3A_96 = arith.constant 0 : i32
      %dma_start3A_97 = tpu.memref_slice %arg9[%dma_start3A_95, %dma_start3A_96] : memref<112x128xf32, #tpu.memory_space<vmem>> -> memref<112x128xf32, #tpu.memory_space<vmem>>
      %dma_start3A_98 = arith.constant 0 : i32
      %dma_start3A_99 = tpu.memref_slice %arg12[%add3A_10, %dma_start3A_98] : memref<10240x128xf32, #tpu.memory_space<vmem_shared>> -> memref<112x128xf32, #tpu.memory_space<vmem_shared>>
      %dma_start3A_100 = arith.constant 0 : i32
      %dma_start3A_101 = tpu.memref_slice %arg12[%add3A_10, %dma_start3A_100] : memref<10240x128xf32, #tpu.memory_space<vmem_shared>> -> memref<112x128xf32, #tpu.memory_space<vmem_shared>>
      %dma_start3A_102 = arith.constant 0 : i32
      %dma_start3A_103 = arith.constant 0 : i32
      %dma_start3A_104 = tpu.memref_slice %arg9[%dma_start3A_102, %dma_start3A_103] : memref<112x128xf32, #tpu.memory_space<vmem>> -> memref<112x128xf32, #tpu.memory_space<vmem>>
      tpu.enqueue_dma source(%dma_start3A_104 : memref<112x128xf32, #tpu.memory_space<vmem>>) target(%dma_start3A_101 : memref<112x128xf32, #tpu.memory_space<vmem_shared>>) target_semaphore(%run_scoped3A_94 : memref<!tpu.dma_semaphore, #tpu.memory_space<semaphore_mem>>)
      %dma_wait3A_105 = arith.constant 0 : i32
      %dma_wait3A_106 = arith.constant 0 : i32
      %dma_wait3A_107 = tpu.memref_slice %arg9[%dma_wait3A_105, %dma_wait3A_106] : memref<112x128xf32, #tpu.memory_space<vmem>> -> memref<112x128xf32, #tpu.memory_space<vmem>>
      %dma_wait3A_108 = arith.constant 0 : i32
      %dma_wait3A_109 = tpu.memref_slice %arg12[%add3A_10, %dma_wait3A_108] : memref<10240x128xf32, #tpu.memory_space<vmem_shared>> -> memref<112x128xf32, #tpu.memory_space<vmem_shared>>
      %dma_wait3A_110 = arith.constant 0 : i32
      %dma_wait3A_111 = tpu.memref_slice %arg12[%add3A_10, %dma_wait3A_110] : memref<10240x128xf32, #tpu.memory_space<vmem_shared>> -> memref<112x128xf32, #tpu.memory_space<vmem_shared>>
      %dma_wait3A_112 = arith.constant 0 : i32
      %dma_wait3A_113 = arith.constant 0 : i32
      %dma_wait3A_114 = tpu.memref_slice %arg9[%dma_wait3A_112, %dma_wait3A_113] : memref<112x128xf32, #tpu.memory_space<vmem>> -> memref<112x128xf32, #tpu.memory_space<vmem>>
      tpu.wait_dma2 semaphore(%run_scoped3A_94 : memref<!tpu.dma_semaphore, #tpu.memory_space<semaphore_mem>>) src(%dma_wait3A_114 : memref<112x128xf32, #tpu.memory_space<vmem>>) dst(%dma_wait3A_111 : memref<112x128xf32, #tpu.memory_space<vmem_shared>>)
      tpu.yield
    }) : () -> ()
    %add3A_11 = arith.constant 448 : i32
    %add3A_12 = arith.addi %mul3A_2, %add3A_11 : i32
    "tpu.region"() ({
      %run_scoped3A_94 = tpu.sem_alloc : memref<!tpu.dma_semaphore, #tpu.memory_space<semaphore_mem>>
      %dma_start3A_95 = arith.constant 0 : i32
      %dma_start3A_96 = arith.constant 0 : i32
      %dma_start3A_97 = tpu.memref_slice %arg9[%dma_start3A_95, %dma_start3A_96] : memref<112x128xf32, #tpu.memory_space<vmem>> -> memref<112x128xf32, #tpu.memory_space<vmem>>
      %dma_start3A_98 = arith.constant 0 : i32
      %dma_start3A_99 = tpu.memref_slice %arg12[%add3A_12, %dma_start3A_98] : memref<10240x128xf32, #tpu.memory_space<vmem_shared>> -> memref<112x128xf32, #tpu.memory_space<vmem_shared>>
      %dma_start3A_100 = arith.constant 0 : i32
      %dma_start3A_101 = tpu.memref_slice %arg12[%add3A_12, %dma_start3A_100] : memref<10240x128xf32, #tpu.memory_space<vmem_shared>> -> memref<112x128xf32, #tpu.memory_space<vmem_shared>>
      %dma_start3A_102 = arith.constant 0 : i32
      %dma_start3A_103 = arith.constant 0 : i32
      %dma_start3A_104 = tpu.memref_slice %arg9[%dma_start3A_102, %dma_start3A_103] : memref<112x128xf32, #tpu.memory_space<vmem>> -> memref<112x128xf32, #tpu.memory_space<vmem>>
      tpu.enqueue_dma source(%dma_start3A_104 : memref<112x128xf32, #tpu.memory_space<vmem>>) target(%dma_start3A_101 : memref<112x128xf32, #tpu.memory_space<vmem_shared>>) target_semaphore(%run_scoped3A_94 : memref<!tpu.dma_semaphore, #tpu.memory_space<semaphore_mem>>)
      %dma_wait3A_105 = arith.constant 0 : i32
      %dma_wait3A_106 = arith.constant 0 : i32
      %dma_wait3A_107 = tpu.memref_slice %arg9[%dma_wait3A_105, %dma_wait3A_106] : memref<112x128xf32, #tpu.memory_space<vmem>> -> memref<112x128xf32, #tpu.memory_space<vmem>>
      %dma_wait3A_108 = arith.constant 0 : i32
      %dma_wait3A_109 = tpu.memref_slice %arg12[%add3A_12, %dma_wait3A_108] : memref<10240x128xf32, #tpu.memory_space<vmem_shared>> -> memref<112x128xf32, #tpu.memory_space<vmem_shared>>
      %dma_wait3A_110 = arith.constant 0 : i32
      %dma_wait3A_111 = tpu.memref_slice %arg12[%add3A_12, %dma_wait3A_110] : memref<10240x128xf32, #tpu.memory_space<vmem_shared>> -> memref<112x128xf32, #tpu.memory_space<vmem_shared>>
      %dma_wait3A_112 = arith.constant 0 : i32
      %dma_wait3A_113 = arith.constant 0 : i32
      %dma_wait3A_114 = tpu.memref_slice %arg9[%dma_wait3A_112, %dma_wait3A_113] : memref<112x128xf32, #tpu.memory_space<vmem>> -> memref<112x128xf32, #tpu.memory_space<vmem>>
      tpu.wait_dma2 semaphore(%run_scoped3A_94 : memref<!tpu.dma_semaphore, #tpu.memory_space<semaphore_mem>>) src(%dma_wait3A_114 : memref<112x128xf32, #tpu.memory_space<vmem>>) dst(%dma_wait3A_111 : memref<112x128xf32, #tpu.memory_space<vmem_shared>>)
      tpu.yield
    }) : () -> ()
    %add3A_13 = arith.constant 560 : i32
    %add3A_14 = arith.addi %mul3A_2, %add3A_13 : i32
    "tpu.region"() ({
      %run_scoped3A_94 = tpu.sem_alloc : memref<!tpu.dma_semaphore, #tpu.memory_space<semaphore_mem>>
      %dma_start3A_95 = arith.constant 0 : i32
      %dma_start3A_96 = arith.constant 0 : i32
      %dma_start3A_97 = tpu.memref_slice %arg9[%dma_start3A_95, %dma_start3A_96] : memref<112x128xf32, #tpu.memory_space<vmem>> -> memref<80x128xf32, #tpu.memory_space<vmem>>
      %dma_start3A_98 = arith.constant 0 : i32
      %dma_start3A_99 = tpu.memref_slice %arg12[%add3A_14, %dma_start3A_98] : memref<10240x128xf32, #tpu.memory_space<vmem_shared>> -> memref<80x128xf32, #tpu.memory_space<vmem_shared>>
      %dma_start3A_100 = arith.constant 0 : i32
      %dma_start3A_101 = tpu.memref_slice %arg12[%add3A_14, %dma_start3A_100] : memref<10240x128xf32, #tpu.memory_space<vmem_shared>> -> memref<80x128xf32, #tpu.memory_space<vmem_shared>>
      %dma_start3A_102 = arith.constant 0 : i32
      %dma_start3A_103 = arith.constant 0 : i32
      %dma_start3A_104 = tpu.memref_slice %arg9[%dma_start3A_102, %dma_start3A_103] : memref<112x128xf32, #tpu.memory_space<vmem>> -> memref<80x128xf32, #tpu.memory_space<vmem>>
      tpu.enqueue_dma source(%dma_start3A_104 : memref<80x128xf32, #tpu.memory_space<vmem>>) target(%dma_start3A_101 : memref<80x128xf32, #tpu.memory_space<vmem_shared>>) target_semaphore(%run_scoped3A_94 : memref<!tpu.dma_semaphore, #tpu.memory_space<semaphore_mem>>)
      %dma_wait3A_105 = arith.constant 0 : i32
      %dma_wait3A_106 = arith.constant 0 : i32
      %dma_wait3A_107 = tpu.memref_slice %arg9[%dma_wait3A_105, %dma_wait3A_106] : memref<112x128xf32, #tpu.memory_space<vmem>> -> memref<80x128xf32, #tpu.memory_space<vmem>>
      %dma_wait3A_108 = arith.constant 0 : i32
      %dma_wait3A_109 = tpu.memref_slice %arg12[%add3A_14, %dma_wait3A_108] : memref<10240x128xf32, #tpu.memory_space<vmem_shared>> -> memref<80x128xf32, #tpu.memory_space<vmem_shared>>
      %dma_wait3A_110 = arith.constant 0 : i32
      %dma_wait3A_111 = tpu.memref_slice %arg12[%add3A_14, %dma_wait3A_110] : memref<10240x128xf32, #tpu.memory_space<vmem_shared>> -> memref<80x128xf32, #tpu.memory_space<vmem_shared>>
      %dma_wait3A_112 = arith.constant 0 : i32
      %dma_wait3A_113 = arith.constant 0 : i32
      %dma_wait3A_114 = tpu.memref_slice %arg9[%dma_wait3A_112, %dma_wait3A_113] : memref<112x128xf32, #tpu.memory_space<vmem>> -> memref<80x128xf32, #tpu.memory_space<vmem>>
      tpu.wait_dma2 semaphore(%run_scoped3A_94 : memref<!tpu.dma_semaphore, #tpu.memory_space<semaphore_mem>>) src(%dma_wait3A_114 : memref<80x128xf32, #tpu.memory_space<vmem>>) dst(%dma_wait3A_111 : memref<80x128xf32, #tpu.memory_space<vmem_shared>>)
      tpu.yield
    }) : () -> ()
    %run_scoped3A = arith.constant 0 : i32
    %run_scoped3A_15 = arith.constant 0 : i32
    "tpu.region"() ({
      %run_scoped3A_94 = tpu.sem_alloc : memref<!tpu.dma_semaphore, #tpu.memory_space<semaphore_mem>>
      %dma_start3A_95 = arith.constant 0 : i32
      %dma_start3A_96 = arith.constant 0 : i32
      %dma_start3A_97 = tpu.memref_slice %arg7[%run_scoped3A_15, %dma_start3A_95, %dma_start3A_96] : memref<2x6x112xi32, #tpu.memory_space<vmem>> -> memref<1x6x112xi32, #tpu.memory_space<vmem>>
      %dma_start3A_98 = tpu.memref_squeeze %dma_start3A_97 : memref<1x6x112xi32, #tpu.memory_space<vmem>> -> memref<6x112xi32, #tpu.memory_space<vmem>>
      %dma_start3A_99 = arith.constant 0 : i32
      %dma_start3A_100 = arith.constant 0 : i32
      %dma_start3A_101 = tpu.memref_slice %arg3[%add3A, %run_scoped3A, %dma_start3A_99, %dma_start3A_100] : memref<32x15x6x112xi32, #tpu.memory_space<hbm>> -> memref<1x1x6x112xi32, #tpu.memory_space<hbm>>
      %dma_start3A_102 = tpu.memref_squeeze %dma_start3A_101 : memref<1x1x6x112xi32, #tpu.memory_space<hbm>> -> memref<6x112xi32, #tpu.memory_space<hbm>>
      %dma_start3A_103 = arith.constant 0 : i32
      %dma_start3A_104 = arith.constant 0 : i32
      %dma_start3A_105 = tpu.memref_slice %arg7[%run_scoped3A_15, %dma_start3A_103, %dma_start3A_104] : memref<2x6x112xi32, #tpu.memory_space<vmem>> -> memref<1x6x112xi32, #tpu.memory_space<vmem>>
      %dma_start3A_106 = tpu.memref_squeeze %dma_start3A_105 : memref<1x6x112xi32, #tpu.memory_space<vmem>> -> memref<6x112xi32, #tpu.memory_space<vmem>>
      %dma_start3A_107 = arith.constant 0 : i32
      %dma_start3A_108 = arith.constant 0 : i32
      %dma_start3A_109 = tpu.memref_slice %arg3[%add3A, %run_scoped3A, %dma_start3A_107, %dma_start3A_108] : memref<32x15x6x112xi32, #tpu.memory_space<hbm>> -> memref<1x1x6x112xi32, #tpu.memory_space<hbm>>
      %dma_start3A_110 = tpu.memref_squeeze %dma_start3A_109 : memref<1x1x6x112xi32, #tpu.memory_space<hbm>> -> memref<6x112xi32, #tpu.memory_space<hbm>>
      tpu.enqueue_dma source(%dma_start3A_110 : memref<6x112xi32, #tpu.memory_space<hbm>>) target(%dma_start3A_106 : memref<6x112xi32, #tpu.memory_space<vmem>>) target_semaphore(%run_scoped3A_94 : memref<!tpu.dma_semaphore, #tpu.memory_space<semaphore_mem>>)
      %dma_wait3A_111 = arith.constant 0 : i32
      %dma_wait3A_112 = arith.constant 0 : i32
      %dma_wait3A_113 = tpu.memref_slice %arg7[%run_scoped3A_15, %dma_wait3A_111, %dma_wait3A_112] : memref<2x6x112xi32, #tpu.memory_space<vmem>> -> memref<1x6x112xi32, #tpu.memory_space<vmem>>
      %dma_wait3A_114 = tpu.memref_squeeze %dma_wait3A_113 : memref<1x6x112xi32, #tpu.memory_space<vmem>> -> memref<6x112xi32, #tpu.memory_space<vmem>>
      %dma_wait3A_115 = arith.constant 0 : i32
      %dma_wait3A_116 = arith.constant 0 : i32
      %dma_wait3A_117 = tpu.memref_slice %arg3[%add3A, %run_scoped3A, %dma_wait3A_115, %dma_wait3A_116] : memref<32x15x6x112xi32, #tpu.memory_space<hbm>> -> memref<1x1x6x112xi32, #tpu.memory_space<hbm>>
      %dma_wait3A_118 = tpu.memref_squeeze %dma_wait3A_117 : memref<1x1x6x112xi32, #tpu.memory_space<hbm>> -> memref<6x112xi32, #tpu.memory_space<hbm>>
      %dma_wait3A_119 = arith.constant 0 : i32
      %dma_wait3A_120 = arith.constant 0 : i32
      %dma_wait3A_121 = tpu.memref_slice %arg7[%run_scoped3A_15, %dma_wait3A_119, %dma_wait3A_120] : memref<2x6x112xi32, #tpu.memory_space<vmem>> -> memref<1x6x112xi32, #tpu.memory_space<vmem>>
      %dma_wait3A_122 = tpu.memref_squeeze %dma_wait3A_121 : memref<1x6x112xi32, #tpu.memory_space<vmem>> -> memref<6x112xi32, #tpu.memory_space<vmem>>
      %dma_wait3A_123 = arith.constant 0 : i32
      %dma_wait3A_124 = arith.constant 0 : i32
      %dma_wait3A_125 = tpu.memref_slice %arg3[%add3A, %run_scoped3A, %dma_wait3A_123, %dma_wait3A_124] : memref<32x15x6x112xi32, #tpu.memory_space<hbm>> -> memref<1x1x6x112xi32, #tpu.memory_space<hbm>>
      %dma_wait3A_126 = tpu.memref_squeeze %dma_wait3A_125 : memref<1x1x6x112xi32, #tpu.memory_space<hbm>> -> memref<6x112xi32, #tpu.memory_space<hbm>>
      tpu.wait_dma2 semaphore(%run_scoped3A_94 : memref<!tpu.dma_semaphore, #tpu.memory_space<semaphore_mem>>) src(%dma_wait3A_126 : memref<6x112xi32, #tpu.memory_space<hbm>>) dst(%dma_wait3A_122 : memref<6x112xi32, #tpu.memory_space<vmem>>)
      tpu.yield
    }) : () -> ()
    %run_scoped3A_16 = arith.constant 0 : i32
    %run_scoped3A_17 = arith.constant 0 : i32
    "tpu.region"() ({
      %run_scoped3A_94 = tpu.sem_alloc : memref<!tpu.dma_semaphore, #tpu.memory_space<semaphore_mem>>
      %dma_start3A_95 = arith.constant 0 : i32
      %dma_start3A_96 = arith.constant 0 : i32
      %dma_start3A_97 = tpu.memref_slice %arg8[%run_scoped3A_17, %dma_start3A_95, %dma_start3A_96] : memref<2x6x112xi32, #tpu.memory_space<vmem>> -> memref<1x6x112xi32, #tpu.memory_space<vmem>>
      %dma_start3A_98 = tpu.memref_squeeze %dma_start3A_97 : memref<1x6x112xi32, #tpu.memory_space<vmem>> -> memref<6x112xi32, #tpu.memory_space<vmem>>
      %dma_start3A_99 = arith.constant 0 : i32
      %dma_start3A_100 = arith.constant 0 : i32
      %dma_start3A_101 = tpu.memref_slice %arg4[%add3A, %run_scoped3A_16, %dma_start3A_99, %dma_start3A_100] : memref<32x15x6x112xi32, #tpu.memory_space<hbm>> -> memref<1x1x6x112xi32, #tpu.memory_space<hbm>>
      %dma_start3A_102 = tpu.memref_squeeze %dma_start3A_101 : memref<1x1x6x112xi32, #tpu.memory_space<hbm>> -> memref<6x112xi32, #tpu.memory_space<hbm>>
      %dma_start3A_103 = arith.constant 0 : i32
      %dma_start3A_104 = arith.constant 0 : i32
      %dma_start3A_105 = tpu.memref_slice %arg8[%run_scoped3A_17, %dma_start3A_103, %dma_start3A_104] : memref<2x6x112xi32, #tpu.memory_space<vmem>> -> memref<1x6x112xi32, #tpu.memory_space<vmem>>
      %dma_start3A_106 = tpu.memref_squeeze %dma_start3A_105 : memref<1x6x112xi32, #tpu.memory_space<vmem>> -> memref<6x112xi32, #tpu.memory_space<vmem>>
      %dma_start3A_107 = arith.constant 0 : i32
      %dma_start3A_108 = arith.constant 0 : i32
      %dma_start3A_109 = tpu.memref_slice %arg4[%add3A, %run_scoped3A_16, %dma_start3A_107, %dma_start3A_108] : memref<32x15x6x112xi32, #tpu.memory_space<hbm>> -> memref<1x1x6x112xi32, #tpu.memory_space<hbm>>
      %dma_start3A_110 = tpu.memref_squeeze %dma_start3A_109 : memref<1x1x6x112xi32, #tpu.memory_space<hbm>> -> memref<6x112xi32, #tpu.memory_space<hbm>>
      tpu.enqueue_dma source(%dma_start3A_110 : memref<6x112xi32, #tpu.memory_space<hbm>>) target(%dma_start3A_106 : memref<6x112xi32, #tpu.memory_space<vmem>>) target_semaphore(%run_scoped3A_94 : memref<!tpu.dma_semaphore, #tpu.memory_space<semaphore_mem>>)
      %dma_wait3A_111 = arith.constant 0 : i32
      %dma_wait3A_112 = arith.constant 0 : i32
      %dma_wait3A_113 = tpu.memref_slice %arg8[%run_scoped3A_17, %dma_wait3A_111, %dma_wait3A_112] : memref<2x6x112xi32, #tpu.memory_space<vmem>> -> memref<1x6x112xi32, #tpu.memory_space<vmem>>
      %dma_wait3A_114 = tpu.memref_squeeze %dma_wait3A_113 : memref<1x6x112xi32, #tpu.memory_space<vmem>> -> memref<6x112xi32, #tpu.memory_space<vmem>>
      %dma_wait3A_115 = arith.constant 0 : i32
      %dma_wait3A_116 = arith.constant 0 : i32
      %dma_wait3A_117 = tpu.memref_slice %arg4[%add3A, %run_scoped3A_16, %dma_wait3A_115, %dma_wait3A_116] : memref<32x15x6x112xi32, #tpu.memory_space<hbm>> -> memref<1x1x6x112xi32, #tpu.memory_space<hbm>>
      %dma_wait3A_118 = tpu.memref_squeeze %dma_wait3A_117 : memref<1x1x6x112xi32, #tpu.memory_space<hbm>> -> memref<6x112xi32, #tpu.memory_space<hbm>>
      %dma_wait3A_119 = arith.constant 0 : i32
      %dma_wait3A_120 = arith.constant 0 : i32
      %dma_wait3A_121 = tpu.memref_slice %arg8[%run_scoped3A_17, %dma_wait3A_119, %dma_wait3A_120] : memref<2x6x112xi32, #tpu.memory_space<vmem>> -> memref<1x6x112xi32, #tpu.memory_space<vmem>>
      %dma_wait3A_122 = tpu.memref_squeeze %dma_wait3A_121 : memref<1x6x112xi32, #tpu.memory_space<vmem>> -> memref<6x112xi32, #tpu.memory_space<vmem>>
      %dma_wait3A_123 = arith.constant 0 : i32
      %dma_wait3A_124 = arith.constant 0 : i32
      %dma_wait3A_125 = tpu.memref_slice %arg4[%add3A, %run_scoped3A_16, %dma_wait3A_123, %dma_wait3A_124] : memref<32x15x6x112xi32, #tpu.memory_space<hbm>> -> memref<1x1x6x112xi32, #tpu.memory_space<hbm>>
      %dma_wait3A_126 = tpu.memref_squeeze %dma_wait3A_125 : memref<1x1x6x112xi32, #tpu.memory_space<hbm>> -> memref<6x112xi32, #tpu.memory_space<hbm>>
      tpu.wait_dma2 semaphore(%run_scoped3A_94 : memref<!tpu.dma_semaphore, #tpu.memory_space<semaphore_mem>>) src(%dma_wait3A_126 : memref<6x112xi32, #tpu.memory_space<hbm>>) dst(%dma_wait3A_122 : memref<6x112xi32, #tpu.memory_space<vmem>>)
      tpu.yield
    }) : () -> ()
    %dma_start3A = arith.constant 1 : i32
    %dma_start3A_18 = arith.constant 1 : i32
    %dma_start3A_19 = arith.constant 0 : i32
    %dma_start3A_20 = arith.constant 0 : i32
    %dma_start3A_21 = tpu.memref_slice %arg7[%dma_start3A_18, %dma_start3A_19, %dma_start3A_20] : memref<2x6x112xi32, #tpu.memory_space<vmem>> -> memref<1x6x112xi32, #tpu.memory_space<vmem>>
    %dma_start3A_22 = tpu.memref_squeeze %dma_start3A_21 : memref<1x6x112xi32, #tpu.memory_space<vmem>> -> memref<6x112xi32, #tpu.memory_space<vmem>>
    %dma_start3A_23 = arith.constant 0 : i32
    %dma_start3A_24 = arith.constant 0 : i32
    %dma_start3A_25 = tpu.memref_slice %arg3[%add3A, %dma_start3A, %dma_start3A_23, %dma_start3A_24] : memref<32x15x6x112xi32, #tpu.memory_space<hbm>> -> memref<1x1x6x112xi32, #tpu.memory_space<hbm>>
    %dma_start3A_26 = tpu.memref_squeeze %dma_start3A_25 : memref<1x1x6x112xi32, #tpu.memory_space<hbm>> -> memref<6x112xi32, #tpu.memory_space<hbm>>
    %dma_start3A_27 = arith.constant 0 : i32
    %dma_start3A_28 = arith.constant 0 : i32
    %dma_start3A_29 = tpu.memref_slice %arg7[%dma_start3A_18, %dma_start3A_27, %dma_start3A_28] : memref<2x6x112xi32, #tpu.memory_space<vmem>> -> memref<1x6x112xi32, #tpu.memory_space<vmem>>
    %dma_start3A_30 = tpu.memref_squeeze %dma_start3A_29 : memref<1x6x112xi32, #tpu.memory_space<vmem>> -> memref<6x112xi32, #tpu.memory_space<vmem>>
    %dma_start3A_31 = arith.constant 0 : i32
    %dma_start3A_32 = arith.constant 0 : i32
    %dma_start3A_33 = tpu.memref_slice %arg3[%add3A, %dma_start3A, %dma_start3A_31, %dma_start3A_32] : memref<32x15x6x112xi32, #tpu.memory_space<hbm>> -> memref<1x1x6x112xi32, #tpu.memory_space<hbm>>
    %dma_start3A_34 = tpu.memref_squeeze %dma_start3A_33 : memref<1x1x6x112xi32, #tpu.memory_space<hbm>> -> memref<6x112xi32, #tpu.memory_space<hbm>>
    tpu.enqueue_dma source(%dma_start3A_34 : memref<6x112xi32, #tpu.memory_space<hbm>>) target(%dma_start3A_30 : memref<6x112xi32, #tpu.memory_space<vmem>>) target_semaphore(%arg19 : memref<!tpu.dma_semaphore, #tpu.memory_space<semaphore_mem>>)
    %dma_start3A_35 = arith.constant 1 : i32
    %dma_start3A_36 = arith.constant 1 : i32
    %dma_start3A_37 = arith.constant 0 : i32
    %dma_start3A_38 = arith.constant 0 : i32
    %dma_start3A_39 = tpu.memref_slice %arg8[%dma_start3A_36, %dma_start3A_37, %dma_start3A_38] : memref<2x6x112xi32, #tpu.memory_space<vmem>> -> memref<1x6x112xi32, #tpu.memory_space<vmem>>
    %dma_start3A_40 = tpu.memref_squeeze %dma_start3A_39 : memref<1x6x112xi32, #tpu.memory_space<vmem>> -> memref<6x112xi32, #tpu.memory_space<vmem>>
    %dma_start3A_41 = arith.constant 0 : i32
    %dma_start3A_42 = arith.constant 0 : i32
    %dma_start3A_43 = tpu.memref_slice %arg4[%add3A, %dma_start3A_35, %dma_start3A_41, %dma_start3A_42] : memref<32x15x6x112xi32, #tpu.memory_space<hbm>> -> memref<1x1x6x112xi32, #tpu.memory_space<hbm>>
    %dma_start3A_44 = tpu.memref_squeeze %dma_start3A_43 : memref<1x1x6x112xi32, #tpu.memory_space<hbm>> -> memref<6x112xi32, #tpu.memory_space<hbm>>
    %dma_start3A_45 = arith.constant 0 : i32
    %dma_start3A_46 = arith.constant 0 : i32
    %dma_start3A_47 = tpu.memref_slice %arg8[%dma_start3A_36, %dma_start3A_45, %dma_start3A_46] : memref<2x6x112xi32, #tpu.memory_space<vmem>> -> memref<1x6x112xi32, #tpu.memory_space<vmem>>
    %dma_start3A_48 = tpu.memref_squeeze %dma_start3A_47 : memref<1x6x112xi32, #tpu.memory_space<vmem>> -> memref<6x112xi32, #tpu.memory_space<vmem>>
    %dma_start3A_49 = arith.constant 0 : i32
    %dma_start3A_50 = arith.constant 0 : i32
    %dma_start3A_51 = tpu.memref_slice %arg4[%add3A, %dma_start3A_35, %dma_start3A_49, %dma_start3A_50] : memref<32x15x6x112xi32, #tpu.memory_space<hbm>> -> memref<1x1x6x112xi32, #tpu.memory_space<hbm>>
    %dma_start3A_52 = tpu.memref_squeeze %dma_start3A_51 : memref<1x1x6x112xi32, #tpu.memory_space<hbm>> -> memref<6x112xi32, #tpu.memory_space<hbm>>
    tpu.enqueue_dma source(%dma_start3A_52 : memref<6x112xi32, #tpu.memory_space<hbm>>) target(%dma_start3A_48 : memref<6x112xi32, #tpu.memory_space<vmem>>) target_semaphore(%arg19 : memref<!tpu.dma_semaphore, #tpu.memory_space<semaphore_mem>>)
    %barrier3A = arith.constant 0 : index
    tpu.barrier barrier_id(%barrier3A)
    %dma_start3A_53 = arith.constant 0 : i32
    %dma_start3A_54 = arith.constant 0 : i32
    %dma_start3A_55 = arith.constant 0 : i32
    %dma_start3A_56 = tpu.memref_slice %arg7[%dma_start3A_53, %dma_start3A_54, %dma_start3A_55] : memref<2x6x112xi32, #tpu.memory_space<vmem>> -> memref<1x1x112xi32, #tpu.memory_space<vmem>>
    %dma_start3A_57 = tpu.memref_squeeze %dma_start3A_56 : memref<1x1x112xi32, #tpu.memory_space<vmem>> -> memref<112xi32, #tpu.memory_space<vmem>>
    %dma_start3A_58 = arith.constant 0 : i32
    %dma_start3A_59 = arith.constant 0 : i32
    %dma_start3A_60 = tpu.memref_slice %arg2[%dma_start3A_58, %dma_start3A_59] : memref<10240x128xf32, #tpu.memory_space<hbm>> -> memref<10240x128xf32, #tpu.memory_space<hbm>>
    tpu.enqueue_indirect_dma source(%dma_start3A_60 : memref<10240x128xf32, #tpu.memory_space<hbm>>) target(%arg9 : memref<112x128xf32, #tpu.memory_space<vmem>>) offsets(%dma_start3A_57 : memref<112xi32, #tpu.memory_space<vmem>>) semaphore(%arg13 : memref<!tpu.dma_semaphore, #tpu.memory_space<semaphore_mem>>)
    %dma_start3A_61 = arith.constant 0 : i32
    %dma_start3A_62 = arith.constant 1 : i32
    %dma_start3A_63 = arith.constant 0 : i32
    %dma_start3A_64 = tpu.memref_slice %arg7[%dma_start3A_61, %dma_start3A_62, %dma_start3A_63] : memref<2x6x112xi32, #tpu.memory_space<vmem>> -> memref<1x1x112xi32, #tpu.memory_space<vmem>>
    %dma_start3A_65 = tpu.memref_squeeze %dma_start3A_64 : memref<1x1x112xi32, #tpu.memory_space<vmem>> -> memref<112xi32, #tpu.memory_space<vmem>>
    %dma_start3A_66 = arith.constant 0 : i32
    %dma_start3A_67 = arith.constant 0 : i32
    %dma_start3A_68 = tpu.memref_slice %arg2[%dma_start3A_66, %dma_start3A_67] : memref<10240x128xf32, #tpu.memory_space<hbm>> -> memref<10240x128xf32, #tpu.memory_space<hbm>>
    tpu.enqueue_indirect_dma source(%dma_start3A_68 : memref<10240x128xf32, #tpu.memory_space<hbm>>) target(%arg10 : memref<112x128xf32, #tpu.memory_space<vmem>>) offsets(%dma_start3A_65 : memref<112xi32, #tpu.memory_space<vmem>>) semaphore(%arg14 : memref<!tpu.dma_semaphore, #tpu.memory_space<semaphore_mem>>)
    %scan3A = arith.constant 0 : i32
    %scan3A_69 = arith.constant 0 : i32
    %scan3A_70 = arith.constant 15 : i32
    %scan3A_71 = arith.addi %scan3A_69, %scan3A_70 : i32
    %scan3A_72 = arith.constant 1 : i32
    scf.for %scan3A_94 = %scan3A_69 to %scan3A_71 step %scan3A_72  : i32 {
      %rem3A = arith.constant 2 : i32
      %rem3A_95 = arith.remsi %scan3A_94, %rem3A : i32
      %sub3A = arith.constant 1 : i32
      %sub3A_96 = arith.subi %sub3A, %rem3A_95 : i32
      %mul3A_97 = arith.constant 6 : i32
      %mul3A_98 = arith.muli %scan3A_94, %mul3A_97 : i32
      %add3A_99 = arith.constant 0 : i32
      %add3A_100 = arith.addi %mul3A_98, %add3A_99 : i32
      %ge3A = arith.constant 1 : i32
      %ge3A_101 = arith.cmpi sge, %add3A_100, %ge3A : i32
      %convert_element_type3A = arith.extui %ge3A_101 : i1 to i32
      %cond3A = arith.constant 0 : i32
      %cond3A_102 = arith.cmpi ne, %convert_element_type3A, %cond3A : i32
      scf.if %cond3A_102 {
        %dma_wait3A_292 = arith.constant 5 : i32
        %dma_wait3A_293 = arith.constant 0 : i32
        %dma_wait3A_294 = tpu.memref_slice %arg8[%sub3A_96, %dma_wait3A_292, %dma_wait3A_293] : memref<2x6x112xi32, #tpu.memory_space<vmem>> -> memref<1x1x112xi32, #tpu.memory_space<vmem>>
        %dma_wait3A_295 = tpu.memref_squeeze %dma_wait3A_294 : memref<1x1x112xi32, #tpu.memory_space<vmem>> -> memref<112xi32, #tpu.memory_space<vmem>>
        %dma_wait3A_296 = arith.constant 0 : i32
        %dma_wait3A_297 = arith.constant 0 : i32
        %dma_wait3A_298 = tpu.memref_slice %arg12[%dma_wait3A_296, %dma_wait3A_297] : memref<10240x128xf32, #tpu.memory_space<vmem_shared>> -> memref<10240x128xf32, #tpu.memory_space<vmem_shared>>
        tpu.wait_indirect_dma semaphore(%arg18 : memref<!tpu.dma_semaphore, #tpu.memory_space<semaphore_mem>>) src(%arg11 : memref<112x128xf32, #tpu.memory_space<vmem>>) dst(%dma_wait3A_298 : memref<10240x128xf32, #tpu.memory_space<vmem_shared>>)
      } else {
      }
      %ge3A_103 = arith.constant 1 : i32
      %ge3A_104 = arith.cmpi sge, %scan3A_94, %ge3A_103 : i32
      %add3A_105 = arith.constant 1 : i32
      %add3A_106 = arith.addi %scan3A_94, %add3A_105 : i32
      %lt3A = arith.constant 15 : i32
      %lt3A_107 = arith.cmpi slt, %add3A_106, %lt3A : i32
      %and3A = arith.andi %ge3A_104, %lt3A_107 : i1
      %convert_element_type3A_108 = arith.extui %and3A : i1 to i32
      %cond3A_109 = arith.constant 0 : i32
      %cond3A_110 = arith.cmpi ne, %convert_element_type3A_108, %cond3A_109 : i32
      scf.if %cond3A_110 {
        %add3A_292 = arith.constant 1 : i32
        %add3A_293 = arith.addi %scan3A_94, %add3A_292 : i32
        %dma_start3A_294 = arith.constant 0 : i32
        %dma_start3A_295 = arith.constant 0 : i32
        %dma_start3A_296 = tpu.memref_slice %arg7[%sub3A_96, %dma_start3A_294, %dma_start3A_295] : memref<2x6x112xi32, #tpu.memory_space<vmem>> -> memref<1x6x112xi32, #tpu.memory_space<vmem>>
        %dma_start3A_297 = tpu.memref_squeeze %dma_start3A_296 : memref<1x6x112xi32, #tpu.memory_space<vmem>> -> memref<6x112xi32, #tpu.memory_space<vmem>>
        %dma_start3A_298 = arith.constant 0 : i32
        %dma_start3A_299 = arith.constant 0 : i32
        %dma_start3A_300 = tpu.memref_slice %arg3[%add3A, %add3A_293, %dma_start3A_298, %dma_start3A_299] : memref<32x15x6x112xi32, #tpu.memory_space<hbm>> -> memref<1x1x6x112xi32, #tpu.memory_space<hbm>>
        %dma_start3A_301 = tpu.memref_squeeze %dma_start3A_300 : memref<1x1x6x112xi32, #tpu.memory_space<hbm>> -> memref<6x112xi32, #tpu.memory_space<hbm>>
        %dma_start3A_302 = arith.constant 0 : i32
        %dma_start3A_303 = arith.constant 0 : i32
        %dma_start3A_304 = tpu.memref_slice %arg7[%sub3A_96, %dma_start3A_302, %dma_start3A_303] : memref<2x6x112xi32, #tpu.memory_space<vmem>> -> memref<1x6x112xi32, #tpu.memory_space<vmem>>
        %dma_start3A_305 = tpu.memref_squeeze %dma_start3A_304 : memref<1x6x112xi32, #tpu.memory_space<vmem>> -> memref<6x112xi32, #tpu.memory_space<vmem>>
        %dma_start3A_306 = arith.constant 0 : i32
        %dma_start3A_307 = arith.constant 0 : i32
        %dma_start3A_308 = tpu.memref_slice %arg3[%add3A, %add3A_293, %dma_start3A_306, %dma_start3A_307] : memref<32x15x6x112xi32, #tpu.memory_space<hbm>> -> memref<1x1x6x112xi32, #tpu.memory_space<hbm>>
        %dma_start3A_309 = tpu.memref_squeeze %dma_start3A_308 : memref<1x1x6x112xi32, #tpu.memory_space<hbm>> -> memref<6x112xi32, #tpu.memory_space<hbm>>
        tpu.enqueue_dma source(%dma_start3A_309 : memref<6x112xi32, #tpu.memory_space<hbm>>) target(%dma_start3A_305 : memref<6x112xi32, #tpu.memory_space<vmem>>) target_semaphore(%arg19 : memref<!tpu.dma_semaphore, #tpu.memory_space<semaphore_mem>>)
        %add3A_310 = arith.constant 1 : i32
        %add3A_311 = arith.addi %scan3A_94, %add3A_310 : i32
        %dma_start3A_312 = arith.constant 0 : i32
        %dma_start3A_313 = arith.constant 0 : i32
        %dma_start3A_314 = tpu.memref_slice %arg8[%sub3A_96, %dma_start3A_312, %dma_start3A_313] : memref<2x6x112xi32, #tpu.memory_space<vmem>> -> memref<1x6x112xi32, #tpu.memory_space<vmem>>
        %dma_start3A_315 = tpu.memref_squeeze %dma_start3A_314 : memref<1x6x112xi32, #tpu.memory_space<vmem>> -> memref<6x112xi32, #tpu.memory_space<vmem>>
        %dma_start3A_316 = arith.constant 0 : i32
        %dma_start3A_317 = arith.constant 0 : i32
        %dma_start3A_318 = tpu.memref_slice %arg4[%add3A, %add3A_311, %dma_start3A_316, %dma_start3A_317] : memref<32x15x6x112xi32, #tpu.memory_space<hbm>> -> memref<1x1x6x112xi32, #tpu.memory_space<hbm>>
        %dma_start3A_319 = tpu.memref_squeeze %dma_start3A_318 : memref<1x1x6x112xi32, #tpu.memory_space<hbm>> -> memref<6x112xi32, #tpu.memory_space<hbm>>
        %dma_start3A_320 = arith.constant 0 : i32
        %dma_start3A_321 = arith.constant 0 : i32
        %dma_start3A_322 = tpu.memref_slice %arg8[%sub3A_96, %dma_start3A_320, %dma_start3A_321] : memref<2x6x112xi32, #tpu.memory_space<vmem>> -> memref<1x6x112xi32, #tpu.memory_space<vmem>>
        %dma_start3A_323 = tpu.memref_squeeze %dma_start3A_322 : memref<1x6x112xi32, #tpu.memory_space<vmem>> -> memref<6x112xi32, #tpu.memory_space<vmem>>
        %dma_start3A_324 = arith.constant 0 : i32
        %dma_start3A_325 = arith.constant 0 : i32
        %dma_start3A_326 = tpu.memref_slice %arg4[%add3A, %add3A_311, %dma_start3A_324, %dma_start3A_325] : memref<32x15x6x112xi32, #tpu.memory_space<hbm>> -> memref<1x1x6x112xi32, #tpu.memory_space<hbm>>
        %dma_start3A_327 = tpu.memref_squeeze %dma_start3A_326 : memref<1x1x6x112xi32, #tpu.memory_space<hbm>> -> memref<6x112xi32, #tpu.memory_space<hbm>>
        tpu.enqueue_dma source(%dma_start3A_327 : memref<6x112xi32, #tpu.memory_space<hbm>>) target(%dma_start3A_323 : memref<6x112xi32, #tpu.memory_space<vmem>>) target_semaphore(%arg19 : memref<!tpu.dma_semaphore, #tpu.memory_space<semaphore_mem>>)
      } else {
      }
      %dma_start3A_111 = arith.constant 2 : i32
      %dma_start3A_112 = arith.constant 0 : i32
      %dma_start3A_113 = tpu.memref_slice %arg7[%rem3A_95, %dma_start3A_111, %dma_start3A_112] : memref<2x6x112xi32, #tpu.memory_space<vmem>> -> memref<1x1x112xi32, #tpu.memory_space<vmem>>
      %dma_start3A_114 = tpu.memref_squeeze %dma_start3A_113 : memref<1x1x112xi32, #tpu.memory_space<vmem>> -> memref<112xi32, #tpu.memory_space<vmem>>
      %dma_start3A_115 = arith.constant 0 : i32
      %dma_start3A_116 = arith.constant 0 : i32
      %dma_start3A_117 = tpu.memref_slice %arg2[%dma_start3A_115, %dma_start3A_116] : memref<10240x128xf32, #tpu.memory_space<hbm>> -> memref<10240x128xf32, #tpu.memory_space<hbm>>
      tpu.enqueue_indirect_dma source(%dma_start3A_117 : memref<10240x128xf32, #tpu.memory_space<hbm>>) target(%arg11 : memref<112x128xf32, #tpu.memory_space<vmem>>) offsets(%dma_start3A_114 : memref<112xi32, #tpu.memory_space<vmem>>) semaphore(%arg15 : memref<!tpu.dma_semaphore, #tpu.memory_space<semaphore_mem>>)
      %dma_wait3A_118 = arith.constant 0 : i32
      %dma_wait3A_119 = arith.constant 0 : i32
      %dma_wait3A_120 = tpu.memref_slice %arg7[%rem3A_95, %dma_wait3A_118, %dma_wait3A_119] : memref<2x6x112xi32, #tpu.memory_space<vmem>> -> memref<1x1x112xi32, #tpu.memory_space<vmem>>
      %dma_wait3A_121 = tpu.memref_squeeze %dma_wait3A_120 : memref<1x1x112xi32, #tpu.memory_space<vmem>> -> memref<112xi32, #tpu.memory_space<vmem>>
      %dma_wait3A_122 = arith.constant 0 : i32
      %dma_wait3A_123 = arith.constant 0 : i32
      %dma_wait3A_124 = tpu.memref_slice %arg2[%dma_wait3A_122, %dma_wait3A_123] : memref<10240x128xf32, #tpu.memory_space<hbm>> -> memref<10240x128xf32, #tpu.memory_space<hbm>>
      tpu.wait_indirect_dma semaphore(%arg13 : memref<!tpu.dma_semaphore, #tpu.memory_space<semaphore_mem>>) src(%dma_wait3A_124 : memref<10240x128xf32, #tpu.memory_space<hbm>>) dst(%arg9 : memref<112x128xf32, #tpu.memory_space<vmem>>)
      %dma_start3A_125 = arith.constant 0 : i32
      %dma_start3A_126 = arith.constant 0 : i32
      %dma_start3A_127 = tpu.memref_slice %arg8[%rem3A_95, %dma_start3A_125, %dma_start3A_126] : memref<2x6x112xi32, #tpu.memory_space<vmem>> -> memref<1x1x112xi32, #tpu.memory_space<vmem>>
      %dma_start3A_128 = tpu.memref_squeeze %dma_start3A_127 : memref<1x1x112xi32, #tpu.memory_space<vmem>> -> memref<112xi32, #tpu.memory_space<vmem>>
      %dma_start3A_129 = arith.constant 0 : i32
      %dma_start3A_130 = arith.constant 0 : i32
      %dma_start3A_131 = tpu.memref_slice %arg12[%dma_start3A_129, %dma_start3A_130] : memref<10240x128xf32, #tpu.memory_space<vmem_shared>> -> memref<10240x128xf32, #tpu.memory_space<vmem_shared>>
      tpu.enqueue_indirect_dma source(%arg9 : memref<112x128xf32, #tpu.memory_space<vmem>>) target(%dma_start3A_131 : memref<10240x128xf32, #tpu.memory_space<vmem_shared>>) offsets(%dma_start3A_128 : memref<112xi32, #tpu.memory_space<vmem>>) semaphore(%arg16 : memref<!tpu.dma_semaphore, #tpu.memory_space<semaphore_mem>>) {add = true}
      %mul3A_132 = arith.constant 6 : i32
      %mul3A_133 = arith.muli %scan3A_94, %mul3A_132 : i32
      %add3A_134 = arith.constant 1 : i32
      %add3A_135 = arith.addi %mul3A_133, %add3A_134 : i32
      %dma_wait3A_136 = arith.constant 0 : i32
      %dma_wait3A_137 = arith.constant 0 : i32
      %dma_wait3A_138 = tpu.memref_slice %arg8[%rem3A_95, %dma_wait3A_136, %dma_wait3A_137] : memref<2x6x112xi32, #tpu.memory_space<vmem>> -> memref<1x1x112xi32, #tpu.memory_space<vmem>>
      %dma_wait3A_139 = tpu.memref_squeeze %dma_wait3A_138 : memref<1x1x112xi32, #tpu.memory_space<vmem>> -> memref<112xi32, #tpu.memory_space<vmem>>
      %dma_wait3A_140 = arith.constant 0 : i32
      %dma_wait3A_141 = arith.constant 0 : i32
      %dma_wait3A_142 = tpu.memref_slice %arg12[%dma_wait3A_140, %dma_wait3A_141] : memref<10240x128xf32, #tpu.memory_space<vmem_shared>> -> memref<10240x128xf32, #tpu.memory_space<vmem_shared>>
      tpu.wait_indirect_dma semaphore(%arg16 : memref<!tpu.dma_semaphore, #tpu.memory_space<semaphore_mem>>) src(%arg9 : memref<112x128xf32, #tpu.memory_space<vmem>>) dst(%dma_wait3A_142 : memref<10240x128xf32, #tpu.memory_space<vmem_shared>>)
      %dma_start3A_143 = arith.constant 3 : i32
      %dma_start3A_144 = arith.constant 0 : i32
      %dma_start3A_145 = tpu.memref_slice %arg7[%rem3A_95, %dma_start3A_143, %dma_start3A_144] : memref<2x6x112xi32, #tpu.memory_space<vmem>> -> memref<1x1x112xi32, #tpu.memory_space<vmem>>
      %dma_start3A_146 = tpu.memref_squeeze %dma_start3A_145 : memref<1x1x112xi32, #tpu.memory_space<vmem>> -> memref<112xi32, #tpu.memory_space<vmem>>
      %dma_start3A_147 = arith.constant 0 : i32
      %dma_start3A_148 = arith.constant 0 : i32
      %dma_start3A_149 = tpu.memref_slice %arg2[%dma_start3A_147, %dma_start3A_148] : memref<10240x128xf32, #tpu.memory_space<hbm>> -> memref<10240x128xf32, #tpu.memory_space<hbm>>
      tpu.enqueue_indirect_dma source(%dma_start3A_149 : memref<10240x128xf32, #tpu.memory_space<hbm>>) target(%arg9 : memref<112x128xf32, #tpu.memory_space<vmem>>) offsets(%dma_start3A_146 : memref<112xi32, #tpu.memory_space<vmem>>) semaphore(%arg13 : memref<!tpu.dma_semaphore, #tpu.memory_space<semaphore_mem>>)
      %dma_wait3A_150 = arith.constant 1 : i32
      %dma_wait3A_151 = arith.constant 0 : i32
      %dma_wait3A_152 = tpu.memref_slice %arg7[%rem3A_95, %dma_wait3A_150, %dma_wait3A_151] : memref<2x6x112xi32, #tpu.memory_space<vmem>> -> memref<1x1x112xi32, #tpu.memory_space<vmem>>
      %dma_wait3A_153 = tpu.memref_squeeze %dma_wait3A_152 : memref<1x1x112xi32, #tpu.memory_space<vmem>> -> memref<112xi32, #tpu.memory_space<vmem>>
      %dma_wait3A_154 = arith.constant 0 : i32
      %dma_wait3A_155 = arith.constant 0 : i32
      %dma_wait3A_156 = tpu.memref_slice %arg2[%dma_wait3A_154, %dma_wait3A_155] : memref<10240x128xf32, #tpu.memory_space<hbm>> -> memref<10240x128xf32, #tpu.memory_space<hbm>>
      tpu.wait_indirect_dma semaphore(%arg14 : memref<!tpu.dma_semaphore, #tpu.memory_space<semaphore_mem>>) src(%dma_wait3A_156 : memref<10240x128xf32, #tpu.memory_space<hbm>>) dst(%arg10 : memref<112x128xf32, #tpu.memory_space<vmem>>)
      %dma_start3A_157 = arith.constant 1 : i32
      %dma_start3A_158 = arith.constant 0 : i32
      %dma_start3A_159 = tpu.memref_slice %arg8[%rem3A_95, %dma_start3A_157, %dma_start3A_158] : memref<2x6x112xi32, #tpu.memory_space<vmem>> -> memref<1x1x112xi32, #tpu.memory_space<vmem>>
      %dma_start3A_160 = tpu.memref_squeeze %dma_start3A_159 : memref<1x1x112xi32, #tpu.memory_space<vmem>> -> memref<112xi32, #tpu.memory_space<vmem>>
      %dma_start3A_161 = arith.constant 0 : i32
      %dma_start3A_162 = arith.constant 0 : i32
      %dma_start3A_163 = tpu.memref_slice %arg12[%dma_start3A_161, %dma_start3A_162] : memref<10240x128xf32, #tpu.memory_space<vmem_shared>> -> memref<10240x128xf32, #tpu.memory_space<vmem_shared>>
      tpu.enqueue_indirect_dma source(%arg10 : memref<112x128xf32, #tpu.memory_space<vmem>>) target(%dma_start3A_163 : memref<10240x128xf32, #tpu.memory_space<vmem_shared>>) offsets(%dma_start3A_160 : memref<112xi32, #tpu.memory_space<vmem>>) semaphore(%arg17 : memref<!tpu.dma_semaphore, #tpu.memory_space<semaphore_mem>>) {add = true}
      %mul3A_164 = arith.constant 6 : i32
      %mul3A_165 = arith.muli %scan3A_94, %mul3A_164 : i32
      %add3A_166 = arith.constant 2 : i32
      %add3A_167 = arith.addi %mul3A_165, %add3A_166 : i32
      %dma_wait3A_168 = arith.constant 1 : i32
      %dma_wait3A_169 = arith.constant 0 : i32
      %dma_wait3A_170 = tpu.memref_slice %arg8[%rem3A_95, %dma_wait3A_168, %dma_wait3A_169] : memref<2x6x112xi32, #tpu.memory_space<vmem>> -> memref<1x1x112xi32, #tpu.memory_space<vmem>>
      %dma_wait3A_171 = tpu.memref_squeeze %dma_wait3A_170 : memref<1x1x112xi32, #tpu.memory_space<vmem>> -> memref<112xi32, #tpu.memory_space<vmem>>
      %dma_wait3A_172 = arith.constant 0 : i32
      %dma_wait3A_173 = arith.constant 0 : i32
      %dma_wait3A_174 = tpu.memref_slice %arg12[%dma_wait3A_172, %dma_wait3A_173] : memref<10240x128xf32, #tpu.memory_space<vmem_shared>> -> memref<10240x128xf32, #tpu.memory_space<vmem_shared>>
      tpu.wait_indirect_dma semaphore(%arg17 : memref<!tpu.dma_semaphore, #tpu.memory_space<semaphore_mem>>) src(%arg10 : memref<112x128xf32, #tpu.memory_space<vmem>>) dst(%dma_wait3A_174 : memref<10240x128xf32, #tpu.memory_space<vmem_shared>>)
      %dma_start3A_175 = arith.constant 4 : i32
      %dma_start3A_176 = arith.constant 0 : i32
      %dma_start3A_177 = tpu.memref_slice %arg7[%rem3A_95, %dma_start3A_175, %dma_start3A_176] : memref<2x6x112xi32, #tpu.memory_space<vmem>> -> memref<1x1x112xi32, #tpu.memory_space<vmem>>
      %dma_start3A_178 = tpu.memref_squeeze %dma_start3A_177 : memref<1x1x112xi32, #tpu.memory_space<vmem>> -> memref<112xi32, #tpu.memory_space<vmem>>
      %dma_start3A_179 = arith.constant 0 : i32
      %dma_start3A_180 = arith.constant 0 : i32
      %dma_start3A_181 = tpu.memref_slice %arg2[%dma_start3A_179, %dma_start3A_180] : memref<10240x128xf32, #tpu.memory_space<hbm>> -> memref<10240x128xf32, #tpu.memory_space<hbm>>
      tpu.enqueue_indirect_dma source(%dma_start3A_181 : memref<10240x128xf32, #tpu.memory_space<hbm>>) target(%arg10 : memref<112x128xf32, #tpu.memory_space<vmem>>) offsets(%dma_start3A_178 : memref<112xi32, #tpu.memory_space<vmem>>) semaphore(%arg14 : memref<!tpu.dma_semaphore, #tpu.memory_space<semaphore_mem>>)
      %dma_wait3A_182 = arith.constant 2 : i32
      %dma_wait3A_183 = arith.constant 0 : i32
      %dma_wait3A_184 = tpu.memref_slice %arg7[%rem3A_95, %dma_wait3A_182, %dma_wait3A_183] : memref<2x6x112xi32, #tpu.memory_space<vmem>> -> memref<1x1x112xi32, #tpu.memory_space<vmem>>
      %dma_wait3A_185 = tpu.memref_squeeze %dma_wait3A_184 : memref<1x1x112xi32, #tpu.memory_space<vmem>> -> memref<112xi32, #tpu.memory_space<vmem>>
      %dma_wait3A_186 = arith.constant 0 : i32
      %dma_wait3A_187 = arith.constant 0 : i32
      %dma_wait3A_188 = tpu.memref_slice %arg2[%dma_wait3A_186, %dma_wait3A_187] : memref<10240x128xf32, #tpu.memory_space<hbm>> -> memref<10240x128xf32, #tpu.memory_space<hbm>>
      tpu.wait_indirect_dma semaphore(%arg15 : memref<!tpu.dma_semaphore, #tpu.memory_space<semaphore_mem>>) src(%dma_wait3A_188 : memref<10240x128xf32, #tpu.memory_space<hbm>>) dst(%arg11 : memref<112x128xf32, #tpu.memory_space<vmem>>)
      %dma_start3A_189 = arith.constant 2 : i32
      %dma_start3A_190 = arith.constant 0 : i32
      %dma_start3A_191 = tpu.memref_slice %arg8[%rem3A_95, %dma_start3A_189, %dma_start3A_190] : memref<2x6x112xi32, #tpu.memory_space<vmem>> -> memref<1x1x112xi32, #tpu.memory_space<vmem>>
      %dma_start3A_192 = tpu.memref_squeeze %dma_start3A_191 : memref<1x1x112xi32, #tpu.memory_space<vmem>> -> memref<112xi32, #tpu.memory_space<vmem>>
      %dma_start3A_193 = arith.constant 0 : i32
      %dma_start3A_194 = arith.constant 0 : i32
      %dma_start3A_195 = tpu.memref_slice %arg12[%dma_start3A_193, %dma_start3A_194] : memref<10240x128xf32, #tpu.memory_space<vmem_shared>> -> memref<10240x128xf32, #tpu.memory_space<vmem_shared>>
      tpu.enqueue_indirect_dma source(%arg11 : memref<112x128xf32, #tpu.memory_space<vmem>>) target(%dma_start3A_195 : memref<10240x128xf32, #tpu.memory_space<vmem_shared>>) offsets(%dma_start3A_192 : memref<112xi32, #tpu.memory_space<vmem>>) semaphore(%arg18 : memref<!tpu.dma_semaphore, #tpu.memory_space<semaphore_mem>>) {add = true}
      %mul3A_196 = arith.constant 6 : i32
      %mul3A_197 = arith.muli %scan3A_94, %mul3A_196 : i32
      %add3A_198 = arith.constant 3 : i32
      %add3A_199 = arith.addi %mul3A_197, %add3A_198 : i32
      %dma_wait3A_200 = arith.constant 2 : i32
      %dma_wait3A_201 = arith.constant 0 : i32
      %dma_wait3A_202 = tpu.memref_slice %arg8[%rem3A_95, %dma_wait3A_200, %dma_wait3A_201] : memref<2x6x112xi32, #tpu.memory_space<vmem>> -> memref<1x1x112xi32, #tpu.memory_space<vmem>>
      %dma_wait3A_203 = tpu.memref_squeeze %dma_wait3A_202 : memref<1x1x112xi32, #tpu.memory_space<vmem>> -> memref<112xi32, #tpu.memory_space<vmem>>
      %dma_wait3A_204 = arith.constant 0 : i32
      %dma_wait3A_205 = arith.constant 0 : i32
      %dma_wait3A_206 = tpu.memref_slice %arg12[%dma_wait3A_204, %dma_wait3A_205] : memref<10240x128xf32, #tpu.memory_space<vmem_shared>> -> memref<10240x128xf32, #tpu.memory_space<vmem_shared>>
      tpu.wait_indirect_dma semaphore(%arg18 : memref<!tpu.dma_semaphore, #tpu.memory_space<semaphore_mem>>) src(%arg11 : memref<112x128xf32, #tpu.memory_space<vmem>>) dst(%dma_wait3A_206 : memref<10240x128xf32, #tpu.memory_space<vmem_shared>>)
      %dma_start3A_207 = arith.constant 5 : i32
      %dma_start3A_208 = arith.constant 0 : i32
      %dma_start3A_209 = tpu.memref_slice %arg7[%rem3A_95, %dma_start3A_207, %dma_start3A_208] : memref<2x6x112xi32, #tpu.memory_space<vmem>> -> memref<1x1x112xi32, #tpu.memory_space<vmem>>
      %dma_start3A_210 = tpu.memref_squeeze %dma_start3A_209 : memref<1x1x112xi32, #tpu.memory_space<vmem>> -> memref<112xi32, #tpu.memory_space<vmem>>
      %dma_start3A_211 = arith.constant 0 : i32
      %dma_start3A_212 = arith.constant 0 : i32
      %dma_start3A_213 = tpu.memref_slice %arg2[%dma_start3A_211, %dma_start3A_212] : memref<10240x128xf32, #tpu.memory_space<hbm>> -> memref<10240x128xf32, #tpu.memory_space<hbm>>
      tpu.enqueue_indirect_dma source(%dma_start3A_213 : memref<10240x128xf32, #tpu.memory_space<hbm>>) target(%arg11 : memref<112x128xf32, #tpu.memory_space<vmem>>) offsets(%dma_start3A_210 : memref<112xi32, #tpu.memory_space<vmem>>) semaphore(%arg15 : memref<!tpu.dma_semaphore, #tpu.memory_space<semaphore_mem>>)
      %dma_wait3A_214 = arith.constant 3 : i32
      %dma_wait3A_215 = arith.constant 0 : i32
      %dma_wait3A_216 = tpu.memref_slice %arg7[%rem3A_95, %dma_wait3A_214, %dma_wait3A_215] : memref<2x6x112xi32, #tpu.memory_space<vmem>> -> memref<1x1x112xi32, #tpu.memory_space<vmem>>
      %dma_wait3A_217 = tpu.memref_squeeze %dma_wait3A_216 : memref<1x1x112xi32, #tpu.memory_space<vmem>> -> memref<112xi32, #tpu.memory_space<vmem>>
      %dma_wait3A_218 = arith.constant 0 : i32
      %dma_wait3A_219 = arith.constant 0 : i32
      %dma_wait3A_220 = tpu.memref_slice %arg2[%dma_wait3A_218, %dma_wait3A_219] : memref<10240x128xf32, #tpu.memory_space<hbm>> -> memref<10240x128xf32, #tpu.memory_space<hbm>>
      tpu.wait_indirect_dma semaphore(%arg13 : memref<!tpu.dma_semaphore, #tpu.memory_space<semaphore_mem>>) src(%dma_wait3A_220 : memref<10240x128xf32, #tpu.memory_space<hbm>>) dst(%arg9 : memref<112x128xf32, #tpu.memory_space<vmem>>)
      %dma_start3A_221 = arith.constant 3 : i32
      %dma_start3A_222 = arith.constant 0 : i32
      %dma_start3A_223 = tpu.memref_slice %arg8[%rem3A_95, %dma_start3A_221, %dma_start3A_222] : memref<2x6x112xi32, #tpu.memory_space<vmem>> -> memref<1x1x112xi32, #tpu.memory_space<vmem>>
      %dma_start3A_224 = tpu.memref_squeeze %dma_start3A_223 : memref<1x1x112xi32, #tpu.memory_space<vmem>> -> memref<112xi32, #tpu.memory_space<vmem>>
      %dma_start3A_225 = arith.constant 0 : i32
      %dma_start3A_226 = arith.constant 0 : i32
      %dma_start3A_227 = tpu.memref_slice %arg12[%dma_start3A_225, %dma_start3A_226] : memref<10240x128xf32, #tpu.memory_space<vmem_shared>> -> memref<10240x128xf32, #tpu.memory_space<vmem_shared>>
      tpu.enqueue_indirect_dma source(%arg9 : memref<112x128xf32, #tpu.memory_space<vmem>>) target(%dma_start3A_227 : memref<10240x128xf32, #tpu.memory_space<vmem_shared>>) offsets(%dma_start3A_224 : memref<112xi32, #tpu.memory_space<vmem>>) semaphore(%arg16 : memref<!tpu.dma_semaphore, #tpu.memory_space<semaphore_mem>>) {add = true}
      %mul3A_228 = arith.constant 6 : i32
      %mul3A_229 = arith.muli %scan3A_94, %mul3A_228 : i32
      %add3A_230 = arith.constant 4 : i32
      %add3A_231 = arith.addi %mul3A_229, %add3A_230 : i32
      %dma_wait3A_232 = arith.constant 3 : i32
      %dma_wait3A_233 = arith.constant 0 : i32
      %dma_wait3A_234 = tpu.memref_slice %arg8[%rem3A_95, %dma_wait3A_232, %dma_wait3A_233] : memref<2x6x112xi32, #tpu.memory_space<vmem>> -> memref<1x1x112xi32, #tpu.memory_space<vmem>>
      %dma_wait3A_235 = tpu.memref_squeeze %dma_wait3A_234 : memref<1x1x112xi32, #tpu.memory_space<vmem>> -> memref<112xi32, #tpu.memory_space<vmem>>
      %dma_wait3A_236 = arith.constant 0 : i32
      %dma_wait3A_237 = arith.constant 0 : i32
      %dma_wait3A_238 = tpu.memref_slice %arg12[%dma_wait3A_236, %dma_wait3A_237] : memref<10240x128xf32, #tpu.memory_space<vmem_shared>> -> memref<10240x128xf32, #tpu.memory_space<vmem_shared>>
      tpu.wait_indirect_dma semaphore(%arg16 : memref<!tpu.dma_semaphore, #tpu.memory_space<semaphore_mem>>) src(%arg9 : memref<112x128xf32, #tpu.memory_space<vmem>>) dst(%dma_wait3A_238 : memref<10240x128xf32, #tpu.memory_space<vmem_shared>>)
      %add3A_239 = arith.constant 1 : i32
      %add3A_240 = arith.addi %scan3A_94, %add3A_239 : i32
      %lt3A_241 = arith.constant 15 : i32
      %lt3A_242 = arith.cmpi slt, %add3A_240, %lt3A_241 : i32
      %convert_element_type3A_243 = arith.extui %lt3A_242 : i1 to i32
      %cond3A_244 = arith.constant 0 : i32
      %cond3A_245 = arith.cmpi ne, %convert_element_type3A_243, %cond3A_244 : i32
      scf.if %cond3A_245 {
        %add3A_292 = arith.constant 1 : i32
        %add3A_293 = arith.addi %scan3A_94, %add3A_292 : i32
        %dma_wait3A_294 = arith.constant 0 : i32
        %dma_wait3A_295 = arith.constant 0 : i32
        %dma_wait3A_296 = tpu.memref_slice %arg7[%sub3A_96, %dma_wait3A_294, %dma_wait3A_295] : memref<2x6x112xi32, #tpu.memory_space<vmem>> -> memref<1x6x112xi32, #tpu.memory_space<vmem>>
        %dma_wait3A_297 = tpu.memref_squeeze %dma_wait3A_296 : memref<1x6x112xi32, #tpu.memory_space<vmem>> -> memref<6x112xi32, #tpu.memory_space<vmem>>
        %dma_wait3A_298 = arith.constant 0 : i32
        %dma_wait3A_299 = arith.constant 0 : i32
        %dma_wait3A_300 = tpu.memref_slice %arg3[%add3A, %add3A_293, %dma_wait3A_298, %dma_wait3A_299] : memref<32x15x6x112xi32, #tpu.memory_space<hbm>> -> memref<1x1x6x112xi32, #tpu.memory_space<hbm>>
        %dma_wait3A_301 = tpu.memref_squeeze %dma_wait3A_300 : memref<1x1x6x112xi32, #tpu.memory_space<hbm>> -> memref<6x112xi32, #tpu.memory_space<hbm>>
        %dma_wait3A_302 = arith.constant 0 : i32
        %dma_wait3A_303 = arith.constant 0 : i32
        %dma_wait3A_304 = tpu.memref_slice %arg7[%sub3A_96, %dma_wait3A_302, %dma_wait3A_303] : memref<2x6x112xi32, #tpu.memory_space<vmem>> -> memref<1x6x112xi32, #tpu.memory_space<vmem>>
        %dma_wait3A_305 = tpu.memref_squeeze %dma_wait3A_304 : memref<1x6x112xi32, #tpu.memory_space<vmem>> -> memref<6x112xi32, #tpu.memory_space<vmem>>
        %dma_wait3A_306 = arith.constant 0 : i32
        %dma_wait3A_307 = arith.constant 0 : i32
        %dma_wait3A_308 = tpu.memref_slice %arg3[%add3A, %add3A_293, %dma_wait3A_306, %dma_wait3A_307] : memref<32x15x6x112xi32, #tpu.memory_space<hbm>> -> memref<1x1x6x112xi32, #tpu.memory_space<hbm>>
        %dma_wait3A_309 = tpu.memref_squeeze %dma_wait3A_308 : memref<1x1x6x112xi32, #tpu.memory_space<hbm>> -> memref<6x112xi32, #tpu.memory_space<hbm>>
        tpu.wait_dma2 semaphore(%arg19 : memref<!tpu.dma_semaphore, #tpu.memory_space<semaphore_mem>>) src(%dma_wait3A_309 : memref<6x112xi32, #tpu.memory_space<hbm>>) dst(%dma_wait3A_305 : memref<6x112xi32, #tpu.memory_space<vmem>>)
        %add3A_310 = arith.constant 1 : i32
        %add3A_311 = arith.addi %scan3A_94, %add3A_310 : i32
        %dma_wait3A_312 = arith.constant 0 : i32
        %dma_wait3A_313 = arith.constant 0 : i32
        %dma_wait3A_314 = tpu.memref_slice %arg8[%sub3A_96, %dma_wait3A_312, %dma_wait3A_313] : memref<2x6x112xi32, #tpu.memory_space<vmem>> -> memref<1x6x112xi32, #tpu.memory_space<vmem>>
        %dma_wait3A_315 = tpu.memref_squeeze %dma_wait3A_314 : memref<1x6x112xi32, #tpu.memory_space<vmem>> -> memref<6x112xi32, #tpu.memory_space<vmem>>
        %dma_wait3A_316 = arith.constant 0 : i32
        %dma_wait3A_317 = arith.constant 0 : i32
        %dma_wait3A_318 = tpu.memref_slice %arg4[%add3A, %add3A_311, %dma_wait3A_316, %dma_wait3A_317] : memref<32x15x6x112xi32, #tpu.memory_space<hbm>> -> memref<1x1x6x112xi32, #tpu.memory_space<hbm>>
        %dma_wait3A_319 = tpu.memref_squeeze %dma_wait3A_318 : memref<1x1x6x112xi32, #tpu.memory_space<hbm>> -> memref<6x112xi32, #tpu.memory_space<hbm>>
        %dma_wait3A_320 = arith.constant 0 : i32
        %dma_wait3A_321 = arith.constant 0 : i32
        %dma_wait3A_322 = tpu.memref_slice %arg8[%sub3A_96, %dma_wait3A_320, %dma_wait3A_321] : memref<2x6x112xi32, #tpu.memory_space<vmem>> -> memref<1x6x112xi32, #tpu.memory_space<vmem>>
        %dma_wait3A_323 = tpu.memref_squeeze %dma_wait3A_322 : memref<1x6x112xi32, #tpu.memory_space<vmem>> -> memref<6x112xi32, #tpu.memory_space<vmem>>
        %dma_wait3A_324 = arith.constant 0 : i32
        %dma_wait3A_325 = arith.constant 0 : i32
        %dma_wait3A_326 = tpu.memref_slice %arg4[%add3A, %add3A_311, %dma_wait3A_324, %dma_wait3A_325] : memref<32x15x6x112xi32, #tpu.memory_space<hbm>> -> memref<1x1x6x112xi32, #tpu.memory_space<hbm>>
        %dma_wait3A_327 = tpu.memref_squeeze %dma_wait3A_326 : memref<1x1x6x112xi32, #tpu.memory_space<hbm>> -> memref<6x112xi32, #tpu.memory_space<hbm>>
        tpu.wait_dma2 semaphore(%arg19 : memref<!tpu.dma_semaphore, #tpu.memory_space<semaphore_mem>>) src(%dma_wait3A_327 : memref<6x112xi32, #tpu.memory_space<hbm>>) dst(%dma_wait3A_323 : memref<6x112xi32, #tpu.memory_space<vmem>>)
        %dma_start3A_328 = arith.constant 0 : i32
        %dma_start3A_329 = arith.constant 0 : i32
        %dma_start3A_330 = tpu.memref_slice %arg7[%sub3A_96, %dma_start3A_328, %dma_start3A_329] : memref<2x6x112xi32, #tpu.memory_space<vmem>> -> memref<1x1x112xi32, #tpu.memory_space<vmem>>
        %dma_start3A_331 = tpu.memref_squeeze %dma_start3A_330 : memref<1x1x112xi32, #tpu.memory_space<vmem>> -> memref<112xi32, #tpu.memory_space<vmem>>
        %dma_start3A_332 = arith.constant 0 : i32
        %dma_start3A_333 = arith.constant 0 : i32
        %dma_start3A_334 = tpu.memref_slice %arg2[%dma_start3A_332, %dma_start3A_333] : memref<10240x128xf32, #tpu.memory_space<hbm>> -> memref<10240x128xf32, #tpu.memory_space<hbm>>
        tpu.enqueue_indirect_dma source(%dma_start3A_334 : memref<10240x128xf32, #tpu.memory_space<hbm>>) target(%arg9 : memref<112x128xf32, #tpu.memory_space<vmem>>) offsets(%dma_start3A_331 : memref<112xi32, #tpu.memory_space<vmem>>) semaphore(%arg13 : memref<!tpu.dma_semaphore, #tpu.memory_space<semaphore_mem>>)
      } else {
      }
      %dma_wait3A_246 = arith.constant 4 : i32
      %dma_wait3A_247 = arith.constant 0 : i32
      %dma_wait3A_248 = tpu.memref_slice %arg7[%rem3A_95, %dma_wait3A_246, %dma_wait3A_247] : memref<2x6x112xi32, #tpu.memory_space<vmem>> -> memref<1x1x112xi32, #tpu.memory_space<vmem>>
      %dma_wait3A_249 = tpu.memref_squeeze %dma_wait3A_248 : memref<1x1x112xi32, #tpu.memory_space<vmem>> -> memref<112xi32, #tpu.memory_space<vmem>>
      %dma_wait3A_250 = arith.constant 0 : i32
      %dma_wait3A_251 = arith.constant 0 : i32
      %dma_wait3A_252 = tpu.memref_slice %arg2[%dma_wait3A_250, %dma_wait3A_251] : memref<10240x128xf32, #tpu.memory_space<hbm>> -> memref<10240x128xf32, #tpu.memory_space<hbm>>
      tpu.wait_indirect_dma semaphore(%arg14 : memref<!tpu.dma_semaphore, #tpu.memory_space<semaphore_mem>>) src(%dma_wait3A_252 : memref<10240x128xf32, #tpu.memory_space<hbm>>) dst(%arg10 : memref<112x128xf32, #tpu.memory_space<vmem>>)
      %dma_start3A_253 = arith.constant 4 : i32
      %dma_start3A_254 = arith.constant 0 : i32
      %dma_start3A_255 = tpu.memref_slice %arg8[%rem3A_95, %dma_start3A_253, %dma_start3A_254] : memref<2x6x112xi32, #tpu.memory_space<vmem>> -> memref<1x1x112xi32, #tpu.memory_space<vmem>>
      %dma_start3A_256 = tpu.memref_squeeze %dma_start3A_255 : memref<1x1x112xi32, #tpu.memory_space<vmem>> -> memref<112xi32, #tpu.memory_space<vmem>>
      %dma_start3A_257 = arith.constant 0 : i32
      %dma_start3A_258 = arith.constant 0 : i32
      %dma_start3A_259 = tpu.memref_slice %arg12[%dma_start3A_257, %dma_start3A_258] : memref<10240x128xf32, #tpu.memory_space<vmem_shared>> -> memref<10240x128xf32, #tpu.memory_space<vmem_shared>>
      tpu.enqueue_indirect_dma source(%arg10 : memref<112x128xf32, #tpu.memory_space<vmem>>) target(%dma_start3A_259 : memref<10240x128xf32, #tpu.memory_space<vmem_shared>>) offsets(%dma_start3A_256 : memref<112xi32, #tpu.memory_space<vmem>>) semaphore(%arg17 : memref<!tpu.dma_semaphore, #tpu.memory_space<semaphore_mem>>) {add = true}
      %mul3A_260 = arith.constant 6 : i32
      %mul3A_261 = arith.muli %scan3A_94, %mul3A_260 : i32
      %add3A_262 = arith.constant 5 : i32
      %add3A_263 = arith.addi %mul3A_261, %add3A_262 : i32
      %dma_wait3A_264 = arith.constant 4 : i32
      %dma_wait3A_265 = arith.constant 0 : i32
      %dma_wait3A_266 = tpu.memref_slice %arg8[%rem3A_95, %dma_wait3A_264, %dma_wait3A_265] : memref<2x6x112xi32, #tpu.memory_space<vmem>> -> memref<1x1x112xi32, #tpu.memory_space<vmem>>
      %dma_wait3A_267 = tpu.memref_squeeze %dma_wait3A_266 : memref<1x1x112xi32, #tpu.memory_space<vmem>> -> memref<112xi32, #tpu.memory_space<vmem>>
      %dma_wait3A_268 = arith.constant 0 : i32
      %dma_wait3A_269 = arith.constant 0 : i32
      %dma_wait3A_270 = tpu.memref_slice %arg12[%dma_wait3A_268, %dma_wait3A_269] : memref<10240x128xf32, #tpu.memory_space<vmem_shared>> -> memref<10240x128xf32, #tpu.memory_space<vmem_shared>>
      tpu.wait_indirect_dma semaphore(%arg17 : memref<!tpu.dma_semaphore, #tpu.memory_space<semaphore_mem>>) src(%arg10 : memref<112x128xf32, #tpu.memory_space<vmem>>) dst(%dma_wait3A_270 : memref<10240x128xf32, #tpu.memory_space<vmem_shared>>)
      %add3A_271 = arith.constant 1 : i32
      %add3A_272 = arith.addi %scan3A_94, %add3A_271 : i32
      %lt3A_273 = arith.constant 15 : i32
      %lt3A_274 = arith.cmpi slt, %add3A_272, %lt3A_273 : i32
      %convert_element_type3A_275 = arith.extui %lt3A_274 : i1 to i32
      %cond3A_276 = arith.constant 0 : i32
      %cond3A_277 = arith.cmpi ne, %convert_element_type3A_275, %cond3A_276 : i32
      scf.if %cond3A_277 {
        %dma_start3A_292 = arith.constant 1 : i32
        %dma_start3A_293 = arith.constant 0 : i32
        %dma_start3A_294 = tpu.memref_slice %arg7[%sub3A_96, %dma_start3A_292, %dma_start3A_293] : memref<2x6x112xi32, #tpu.memory_space<vmem>> -> memref<1x1x112xi32, #tpu.memory_space<vmem>>
        %dma_start3A_295 = tpu.memref_squeeze %dma_start3A_294 : memref<1x1x112xi32, #tpu.memory_space<vmem>> -> memref<112xi32, #tpu.memory_space<vmem>>
        %dma_start3A_296 = arith.constant 0 : i32
        %dma_start3A_297 = arith.constant 0 : i32
        %dma_start3A_298 = tpu.memref_slice %arg2[%dma_start3A_296, %dma_start3A_297] : memref<10240x128xf32, #tpu.memory_space<hbm>> -> memref<10240x128xf32, #tpu.memory_space<hbm>>
        tpu.enqueue_indirect_dma source(%dma_start3A_298 : memref<10240x128xf32, #tpu.memory_space<hbm>>) target(%arg10 : memref<112x128xf32, #tpu.memory_space<vmem>>) offsets(%dma_start3A_295 : memref<112xi32, #tpu.memory_space<vmem>>) semaphore(%arg14 : memref<!tpu.dma_semaphore, #tpu.memory_space<semaphore_mem>>)
      } else {
      }
      %dma_wait3A_278 = arith.constant 5 : i32
      %dma_wait3A_279 = arith.constant 0 : i32
      %dma_wait3A_280 = tpu.memref_slice %arg7[%rem3A_95, %dma_wait3A_278, %dma_wait3A_279] : memref<2x6x112xi32, #tpu.memory_space<vmem>> -> memref<1x1x112xi32, #tpu.memory_space<vmem>>
      %dma_wait3A_281 = tpu.memref_squeeze %dma_wait3A_280 : memref<1x1x112xi32, #tpu.memory_space<vmem>> -> memref<112xi32, #tpu.memory_space<vmem>>
      %dma_wait3A_282 = arith.constant 0 : i32
      %dma_wait3A_283 = arith.constant 0 : i32
      %dma_wait3A_284 = tpu.memref_slice %arg2[%dma_wait3A_282, %dma_wait3A_283] : memref<10240x128xf32, #tpu.memory_space<hbm>> -> memref<10240x128xf32, #tpu.memory_space<hbm>>
      tpu.wait_indirect_dma semaphore(%arg15 : memref<!tpu.dma_semaphore, #tpu.memory_space<semaphore_mem>>) src(%dma_wait3A_284 : memref<10240x128xf32, #tpu.memory_space<hbm>>) dst(%arg11 : memref<112x128xf32, #tpu.memory_space<vmem>>)
      %dma_start3A_285 = arith.constant 5 : i32
      %dma_start3A_286 = arith.constant 0 : i32
      %dma_start3A_287 = tpu.memref_slice %arg8[%rem3A_95, %dma_start3A_285, %dma_start3A_286] : memref<2x6x112xi32, #tpu.memory_space<vmem>> -> memref<1x1x112xi32, #tpu.memory_space<vmem>>
      %dma_start3A_288 = tpu.memref_squeeze %dma_start3A_287 : memref<1x1x112xi32, #tpu.memory_space<vmem>> -> memref<112xi32, #tpu.memory_space<vmem>>
      %dma_start3A_289 = arith.constant 0 : i32
      %dma_start3A_290 = arith.constant 0 : i32
      %dma_start3A_291 = tpu.memref_slice %arg12[%dma_start3A_289, %dma_start3A_290] : memref<10240x128xf32, #tpu.memory_space<vmem_shared>> -> memref<10240x128xf32, #tpu.memory_space<vmem_shared>>
      tpu.enqueue_indirect_dma source(%arg11 : memref<112x128xf32, #tpu.memory_space<vmem>>) target(%dma_start3A_291 : memref<10240x128xf32, #tpu.memory_space<vmem_shared>>) offsets(%dma_start3A_288 : memref<112xi32, #tpu.memory_space<vmem>>) semaphore(%arg18 : memref<!tpu.dma_semaphore, #tpu.memory_space<semaphore_mem>>) {add = true}
    }
    %scan3A_73 = arith.constant 15 : i32
    %dma_wait3A = arith.constant 0 : i32
    %dma_wait3A_74 = arith.constant 5 : i32
    %dma_wait3A_75 = arith.constant 0 : i32
    %dma_wait3A_76 = tpu.memref_slice %arg8[%dma_wait3A, %dma_wait3A_74, %dma_wait3A_75] : memref<2x6x112xi32, #tpu.memory_space<vmem>> -> memref<1x1x112xi32, #tpu.memory_space<vmem>>
    %dma_wait3A_77 = tpu.memref_squeeze %dma_wait3A_76 : memref<1x1x112xi32, #tpu.memory_space<vmem>> -> memref<112xi32, #tpu.memory_space<vmem>>
    %dma_wait3A_78 = arith.constant 0 : i32
    %dma_wait3A_79 = arith.constant 0 : i32
    %dma_wait3A_80 = tpu.memref_slice %arg12[%dma_wait3A_78, %dma_wait3A_79] : memref<10240x128xf32, #tpu.memory_space<vmem_shared>> -> memref<10240x128xf32, #tpu.memory_space<vmem_shared>>
    tpu.wait_indirect_dma semaphore(%arg18 : memref<!tpu.dma_semaphore, #tpu.memory_space<semaphore_mem>>) src(%arg11 : memref<112x128xf32, #tpu.memory_space<vmem>>) dst(%dma_wait3A_80 : memref<10240x128xf32, #tpu.memory_space<vmem_shared>>)
    %barrier3A_81 = arith.constant 0 : index
    tpu.barrier barrier_id(%barrier3A_81)
    %add3A_82 = arith.constant 0 : i32
    %add3A_83 = arith.addi %mul3A_2, %add3A_82 : i32
    "tpu.region"() ({
      %run_scoped3A_94 = tpu.sem_alloc : memref<!tpu.dma_semaphore, #tpu.memory_space<semaphore_mem>>
      %dma_start3A_95 = arith.constant 0 : i32
      %dma_start3A_96 = tpu.memref_slice %arg6[%arg0, %add3A_83, %dma_start3A_95] : memref<2x10240x128xf32, #tpu.memory_space<hbm>> -> memref<1x112x128xf32, #tpu.memory_space<hbm>>
      %dma_start3A_97 = tpu.memref_squeeze %dma_start3A_96 : memref<1x112x128xf32, #tpu.memory_space<hbm>> -> memref<112x128xf32, #tpu.memory_space<hbm>>
      %dma_start3A_98 = arith.constant 0 : i32
      %dma_start3A_99 = tpu.memref_slice %arg12[%add3A_83, %dma_start3A_98] : memref<10240x128xf32, #tpu.memory_space<vmem_shared>> -> memref<112x128xf32, #tpu.memory_space<vmem_shared>>
      tpu.enqueue_dma source(%dma_start3A_99 : memref<112x128xf32, #tpu.memory_space<vmem_shared>>) target(%dma_start3A_97 : memref<112x128xf32, #tpu.memory_space<hbm>>) target_semaphore(%run_scoped3A_94 : memref<!tpu.dma_semaphore, #tpu.memory_space<semaphore_mem>>)
      %dma_wait3A_100 = arith.constant 0 : i32
      %dma_wait3A_101 = tpu.memref_slice %arg6[%arg0, %add3A_83, %dma_wait3A_100] : memref<2x10240x128xf32, #tpu.memory_space<hbm>> -> memref<1x112x128xf32, #tpu.memory_space<hbm>>
      %dma_wait3A_102 = tpu.memref_squeeze %dma_wait3A_101 : memref<1x112x128xf32, #tpu.memory_space<hbm>> -> memref<112x128xf32, #tpu.memory_space<hbm>>
      %dma_wait3A_103 = arith.constant 0 : i32
      %dma_wait3A_104 = tpu.memref_slice %arg12[%add3A_83, %dma_wait3A_103] : memref<10240x128xf32, #tpu.memory_space<vmem_shared>> -> memref<112x128xf32, #tpu.memory_space<vmem_shared>>
      tpu.wait_dma2 semaphore(%run_scoped3A_94 : memref<!tpu.dma_semaphore, #tpu.memory_space<semaphore_mem>>) src(%dma_wait3A_104 : memref<112x128xf32, #tpu.memory_space<vmem_shared>>) dst(%dma_wait3A_102 : memref<112x128xf32, #tpu.memory_space<hbm>>)
      tpu.yield
    }) : () -> ()
    %add3A_84 = arith.constant 112 : i32
    %add3A_85 = arith.addi %mul3A_2, %add3A_84 : i32
    "tpu.region"() ({
      %run_scoped3A_94 = tpu.sem_alloc : memref<!tpu.dma_semaphore, #tpu.memory_space<semaphore_mem>>
      %dma_start3A_95 = arith.constant 0 : i32
      %dma_start3A_96 = tpu.memref_slice %arg6[%arg0, %add3A_85, %dma_start3A_95] : memref<2x10240x128xf32, #tpu.memory_space<hbm>> -> memref<1x112x128xf32, #tpu.memory_space<hbm>>
      %dma_start3A_97 = tpu.memref_squeeze %dma_start3A_96 : memref<1x112x128xf32, #tpu.memory_space<hbm>> -> memref<112x128xf32, #tpu.memory_space<hbm>>
      %dma_start3A_98 = arith.constant 0 : i32
      %dma_start3A_99 = tpu.memref_slice %arg12[%add3A_85, %dma_start3A_98] : memref<10240x128xf32, #tpu.memory_space<vmem_shared>> -> memref<112x128xf32, #tpu.memory_space<vmem_shared>>
      tpu.enqueue_dma source(%dma_start3A_99 : memref<112x128xf32, #tpu.memory_space<vmem_shared>>) target(%dma_start3A_97 : memref<112x128xf32, #tpu.memory_space<hbm>>) target_semaphore(%run_scoped3A_94 : memref<!tpu.dma_semaphore, #tpu.memory_space<semaphore_mem>>)
      %dma_wait3A_100 = arith.constant 0 : i32
      %dma_wait3A_101 = tpu.memref_slice %arg6[%arg0, %add3A_85, %dma_wait3A_100] : memref<2x10240x128xf32, #tpu.memory_space<hbm>> -> memref<1x112x128xf32, #tpu.memory_space<hbm>>
      %dma_wait3A_102 = tpu.memref_squeeze %dma_wait3A_101 : memref<1x112x128xf32, #tpu.memory_space<hbm>> -> memref<112x128xf32, #tpu.memory_space<hbm>>
      %dma_wait3A_103 = arith.constant 0 : i32
      %dma_wait3A_104 = tpu.memref_slice %arg12[%add3A_85, %dma_wait3A_103] : memref<10240x128xf32, #tpu.memory_space<vmem_shared>> -> memref<112x128xf32, #tpu.memory_space<vmem_shared>>
      tpu.wait_dma2 semaphore(%run_scoped3A_94 : memref<!tpu.dma_semaphore, #tpu.memory_space<semaphore_mem>>) src(%dma_wait3A_104 : memref<112x128xf32, #tpu.memory_space<vmem_shared>>) dst(%dma_wait3A_102 : memref<112x128xf32, #tpu.memory_space<hbm>>)
      tpu.yield
    }) : () -> ()
    %add3A_86 = arith.constant 224 : i32
    %add3A_87 = arith.addi %mul3A_2, %add3A_86 : i32
    "tpu.region"() ({
      %run_scoped3A_94 = tpu.sem_alloc : memref<!tpu.dma_semaphore, #tpu.memory_space<semaphore_mem>>
      %dma_start3A_95 = arith.constant 0 : i32
      %dma_start3A_96 = tpu.memref_slice %arg6[%arg0, %add3A_87, %dma_start3A_95] : memref<2x10240x128xf32, #tpu.memory_space<hbm>> -> memref<1x112x128xf32, #tpu.memory_space<hbm>>
      %dma_start3A_97 = tpu.memref_squeeze %dma_start3A_96 : memref<1x112x128xf32, #tpu.memory_space<hbm>> -> memref<112x128xf32, #tpu.memory_space<hbm>>
      %dma_start3A_98 = arith.constant 0 : i32
      %dma_start3A_99 = tpu.memref_slice %arg12[%add3A_87, %dma_start3A_98] : memref<10240x128xf32, #tpu.memory_space<vmem_shared>> -> memref<112x128xf32, #tpu.memory_space<vmem_shared>>
      tpu.enqueue_dma source(%dma_start3A_99 : memref<112x128xf32, #tpu.memory_space<vmem_shared>>) target(%dma_start3A_97 : memref<112x128xf32, #tpu.memory_space<hbm>>) target_semaphore(%run_scoped3A_94 : memref<!tpu.dma_semaphore, #tpu.memory_space<semaphore_mem>>)
      %dma_wait3A_100 = arith.constant 0 : i32
      %dma_wait3A_101 = tpu.memref_slice %arg6[%arg0, %add3A_87, %dma_wait3A_100] : memref<2x10240x128xf32, #tpu.memory_space<hbm>> -> memref<1x112x128xf32, #tpu.memory_space<hbm>>
      %dma_wait3A_102 = tpu.memref_squeeze %dma_wait3A_101 : memref<1x112x128xf32, #tpu.memory_space<hbm>> -> memref<112x128xf32, #tpu.memory_space<hbm>>
      %dma_wait3A_103 = arith.constant 0 : i32
      %dma_wait3A_104 = tpu.memref_slice %arg12[%add3A_87, %dma_wait3A_103] : memref<10240x128xf32, #tpu.memory_space<vmem_shared>> -> memref<112x128xf32, #tpu.memory_space<vmem_shared>>
      tpu.wait_dma2 semaphore(%run_scoped3A_94 : memref<!tpu.dma_semaphore, #tpu.memory_space<semaphore_mem>>) src(%dma_wait3A_104 : memref<112x128xf32, #tpu.memory_space<vmem_shared>>) dst(%dma_wait3A_102 : memref<112x128xf32, #tpu.memory_space<hbm>>)
      tpu.yield
    }) : () -> ()
    %add3A_88 = arith.constant 336 : i32
    %add3A_89 = arith.addi %mul3A_2, %add3A_88 : i32
    "tpu.region"() ({
      %run_scoped3A_94 = tpu.sem_alloc : memref<!tpu.dma_semaphore, #tpu.memory_space<semaphore_mem>>
      %dma_start3A_95 = arith.constant 0 : i32
      %dma_start3A_96 = tpu.memref_slice %arg6[%arg0, %add3A_89, %dma_start3A_95] : memref<2x10240x128xf32, #tpu.memory_space<hbm>> -> memref<1x112x128xf32, #tpu.memory_space<hbm>>
      %dma_start3A_97 = tpu.memref_squeeze %dma_start3A_96 : memref<1x112x128xf32, #tpu.memory_space<hbm>> -> memref<112x128xf32, #tpu.memory_space<hbm>>
      %dma_start3A_98 = arith.constant 0 : i32
      %dma_start3A_99 = tpu.memref_slice %arg12[%add3A_89, %dma_start3A_98] : memref<10240x128xf32, #tpu.memory_space<vmem_shared>> -> memref<112x128xf32, #tpu.memory_space<vmem_shared>>
      tpu.enqueue_dma source(%dma_start3A_99 : memref<112x128xf32, #tpu.memory_space<vmem_shared>>) target(%dma_start3A_97 : memref<112x128xf32, #tpu.memory_space<hbm>>) target_semaphore(%run_scoped3A_94 : memref<!tpu.dma_semaphore, #tpu.memory_space<semaphore_mem>>)
      %dma_wait3A_100 = arith.constant 0 : i32
      %dma_wait3A_101 = tpu.memref_slice %arg6[%arg0, %add3A_89, %dma_wait3A_100] : memref<2x10240x128xf32, #tpu.memory_space<hbm>> -> memref<1x112x128xf32, #tpu.memory_space<hbm>>
      %dma_wait3A_102 = tpu.memref_squeeze %dma_wait3A_101 : memref<1x112x128xf32, #tpu.memory_space<hbm>> -> memref<112x128xf32, #tpu.memory_space<hbm>>
      %dma_wait3A_103 = arith.constant 0 : i32
      %dma_wait3A_104 = tpu.memref_slice %arg12[%add3A_89, %dma_wait3A_103] : memref<10240x128xf32, #tpu.memory_space<vmem_shared>> -> memref<112x128xf32, #tpu.memory_space<vmem_shared>>
      tpu.wait_dma2 semaphore(%run_scoped3A_94 : memref<!tpu.dma_semaphore, #tpu.memory_space<semaphore_mem>>) src(%dma_wait3A_104 : memref<112x128xf32, #tpu.memory_space<vmem_shared>>) dst(%dma_wait3A_102 : memref<112x128xf32, #tpu.memory_space<hbm>>)
      tpu.yield
    }) : () -> ()
    %add3A_90 = arith.constant 448 : i32
    %add3A_91 = arith.addi %mul3A_2, %add3A_90 : i32
    "tpu.region"() ({
      %run_scoped3A_94 = tpu.sem_alloc : memref<!tpu.dma_semaphore, #tpu.memory_space<semaphore_mem>>
      %dma_start3A_95 = arith.constant 0 : i32
      %dma_start3A_96 = tpu.memref_slice %arg6[%arg0, %add3A_91, %dma_start3A_95] : memref<2x10240x128xf32, #tpu.memory_space<hbm>> -> memref<1x112x128xf32, #tpu.memory_space<hbm>>
      %dma_start3A_97 = tpu.memref_squeeze %dma_start3A_96 : memref<1x112x128xf32, #tpu.memory_space<hbm>> -> memref<112x128xf32, #tpu.memory_space<hbm>>
      %dma_start3A_98 = arith.constant 0 : i32
      %dma_start3A_99 = tpu.memref_slice %arg12[%add3A_91, %dma_start3A_98] : memref<10240x128xf32, #tpu.memory_space<vmem_shared>> -> memref<112x128xf32, #tpu.memory_space<vmem_shared>>
      tpu.enqueue_dma source(%dma_start3A_99 : memref<112x128xf32, #tpu.memory_space<vmem_shared>>) target(%dma_start3A_97 : memref<112x128xf32, #tpu.memory_space<hbm>>) target_semaphore(%run_scoped3A_94 : memref<!tpu.dma_semaphore, #tpu.memory_space<semaphore_mem>>)
      %dma_wait3A_100 = arith.constant 0 : i32
      %dma_wait3A_101 = tpu.memref_slice %arg6[%arg0, %add3A_91, %dma_wait3A_100] : memref<2x10240x128xf32, #tpu.memory_space<hbm>> -> memref<1x112x128xf32, #tpu.memory_space<hbm>>
      %dma_wait3A_102 = tpu.memref_squeeze %dma_wait3A_101 : memref<1x112x128xf32, #tpu.memory_space<hbm>> -> memref<112x128xf32, #tpu.memory_space<hbm>>
      %dma_wait3A_103 = arith.constant 0 : i32
      %dma_wait3A_104 = tpu.memref_slice %arg12[%add3A_91, %dma_wait3A_103] : memref<10240x128xf32, #tpu.memory_space<vmem_shared>> -> memref<112x128xf32, #tpu.memory_space<vmem_shared>>
      tpu.wait_dma2 semaphore(%run_scoped3A_94 : memref<!tpu.dma_semaphore, #tpu.memory_space<semaphore_mem>>) src(%dma_wait3A_104 : memref<112x128xf32, #tpu.memory_space<vmem_shared>>) dst(%dma_wait3A_102 : memref<112x128xf32, #tpu.memory_space<hbm>>)
      tpu.yield
    }) : () -> ()
    %add3A_92 = arith.constant 560 : i32
    %add3A_93 = arith.addi %mul3A_2, %add3A_92 : i32
    "tpu.region"() ({
      %run_scoped3A_94 = tpu.sem_alloc : memref<!tpu.dma_semaphore, #tpu.memory_space<semaphore_mem>>
      %dma_start3A_95 = arith.constant 0 : i32
      %dma_start3A_96 = tpu.memref_slice %arg6[%arg0, %add3A_93, %dma_start3A_95] : memref<2x10240x128xf32, #tpu.memory_space<hbm>> -> memref<1x80x128xf32, #tpu.memory_space<hbm>>
      %dma_start3A_97 = tpu.memref_squeeze %dma_start3A_96 : memref<1x80x128xf32, #tpu.memory_space<hbm>> -> memref<80x128xf32, #tpu.memory_space<hbm>>
      %dma_start3A_98 = arith.constant 0 : i32
      %dma_start3A_99 = tpu.memref_slice %arg12[%add3A_93, %dma_start3A_98] : memref<10240x128xf32, #tpu.memory_space<vmem_shared>> -> memref<80x128xf32, #tpu.memory_space<vmem_shared>>
      tpu.enqueue_dma source(%dma_start3A_99 : memref<80x128xf32, #tpu.memory_space<vmem_shared>>) target(%dma_start3A_97 : memref<80x128xf32, #tpu.memory_space<hbm>>) target_semaphore(%run_scoped3A_94 : memref<!tpu.dma_semaphore, #tpu.memory_space<semaphore_mem>>)
      %dma_wait3A_100 = arith.constant 0 : i32
      %dma_wait3A_101 = tpu.memref_slice %arg6[%arg0, %add3A_93, %dma_wait3A_100] : memref<2x10240x128xf32, #tpu.memory_space<hbm>> -> memref<1x80x128xf32, #tpu.memory_space<hbm>>
      %dma_wait3A_102 = tpu.memref_squeeze %dma_wait3A_101 : memref<1x80x128xf32, #tpu.memory_space<hbm>> -> memref<80x128xf32, #tpu.memory_space<hbm>>
      %dma_wait3A_103 = arith.constant 0 : i32
      %dma_wait3A_104 = tpu.memref_slice %arg12[%add3A_93, %dma_wait3A_103] : memref<10240x128xf32, #tpu.memory_space<vmem_shared>> -> memref<80x128xf32, #tpu.memory_space<vmem_shared>>
      tpu.wait_dma2 semaphore(%run_scoped3A_94 : memref<!tpu.dma_semaphore, #tpu.memory_space<semaphore_mem>>) src(%dma_wait3A_104 : memref<80x128xf32, #tpu.memory_space<vmem_shared>>) dst(%dma_wait3A_102 : memref<80x128xf32, #tpu.memory_space<hbm>>)
      tpu.yield
    }) : () -> ()
    return
  }
}

#map = affine_map<(d0, d1) -> (0, 0)>
#map1 = affine_map<(d0, d1) -> (0, 0, 0, 0)>
#map2 = affine_map<(d0, d1) -> (0, 0, 0)>
module attributes {stable_mosaic.version = 14 : i64} {
  func.func @_scatter_body(%arg0: i32, %arg1: i32, %arg2: memref<10240x128xf32, #tpu.memory_space<hbm>>, %arg3: memref<32x15x6x112xi32, #tpu.memory_space<hbm>>, %arg4: memref<32x15x6x112xi32, #tpu.memory_space<hbm>>, %arg5: memref<112x128xf32, #tpu.memory_space<hbm>>, %arg6: memref<2x10240x128xf32, #tpu.memory_space<hbm>>, %arg7: memref<2x6x112xi32, #tpu.memory_space<vmem>>, %arg8: memref<2x6x112xi32, #tpu.memory_space<vmem>>, %arg9: memref<112x128xf32, #tpu.memory_space<vmem>>, %arg10: memref<112x128xf32, #tpu.memory_space<vmem>>, %arg11: memref<112x128xf32, #tpu.memory_space<vmem>>, %arg12: memref<10240x128xf32, #tpu.memory_space<vmem_shared>>, %arg13: memref<!tpu.dma_semaphore, #tpu.memory_space<semaphore_mem>>, %arg14: memref<!tpu.dma_semaphore, #tpu.memory_space<semaphore_mem>>, %arg15: memref<!tpu.dma_semaphore, #tpu.memory_space<semaphore_mem>>, %arg16: memref<!tpu.dma_semaphore, #tpu.memory_space<semaphore_mem>>, %arg17: memref<!tpu.dma_semaphore, #tpu.memory_space<semaphore_mem>>, %arg18: memref<!tpu.dma_semaphore, #tpu.memory_space<semaphore_mem>>, %arg19: memref<!tpu.dma_semaphore, #tpu.memory_space<semaphore_mem>>) attributes {dimension_semantics = [#tpu.dimension_semantics<core_parallel>, #tpu.dimension_semantics<subcore_parallel>], iteration_bounds = array<i64: 2, 16>, scalar_prefetch = 0 : i64, scratch_operands = 13 : i64, tpu.core_type = #tpu.core_type<sc_vector_subcore>, window_params = [{transform_indices = #map}, {transform_indices = #map1}, {transform_indices = #map1}, {transform_indices = #map}, {transform_indices = #map2}]} {
    %mul3A = arith.constant 16 : i32
    %mul3A_0 = arith.muli %arg0, %mul3A : i32
    %add3A = arith.addi %mul3A_0, %arg1 : i32
    "tpu.region"() ({
      %run_scoped3A_94 = tpu.sem_alloc : memref<!tpu.dma_semaphore, #tpu.memory_space<semaphore_mem>>
      tpu.enqueue_dma source(%arg5 : memref<112x128xf32, #tpu.memory_space<hbm>>) target(%arg9 : memref<112x128xf32, #tpu.memory_space<vmem>>) target_semaphore(%run_scoped3A_94 : memref<!tpu.dma_semaphore, #tpu.memory_space<semaphore_mem>>)
      tpu.wait_dma2 semaphore(%run_scoped3A_94 : memref<!tpu.dma_semaphore, #tpu.memory_space<semaphore_mem>>) src(%arg5 : memref<112x128xf32, #tpu.memory_space<hbm>>) dst(%arg9 : memref<112x128xf32, #tpu.memory_space<vmem>>)
      tpu.yield
    }) : () -> ()
    %mul3A_1 = arith.constant 640 : i32
    %mul3A_2 = arith.muli %arg1, %mul3A_1 : i32
    %add3A_3 = arith.constant 0 : i32
    %add3A_4 = arith.addi %mul3A_2, %add3A_3 : i32
    "tpu.region"() ({
      %run_scoped3A_94 = tpu.sem_alloc : memref<!tpu.dma_semaphore, #tpu.memory_space<semaphore_mem>>
      %dma_start3A_95 = arith.constant 0 : i32
      %dma_start3A_96 = arith.constant 0 : i32
      %dma_start3A_97 = tpu.memref_slice %arg9[%dma_start3A_95, %dma_start3A_96] : memref<112x128xf32, #tpu.memory_space<vmem>> -> memref<112x128xf32, #tpu.memory_space<vmem>>
      %dma_start3A_98 = arith.constant 0 : i32
      %dma_start3A_99 = tpu.memref_slice %arg12[%add3A_4, %dma_start3A_98] : memref<10240x128xf32, #tpu.memory_space<vmem_shared>> -> memref<112x128xf32, #tpu.memory_space<vmem_shared>>
      %dma_start3A_100 = arith.constant 0 : i32
      %dma_start3A_101 = tpu.memref_slice %arg12[%add3A_4, %dma_start3A_100] : memref<10240x128xf32, #tpu.memory_space<vmem_shared>> -> memref<112x128xf32, #tpu.memory_space<vmem_shared>>
      %dma_start3A_102 = arith.constant 0 : i32
      %dma_start3A_103 = arith.constant 0 : i32
      %dma_start3A_104 = tpu.memref_slice %arg9[%dma_start3A_102, %dma_start3A_103] : memref<112x128xf32, #tpu.memory_space<vmem>> -> memref<112x128xf32, #tpu.memory_space<vmem>>
      tpu.enqueue_dma source(%dma_start3A_104 : memref<112x128xf32, #tpu.memory_space<vmem>>) target(%dma_start3A_101 : memref<112x128xf32, #tpu.memory_space<vmem_shared>>) target_semaphore(%run_scoped3A_94 : memref<!tpu.dma_semaphore, #tpu.memory_space<semaphore_mem>>)
      %dma_wait3A_105 = arith.constant 0 : i32
      %dma_wait3A_106 = arith.constant 0 : i32
      %dma_wait3A_107 = tpu.memref_slice %arg9[%dma_wait3A_105, %dma_wait3A_106] : memref<112x128xf32, #tpu.memory_space<vmem>> -> memref<112x128xf32, #tpu.memory_space<vmem>>
      %dma_wait3A_108 = arith.constant 0 : i32
      %dma_wait3A_109 = tpu.memref_slice %arg12[%add3A_4, %dma_wait3A_108] : memref<10240x128xf32, #tpu.memory_space<vmem_shared>> -> memref<112x128xf32, #tpu.memory_space<vmem_shared>>
      %dma_wait3A_110 = arith.constant 0 : i32
      %dma_wait3A_111 = tpu.memref_slice %arg12[%add3A_4, %dma_wait3A_110] : memref<10240x128xf32, #tpu.memory_space<vmem_shared>> -> memref<112x128xf32, #tpu.memory_space<vmem_shared>>
      %dma_wait3A_112 = arith.constant 0 : i32
      %dma_wait3A_113 = arith.constant 0 : i32
      %dma_wait3A_114 = tpu.memref_slice %arg9[%dma_wait3A_112, %dma_wait3A_113] : memref<112x128xf32, #tpu.memory_space<vmem>> -> memref<112x128xf32, #tpu.memory_space<vmem>>
      tpu.wait_dma2 semaphore(%run_scoped3A_94 : memref<!tpu.dma_semaphore, #tpu.memory_space<semaphore_mem>>) src(%dma_wait3A_114 : memref<112x128xf32, #tpu.memory_space<vmem>>) dst(%dma_wait3A_111 : memref<112x128xf32, #tpu.memory_space<vmem_shared>>)
      tpu.yield
    }) : () -> ()
    %add3A_5 = arith.constant 112 : i32
    %add3A_6 = arith.addi %mul3A_2, %add3A_5 : i32
    "tpu.region"() ({
      %run_scoped3A_94 = tpu.sem_alloc : memref<!tpu.dma_semaphore, #tpu.memory_space<semaphore_mem>>
      %dma_start3A_95 = arith.constant 0 : i32
      %dma_start3A_96 = arith.constant 0 : i32
      %dma_start3A_97 = tpu.memref_slice %arg9[%dma_start3A_95, %dma_start3A_96] : memref<112x128xf32, #tpu.memory_space<vmem>> -> memref<112x128xf32, #tpu.memory_space<vmem>>
      %dma_start3A_98 = arith.constant 0 : i32
      %dma_start3A_99 = tpu.memref_slice %arg12[%add3A_6, %dma_start3A_98] : memref<10240x128xf32, #tpu.memory_space<vmem_shared>> -> memref<112x128xf32, #tpu.memory_space<vmem_shared>>
      %dma_start3A_100 = arith.constant 0 : i32
      %dma_start3A_101 = tpu.memref_slice %arg12[%add3A_6, %dma_start3A_100] : memref<10240x128xf32, #tpu.memory_space<vmem_shared>> -> memref<112x128xf32, #tpu.memory_space<vmem_shared>>
      %dma_start3A_102 = arith.constant 0 : i32
      %dma_start3A_103 = arith.constant 0 : i32
      %dma_start3A_104 = tpu.memref_slice %arg9[%dma_start3A_102, %dma_start3A_103] : memref<112x128xf32, #tpu.memory_space<vmem>> -> memref<112x128xf32, #tpu.memory_space<vmem>>
      tpu.enqueue_dma source(%dma_start3A_104 : memref<112x128xf32, #tpu.memory_space<vmem>>) target(%dma_start3A_101 : memref<112x128xf32, #tpu.memory_space<vmem_shared>>) target_semaphore(%run_scoped3A_94 : memref<!tpu.dma_semaphore, #tpu.memory_space<semaphore_mem>>)
      %dma_wait3A_105 = arith.constant 0 : i32
      %dma_wait3A_106 = arith.constant 0 : i32
      %dma_wait3A_107 = tpu.memref_slice %arg9[%dma_wait3A_105, %dma_wait3A_106] : memref<112x128xf32, #tpu.memory_space<vmem>> -> memref<112x128xf32, #tpu.memory_space<vmem>>
      %dma_wait3A_108 = arith.constant 0 : i32
      %dma_wait3A_109 = tpu.memref_slice %arg12[%add3A_6, %dma_wait3A_108] : memref<10240x128xf32, #tpu.memory_space<vmem_shared>> -> memref<112x128xf32, #tpu.memory_space<vmem_shared>>
      %dma_wait3A_110 = arith.constant 0 : i32
      %dma_wait3A_111 = tpu.memref_slice %arg12[%add3A_6, %dma_wait3A_110] : memref<10240x128xf32, #tpu.memory_space<vmem_shared>> -> memref<112x128xf32, #tpu.memory_space<vmem_shared>>
      %dma_wait3A_112 = arith.constant 0 : i32
      %dma_wait3A_113 = arith.constant 0 : i32
      %dma_wait3A_114 = tpu.memref_slice %arg9[%dma_wait3A_112, %dma_wait3A_113] : memref<112x128xf32, #tpu.memory_space<vmem>> -> memref<112x128xf32, #tpu.memory_space<vmem>>
      tpu.wait_dma2 semaphore(%run_scoped3A_94 : memref<!tpu.dma_semaphore, #tpu.memory_space<semaphore_mem>>) src(%dma_wait3A_114 : memref<112x128xf32, #tpu.memory_space<vmem>>) dst(%dma_wait3A_111 : memref<112x128xf32, #tpu.memory_space<vmem_shared>>)
      tpu.yield
    }) : () -> ()
    %add3A_7 = arith.constant 224 : i32
    %add3A_8 = arith.addi %mul3A_2, %add3A_7 : i32
    "tpu.region"() ({
      %run_scoped3A_94 = tpu.sem_alloc : memref<!tpu.dma_semaphore, #tpu.memory_space<semaphore_mem>>
      %dma_start3A_95 = arith.constant 0 : i32
      %dma_start3A_96 = arith.constant 0 : i32
      %dma_start3A_97 = tpu.memref_slice %arg9[%dma_start3A_95, %dma_start3A_96] : memref<112x128xf32, #tpu.memory_space<vmem>> -> memref<112x128xf32, #tpu.memory_space<vmem>>
      %dma_start3A_98 = arith.constant 0 : i32
      %dma_start3A_99 = tpu.memref_slice %arg12[%add3A_8, %dma_start3A_98] : memref<10240x128xf32, #tpu.memory_space<vmem_shared>> -> memref<112x128xf32, #tpu.memory_space<vmem_shared>>
      %dma_start3A_100 = arith.constant 0 : i32
      %dma_start3A_101 = tpu.memref_slice %arg12[%add3A_8, %dma_start3A_100] : memref<10240x128xf32, #tpu.memory_space<vmem_shared>> -> memref<112x128xf32, #tpu.memory_space<vmem_shared>>
      %dma_start3A_102 = arith.constant 0 : i32
      %dma_start3A_103 = arith.constant 0 : i32
      %dma_start3A_104 = tpu.memref_slice %arg9[%dma_start3A_102, %dma_start3A_103] : memref<112x128xf32, #tpu.memory_space<vmem>> -> memref<112x128xf32, #tpu.memory_space<vmem>>
      tpu.enqueue_dma source(%dma_start3A_104 : memref<112x128xf32, #tpu.memory_space<vmem>>) target(%dma_start3A_101 : memref<112x128xf32, #tpu.memory_space<vmem_shared>>) target_semaphore(%run_scoped3A_94 : memref<!tpu.dma_semaphore, #tpu.memory_space<semaphore_mem>>)
      %dma_wait3A_105 = arith.constant 0 : i32
      %dma_wait3A_106 = arith.constant 0 : i32
      %dma_wait3A_107 = tpu.memref_slice %arg9[%dma_wait3A_105, %dma_wait3A_106] : memref<112x128xf32, #tpu.memory_space<vmem>> -> memref<112x128xf32, #tpu.memory_space<vmem>>
      %dma_wait3A_108 = arith.constant 0 : i32
      %dma_wait3A_109 = tpu.memref_slice %arg12[%add3A_8, %dma_wait3A_108] : memref<10240x128xf32, #tpu.memory_space<vmem_shared>> -> memref<112x128xf32, #tpu.memory_space<vmem_shared>>
      %dma_wait3A_110 = arith.constant 0 : i32
      %dma_wait3A_111 = tpu.memref_slice %arg12[%add3A_8, %dma_wait3A_110] : memref<10240x128xf32, #tpu.memory_space<vmem_shared>> -> memref<112x128xf32, #tpu.memory_space<vmem_shared>>
      %dma_wait3A_112 = arith.constant 0 : i32
      %dma_wait3A_113 = arith.constant 0 : i32
      %dma_wait3A_114 = tpu.memref_slice %arg9[%dma_wait3A_112, %dma_wait3A_113] : memref<112x128xf32, #tpu.memory_space<vmem>> -> memref<112x128xf32, #tpu.memory_space<vmem>>
      tpu.wait_dma2 semaphore(%run_scoped3A_94 : memref<!tpu.dma_semaphore, #tpu.memory_space<semaphore_mem>>) src(%dma_wait3A_114 : memref<112x128xf32, #tpu.memory_space<vmem>>) dst(%dma_wait3A_111 : memref<112x128xf32, #tpu.memory_space<vmem_shared>>)
      tpu.yield
    }) : () -> ()
    %add3A_9 = arith.constant 336 : i32
    %add3A_10 = arith.addi %mul3A_2, %add3A_9 : i32
    "tpu.region"() ({
      %run_scoped3A_94 = tpu.sem_alloc : memref<!tpu.dma_semaphore, #tpu.memory_space<semaphore_mem>>
      %dma_start3A_95 = arith.constant 0 : i32
      %dma_start3A_96 = arith.constant 0 : i32
      %dma_start3A_97 = tpu.memref_slice %arg9[%dma_start3A_95, %dma_start3A_96] : memref<112x128xf32, #tpu.memory_space<vmem>> -> memref<112x128xf32, #tpu.memory_space<vmem>>
      %dma_start3A_98 = arith.constant 0 : i32
      %dma_start3A_99 = tpu.memref_slice %arg12[%add3A_10, %dma_start3A_98] : memref<10240x128xf32, #tpu.memory_space<vmem_shared>> -> memref<112x128xf32, #tpu.memory_space<vmem_shared>>
      %dma_start3A_100 = arith.constant 0 : i32
      %dma_start3A_101 = tpu.memref_slice %arg12[%add3A_10, %dma_start3A_100] : memref<10240x128xf32, #tpu.memory_space<vmem_shared>> -> memref<112x128xf32, #tpu.memory_space<vmem_shared>>
      %dma_start3A_102 = arith.constant 0 : i32
      %dma_start3A_103 = arith.constant 0 : i32
      %dma_start3A_104 = tpu.memref_slice %arg9[%dma_start3A_102, %dma_start3A_103] : memref<112x128xf32, #tpu.memory_space<vmem>> -> memref<112x128xf32, #tpu.memory_space<vmem>>
      tpu.enqueue_dma source(%dma_start3A_104 : memref<112x128xf32, #tpu.memory_space<vmem>>) target(%dma_start3A_101 : memref<112x128xf32, #tpu.memory_space<vmem_shared>>) target_semaphore(%run_scoped3A_94 : memref<!tpu.dma_semaphore, #tpu.memory_space<semaphore_mem>>)
      %dma_wait3A_105 = arith.constant 0 : i32
      %dma_wait3A_106 = arith.constant 0 : i32
      %dma_wait3A_107 = tpu.memref_slice %arg9[%dma_wait3A_105, %dma_wait3A_106] : memref<112x128xf32, #tpu.memory_space<vmem>> -> memref<112x128xf32, #tpu.memory_space<vmem>>
      %dma_wait3A_108 = arith.constant 0 : i32
      %dma_wait3A_109 = tpu.memref_slice %arg12[%add3A_10, %dma_wait3A_108] : memref<10240x128xf32, #tpu.memory_space<vmem_shared>> -> memref<112x128xf32, #tpu.memory_space<vmem_shared>>
      %dma_wait3A_110 = arith.constant 0 : i32
      %dma_wait3A_111 = tpu.memref_slice %arg12[%add3A_10, %dma_wait3A_110] : memref<10240x128xf32, #tpu.memory_space<vmem_shared>> -> memref<112x128xf32, #tpu.memory_space<vmem_shared>>
      %dma_wait3A_112 = arith.constant 0 : i32
      %dma_wait3A_113 = arith.constant 0 : i32
      %dma_wait3A_114 = tpu.memref_slice %arg9[%dma_wait3A_112, %dma_wait3A_113] : memref<112x128xf32, #tpu.memory_space<vmem>> -> memref<112x128xf32, #tpu.memory_space<vmem>>
      tpu.wait_dma2 semaphore(%run_scoped3A_94 : memref<!tpu.dma_semaphore, #tpu.memory_space<semaphore_mem>>) src(%dma_wait3A_114 : memref<112x128xf32, #tpu.memory_space<vmem>>) dst(%dma_wait3A_111 : memref<112x128xf32, #tpu.memory_space<vmem_shared>>)
      tpu.yield
    }) : () -> ()
    %add3A_11 = arith.constant 448 : i32
    %add3A_12 = arith.addi %mul3A_2, %add3A_11 : i32
    "tpu.region"() ({
      %run_scoped3A_94 = tpu.sem_alloc : memref<!tpu.dma_semaphore, #tpu.memory_space<semaphore_mem>>
      %dma_start3A_95 = arith.constant 0 : i32
      %dma_start3A_96 = arith.constant 0 : i32
      %dma_start3A_97 = tpu.memref_slice %arg9[%dma_start3A_95, %dma_start3A_96] : memref<112x128xf32, #tpu.memory_space<vmem>> -> memref<112x128xf32, #tpu.memory_space<vmem>>
      %dma_start3A_98 = arith.constant 0 : i32
      %dma_start3A_99 = tpu.memref_slice %arg12[%add3A_12, %dma_start3A_98] : memref<10240x128xf32, #tpu.memory_space<vmem_shared>> -> memref<112x128xf32, #tpu.memory_space<vmem_shared>>
      %dma_start3A_100 = arith.constant 0 : i32
      %dma_start3A_101 = tpu.memref_slice %arg12[%add3A_12, %dma_start3A_100] : memref<10240x128xf32, #tpu.memory_space<vmem_shared>> -> memref<112x128xf32, #tpu.memory_space<vmem_shared>>
      %dma_start3A_102 = arith.constant 0 : i32
      %dma_start3A_103 = arith.constant 0 : i32
      %dma_start3A_104 = tpu.memref_slice %arg9[%dma_start3A_102, %dma_start3A_103] : memref<112x128xf32, #tpu.memory_space<vmem>> -> memref<112x128xf32, #tpu.memory_space<vmem>>
      tpu.enqueue_dma source(%dma_start3A_104 : memref<112x128xf32, #tpu.memory_space<vmem>>) target(%dma_start3A_101 : memref<112x128xf32, #tpu.memory_space<vmem_shared>>) target_semaphore(%run_scoped3A_94 : memref<!tpu.dma_semaphore, #tpu.memory_space<semaphore_mem>>)
      %dma_wait3A_105 = arith.constant 0 : i32
      %dma_wait3A_106 = arith.constant 0 : i32
      %dma_wait3A_107 = tpu.memref_slice %arg9[%dma_wait3A_105, %dma_wait3A_106] : memref<112x128xf32, #tpu.memory_space<vmem>> -> memref<112x128xf32, #tpu.memory_space<vmem>>
      %dma_wait3A_108 = arith.constant 0 : i32
      %dma_wait3A_109 = tpu.memref_slice %arg12[%add3A_12, %dma_wait3A_108] : memref<10240x128xf32, #tpu.memory_space<vmem_shared>> -> memref<112x128xf32, #tpu.memory_space<vmem_shared>>
      %dma_wait3A_110 = arith.constant 0 : i32
      %dma_wait3A_111 = tpu.memref_slice %arg12[%add3A_12, %dma_wait3A_110] : memref<10240x128xf32, #tpu.memory_space<vmem_shared>> -> memref<112x128xf32, #tpu.memory_space<vmem_shared>>
      %dma_wait3A_112 = arith.constant 0 : i32
      %dma_wait3A_113 = arith.constant 0 : i32
      %dma_wait3A_114 = tpu.memref_slice %arg9[%dma_wait3A_112, %dma_wait3A_113] : memref<112x128xf32, #tpu.memory_space<vmem>> -> memref<112x128xf32, #tpu.memory_space<vmem>>
      tpu.wait_dma2 semaphore(%run_scoped3A_94 : memref<!tpu.dma_semaphore, #tpu.memory_space<semaphore_mem>>) src(%dma_wait3A_114 : memref<112x128xf32, #tpu.memory_space<vmem>>) dst(%dma_wait3A_111 : memref<112x128xf32, #tpu.memory_space<vmem_shared>>)
      tpu.yield
    }) : () -> ()
    %add3A_13 = arith.constant 560 : i32
    %add3A_14 = arith.addi %mul3A_2, %add3A_13 : i32
    "tpu.region"() ({
      %run_scoped3A_94 = tpu.sem_alloc : memref<!tpu.dma_semaphore, #tpu.memory_space<semaphore_mem>>
      %dma_start3A_95 = arith.constant 0 : i32
      %dma_start3A_96 = arith.constant 0 : i32
      %dma_start3A_97 = tpu.memref_slice %arg9[%dma_start3A_95, %dma_start3A_96] : memref<112x128xf32, #tpu.memory_space<vmem>> -> memref<80x128xf32, #tpu.memory_space<vmem>>
      %dma_start3A_98 = arith.constant 0 : i32
      %dma_start3A_99 = tpu.memref_slice %arg12[%add3A_14, %dma_start3A_98] : memref<10240x128xf32, #tpu.memory_space<vmem_shared>> -> memref<80x128xf32, #tpu.memory_space<vmem_shared>>
      %dma_start3A_100 = arith.constant 0 : i32
      %dma_start3A_101 = tpu.memref_slice %arg12[%add3A_14, %dma_start3A_100] : memref<10240x128xf32, #tpu.memory_space<vmem_shared>> -> memref<80x128xf32, #tpu.memory_space<vmem_shared>>
      %dma_start3A_102 = arith.constant 0 : i32
      %dma_start3A_103 = arith.constant 0 : i32
      %dma_start3A_104 = tpu.memref_slice %arg9[%dma_start3A_102, %dma_start3A_103] : memref<112x128xf32, #tpu.memory_space<vmem>> -> memref<80x128xf32, #tpu.memory_space<vmem>>
      tpu.enqueue_dma source(%dma_start3A_104 : memref<80x128xf32, #tpu.memory_space<vmem>>) target(%dma_start3A_101 : memref<80x128xf32, #tpu.memory_space<vmem_shared>>) target_semaphore(%run_scoped3A_94 : memref<!tpu.dma_semaphore, #tpu.memory_space<semaphore_mem>>)
      %dma_wait3A_105 = arith.constant 0 : i32
      %dma_wait3A_106 = arith.constant 0 : i32
      %dma_wait3A_107 = tpu.memref_slice %arg9[%dma_wait3A_105, %dma_wait3A_106] : memref<112x128xf32, #tpu.memory_space<vmem>> -> memref<80x128xf32, #tpu.memory_space<vmem>>
      %dma_wait3A_108 = arith.constant 0 : i32
      %dma_wait3A_109 = tpu.memref_slice %arg12[%add3A_14, %dma_wait3A_108] : memref<10240x128xf32, #tpu.memory_space<vmem_shared>> -> memref<80x128xf32, #tpu.memory_space<vmem_shared>>
      %dma_wait3A_110 = arith.constant 0 : i32
      %dma_wait3A_111 = tpu.memref_slice %arg12[%add3A_14, %dma_wait3A_110] : memref<10240x128xf32, #tpu.memory_space<vmem_shared>> -> memref<80x128xf32, #tpu.memory_space<vmem_shared>>
      %dma_wait3A_112 = arith.constant 0 : i32
      %dma_wait3A_113 = arith.constant 0 : i32
      %dma_wait3A_114 = tpu.memref_slice %arg9[%dma_wait3A_112, %dma_wait3A_113] : memref<112x128xf32, #tpu.memory_space<vmem>> -> memref<80x128xf32, #tpu.memory_space<vmem>>
      tpu.wait_dma2 semaphore(%run_scoped3A_94 : memref<!tpu.dma_semaphore, #tpu.memory_space<semaphore_mem>>) src(%dma_wait3A_114 : memref<80x128xf32, #tpu.memory_space<vmem>>) dst(%dma_wait3A_111 : memref<80x128xf32, #tpu.memory_space<vmem_shared>>)
      tpu.yield
    }) : () -> ()
    %run_scoped3A = arith.constant 0 : i32
    %run_scoped3A_15 = arith.constant 0 : i32
    "tpu.region"() ({
      %run_scoped3A_94 = tpu.sem_alloc : memref<!tpu.dma_semaphore, #tpu.memory_space<semaphore_mem>>
      %dma_start3A_95 = arith.constant 0 : i32
      %dma_start3A_96 = arith.constant 0 : i32
      %dma_start3A_97 = tpu.memref_slice %arg7[%run_scoped3A_15, %dma_start3A_95, %dma_start3A_96] : memref<2x6x112xi32, #tpu.memory_space<vmem>> -> memref<1x6x112xi32, #tpu.memory_space<vmem>>
      %dma_start3A_98 = tpu.memref_squeeze %dma_start3A_97 : memref<1x6x112xi32, #tpu.memory_space<vmem>> -> memref<6x112xi32, #tpu.memory_space<vmem>>
      %dma_start3A_99 = arith.constant 0 : i32
      %dma_start3A_100 = arith.constant 0 : i32
      %dma_start3A_101 = tpu.memref_slice %arg3[%add3A, %run_scoped3A, %dma_start3A_99, %dma_start3A_100] : memref<32x15x6x112xi32, #tpu.memory_space<hbm>> -> memref<1x1x6x112xi32, #tpu.memory_space<hbm>>
      %dma_start3A_102 = tpu.memref_squeeze %dma_start3A_101 : memref<1x1x6x112xi32, #tpu.memory_space<hbm>> -> memref<6x112xi32, #tpu.memory_space<hbm>>
      %dma_start3A_103 = arith.constant 0 : i32
      %dma_start3A_104 = arith.constant 0 : i32
      %dma_start3A_105 = tpu.memref_slice %arg7[%run_scoped3A_15, %dma_start3A_103, %dma_start3A_104] : memref<2x6x112xi32, #tpu.memory_space<vmem>> -> memref<1x6x112xi32, #tpu.memory_space<vmem>>
      %dma_start3A_106 = tpu.memref_squeeze %dma_start3A_105 : memref<1x6x112xi32, #tpu.memory_space<vmem>> -> memref<6x112xi32, #tpu.memory_space<vmem>>
      %dma_start3A_107 = arith.constant 0 : i32
      %dma_start3A_108 = arith.constant 0 : i32
      %dma_start3A_109 = tpu.memref_slice %arg3[%add3A, %run_scoped3A, %dma_start3A_107, %dma_start3A_108] : memref<32x15x6x112xi32, #tpu.memory_space<hbm>> -> memref<1x1x6x112xi32, #tpu.memory_space<hbm>>
      %dma_start3A_110 = tpu.memref_squeeze %dma_start3A_109 : memref<1x1x6x112xi32, #tpu.memory_space<hbm>> -> memref<6x112xi32, #tpu.memory_space<hbm>>
      tpu.enqueue_dma source(%dma_start3A_110 : memref<6x112xi32, #tpu.memory_space<hbm>>) target(%dma_start3A_106 : memref<6x112xi32, #tpu.memory_space<vmem>>) target_semaphore(%run_scoped3A_94 : memref<!tpu.dma_semaphore, #tpu.memory_space<semaphore_mem>>)
      %dma_wait3A_111 = arith.constant 0 : i32
      %dma_wait3A_112 = arith.constant 0 : i32
      %dma_wait3A_113 = tpu.memref_slice %arg7[%run_scoped3A_15, %dma_wait3A_111, %dma_wait3A_112] : memref<2x6x112xi32, #tpu.memory_space<vmem>> -> memref<1x6x112xi32, #tpu.memory_space<vmem>>
      %dma_wait3A_114 = tpu.memref_squeeze %dma_wait3A_113 : memref<1x6x112xi32, #tpu.memory_space<vmem>> -> memref<6x112xi32, #tpu.memory_space<vmem>>
      %dma_wait3A_115 = arith.constant 0 : i32
      %dma_wait3A_116 = arith.constant 0 : i32
      %dma_wait3A_117 = tpu.memref_slice %arg3[%add3A, %run_scoped3A, %dma_wait3A_115, %dma_wait3A_116] : memref<32x15x6x112xi32, #tpu.memory_space<hbm>> -> memref<1x1x6x112xi32, #tpu.memory_space<hbm>>
      %dma_wait3A_118 = tpu.memref_squeeze %dma_wait3A_117 : memref<1x1x6x112xi32, #tpu.memory_space<hbm>> -> memref<6x112xi32, #tpu.memory_space<hbm>>
      %dma_wait3A_119 = arith.constant 0 : i32
      %dma_wait3A_120 = arith.constant 0 : i32
      %dma_wait3A_121 = tpu.memref_slice %arg7[%run_scoped3A_15, %dma_wait3A_119, %dma_wait3A_120] : memref<2x6x112xi32, #tpu.memory_space<vmem>> -> memref<1x6x112xi32, #tpu.memory_space<vmem>>
      %dma_wait3A_122 = tpu.memref_squeeze %dma_wait3A_121 : memref<1x6x112xi32, #tpu.memory_space<vmem>> -> memref<6x112xi32, #tpu.memory_space<vmem>>
      %dma_wait3A_123 = arith.constant 0 : i32
      %dma_wait3A_124 = arith.constant 0 : i32
      %dma_wait3A_125 = tpu.memref_slice %arg3[%add3A, %run_scoped3A, %dma_wait3A_123, %dma_wait3A_124] : memref<32x15x6x112xi32, #tpu.memory_space<hbm>> -> memref<1x1x6x112xi32, #tpu.memory_space<hbm>>
      %dma_wait3A_126 = tpu.memref_squeeze %dma_wait3A_125 : memref<1x1x6x112xi32, #tpu.memory_space<hbm>> -> memref<6x112xi32, #tpu.memory_space<hbm>>
      tpu.wait_dma2 semaphore(%run_scoped3A_94 : memref<!tpu.dma_semaphore, #tpu.memory_space<semaphore_mem>>) src(%dma_wait3A_126 : memref<6x112xi32, #tpu.memory_space<hbm>>) dst(%dma_wait3A_122 : memref<6x112xi32, #tpu.memory_space<vmem>>)
      tpu.yield
    }) : () -> ()
    %run_scoped3A_16 = arith.constant 0 : i32
    %run_scoped3A_17 = arith.constant 0 : i32
    "tpu.region"() ({
      %run_scoped3A_94 = tpu.sem_alloc : memref<!tpu.dma_semaphore, #tpu.memory_space<semaphore_mem>>
      %dma_start3A_95 = arith.constant 0 : i32
      %dma_start3A_96 = arith.constant 0 : i32
      %dma_start3A_97 = tpu.memref_slice %arg8[%run_scoped3A_17, %dma_start3A_95, %dma_start3A_96] : memref<2x6x112xi32, #tpu.memory_space<vmem>> -> memref<1x6x112xi32, #tpu.memory_space<vmem>>
      %dma_start3A_98 = tpu.memref_squeeze %dma_start3A_97 : memref<1x6x112xi32, #tpu.memory_space<vmem>> -> memref<6x112xi32, #tpu.memory_space<vmem>>
      %dma_start3A_99 = arith.constant 0 : i32
      %dma_start3A_100 = arith.constant 0 : i32
      %dma_start3A_101 = tpu.memref_slice %arg4[%add3A, %run_scoped3A_16, %dma_start3A_99, %dma_start3A_100] : memref<32x15x6x112xi32, #tpu.memory_space<hbm>> -> memref<1x1x6x112xi32, #tpu.memory_space<hbm>>
      %dma_start3A_102 = tpu.memref_squeeze %dma_start3A_101 : memref<1x1x6x112xi32, #tpu.memory_space<hbm>> -> memref<6x112xi32, #tpu.memory_space<hbm>>
      %dma_start3A_103 = arith.constant 0 : i32
      %dma_start3A_104 = arith.constant 0 : i32
      %dma_start3A_105 = tpu.memref_slice %arg8[%run_scoped3A_17, %dma_start3A_103, %dma_start3A_104] : memref<2x6x112xi32, #tpu.memory_space<vmem>> -> memref<1x6x112xi32, #tpu.memory_space<vmem>>
      %dma_start3A_106 = tpu.memref_squeeze %dma_start3A_105 : memref<1x6x112xi32, #tpu.memory_space<vmem>> -> memref<6x112xi32, #tpu.memory_space<vmem>>
      %dma_start3A_107 = arith.constant 0 : i32
      %dma_start3A_108 = arith.constant 0 : i32
      %dma_start3A_109 = tpu.memref_slice %arg4[%add3A, %run_scoped3A_16, %dma_start3A_107, %dma_start3A_108] : memref<32x15x6x112xi32, #tpu.memory_space<hbm>> -> memref<1x1x6x112xi32, #tpu.memory_space<hbm>>
      %dma_start3A_110 = tpu.memref_squeeze %dma_start3A_109 : memref<1x1x6x112xi32, #tpu.memory_space<hbm>> -> memref<6x112xi32, #tpu.memory_space<hbm>>
      tpu.enqueue_dma source(%dma_start3A_110 : memref<6x112xi32, #tpu.memory_space<hbm>>) target(%dma_start3A_106 : memref<6x112xi32, #tpu.memory_space<vmem>>) target_semaphore(%run_scoped3A_94 : memref<!tpu.dma_semaphore, #tpu.memory_space<semaphore_mem>>)
      %dma_wait3A_111 = arith.constant 0 : i32
      %dma_wait3A_112 = arith.constant 0 : i32
      %dma_wait3A_113 = tpu.memref_slice %arg8[%run_scoped3A_17, %dma_wait3A_111, %dma_wait3A_112] : memref<2x6x112xi32, #tpu.memory_space<vmem>> -> memref<1x6x112xi32, #tpu.memory_space<vmem>>
      %dma_wait3A_114 = tpu.memref_squeeze %dma_wait3A_113 : memref<1x6x112xi32, #tpu.memory_space<vmem>> -> memref<6x112xi32, #tpu.memory_space<vmem>>
      %dma_wait3A_115 = arith.constant 0 : i32
      %dma_wait3A_116 = arith.constant 0 : i32
      %dma_wait3A_117 = tpu.memref_slice %arg4[%add3A, %run_scoped3A_16, %dma_wait3A_115, %dma_wait3A_116] : memref<32x15x6x112xi32, #tpu.memory_space<hbm>> -> memref<1x1x6x112xi32, #tpu.memory_space<hbm>>
      %dma_wait3A_118 = tpu.memref_squeeze %dma_wait3A_117 : memref<1x1x6x112xi32, #tpu.memory_space<hbm>> -> memref<6x112xi32, #tpu.memory_space<hbm>>
      %dma_wait3A_119 = arith.constant 0 : i32
      %dma_wait3A_120 = arith.constant 0 : i32
      %dma_wait3A_121 = tpu.memref_slice %arg8[%run_scoped3A_17, %dma_wait3A_119, %dma_wait3A_120] : memref<2x6x112xi32, #tpu.memory_space<vmem>> -> memref<1x6x112xi32, #tpu.memory_space<vmem>>
      %dma_wait3A_122 = tpu.memref_squeeze %dma_wait3A_121 : memref<1x6x112xi32, #tpu.memory_space<vmem>> -> memref<6x112xi32, #tpu.memory_space<vmem>>
      %dma_wait3A_123 = arith.constant 0 : i32
      %dma_wait3A_124 = arith.constant 0 : i32
      %dma_wait3A_125 = tpu.memref_slice %arg4[%add3A, %run_scoped3A_16, %dma_wait3A_123, %dma_wait3A_124] : memref<32x15x6x112xi32, #tpu.memory_space<hbm>> -> memref<1x1x6x112xi32, #tpu.memory_space<hbm>>
      %dma_wait3A_126 = tpu.memref_squeeze %dma_wait3A_125 : memref<1x1x6x112xi32, #tpu.memory_space<hbm>> -> memref<6x112xi32, #tpu.memory_space<hbm>>
      tpu.wait_dma2 semaphore(%run_scoped3A_94 : memref<!tpu.dma_semaphore, #tpu.memory_space<semaphore_mem>>) src(%dma_wait3A_126 : memref<6x112xi32, #tpu.memory_space<hbm>>) dst(%dma_wait3A_122 : memref<6x112xi32, #tpu.memory_space<vmem>>)
      tpu.yield
    }) : () -> ()
    %dma_start3A = arith.constant 1 : i32
    %dma_start3A_18 = arith.constant 1 : i32
    %dma_start3A_19 = arith.constant 0 : i32
    %dma_start3A_20 = arith.constant 0 : i32
    %dma_start3A_21 = tpu.memref_slice %arg7[%dma_start3A_18, %dma_start3A_19, %dma_start3A_20] : memref<2x6x112xi32, #tpu.memory_space<vmem>> -> memref<1x6x112xi32, #tpu.memory_space<vmem>>
    %dma_start3A_22 = tpu.memref_squeeze %dma_start3A_21 : memref<1x6x112xi32, #tpu.memory_space<vmem>> -> memref<6x112xi32, #tpu.memory_space<vmem>>
    %dma_start3A_23 = arith.constant 0 : i32
    %dma_start3A_24 = arith.constant 0 : i32
    %dma_start3A_25 = tpu.memref_slice %arg3[%add3A, %dma_start3A, %dma_start3A_23, %dma_start3A_24] : memref<32x15x6x112xi32, #tpu.memory_space<hbm>> -> memref<1x1x6x112xi32, #tpu.memory_space<hbm>>
    %dma_start3A_26 = tpu.memref_squeeze %dma_start3A_25 : memref<1x1x6x112xi32, #tpu.memory_space<hbm>> -> memref<6x112xi32, #tpu.memory_space<hbm>>
    %dma_start3A_27 = arith.constant 0 : i32
    %dma_start3A_28 = arith.constant 0 : i32
    %dma_start3A_29 = tpu.memref_slice %arg7[%dma_start3A_18, %dma_start3A_27, %dma_start3A_28] : memref<2x6x112xi32, #tpu.memory_space<vmem>> -> memref<1x6x112xi32, #tpu.memory_space<vmem>>
    %dma_start3A_30 = tpu.memref_squeeze %dma_start3A_29 : memref<1x6x112xi32, #tpu.memory_space<vmem>> -> memref<6x112xi32, #tpu.memory_space<vmem>>
    %dma_start3A_31 = arith.constant 0 : i32
    %dma_start3A_32 = arith.constant 0 : i32
    %dma_start3A_33 = tpu.memref_slice %arg3[%add3A, %dma_start3A, %dma_start3A_31, %dma_start3A_32] : memref<32x15x6x112xi32, #tpu.memory_space<hbm>> -> memref<1x1x6x112xi32, #tpu.memory_space<hbm>>
    %dma_start3A_34 = tpu.memref_squeeze %dma_start3A_33 : memref<1x1x6x112xi32, #tpu.memory_space<hbm>> -> memref<6x112xi32, #tpu.memory_space<hbm>>
    tpu.enqueue_dma source(%dma_start3A_34 : memref<6x112xi32, #tpu.memory_space<hbm>>) target(%dma_start3A_30 : memref<6x112xi32, #tpu.memory_space<vmem>>) target_semaphore(%arg19 : memref<!tpu.dma_semaphore, #tpu.memory_space<semaphore_mem>>)
    %dma_start3A_35 = arith.constant 1 : i32
    %dma_start3A_36 = arith.constant 1 : i32
    %dma_start3A_37 = arith.constant 0 : i32
    %dma_start3A_38 = arith.constant 0 : i32
    %dma_start3A_39 = tpu.memref_slice %arg8[%dma_start3A_36, %dma_start3A_37, %dma_start3A_38] : memref<2x6x112xi32, #tpu.memory_space<vmem>> -> memref<1x6x112xi32, #tpu.memory_space<vmem>>
    %dma_start3A_40 = tpu.memref_squeeze %dma_start3A_39 : memref<1x6x112xi32, #tpu.memory_space<vmem>> -> memref<6x112xi32, #tpu.memory_space<vmem>>
    %dma_start3A_41 = arith.constant 0 : i32
    %dma_start3A_42 = arith.constant 0 : i32
    %dma_start3A_43 = tpu.memref_slice %arg4[%add3A, %dma_start3A_35, %dma_start3A_41, %dma_start3A_42] : memref<32x15x6x112xi32, #tpu.memory_space<hbm>> -> memref<1x1x6x112xi32, #tpu.memory_space<hbm>>
    %dma_start3A_44 = tpu.memref_squeeze %dma_start3A_43 : memref<1x1x6x112xi32, #tpu.memory_space<hbm>> -> memref<6x112xi32, #tpu.memory_space<hbm>>
    %dma_start3A_45 = arith.constant 0 : i32
    %dma_start3A_46 = arith.constant 0 : i32
    %dma_start3A_47 = tpu.memref_slice %arg8[%dma_start3A_36, %dma_start3A_45, %dma_start3A_46] : memref<2x6x112xi32, #tpu.memory_space<vmem>> -> memref<1x6x112xi32, #tpu.memory_space<vmem>>
    %dma_start3A_48 = tpu.memref_squeeze %dma_start3A_47 : memref<1x6x112xi32, #tpu.memory_space<vmem>> -> memref<6x112xi32, #tpu.memory_space<vmem>>
    %dma_start3A_49 = arith.constant 0 : i32
    %dma_start3A_50 = arith.constant 0 : i32
    %dma_start3A_51 = tpu.memref_slice %arg4[%add3A, %dma_start3A_35, %dma_start3A_49, %dma_start3A_50] : memref<32x15x6x112xi32, #tpu.memory_space<hbm>> -> memref<1x1x6x112xi32, #tpu.memory_space<hbm>>
    %dma_start3A_52 = tpu.memref_squeeze %dma_start3A_51 : memref<1x1x6x112xi32, #tpu.memory_space<hbm>> -> memref<6x112xi32, #tpu.memory_space<hbm>>
    tpu.enqueue_dma source(%dma_start3A_52 : memref<6x112xi32, #tpu.memory_space<hbm>>) target(%dma_start3A_48 : memref<6x112xi32, #tpu.memory_space<vmem>>) target_semaphore(%arg19 : memref<!tpu.dma_semaphore, #tpu.memory_space<semaphore_mem>>)
    %barrier3A = arith.constant 0 : index
    tpu.barrier barrier_id(%barrier3A)
    %dma_start3A_53 = arith.constant 0 : i32
    %dma_start3A_54 = arith.constant 0 : i32
    %dma_start3A_55 = arith.constant 0 : i32
    %dma_start3A_56 = tpu.memref_slice %arg7[%dma_start3A_53, %dma_start3A_54, %dma_start3A_55] : memref<2x6x112xi32, #tpu.memory_space<vmem>> -> memref<1x1x112xi32, #tpu.memory_space<vmem>>
    %dma_start3A_57 = tpu.memref_squeeze %dma_start3A_56 : memref<1x1x112xi32, #tpu.memory_space<vmem>> -> memref<112xi32, #tpu.memory_space<vmem>>
    %dma_start3A_58 = arith.constant 0 : i32
    %dma_start3A_59 = arith.constant 0 : i32
    %dma_start3A_60 = tpu.memref_slice %arg2[%dma_start3A_58, %dma_start3A_59] : memref<10240x128xf32, #tpu.memory_space<hbm>> -> memref<10240x128xf32, #tpu.memory_space<hbm>>
    tpu.enqueue_indirect_dma source(%dma_start3A_60 : memref<10240x128xf32, #tpu.memory_space<hbm>>) target(%arg9 : memref<112x128xf32, #tpu.memory_space<vmem>>) offsets(%dma_start3A_57 : memref<112xi32, #tpu.memory_space<vmem>>) semaphore(%arg13 : memref<!tpu.dma_semaphore, #tpu.memory_space<semaphore_mem>>)
    %dma_start3A_61 = arith.constant 0 : i32
    %dma_start3A_62 = arith.constant 1 : i32
    %dma_start3A_63 = arith.constant 0 : i32
    %dma_start3A_64 = tpu.memref_slice %arg7[%dma_start3A_61, %dma_start3A_62, %dma_start3A_63] : memref<2x6x112xi32, #tpu.memory_space<vmem>> -> memref<1x1x112xi32, #tpu.memory_space<vmem>>
    %dma_start3A_65 = tpu.memref_squeeze %dma_start3A_64 : memref<1x1x112xi32, #tpu.memory_space<vmem>> -> memref<112xi32, #tpu.memory_space<vmem>>
    %dma_start3A_66 = arith.constant 0 : i32
    %dma_start3A_67 = arith.constant 0 : i32
    %dma_start3A_68 = tpu.memref_slice %arg2[%dma_start3A_66, %dma_start3A_67] : memref<10240x128xf32, #tpu.memory_space<hbm>> -> memref<10240x128xf32, #tpu.memory_space<hbm>>
    tpu.enqueue_indirect_dma source(%dma_start3A_68 : memref<10240x128xf32, #tpu.memory_space<hbm>>) target(%arg10 : memref<112x128xf32, #tpu.memory_space<vmem>>) offsets(%dma_start3A_65 : memref<112xi32, #tpu.memory_space<vmem>>) semaphore(%arg14 : memref<!tpu.dma_semaphore, #tpu.memory_space<semaphore_mem>>)
    %scan3A = arith.constant 0 : i32
    %scan3A_69 = arith.constant 0 : i32
    %scan3A_70 = arith.constant 15 : i32
    %scan3A_71 = arith.addi %scan3A_69, %scan3A_70 : i32
    %scan3A_72 = arith.constant 1 : i32
    scf.for %scan3A_94 = %scan3A_69 to %scan3A_71 step %scan3A_72  : i32 {
      %rem3A = arith.constant 2 : i32
      %rem3A_95 = arith.remsi %scan3A_94, %rem3A : i32
      %sub3A = arith.constant 1 : i32
      %sub3A_96 = arith.subi %sub3A, %rem3A_95 : i32
      %mul3A_97 = arith.constant 6 : i32
      %mul3A_98 = arith.muli %scan3A_94, %mul3A_97 : i32
      %add3A_99 = arith.constant 0 : i32
      %add3A_100 = arith.addi %mul3A_98, %add3A_99 : i32
      %ge3A = arith.constant 1 : i32
      %ge3A_101 = arith.cmpi sge, %add3A_100, %ge3A : i32
      %convert_element_type3A = arith.extui %ge3A_101 : i1 to i32
      %cond3A = arith.constant 0 : i32
      %cond3A_102 = arith.cmpi ne, %convert_element_type3A, %cond3A : i32
      scf.if %cond3A_102 {
        %dma_wait3A_292 = arith.constant 5 : i32
        %dma_wait3A_293 = arith.constant 0 : i32
        %dma_wait3A_294 = tpu.memref_slice %arg8[%sub3A_96, %dma_wait3A_292, %dma_wait3A_293] : memref<2x6x112xi32, #tpu.memory_space<vmem>> -> memref<1x1x112xi32, #tpu.memory_space<vmem>>
        %dma_wait3A_295 = tpu.memref_squeeze %dma_wait3A_294 : memref<1x1x112xi32, #tpu.memory_space<vmem>> -> memref<112xi32, #tpu.memory_space<vmem>>
        %dma_wait3A_296 = arith.constant 0 : i32
        %dma_wait3A_297 = arith.constant 0 : i32
        %dma_wait3A_298 = tpu.memref_slice %arg12[%dma_wait3A_296, %dma_wait3A_297] : memref<10240x128xf32, #tpu.memory_space<vmem_shared>> -> memref<10240x128xf32, #tpu.memory_space<vmem_shared>>
        tpu.wait_indirect_dma semaphore(%arg18 : memref<!tpu.dma_semaphore, #tpu.memory_space<semaphore_mem>>) src(%arg11 : memref<112x128xf32, #tpu.memory_space<vmem>>) dst(%dma_wait3A_298 : memref<10240x128xf32, #tpu.memory_space<vmem_shared>>)
      } else {
      }
      %ge3A_103 = arith.constant 1 : i32
      %ge3A_104 = arith.cmpi sge, %scan3A_94, %ge3A_103 : i32
      %add3A_105 = arith.constant 1 : i32
      %add3A_106 = arith.addi %scan3A_94, %add3A_105 : i32
      %lt3A = arith.constant 15 : i32
      %lt3A_107 = arith.cmpi slt, %add3A_106, %lt3A : i32
      %and3A = arith.andi %ge3A_104, %lt3A_107 : i1
      %convert_element_type3A_108 = arith.extui %and3A : i1 to i32
      %cond3A_109 = arith.constant 0 : i32
      %cond3A_110 = arith.cmpi ne, %convert_element_type3A_108, %cond3A_109 : i32
      scf.if %cond3A_110 {
        %add3A_292 = arith.constant 1 : i32
        %add3A_293 = arith.addi %scan3A_94, %add3A_292 : i32
        %dma_start3A_294 = arith.constant 0 : i32
        %dma_start3A_295 = arith.constant 0 : i32
        %dma_start3A_296 = tpu.memref_slice %arg7[%sub3A_96, %dma_start3A_294, %dma_start3A_295] : memref<2x6x112xi32, #tpu.memory_space<vmem>> -> memref<1x6x112xi32, #tpu.memory_space<vmem>>
        %dma_start3A_297 = tpu.memref_squeeze %dma_start3A_296 : memref<1x6x112xi32, #tpu.memory_space<vmem>> -> memref<6x112xi32, #tpu.memory_space<vmem>>
        %dma_start3A_298 = arith.constant 0 : i32
        %dma_start3A_299 = arith.constant 0 : i32
        %dma_start3A_300 = tpu.memref_slice %arg3[%add3A, %add3A_293, %dma_start3A_298, %dma_start3A_299] : memref<32x15x6x112xi32, #tpu.memory_space<hbm>> -> memref<1x1x6x112xi32, #tpu.memory_space<hbm>>
        %dma_start3A_301 = tpu.memref_squeeze %dma_start3A_300 : memref<1x1x6x112xi32, #tpu.memory_space<hbm>> -> memref<6x112xi32, #tpu.memory_space<hbm>>
        %dma_start3A_302 = arith.constant 0 : i32
        %dma_start3A_303 = arith.constant 0 : i32
        %dma_start3A_304 = tpu.memref_slice %arg7[%sub3A_96, %dma_start3A_302, %dma_start3A_303] : memref<2x6x112xi32, #tpu.memory_space<vmem>> -> memref<1x6x112xi32, #tpu.memory_space<vmem>>
        %dma_start3A_305 = tpu.memref_squeeze %dma_start3A_304 : memref<1x6x112xi32, #tpu.memory_space<vmem>> -> memref<6x112xi32, #tpu.memory_space<vmem>>
        %dma_start3A_306 = arith.constant 0 : i32
        %dma_start3A_307 = arith.constant 0 : i32
        %dma_start3A_308 = tpu.memref_slice %arg3[%add3A, %add3A_293, %dma_start3A_306, %dma_start3A_307] : memref<32x15x6x112xi32, #tpu.memory_space<hbm>> -> memref<1x1x6x112xi32, #tpu.memory_space<hbm>>
        %dma_start3A_309 = tpu.memref_squeeze %dma_start3A_308 : memref<1x1x6x112xi32, #tpu.memory_space<hbm>> -> memref<6x112xi32, #tpu.memory_space<hbm>>
        tpu.enqueue_dma source(%dma_start3A_309 : memref<6x112xi32, #tpu.memory_space<hbm>>) target(%dma_start3A_305 : memref<6x112xi32, #tpu.memory_space<vmem>>) target_semaphore(%arg19 : memref<!tpu.dma_semaphore, #tpu.memory_space<semaphore_mem>>)
        %add3A_310 = arith.constant 1 : i32
        %add3A_311 = arith.addi %scan3A_94, %add3A_310 : i32
        %dma_start3A_312 = arith.constant 0 : i32
        %dma_start3A_313 = arith.constant 0 : i32
        %dma_start3A_314 = tpu.memref_slice %arg8[%sub3A_96, %dma_start3A_312, %dma_start3A_313] : memref<2x6x112xi32, #tpu.memory_space<vmem>> -> memref<1x6x112xi32, #tpu.memory_space<vmem>>
        %dma_start3A_315 = tpu.memref_squeeze %dma_start3A_314 : memref<1x6x112xi32, #tpu.memory_space<vmem>> -> memref<6x112xi32, #tpu.memory_space<vmem>>
        %dma_start3A_316 = arith.constant 0 : i32
        %dma_start3A_317 = arith.constant 0 : i32
        %dma_start3A_318 = tpu.memref_slice %arg4[%add3A, %add3A_311, %dma_start3A_316, %dma_start3A_317] : memref<32x15x6x112xi32, #tpu.memory_space<hbm>> -> memref<1x1x6x112xi32, #tpu.memory_space<hbm>>
        %dma_start3A_319 = tpu.memref_squeeze %dma_start3A_318 : memref<1x1x6x112xi32, #tpu.memory_space<hbm>> -> memref<6x112xi32, #tpu.memory_space<hbm>>
        %dma_start3A_320 = arith.constant 0 : i32
        %dma_start3A_321 = arith.constant 0 : i32
        %dma_start3A_322 = tpu.memref_slice %arg8[%sub3A_96, %dma_start3A_320, %dma_start3A_321] : memref<2x6x112xi32, #tpu.memory_space<vmem>> -> memref<1x6x112xi32, #tpu.memory_space<vmem>>
        %dma_start3A_323 = tpu.memref_squeeze %dma_start3A_322 : memref<1x6x112xi32, #tpu.memory_space<vmem>> -> memref<6x112xi32, #tpu.memory_space<vmem>>
        %dma_start3A_324 = arith.constant 0 : i32
        %dma_start3A_325 = arith.constant 0 : i32
        %dma_start3A_326 = tpu.memref_slice %arg4[%add3A, %add3A_311, %dma_start3A_324, %dma_start3A_325] : memref<32x15x6x112xi32, #tpu.memory_space<hbm>> -> memref<1x1x6x112xi32, #tpu.memory_space<hbm>>
        %dma_start3A_327 = tpu.memref_squeeze %dma_start3A_326 : memref<1x1x6x112xi32, #tpu.memory_space<hbm>> -> memref<6x112xi32, #tpu.memory_space<hbm>>
        tpu.enqueue_dma source(%dma_start3A_327 : memref<6x112xi32, #tpu.memory_space<hbm>>) target(%dma_start3A_323 : memref<6x112xi32, #tpu.memory_space<vmem>>) target_semaphore(%arg19 : memref<!tpu.dma_semaphore, #tpu.memory_space<semaphore_mem>>)
      } else {
      }
      %dma_start3A_111 = arith.constant 2 : i32
      %dma_start3A_112 = arith.constant 0 : i32
      %dma_start3A_113 = tpu.memref_slice %arg7[%rem3A_95, %dma_start3A_111, %dma_start3A_112] : memref<2x6x112xi32, #tpu.memory_space<vmem>> -> memref<1x1x112xi32, #tpu.memory_space<vmem>>
      %dma_start3A_114 = tpu.memref_squeeze %dma_start3A_113 : memref<1x1x112xi32, #tpu.memory_space<vmem>> -> memref<112xi32, #tpu.memory_space<vmem>>
      %dma_start3A_115 = arith.constant 0 : i32
      %dma_start3A_116 = arith.constant 0 : i32
      %dma_start3A_117 = tpu.memref_slice %arg2[%dma_start3A_115, %dma_start3A_116] : memref<10240x128xf32, #tpu.memory_space<hbm>> -> memref<10240x128xf32, #tpu.memory_space<hbm>>
      tpu.enqueue_indirect_dma source(%dma_start3A_117 : memref<10240x128xf32, #tpu.memory_space<hbm>>) target(%arg11 : memref<112x128xf32, #tpu.memory_space<vmem>>) offsets(%dma_start3A_114 : memref<112xi32, #tpu.memory_space<vmem>>) semaphore(%arg15 : memref<!tpu.dma_semaphore, #tpu.memory_space<semaphore_mem>>)
      %dma_wait3A_118 = arith.constant 0 : i32
      %dma_wait3A_119 = arith.constant 0 : i32
      %dma_wait3A_120 = tpu.memref_slice %arg7[%rem3A_95, %dma_wait3A_118, %dma_wait3A_119] : memref<2x6x112xi32, #tpu.memory_space<vmem>> -> memref<1x1x112xi32, #tpu.memory_space<vmem>>
      %dma_wait3A_121 = tpu.memref_squeeze %dma_wait3A_120 : memref<1x1x112xi32, #tpu.memory_space<vmem>> -> memref<112xi32, #tpu.memory_space<vmem>>
      %dma_wait3A_122 = arith.constant 0 : i32
      %dma_wait3A_123 = arith.constant 0 : i32
      %dma_wait3A_124 = tpu.memref_slice %arg2[%dma_wait3A_122, %dma_wait3A_123] : memref<10240x128xf32, #tpu.memory_space<hbm>> -> memref<10240x128xf32, #tpu.memory_space<hbm>>
      tpu.wait_indirect_dma semaphore(%arg13 : memref<!tpu.dma_semaphore, #tpu.memory_space<semaphore_mem>>) src(%dma_wait3A_124 : memref<10240x128xf32, #tpu.memory_space<hbm>>) dst(%arg9 : memref<112x128xf32, #tpu.memory_space<vmem>>)
      %dma_start3A_125 = arith.constant 0 : i32
      %dma_start3A_126 = arith.constant 0 : i32
      %dma_start3A_127 = tpu.memref_slice %arg8[%rem3A_95, %dma_start3A_125, %dma_start3A_126] : memref<2x6x112xi32, #tpu.memory_space<vmem>> -> memref<1x1x112xi32, #tpu.memory_space<vmem>>
      %dma_start3A_128 = tpu.memref_squeeze %dma_start3A_127 : memref<1x1x112xi32, #tpu.memory_space<vmem>> -> memref<112xi32, #tpu.memory_space<vmem>>
      %dma_start3A_129 = arith.constant 0 : i32
      %dma_start3A_130 = arith.constant 0 : i32
      %dma_start3A_131 = tpu.memref_slice %arg12[%dma_start3A_129, %dma_start3A_130] : memref<10240x128xf32, #tpu.memory_space<vmem_shared>> -> memref<10240x128xf32, #tpu.memory_space<vmem_shared>>
      tpu.enqueue_indirect_dma source(%arg9 : memref<112x128xf32, #tpu.memory_space<vmem>>) target(%dma_start3A_131 : memref<10240x128xf32, #tpu.memory_space<vmem_shared>>) offsets(%dma_start3A_128 : memref<112xi32, #tpu.memory_space<vmem>>) semaphore(%arg16 : memref<!tpu.dma_semaphore, #tpu.memory_space<semaphore_mem>>) {add = true}
      %mul3A_132 = arith.constant 6 : i32
      %mul3A_133 = arith.muli %scan3A_94, %mul3A_132 : i32
      %add3A_134 = arith.constant 1 : i32
      %add3A_135 = arith.addi %mul3A_133, %add3A_134 : i32
      %dma_wait3A_136 = arith.constant 0 : i32
      %dma_wait3A_137 = arith.constant 0 : i32
      %dma_wait3A_138 = tpu.memref_slice %arg8[%rem3A_95, %dma_wait3A_136, %dma_wait3A_137] : memref<2x6x112xi32, #tpu.memory_space<vmem>> -> memref<1x1x112xi32, #tpu.memory_space<vmem>>
      %dma_wait3A_139 = tpu.memref_squeeze %dma_wait3A_138 : memref<1x1x112xi32, #tpu.memory_space<vmem>> -> memref<112xi32, #tpu.memory_space<vmem>>
      %dma_wait3A_140 = arith.constant 0 : i32
      %dma_wait3A_141 = arith.constant 0 : i32
      %dma_wait3A_142 = tpu.memref_slice %arg12[%dma_wait3A_140, %dma_wait3A_141] : memref<10240x128xf32, #tpu.memory_space<vmem_shared>> -> memref<10240x128xf32, #tpu.memory_space<vmem_shared>>
      tpu.wait_indirect_dma semaphore(%arg16 : memref<!tpu.dma_semaphore, #tpu.memory_space<semaphore_mem>>) src(%arg9 : memref<112x128xf32, #tpu.memory_space<vmem>>) dst(%dma_wait3A_142 : memref<10240x128xf32, #tpu.memory_space<vmem_shared>>)
      %dma_start3A_143 = arith.constant 3 : i32
      %dma_start3A_144 = arith.constant 0 : i32
      %dma_start3A_145 = tpu.memref_slice %arg7[%rem3A_95, %dma_start3A_143, %dma_start3A_144] : memref<2x6x112xi32, #tpu.memory_space<vmem>> -> memref<1x1x112xi32, #tpu.memory_space<vmem>>
      %dma_start3A_146 = tpu.memref_squeeze %dma_start3A_145 : memref<1x1x112xi32, #tpu.memory_space<vmem>> -> memref<112xi32, #tpu.memory_space<vmem>>
      %dma_start3A_147 = arith.constant 0 : i32
      %dma_start3A_148 = arith.constant 0 : i32
      %dma_start3A_149 = tpu.memref_slice %arg2[%dma_start3A_147, %dma_start3A_148] : memref<10240x128xf32, #tpu.memory_space<hbm>> -> memref<10240x128xf32, #tpu.memory_space<hbm>>
      tpu.enqueue_indirect_dma source(%dma_start3A_149 : memref<10240x128xf32, #tpu.memory_space<hbm>>) target(%arg9 : memref<112x128xf32, #tpu.memory_space<vmem>>) offsets(%dma_start3A_146 : memref<112xi32, #tpu.memory_space<vmem>>) semaphore(%arg13 : memref<!tpu.dma_semaphore, #tpu.memory_space<semaphore_mem>>)
      %dma_wait3A_150 = arith.constant 1 : i32
      %dma_wait3A_151 = arith.constant 0 : i32
      %dma_wait3A_152 = tpu.memref_slice %arg7[%rem3A_95, %dma_wait3A_150, %dma_wait3A_151] : memref<2x6x112xi32, #tpu.memory_space<vmem>> -> memref<1x1x112xi32, #tpu.memory_space<vmem>>
      %dma_wait3A_153 = tpu.memref_squeeze %dma_wait3A_152 : memref<1x1x112xi32, #tpu.memory_space<vmem>> -> memref<112xi32, #tpu.memory_space<vmem>>
      %dma_wait3A_154 = arith.constant 0 : i32
      %dma_wait3A_155 = arith.constant 0 : i32
      %dma_wait3A_156 = tpu.memref_slice %arg2[%dma_wait3A_154, %dma_wait3A_155] : memref<10240x128xf32, #tpu.memory_space<hbm>> -> memref<10240x128xf32, #tpu.memory_space<hbm>>
      tpu.wait_indirect_dma semaphore(%arg14 : memref<!tpu.dma_semaphore, #tpu.memory_space<semaphore_mem>>) src(%dma_wait3A_156 : memref<10240x128xf32, #tpu.memory_space<hbm>>) dst(%arg10 : memref<112x128xf32, #tpu.memory_space<vmem>>)
      %dma_start3A_157 = arith.constant 1 : i32
      %dma_start3A_158 = arith.constant 0 : i32
      %dma_start3A_159 = tpu.memref_slice %arg8[%rem3A_95, %dma_start3A_157, %dma_start3A_158] : memref<2x6x112xi32, #tpu.memory_space<vmem>> -> memref<1x1x112xi32, #tpu.memory_space<vmem>>
      %dma_start3A_160 = tpu.memref_squeeze %dma_start3A_159 : memref<1x1x112xi32, #tpu.memory_space<vmem>> -> memref<112xi32, #tpu.memory_space<vmem>>
      %dma_start3A_161 = arith.constant 0 : i32
      %dma_start3A_162 = arith.constant 0 : i32
      %dma_start3A_163 = tpu.memref_slice %arg12[%dma_start3A_161, %dma_start3A_162] : memref<10240x128xf32, #tpu.memory_space<vmem_shared>> -> memref<10240x128xf32, #tpu.memory_space<vmem_shared>>
      tpu.enqueue_indirect_dma source(%arg10 : memref<112x128xf32, #tpu.memory_space<vmem>>) target(%dma_start3A_163 : memref<10240x128xf32, #tpu.memory_space<vmem_shared>>) offsets(%dma_start3A_160 : memref<112xi32, #tpu.memory_space<vmem>>) semaphore(%arg17 : memref<!tpu.dma_semaphore, #tpu.memory_space<semaphore_mem>>) {add = true}
      %mul3A_164 = arith.constant 6 : i32
      %mul3A_165 = arith.muli %scan3A_94, %mul3A_164 : i32
      %add3A_166 = arith.constant 2 : i32
      %add3A_167 = arith.addi %mul3A_165, %add3A_166 : i32
      %dma_wait3A_168 = arith.constant 1 : i32
      %dma_wait3A_169 = arith.constant 0 : i32
      %dma_wait3A_170 = tpu.memref_slice %arg8[%rem3A_95, %dma_wait3A_168, %dma_wait3A_169] : memref<2x6x112xi32, #tpu.memory_space<vmem>> -> memref<1x1x112xi32, #tpu.memory_space<vmem>>
      %dma_wait3A_171 = tpu.memref_squeeze %dma_wait3A_170 : memref<1x1x112xi32, #tpu.memory_space<vmem>> -> memref<112xi32, #tpu.memory_space<vmem>>
      %dma_wait3A_172 = arith.constant 0 : i32
      %dma_wait3A_173 = arith.constant 0 : i32
      %dma_wait3A_174 = tpu.memref_slice %arg12[%dma_wait3A_172, %dma_wait3A_173] : memref<10240x128xf32, #tpu.memory_space<vmem_shared>> -> memref<10240x128xf32, #tpu.memory_space<vmem_shared>>
      tpu.wait_indirect_dma semaphore(%arg17 : memref<!tpu.dma_semaphore, #tpu.memory_space<semaphore_mem>>) src(%arg10 : memref<112x128xf32, #tpu.memory_space<vmem>>) dst(%dma_wait3A_174 : memref<10240x128xf32, #tpu.memory_space<vmem_shared>>)
      %dma_start3A_175 = arith.constant 4 : i32
      %dma_start3A_176 = arith.constant 0 : i32
      %dma_start3A_177 = tpu.memref_slice %arg7[%rem3A_95, %dma_start3A_175, %dma_start3A_176] : memref<2x6x112xi32, #tpu.memory_space<vmem>> -> memref<1x1x112xi32, #tpu.memory_space<vmem>>
      %dma_start3A_178 = tpu.memref_squeeze %dma_start3A_177 : memref<1x1x112xi32, #tpu.memory_space<vmem>> -> memref<112xi32, #tpu.memory_space<vmem>>
      %dma_start3A_179 = arith.constant 0 : i32
      %dma_start3A_180 = arith.constant 0 : i32
      %dma_start3A_181 = tpu.memref_slice %arg2[%dma_start3A_179, %dma_start3A_180] : memref<10240x128xf32, #tpu.memory_space<hbm>> -> memref<10240x128xf32, #tpu.memory_space<hbm>>
      tpu.enqueue_indirect_dma source(%dma_start3A_181 : memref<10240x128xf32, #tpu.memory_space<hbm>>) target(%arg10 : memref<112x128xf32, #tpu.memory_space<vmem>>) offsets(%dma_start3A_178 : memref<112xi32, #tpu.memory_space<vmem>>) semaphore(%arg14 : memref<!tpu.dma_semaphore, #tpu.memory_space<semaphore_mem>>)
      %dma_wait3A_182 = arith.constant 2 : i32
      %dma_wait3A_183 = arith.constant 0 : i32
      %dma_wait3A_184 = tpu.memref_slice %arg7[%rem3A_95, %dma_wait3A_182, %dma_wait3A_183] : memref<2x6x112xi32, #tpu.memory_space<vmem>> -> memref<1x1x112xi32, #tpu.memory_space<vmem>>
      %dma_wait3A_185 = tpu.memref_squeeze %dma_wait3A_184 : memref<1x1x112xi32, #tpu.memory_space<vmem>> -> memref<112xi32, #tpu.memory_space<vmem>>
      %dma_wait3A_186 = arith.constant 0 : i32
      %dma_wait3A_187 = arith.constant 0 : i32
      %dma_wait3A_188 = tpu.memref_slice %arg2[%dma_wait3A_186, %dma_wait3A_187] : memref<10240x128xf32, #tpu.memory_space<hbm>> -> memref<10240x128xf32, #tpu.memory_space<hbm>>
      tpu.wait_indirect_dma semaphore(%arg15 : memref<!tpu.dma_semaphore, #tpu.memory_space<semaphore_mem>>) src(%dma_wait3A_188 : memref<10240x128xf32, #tpu.memory_space<hbm>>) dst(%arg11 : memref<112x128xf32, #tpu.memory_space<vmem>>)
      %dma_start3A_189 = arith.constant 2 : i32
      %dma_start3A_190 = arith.constant 0 : i32
      %dma_start3A_191 = tpu.memref_slice %arg8[%rem3A_95, %dma_start3A_189, %dma_start3A_190] : memref<2x6x112xi32, #tpu.memory_space<vmem>> -> memref<1x1x112xi32, #tpu.memory_space<vmem>>
      %dma_start3A_192 = tpu.memref_squeeze %dma_start3A_191 : memref<1x1x112xi32, #tpu.memory_space<vmem>> -> memref<112xi32, #tpu.memory_space<vmem>>
      %dma_start3A_193 = arith.constant 0 : i32
      %dma_start3A_194 = arith.constant 0 : i32
      %dma_start3A_195 = tpu.memref_slice %arg12[%dma_start3A_193, %dma_start3A_194] : memref<10240x128xf32, #tpu.memory_space<vmem_shared>> -> memref<10240x128xf32, #tpu.memory_space<vmem_shared>>
      tpu.enqueue_indirect_dma source(%arg11 : memref<112x128xf32, #tpu.memory_space<vmem>>) target(%dma_start3A_195 : memref<10240x128xf32, #tpu.memory_space<vmem_shared>>) offsets(%dma_start3A_192 : memref<112xi32, #tpu.memory_space<vmem>>) semaphore(%arg18 : memref<!tpu.dma_semaphore, #tpu.memory_space<semaphore_mem>>) {add = true}
      %mul3A_196 = arith.constant 6 : i32
      %mul3A_197 = arith.muli %scan3A_94, %mul3A_196 : i32
      %add3A_198 = arith.constant 3 : i32
      %add3A_199 = arith.addi %mul3A_197, %add3A_198 : i32
      %dma_wait3A_200 = arith.constant 2 : i32
      %dma_wait3A_201 = arith.constant 0 : i32
      %dma_wait3A_202 = tpu.memref_slice %arg8[%rem3A_95, %dma_wait3A_200, %dma_wait3A_201] : memref<2x6x112xi32, #tpu.memory_space<vmem>> -> memref<1x1x112xi32, #tpu.memory_space<vmem>>
      %dma_wait3A_203 = tpu.memref_squeeze %dma_wait3A_202 : memref<1x1x112xi32, #tpu.memory_space<vmem>> -> memref<112xi32, #tpu.memory_space<vmem>>
      %dma_wait3A_204 = arith.constant 0 : i32
      %dma_wait3A_205 = arith.constant 0 : i32
      %dma_wait3A_206 = tpu.memref_slice %arg12[%dma_wait3A_204, %dma_wait3A_205] : memref<10240x128xf32, #tpu.memory_space<vmem_shared>> -> memref<10240x128xf32, #tpu.memory_space<vmem_shared>>
      tpu.wait_indirect_dma semaphore(%arg18 : memref<!tpu.dma_semaphore, #tpu.memory_space<semaphore_mem>>) src(%arg11 : memref<112x128xf32, #tpu.memory_space<vmem>>) dst(%dma_wait3A_206 : memref<10240x128xf32, #tpu.memory_space<vmem_shared>>)
      %dma_start3A_207 = arith.constant 5 : i32
      %dma_start3A_208 = arith.constant 0 : i32
      %dma_start3A_209 = tpu.memref_slice %arg7[%rem3A_95, %dma_start3A_207, %dma_start3A_208] : memref<2x6x112xi32, #tpu.memory_space<vmem>> -> memref<1x1x112xi32, #tpu.memory_space<vmem>>
      %dma_start3A_210 = tpu.memref_squeeze %dma_start3A_209 : memref<1x1x112xi32, #tpu.memory_space<vmem>> -> memref<112xi32, #tpu.memory_space<vmem>>
      %dma_start3A_211 = arith.constant 0 : i32
      %dma_start3A_212 = arith.constant 0 : i32
      %dma_start3A_213 = tpu.memref_slice %arg2[%dma_start3A_211, %dma_start3A_212] : memref<10240x128xf32, #tpu.memory_space<hbm>> -> memref<10240x128xf32, #tpu.memory_space<hbm>>
      tpu.enqueue_indirect_dma source(%dma_start3A_213 : memref<10240x128xf32, #tpu.memory_space<hbm>>) target(%arg11 : memref<112x128xf32, #tpu.memory_space<vmem>>) offsets(%dma_start3A_210 : memref<112xi32, #tpu.memory_space<vmem>>) semaphore(%arg15 : memref<!tpu.dma_semaphore, #tpu.memory_space<semaphore_mem>>)
      %dma_wait3A_214 = arith.constant 3 : i32
      %dma_wait3A_215 = arith.constant 0 : i32
      %dma_wait3A_216 = tpu.memref_slice %arg7[%rem3A_95, %dma_wait3A_214, %dma_wait3A_215] : memref<2x6x112xi32, #tpu.memory_space<vmem>> -> memref<1x1x112xi32, #tpu.memory_space<vmem>>
      %dma_wait3A_217 = tpu.memref_squeeze %dma_wait3A_216 : memref<1x1x112xi32, #tpu.memory_space<vmem>> -> memref<112xi32, #tpu.memory_space<vmem>>
      %dma_wait3A_218 = arith.constant 0 : i32
      %dma_wait3A_219 = arith.constant 0 : i32
      %dma_wait3A_220 = tpu.memref_slice %arg2[%dma_wait3A_218, %dma_wait3A_219] : memref<10240x128xf32, #tpu.memory_space<hbm>> -> memref<10240x128xf32, #tpu.memory_space<hbm>>
      tpu.wait_indirect_dma semaphore(%arg13 : memref<!tpu.dma_semaphore, #tpu.memory_space<semaphore_mem>>) src(%dma_wait3A_220 : memref<10240x128xf32, #tpu.memory_space<hbm>>) dst(%arg9 : memref<112x128xf32, #tpu.memory_space<vmem>>)
      %dma_start3A_221 = arith.constant 3 : i32
      %dma_start3A_222 = arith.constant 0 : i32
      %dma_start3A_223 = tpu.memref_slice %arg8[%rem3A_95, %dma_start3A_221, %dma_start3A_222] : memref<2x6x112xi32, #tpu.memory_space<vmem>> -> memref<1x1x112xi32, #tpu.memory_space<vmem>>
      %dma_start3A_224 = tpu.memref_squeeze %dma_start3A_223 : memref<1x1x112xi32, #tpu.memory_space<vmem>> -> memref<112xi32, #tpu.memory_space<vmem>>
      %dma_start3A_225 = arith.constant 0 : i32
      %dma_start3A_226 = arith.constant 0 : i32
      %dma_start3A_227 = tpu.memref_slice %arg12[%dma_start3A_225, %dma_start3A_226] : memref<10240x128xf32, #tpu.memory_space<vmem_shared>> -> memref<10240x128xf32, #tpu.memory_space<vmem_shared>>
      tpu.enqueue_indirect_dma source(%arg9 : memref<112x128xf32, #tpu.memory_space<vmem>>) target(%dma_start3A_227 : memref<10240x128xf32, #tpu.memory_space<vmem_shared>>) offsets(%dma_start3A_224 : memref<112xi32, #tpu.memory_space<vmem>>) semaphore(%arg16 : memref<!tpu.dma_semaphore, #tpu.memory_space<semaphore_mem>>) {add = true}
      %mul3A_228 = arith.constant 6 : i32
      %mul3A_229 = arith.muli %scan3A_94, %mul3A_228 : i32
      %add3A_230 = arith.constant 4 : i32
      %add3A_231 = arith.addi %mul3A_229, %add3A_230 : i32
      %dma_wait3A_232 = arith.constant 3 : i32
      %dma_wait3A_233 = arith.constant 0 : i32
      %dma_wait3A_234 = tpu.memref_slice %arg8[%rem3A_95, %dma_wait3A_232, %dma_wait3A_233] : memref<2x6x112xi32, #tpu.memory_space<vmem>> -> memref<1x1x112xi32, #tpu.memory_space<vmem>>
      %dma_wait3A_235 = tpu.memref_squeeze %dma_wait3A_234 : memref<1x1x112xi32, #tpu.memory_space<vmem>> -> memref<112xi32, #tpu.memory_space<vmem>>
      %dma_wait3A_236 = arith.constant 0 : i32
      %dma_wait3A_237 = arith.constant 0 : i32
      %dma_wait3A_238 = tpu.memref_slice %arg12[%dma_wait3A_236, %dma_wait3A_237] : memref<10240x128xf32, #tpu.memory_space<vmem_shared>> -> memref<10240x128xf32, #tpu.memory_space<vmem_shared>>
      tpu.wait_indirect_dma semaphore(%arg16 : memref<!tpu.dma_semaphore, #tpu.memory_space<semaphore_mem>>) src(%arg9 : memref<112x128xf32, #tpu.memory_space<vmem>>) dst(%dma_wait3A_238 : memref<10240x128xf32, #tpu.memory_space<vmem_shared>>)
      %add3A_239 = arith.constant 1 : i32
      %add3A_240 = arith.addi %scan3A_94, %add3A_239 : i32
      %lt3A_241 = arith.constant 15 : i32
      %lt3A_242 = arith.cmpi slt, %add3A_240, %lt3A_241 : i32
      %convert_element_type3A_243 = arith.extui %lt3A_242 : i1 to i32
      %cond3A_244 = arith.constant 0 : i32
      %cond3A_245 = arith.cmpi ne, %convert_element_type3A_243, %cond3A_244 : i32
      scf.if %cond3A_245 {
        %add3A_292 = arith.constant 1 : i32
        %add3A_293 = arith.addi %scan3A_94, %add3A_292 : i32
        %dma_wait3A_294 = arith.constant 0 : i32
        %dma_wait3A_295 = arith.constant 0 : i32
        %dma_wait3A_296 = tpu.memref_slice %arg7[%sub3A_96, %dma_wait3A_294, %dma_wait3A_295] : memref<2x6x112xi32, #tpu.memory_space<vmem>> -> memref<1x6x112xi32, #tpu.memory_space<vmem>>
        %dma_wait3A_297 = tpu.memref_squeeze %dma_wait3A_296 : memref<1x6x112xi32, #tpu.memory_space<vmem>> -> memref<6x112xi32, #tpu.memory_space<vmem>>
        %dma_wait3A_298 = arith.constant 0 : i32
        %dma_wait3A_299 = arith.constant 0 : i32
        %dma_wait3A_300 = tpu.memref_slice %arg3[%add3A, %add3A_293, %dma_wait3A_298, %dma_wait3A_299] : memref<32x15x6x112xi32, #tpu.memory_space<hbm>> -> memref<1x1x6x112xi32, #tpu.memory_space<hbm>>
        %dma_wait3A_301 = tpu.memref_squeeze %dma_wait3A_300 : memref<1x1x6x112xi32, #tpu.memory_space<hbm>> -> memref<6x112xi32, #tpu.memory_space<hbm>>
        %dma_wait3A_302 = arith.constant 0 : i32
        %dma_wait3A_303 = arith.constant 0 : i32
        %dma_wait3A_304 = tpu.memref_slice %arg7[%sub3A_96, %dma_wait3A_302, %dma_wait3A_303] : memref<2x6x112xi32, #tpu.memory_space<vmem>> -> memref<1x6x112xi32, #tpu.memory_space<vmem>>
        %dma_wait3A_305 = tpu.memref_squeeze %dma_wait3A_304 : memref<1x6x112xi32, #tpu.memory_space<vmem>> -> memref<6x112xi32, #tpu.memory_space<vmem>>
        %dma_wait3A_306 = arith.constant 0 : i32
        %dma_wait3A_307 = arith.constant 0 : i32
        %dma_wait3A_308 = tpu.memref_slice %arg3[%add3A, %add3A_293, %dma_wait3A_306, %dma_wait3A_307] : memref<32x15x6x112xi32, #tpu.memory_space<hbm>> -> memref<1x1x6x112xi32, #tpu.memory_space<hbm>>
        %dma_wait3A_309 = tpu.memref_squeeze %dma_wait3A_308 : memref<1x1x6x112xi32, #tpu.memory_space<hbm>> -> memref<6x112xi32, #tpu.memory_space<hbm>>
        tpu.wait_dma2 semaphore(%arg19 : memref<!tpu.dma_semaphore, #tpu.memory_space<semaphore_mem>>) src(%dma_wait3A_309 : memref<6x112xi32, #tpu.memory_space<hbm>>) dst(%dma_wait3A_305 : memref<6x112xi32, #tpu.memory_space<vmem>>)
        %add3A_310 = arith.constant 1 : i32
        %add3A_311 = arith.addi %scan3A_94, %add3A_310 : i32
        %dma_wait3A_312 = arith.constant 0 : i32
        %dma_wait3A_313 = arith.constant 0 : i32
        %dma_wait3A_314 = tpu.memref_slice %arg8[%sub3A_96, %dma_wait3A_312, %dma_wait3A_313] : memref<2x6x112xi32, #tpu.memory_space<vmem>> -> memref<1x6x112xi32, #tpu.memory_space<vmem>>
        %dma_wait3A_315 = tpu.memref_squeeze %dma_wait3A_314 : memref<1x6x112xi32, #tpu.memory_space<vmem>> -> memref<6x112xi32, #tpu.memory_space<vmem>>
        %dma_wait3A_316 = arith.constant 0 : i32
        %dma_wait3A_317 = arith.constant 0 : i32
        %dma_wait3A_318 = tpu.memref_slice %arg4[%add3A, %add3A_311, %dma_wait3A_316, %dma_wait3A_317] : memref<32x15x6x112xi32, #tpu.memory_space<hbm>> -> memref<1x1x6x112xi32, #tpu.memory_space<hbm>>
        %dma_wait3A_319 = tpu.memref_squeeze %dma_wait3A_318 : memref<1x1x6x112xi32, #tpu.memory_space<hbm>> -> memref<6x112xi32, #tpu.memory_space<hbm>>
        %dma_wait3A_320 = arith.constant 0 : i32
        %dma_wait3A_321 = arith.constant 0 : i32
        %dma_wait3A_322 = tpu.memref_slice %arg8[%sub3A_96, %dma_wait3A_320, %dma_wait3A_321] : memref<2x6x112xi32, #tpu.memory_space<vmem>> -> memref<1x6x112xi32, #tpu.memory_space<vmem>>
        %dma_wait3A_323 = tpu.memref_squeeze %dma_wait3A_322 : memref<1x6x112xi32, #tpu.memory_space<vmem>> -> memref<6x112xi32, #tpu.memory_space<vmem>>
        %dma_wait3A_324 = arith.constant 0 : i32
        %dma_wait3A_325 = arith.constant 0 : i32
        %dma_wait3A_326 = tpu.memref_slice %arg4[%add3A, %add3A_311, %dma_wait3A_324, %dma_wait3A_325] : memref<32x15x6x112xi32, #tpu.memory_space<hbm>> -> memref<1x1x6x112xi32, #tpu.memory_space<hbm>>
        %dma_wait3A_327 = tpu.memref_squeeze %dma_wait3A_326 : memref<1x1x6x112xi32, #tpu.memory_space<hbm>> -> memref<6x112xi32, #tpu.memory_space<hbm>>
        tpu.wait_dma2 semaphore(%arg19 : memref<!tpu.dma_semaphore, #tpu.memory_space<semaphore_mem>>) src(%dma_wait3A_327 : memref<6x112xi32, #tpu.memory_space<hbm>>) dst(%dma_wait3A_323 : memref<6x112xi32, #tpu.memory_space<vmem>>)
        %dma_start3A_328 = arith.constant 0 : i32
        %dma_start3A_329 = arith.constant 0 : i32
        %dma_start3A_330 = tpu.memref_slice %arg7[%sub3A_96, %dma_start3A_328, %dma_start3A_329] : memref<2x6x112xi32, #tpu.memory_space<vmem>> -> memref<1x1x112xi32, #tpu.memory_space<vmem>>
        %dma_start3A_331 = tpu.memref_squeeze %dma_start3A_330 : memref<1x1x112xi32, #tpu.memory_space<vmem>> -> memref<112xi32, #tpu.memory_space<vmem>>
        %dma_start3A_332 = arith.constant 0 : i32
        %dma_start3A_333 = arith.constant 0 : i32
        %dma_start3A_334 = tpu.memref_slice %arg2[%dma_start3A_332, %dma_start3A_333] : memref<10240x128xf32, #tpu.memory_space<hbm>> -> memref<10240x128xf32, #tpu.memory_space<hbm>>
        tpu.enqueue_indirect_dma source(%dma_start3A_334 : memref<10240x128xf32, #tpu.memory_space<hbm>>) target(%arg9 : memref<112x128xf32, #tpu.memory_space<vmem>>) offsets(%dma_start3A_331 : memref<112xi32, #tpu.memory_space<vmem>>) semaphore(%arg13 : memref<!tpu.dma_semaphore, #tpu.memory_space<semaphore_mem>>)
      } else {
      }
      %dma_wait3A_246 = arith.constant 4 : i32
      %dma_wait3A_247 = arith.constant 0 : i32
      %dma_wait3A_248 = tpu.memref_slice %arg7[%rem3A_95, %dma_wait3A_246, %dma_wait3A_247] : memref<2x6x112xi32, #tpu.memory_space<vmem>> -> memref<1x1x112xi32, #tpu.memory_space<vmem>>
      %dma_wait3A_249 = tpu.memref_squeeze %dma_wait3A_248 : memref<1x1x112xi32, #tpu.memory_space<vmem>> -> memref<112xi32, #tpu.memory_space<vmem>>
      %dma_wait3A_250 = arith.constant 0 : i32
      %dma_wait3A_251 = arith.constant 0 : i32
      %dma_wait3A_252 = tpu.memref_slice %arg2[%dma_wait3A_250, %dma_wait3A_251] : memref<10240x128xf32, #tpu.memory_space<hbm>> -> memref<10240x128xf32, #tpu.memory_space<hbm>>
      tpu.wait_indirect_dma semaphore(%arg14 : memref<!tpu.dma_semaphore, #tpu.memory_space<semaphore_mem>>) src(%dma_wait3A_252 : memref<10240x128xf32, #tpu.memory_space<hbm>>) dst(%arg10 : memref<112x128xf32, #tpu.memory_space<vmem>>)
      %dma_start3A_253 = arith.constant 4 : i32
      %dma_start3A_254 = arith.constant 0 : i32
      %dma_start3A_255 = tpu.memref_slice %arg8[%rem3A_95, %dma_start3A_253, %dma_start3A_254] : memref<2x6x112xi32, #tpu.memory_space<vmem>> -> memref<1x1x112xi32, #tpu.memory_space<vmem>>
      %dma_start3A_256 = tpu.memref_squeeze %dma_start3A_255 : memref<1x1x112xi32, #tpu.memory_space<vmem>> -> memref<112xi32, #tpu.memory_space<vmem>>
      %dma_start3A_257 = arith.constant 0 : i32
      %dma_start3A_258 = arith.constant 0 : i32
      %dma_start3A_259 = tpu.memref_slice %arg12[%dma_start3A_257, %dma_start3A_258] : memref<10240x128xf32, #tpu.memory_space<vmem_shared>> -> memref<10240x128xf32, #tpu.memory_space<vmem_shared>>
      tpu.enqueue_indirect_dma source(%arg10 : memref<112x128xf32, #tpu.memory_space<vmem>>) target(%dma_start3A_259 : memref<10240x128xf32, #tpu.memory_space<vmem_shared>>) offsets(%dma_start3A_256 : memref<112xi32, #tpu.memory_space<vmem>>) semaphore(%arg17 : memref<!tpu.dma_semaphore, #tpu.memory_space<semaphore_mem>>) {add = true}
      %mul3A_260 = arith.constant 6 : i32
      %mul3A_261 = arith.muli %scan3A_94, %mul3A_260 : i32
      %add3A_262 = arith.constant 5 : i32
      %add3A_263 = arith.addi %mul3A_261, %add3A_262 : i32
      %dma_wait3A_264 = arith.constant 4 : i32
      %dma_wait3A_265 = arith.constant 0 : i32
      %dma_wait3A_266 = tpu.memref_slice %arg8[%rem3A_95, %dma_wait3A_264, %dma_wait3A_265] : memref<2x6x112xi32, #tpu.memory_space<vmem>> -> memref<1x1x112xi32, #tpu.memory_space<vmem>>
      %dma_wait3A_267 = tpu.memref_squeeze %dma_wait3A_266 : memref<1x1x112xi32, #tpu.memory_space<vmem>> -> memref<112xi32, #tpu.memory_space<vmem>>
      %dma_wait3A_268 = arith.constant 0 : i32
      %dma_wait3A_269 = arith.constant 0 : i32
      %dma_wait3A_270 = tpu.memref_slice %arg12[%dma_wait3A_268, %dma_wait3A_269] : memref<10240x128xf32, #tpu.memory_space<vmem_shared>> -> memref<10240x128xf32, #tpu.memory_space<vmem_shared>>
      tpu.wait_indirect_dma semaphore(%arg17 : memref<!tpu.dma_semaphore, #tpu.memory_space<semaphore_mem>>) src(%arg10 : memref<112x128xf32, #tpu.memory_space<vmem>>) dst(%dma_wait3A_270 : memref<10240x128xf32, #tpu.memory_space<vmem_shared>>)
      %add3A_271 = arith.constant 1 : i32
      %add3A_272 = arith.addi %scan3A_94, %add3A_271 : i32
      %lt3A_273 = arith.constant 15 : i32
      %lt3A_274 = arith.cmpi slt, %add3A_272, %lt3A_273 : i32
      %convert_element_type3A_275 = arith.extui %lt3A_274 : i1 to i32
      %cond3A_276 = arith.constant 0 : i32
      %cond3A_277 = arith.cmpi ne, %convert_element_type3A_275, %cond3A_276 : i32
      scf.if %cond3A_277 {
        %dma_start3A_292 = arith.constant 1 : i32
        %dma_start3A_293 = arith.constant 0 : i32
        %dma_start3A_294 = tpu.memref_slice %arg7[%sub3A_96, %dma_start3A_292, %dma_start3A_293] : memref<2x6x112xi32, #tpu.memory_space<vmem>> -> memref<1x1x112xi32, #tpu.memory_space<vmem>>
        %dma_start3A_295 = tpu.memref_squeeze %dma_start3A_294 : memref<1x1x112xi32, #tpu.memory_space<vmem>> -> memref<112xi32, #tpu.memory_space<vmem>>
        %dma_start3A_296 = arith.constant 0 : i32
        %dma_start3A_297 = arith.constant 0 : i32
        %dma_start3A_298 = tpu.memref_slice %arg2[%dma_start3A_296, %dma_start3A_297] : memref<10240x128xf32, #tpu.memory_space<hbm>> -> memref<10240x128xf32, #tpu.memory_space<hbm>>
        tpu.enqueue_indirect_dma source(%dma_start3A_298 : memref<10240x128xf32, #tpu.memory_space<hbm>>) target(%arg10 : memref<112x128xf32, #tpu.memory_space<vmem>>) offsets(%dma_start3A_295 : memref<112xi32, #tpu.memory_space<vmem>>) semaphore(%arg14 : memref<!tpu.dma_semaphore, #tpu.memory_space<semaphore_mem>>)
      } else {
      }
      %dma_wait3A_278 = arith.constant 5 : i32
      %dma_wait3A_279 = arith.constant 0 : i32
      %dma_wait3A_280 = tpu.memref_slice %arg7[%rem3A_95, %dma_wait3A_278, %dma_wait3A_279] : memref<2x6x112xi32, #tpu.memory_space<vmem>> -> memref<1x1x112xi32, #tpu.memory_space<vmem>>
      %dma_wait3A_281 = tpu.memref_squeeze %dma_wait3A_280 : memref<1x1x112xi32, #tpu.memory_space<vmem>> -> memref<112xi32, #tpu.memory_space<vmem>>
      %dma_wait3A_282 = arith.constant 0 : i32
      %dma_wait3A_283 = arith.constant 0 : i32
      %dma_wait3A_284 = tpu.memref_slice %arg2[%dma_wait3A_282, %dma_wait3A_283] : memref<10240x128xf32, #tpu.memory_space<hbm>> -> memref<10240x128xf32, #tpu.memory_space<hbm>>
      tpu.wait_indirect_dma semaphore(%arg15 : memref<!tpu.dma_semaphore, #tpu.memory_space<semaphore_mem>>) src(%dma_wait3A_284 : memref<10240x128xf32, #tpu.memory_space<hbm>>) dst(%arg11 : memref<112x128xf32, #tpu.memory_space<vmem>>)
      %dma_start3A_285 = arith.constant 5 : i32
      %dma_start3A_286 = arith.constant 0 : i32
      %dma_start3A_287 = tpu.memref_slice %arg8[%rem3A_95, %dma_start3A_285, %dma_start3A_286] : memref<2x6x112xi32, #tpu.memory_space<vmem>> -> memref<1x1x112xi32, #tpu.memory_space<vmem>>
      %dma_start3A_288 = tpu.memref_squeeze %dma_start3A_287 : memref<1x1x112xi32, #tpu.memory_space<vmem>> -> memref<112xi32, #tpu.memory_space<vmem>>
      %dma_start3A_289 = arith.constant 0 : i32
      %dma_start3A_290 = arith.constant 0 : i32
      %dma_start3A_291 = tpu.memref_slice %arg12[%dma_start3A_289, %dma_start3A_290] : memref<10240x128xf32, #tpu.memory_space<vmem_shared>> -> memref<10240x128xf32, #tpu.memory_space<vmem_shared>>
      tpu.enqueue_indirect_dma source(%arg11 : memref<112x128xf32, #tpu.memory_space<vmem>>) target(%dma_start3A_291 : memref<10240x128xf32, #tpu.memory_space<vmem_shared>>) offsets(%dma_start3A_288 : memref<112xi32, #tpu.memory_space<vmem>>) semaphore(%arg18 : memref<!tpu.dma_semaphore, #tpu.memory_space<semaphore_mem>>) {add = true}
    }
    %scan3A_73 = arith.constant 15 : i32
    %dma_wait3A = arith.constant 0 : i32
    %dma_wait3A_74 = arith.constant 5 : i32
    %dma_wait3A_75 = arith.constant 0 : i32
    %dma_wait3A_76 = tpu.memref_slice %arg8[%dma_wait3A, %dma_wait3A_74, %dma_wait3A_75] : memref<2x6x112xi32, #tpu.memory_space<vmem>> -> memref<1x1x112xi32, #tpu.memory_space<vmem>>
    %dma_wait3A_77 = tpu.memref_squeeze %dma_wait3A_76 : memref<1x1x112xi32, #tpu.memory_space<vmem>> -> memref<112xi32, #tpu.memory_space<vmem>>
    %dma_wait3A_78 = arith.constant 0 : i32
    %dma_wait3A_79 = arith.constant 0 : i32
    %dma_wait3A_80 = tpu.memref_slice %arg12[%dma_wait3A_78, %dma_wait3A_79] : memref<10240x128xf32, #tpu.memory_space<vmem_shared>> -> memref<10240x128xf32, #tpu.memory_space<vmem_shared>>
    tpu.wait_indirect_dma semaphore(%arg18 : memref<!tpu.dma_semaphore, #tpu.memory_space<semaphore_mem>>) src(%arg11 : memref<112x128xf32, #tpu.memory_space<vmem>>) dst(%dma_wait3A_80 : memref<10240x128xf32, #tpu.memory_space<vmem_shared>>)
    %barrier3A_81 = arith.constant 0 : index
    tpu.barrier barrier_id(%barrier3A_81)
    %add3A_82 = arith.constant 0 : i32
    %add3A_83 = arith.addi %mul3A_2, %add3A_82 : i32
    "tpu.region"() ({
      %run_scoped3A_94 = tpu.sem_alloc : memref<!tpu.dma_semaphore, #tpu.memory_space<semaphore_mem>>
      %dma_start3A_95 = arith.constant 0 : i32
      %dma_start3A_96 = tpu.memref_slice %arg6[%arg0, %add3A_83, %dma_start3A_95] : memref<2x10240x128xf32, #tpu.memory_space<hbm>> -> memref<1x112x128xf32, #tpu.memory_space<hbm>>
      %dma_start3A_97 = tpu.memref_squeeze %dma_start3A_96 : memref<1x112x128xf32, #tpu.memory_space<hbm>> -> memref<112x128xf32, #tpu.memory_space<hbm>>
      %dma_start3A_98 = arith.constant 0 : i32
      %dma_start3A_99 = tpu.memref_slice %arg12[%add3A_83, %dma_start3A_98] : memref<10240x128xf32, #tpu.memory_space<vmem_shared>> -> memref<112x128xf32, #tpu.memory_space<vmem_shared>>
      tpu.enqueue_dma source(%dma_start3A_99 : memref<112x128xf32, #tpu.memory_space<vmem_shared>>) target(%dma_start3A_97 : memref<112x128xf32, #tpu.memory_space<hbm>>) target_semaphore(%run_scoped3A_94 : memref<!tpu.dma_semaphore, #tpu.memory_space<semaphore_mem>>)
      %dma_wait3A_100 = arith.constant 0 : i32
      %dma_wait3A_101 = tpu.memref_slice %arg6[%arg0, %add3A_83, %dma_wait3A_100] : memref<2x10240x128xf32, #tpu.memory_space<hbm>> -> memref<1x112x128xf32, #tpu.memory_space<hbm>>
      %dma_wait3A_102 = tpu.memref_squeeze %dma_wait3A_101 : memref<1x112x128xf32, #tpu.memory_space<hbm>> -> memref<112x128xf32, #tpu.memory_space<hbm>>
      %dma_wait3A_103 = arith.constant 0 : i32
      %dma_wait3A_104 = tpu.memref_slice %arg12[%add3A_83, %dma_wait3A_103] : memref<10240x128xf32, #tpu.memory_space<vmem_shared>> -> memref<112x128xf32, #tpu.memory_space<vmem_shared>>
      tpu.wait_dma2 semaphore(%run_scoped3A_94 : memref<!tpu.dma_semaphore, #tpu.memory_space<semaphore_mem>>) src(%dma_wait3A_104 : memref<112x128xf32, #tpu.memory_space<vmem_shared>>) dst(%dma_wait3A_102 : memref<112x128xf32, #tpu.memory_space<hbm>>)
      tpu.yield
    }) : () -> ()
    %add3A_84 = arith.constant 112 : i32
    %add3A_85 = arith.addi %mul3A_2, %add3A_84 : i32
    "tpu.region"() ({
      %run_scoped3A_94 = tpu.sem_alloc : memref<!tpu.dma_semaphore, #tpu.memory_space<semaphore_mem>>
      %dma_start3A_95 = arith.constant 0 : i32
      %dma_start3A_96 = tpu.memref_slice %arg6[%arg0, %add3A_85, %dma_start3A_95] : memref<2x10240x128xf32, #tpu.memory_space<hbm>> -> memref<1x112x128xf32, #tpu.memory_space<hbm>>
      %dma_start3A_97 = tpu.memref_squeeze %dma_start3A_96 : memref<1x112x128xf32, #tpu.memory_space<hbm>> -> memref<112x128xf32, #tpu.memory_space<hbm>>
      %dma_start3A_98 = arith.constant 0 : i32
      %dma_start3A_99 = tpu.memref_slice %arg12[%add3A_85, %dma_start3A_98] : memref<10240x128xf32, #tpu.memory_space<vmem_shared>> -> memref<112x128xf32, #tpu.memory_space<vmem_shared>>
      tpu.enqueue_dma source(%dma_start3A_99 : memref<112x128xf32, #tpu.memory_space<vmem_shared>>) target(%dma_start3A_97 : memref<112x128xf32, #tpu.memory_space<hbm>>) target_semaphore(%run_scoped3A_94 : memref<!tpu.dma_semaphore, #tpu.memory_space<semaphore_mem>>)
      %dma_wait3A_100 = arith.constant 0 : i32
      %dma_wait3A_101 = tpu.memref_slice %arg6[%arg0, %add3A_85, %dma_wait3A_100] : memref<2x10240x128xf32, #tpu.memory_space<hbm>> -> memref<1x112x128xf32, #tpu.memory_space<hbm>>
      %dma_wait3A_102 = tpu.memref_squeeze %dma_wait3A_101 : memref<1x112x128xf32, #tpu.memory_space<hbm>> -> memref<112x128xf32, #tpu.memory_space<hbm>>
      %dma_wait3A_103 = arith.constant 0 : i32
      %dma_wait3A_104 = tpu.memref_slice %arg12[%add3A_85, %dma_wait3A_103] : memref<10240x128xf32, #tpu.memory_space<vmem_shared>> -> memref<112x128xf32, #tpu.memory_space<vmem_shared>>
      tpu.wait_dma2 semaphore(%run_scoped3A_94 : memref<!tpu.dma_semaphore, #tpu.memory_space<semaphore_mem>>) src(%dma_wait3A_104 : memref<112x128xf32, #tpu.memory_space<vmem_shared>>) dst(%dma_wait3A_102 : memref<112x128xf32, #tpu.memory_space<hbm>>)
      tpu.yield
    }) : () -> ()
    %add3A_86 = arith.constant 224 : i32
    %add3A_87 = arith.addi %mul3A_2, %add3A_86 : i32
    "tpu.region"() ({
      %run_scoped3A_94 = tpu.sem_alloc : memref<!tpu.dma_semaphore, #tpu.memory_space<semaphore_mem>>
      %dma_start3A_95 = arith.constant 0 : i32
      %dma_start3A_96 = tpu.memref_slice %arg6[%arg0, %add3A_87, %dma_start3A_95] : memref<2x10240x128xf32, #tpu.memory_space<hbm>> -> memref<1x112x128xf32, #tpu.memory_space<hbm>>
      %dma_start3A_97 = tpu.memref_squeeze %dma_start3A_96 : memref<1x112x128xf32, #tpu.memory_space<hbm>> -> memref<112x128xf32, #tpu.memory_space<hbm>>
      %dma_start3A_98 = arith.constant 0 : i32
      %dma_start3A_99 = tpu.memref_slice %arg12[%add3A_87, %dma_start3A_98] : memref<10240x128xf32, #tpu.memory_space<vmem_shared>> -> memref<112x128xf32, #tpu.memory_space<vmem_shared>>
      tpu.enqueue_dma source(%dma_start3A_99 : memref<112x128xf32, #tpu.memory_space<vmem_shared>>) target(%dma_start3A_97 : memref<112x128xf32, #tpu.memory_space<hbm>>) target_semaphore(%run_scoped3A_94 : memref<!tpu.dma_semaphore, #tpu.memory_space<semaphore_mem>>)
      %dma_wait3A_100 = arith.constant 0 : i32
      %dma_wait3A_101 = tpu.memref_slice %arg6[%arg0, %add3A_87, %dma_wait3A_100] : memref<2x10240x128xf32, #tpu.memory_space<hbm>> -> memref<1x112x128xf32, #tpu.memory_space<hbm>>
      %dma_wait3A_102 = tpu.memref_squeeze %dma_wait3A_101 : memref<1x112x128xf32, #tpu.memory_space<hbm>> -> memref<112x128xf32, #tpu.memory_space<hbm>>
      %dma_wait3A_103 = arith.constant 0 : i32
      %dma_wait3A_104 = tpu.memref_slice %arg12[%add3A_87, %dma_wait3A_103] : memref<10240x128xf32, #tpu.memory_space<vmem_shared>> -> memref<112x128xf32, #tpu.memory_space<vmem_shared>>
      tpu.wait_dma2 semaphore(%run_scoped3A_94 : memref<!tpu.dma_semaphore, #tpu.memory_space<semaphore_mem>>) src(%dma_wait3A_104 : memref<112x128xf32, #tpu.memory_space<vmem_shared>>) dst(%dma_wait3A_102 : memref<112x128xf32, #tpu.memory_space<hbm>>)
      tpu.yield
    }) : () -> ()
    %add3A_88 = arith.constant 336 : i32
    %add3A_89 = arith.addi %mul3A_2, %add3A_88 : i32
    "tpu.region"() ({
      %run_scoped3A_94 = tpu.sem_alloc : memref<!tpu.dma_semaphore, #tpu.memory_space<semaphore_mem>>
      %dma_start3A_95 = arith.constant 0 : i32
      %dma_start3A_96 = tpu.memref_slice %arg6[%arg0, %add3A_89, %dma_start3A_95] : memref<2x10240x128xf32, #tpu.memory_space<hbm>> -> memref<1x112x128xf32, #tpu.memory_space<hbm>>
      %dma_start3A_97 = tpu.memref_squeeze %dma_start3A_96 : memref<1x112x128xf32, #tpu.memory_space<hbm>> -> memref<112x128xf32, #tpu.memory_space<hbm>>
      %dma_start3A_98 = arith.constant 0 : i32
      %dma_start3A_99 = tpu.memref_slice %arg12[%add3A_89, %dma_start3A_98] : memref<10240x128xf32, #tpu.memory_space<vmem_shared>> -> memref<112x128xf32, #tpu.memory_space<vmem_shared>>
      tpu.enqueue_dma source(%dma_start3A_99 : memref<112x128xf32, #tpu.memory_space<vmem_shared>>) target(%dma_start3A_97 : memref<112x128xf32, #tpu.memory_space<hbm>>) target_semaphore(%run_scoped3A_94 : memref<!tpu.dma_semaphore, #tpu.memory_space<semaphore_mem>>)
      %dma_wait3A_100 = arith.constant 0 : i32
      %dma_wait3A_101 = tpu.memref_slice %arg6[%arg0, %add3A_89, %dma_wait3A_100] : memref<2x10240x128xf32, #tpu.memory_space<hbm>> -> memref<1x112x128xf32, #tpu.memory_space<hbm>>
      %dma_wait3A_102 = tpu.memref_squeeze %dma_wait3A_101 : memref<1x112x128xf32, #tpu.memory_space<hbm>> -> memref<112x128xf32, #tpu.memory_space<hbm>>
      %dma_wait3A_103 = arith.constant 0 : i32
      %dma_wait3A_104 = tpu.memref_slice %arg12[%add3A_89, %dma_wait3A_103] : memref<10240x128xf32, #tpu.memory_space<vmem_shared>> -> memref<112x128xf32, #tpu.memory_space<vmem_shared>>
      tpu.wait_dma2 semaphore(%run_scoped3A_94 : memref<!tpu.dma_semaphore, #tpu.memory_space<semaphore_mem>>) src(%dma_wait3A_104 : memref<112x128xf32, #tpu.memory_space<vmem_shared>>) dst(%dma_wait3A_102 : memref<112x128xf32, #tpu.memory_space<hbm>>)
      tpu.yield
    }) : () -> ()
    %add3A_90 = arith.constant 448 : i32
    %add3A_91 = arith.addi %mul3A_2, %add3A_90 : i32
    "tpu.region"() ({
      %run_scoped3A_94 = tpu.sem_alloc : memref<!tpu.dma_semaphore, #tpu.memory_space<semaphore_mem>>
      %dma_start3A_95 = arith.constant 0 : i32
      %dma_start3A_96 = tpu.memref_slice %arg6[%arg0, %add3A_91, %dma_start3A_95] : memref<2x10240x128xf32, #tpu.memory_space<hbm>> -> memref<1x112x128xf32, #tpu.memory_space<hbm>>
      %dma_start3A_97 = tpu.memref_squeeze %dma_start3A_96 : memref<1x112x128xf32, #tpu.memory_space<hbm>> -> memref<112x128xf32, #tpu.memory_space<hbm>>
      %dma_start3A_98 = arith.constant 0 : i32
      %dma_start3A_99 = tpu.memref_slice %arg12[%add3A_91, %dma_start3A_98] : memref<10240x128xf32, #tpu.memory_space<vmem_shared>> -> memref<112x128xf32, #tpu.memory_space<vmem_shared>>
      tpu.enqueue_dma source(%dma_start3A_99 : memref<112x128xf32, #tpu.memory_space<vmem_shared>>) target(%dma_start3A_97 : memref<112x128xf32, #tpu.memory_space<hbm>>) target_semaphore(%run_scoped3A_94 : memref<!tpu.dma_semaphore, #tpu.memory_space<semaphore_mem>>)
      %dma_wait3A_100 = arith.constant 0 : i32
      %dma_wait3A_101 = tpu.memref_slice %arg6[%arg0, %add3A_91, %dma_wait3A_100] : memref<2x10240x128xf32, #tpu.memory_space<hbm>> -> memref<1x112x128xf32, #tpu.memory_space<hbm>>
      %dma_wait3A_102 = tpu.memref_squeeze %dma_wait3A_101 : memref<1x112x128xf32, #tpu.memory_space<hbm>> -> memref<112x128xf32, #tpu.memory_space<hbm>>
      %dma_wait3A_103 = arith.constant 0 : i32
      %dma_wait3A_104 = tpu.memref_slice %arg12[%add3A_91, %dma_wait3A_103] : memref<10240x128xf32, #tpu.memory_space<vmem_shared>> -> memref<112x128xf32, #tpu.memory_space<vmem_shared>>
      tpu.wait_dma2 semaphore(%run_scoped3A_94 : memref<!tpu.dma_semaphore, #tpu.memory_space<semaphore_mem>>) src(%dma_wait3A_104 : memref<112x128xf32, #tpu.memory_space<vmem_shared>>) dst(%dma_wait3A_102 : memref<112x128xf32, #tpu.memory_space<hbm>>)
      tpu.yield
    }) : () -> ()
    %add3A_92 = arith.constant 560 : i32
    %add3A_93 = arith.addi %mul3A_2, %add3A_92 : i32
    "tpu.region"() ({
      %run_scoped3A_94 = tpu.sem_alloc : memref<!tpu.dma_semaphore, #tpu.memory_space<semaphore_mem>>
      %dma_start3A_95 = arith.constant 0 : i32
      %dma_start3A_96 = tpu.memref_slice %arg6[%arg0, %add3A_93, %dma_start3A_95] : memref<2x10240x128xf32, #tpu.memory_space<hbm>> -> memref<1x80x128xf32, #tpu.memory_space<hbm>>
      %dma_start3A_97 = tpu.memref_squeeze %dma_start3A_96 : memref<1x80x128xf32, #tpu.memory_space<hbm>> -> memref<80x128xf32, #tpu.memory_space<hbm>>
      %dma_start3A_98 = arith.constant 0 : i32
      %dma_start3A_99 = tpu.memref_slice %arg12[%add3A_93, %dma_start3A_98] : memref<10240x128xf32, #tpu.memory_space<vmem_shared>> -> memref<80x128xf32, #tpu.memory_space<vmem_shared>>
      tpu.enqueue_dma source(%dma_start3A_99 : memref<80x128xf32, #tpu.memory_space<vmem_shared>>) target(%dma_start3A_97 : memref<80x128xf32, #tpu.memory_space<hbm>>) target_semaphore(%run_scoped3A_94 : memref<!tpu.dma_semaphore, #tpu.memory_space<semaphore_mem>>)
      %dma_wait3A_100 = arith.constant 0 : i32
      %dma_wait3A_101 = tpu.memref_slice %arg6[%arg0, %add3A_93, %dma_wait3A_100] : memref<2x10240x128xf32, #tpu.memory_space<hbm>> -> memref<1x80x128xf32, #tpu.memory_space<hbm>>
      %dma_wait3A_102 = tpu.memref_squeeze %dma_wait3A_101 : memref<1x80x128xf32, #tpu.memory_space<hbm>> -> memref<80x128xf32, #tpu.memory_space<hbm>>
      %dma_wait3A_103 = arith.constant 0 : i32
      %dma_wait3A_104 = tpu.memref_slice %arg12[%add3A_93, %dma_wait3A_103] : memref<10240x128xf32, #tpu.memory_space<vmem_shared>> -> memref<80x128xf32, #tpu.memory_space<vmem_shared>>
      tpu.wait_dma2 semaphore(%run_scoped3A_94 : memref<!tpu.dma_semaphore, #tpu.memory_space<semaphore_mem>>) src(%dma_wait3A_104 : memref<80x128xf32, #tpu.memory_space<vmem_shared>>) dst(%dma_wait3A_102 : memref<80x128xf32, #tpu.memory_space<hbm>>)
      tpu.yield
    }) : () -> ()
    return
  }
}

#map = affine_map<(d0, d1) -> (0, 0, 0)>
#map1 = affine_map<(d0, d1) -> (0, 0)>
module attributes {stable_mosaic.version = 14 : i64} {
  func.func @_deg_body(%arg0: i32, %arg1: i32, %arg2: memref<32x90x112xi32, #tpu.memory_space<hbm>>, %arg3: memref<112x128xf32, #tpu.memory_space<hbm>>, %arg4: memref<112x128xf32, #tpu.memory_space<hbm>>, %arg5: memref<2x10240x128xf32, #tpu.memory_space<hbm>>, %arg6: memref<90x112xi32, #tpu.memory_space<vmem>>, %arg7: memref<112x128xf32, #tpu.memory_space<vmem>>, %arg8: memref<10240x128xf32, #tpu.memory_space<vmem_shared>>, %arg9: memref<!tpu.dma_semaphore, #tpu.memory_space<semaphore_mem>>, %arg10: memref<!tpu.dma_semaphore, #tpu.memory_space<semaphore_mem>>) attributes {dimension_semantics = [#tpu.dimension_semantics<core_parallel>, #tpu.dimension_semantics<subcore_parallel>], iteration_bounds = array<i64: 2, 16>, scalar_prefetch = 0 : i64, scratch_operands = 5 : i64, tpu.core_type = #tpu.core_type<sc_vector_subcore>, window_params = [{transform_indices = #map}, {transform_indices = #map1}, {transform_indices = #map1}, {transform_indices = #map}]} {
    %mul3A = arith.constant 16 : i32
    %mul3A_0 = arith.muli %arg0, %mul3A : i32
    %add3A = arith.addi %mul3A_0, %arg1 : i32
    "tpu.region"() ({
      %run_scoped3A = tpu.sem_alloc : memref<!tpu.dma_semaphore, #tpu.memory_space<semaphore_mem>>
      tpu.enqueue_dma source(%arg3 : memref<112x128xf32, #tpu.memory_space<hbm>>) target(%arg7 : memref<112x128xf32, #tpu.memory_space<vmem>>) target_semaphore(%run_scoped3A : memref<!tpu.dma_semaphore, #tpu.memory_space<semaphore_mem>>)
      tpu.wait_dma2 semaphore(%run_scoped3A : memref<!tpu.dma_semaphore, #tpu.memory_space<semaphore_mem>>) src(%arg3 : memref<112x128xf32, #tpu.memory_space<hbm>>) dst(%arg7 : memref<112x128xf32, #tpu.memory_space<vmem>>)
      tpu.yield
    }) : () -> ()
    %mul3A_1 = arith.constant 640 : i32
    %mul3A_2 = arith.muli %arg1, %mul3A_1 : i32
    %add3A_3 = arith.constant 0 : i32
    %add3A_4 = arith.addi %mul3A_2, %add3A_3 : i32
    "tpu.region"() ({
      %run_scoped3A = tpu.sem_alloc : memref<!tpu.dma_semaphore, #tpu.memory_space<semaphore_mem>>
      %dma_start3A = arith.constant 0 : i32
      %dma_start3A_46 = tpu.memref_slice %arg8[%add3A_4, %dma_start3A] : memref<10240x128xf32, #tpu.memory_space<vmem_shared>> -> memref<112x128xf32, #tpu.memory_space<vmem_shared>>
      %dma_start3A_47 = arith.constant 0 : i32
      %dma_start3A_48 = arith.constant 0 : i32
      %dma_start3A_49 = tpu.memref_slice %arg4[%dma_start3A_47, %dma_start3A_48] : memref<112x128xf32, #tpu.memory_space<hbm>> -> memref<112x128xf32, #tpu.memory_space<hbm>>
      tpu.enqueue_dma source(%dma_start3A_49 : memref<112x128xf32, #tpu.memory_space<hbm>>) target(%dma_start3A_46 : memref<112x128xf32, #tpu.memory_space<vmem_shared>>) target_semaphore(%run_scoped3A : memref<!tpu.dma_semaphore, #tpu.memory_space<semaphore_mem>>)
      %dma_wait3A_50 = arith.constant 0 : i32
      %dma_wait3A_51 = tpu.memref_slice %arg8[%add3A_4, %dma_wait3A_50] : memref<10240x128xf32, #tpu.memory_space<vmem_shared>> -> memref<112x128xf32, #tpu.memory_space<vmem_shared>>
      %dma_wait3A_52 = arith.constant 0 : i32
      %dma_wait3A_53 = arith.constant 0 : i32
      %dma_wait3A_54 = tpu.memref_slice %arg4[%dma_wait3A_52, %dma_wait3A_53] : memref<112x128xf32, #tpu.memory_space<hbm>> -> memref<112x128xf32, #tpu.memory_space<hbm>>
      tpu.wait_dma2 semaphore(%run_scoped3A : memref<!tpu.dma_semaphore, #tpu.memory_space<semaphore_mem>>) src(%dma_wait3A_54 : memref<112x128xf32, #tpu.memory_space<hbm>>) dst(%dma_wait3A_51 : memref<112x128xf32, #tpu.memory_space<vmem_shared>>)
      tpu.yield
    }) : () -> ()
    %add3A_5 = arith.constant 112 : i32
    %add3A_6 = arith.addi %mul3A_2, %add3A_5 : i32
    "tpu.region"() ({
      %run_scoped3A = tpu.sem_alloc : memref<!tpu.dma_semaphore, #tpu.memory_space<semaphore_mem>>
      %dma_start3A = arith.constant 0 : i32
      %dma_start3A_46 = tpu.memref_slice %arg8[%add3A_6, %dma_start3A] : memref<10240x128xf32, #tpu.memory_space<vmem_shared>> -> memref<112x128xf32, #tpu.memory_space<vmem_shared>>
      %dma_start3A_47 = arith.constant 0 : i32
      %dma_start3A_48 = arith.constant 0 : i32
      %dma_start3A_49 = tpu.memref_slice %arg4[%dma_start3A_47, %dma_start3A_48] : memref<112x128xf32, #tpu.memory_space<hbm>> -> memref<112x128xf32, #tpu.memory_space<hbm>>
      tpu.enqueue_dma source(%dma_start3A_49 : memref<112x128xf32, #tpu.memory_space<hbm>>) target(%dma_start3A_46 : memref<112x128xf32, #tpu.memory_space<vmem_shared>>) target_semaphore(%run_scoped3A : memref<!tpu.dma_semaphore, #tpu.memory_space<semaphore_mem>>)
      %dma_wait3A_50 = arith.constant 0 : i32
      %dma_wait3A_51 = tpu.memref_slice %arg8[%add3A_6, %dma_wait3A_50] : memref<10240x128xf32, #tpu.memory_space<vmem_shared>> -> memref<112x128xf32, #tpu.memory_space<vmem_shared>>
      %dma_wait3A_52 = arith.constant 0 : i32
      %dma_wait3A_53 = arith.constant 0 : i32
      %dma_wait3A_54 = tpu.memref_slice %arg4[%dma_wait3A_52, %dma_wait3A_53] : memref<112x128xf32, #tpu.memory_space<hbm>> -> memref<112x128xf32, #tpu.memory_space<hbm>>
      tpu.wait_dma2 semaphore(%run_scoped3A : memref<!tpu.dma_semaphore, #tpu.memory_space<semaphore_mem>>) src(%dma_wait3A_54 : memref<112x128xf32, #tpu.memory_space<hbm>>) dst(%dma_wait3A_51 : memref<112x128xf32, #tpu.memory_space<vmem_shared>>)
      tpu.yield
    }) : () -> ()
    %add3A_7 = arith.constant 224 : i32
    %add3A_8 = arith.addi %mul3A_2, %add3A_7 : i32
    "tpu.region"() ({
      %run_scoped3A = tpu.sem_alloc : memref<!tpu.dma_semaphore, #tpu.memory_space<semaphore_mem>>
      %dma_start3A = arith.constant 0 : i32
      %dma_start3A_46 = tpu.memref_slice %arg8[%add3A_8, %dma_start3A] : memref<10240x128xf32, #tpu.memory_space<vmem_shared>> -> memref<112x128xf32, #tpu.memory_space<vmem_shared>>
      %dma_start3A_47 = arith.constant 0 : i32
      %dma_start3A_48 = arith.constant 0 : i32
      %dma_start3A_49 = tpu.memref_slice %arg4[%dma_start3A_47, %dma_start3A_48] : memref<112x128xf32, #tpu.memory_space<hbm>> -> memref<112x128xf32, #tpu.memory_space<hbm>>
      tpu.enqueue_dma source(%dma_start3A_49 : memref<112x128xf32, #tpu.memory_space<hbm>>) target(%dma_start3A_46 : memref<112x128xf32, #tpu.memory_space<vmem_shared>>) target_semaphore(%run_scoped3A : memref<!tpu.dma_semaphore, #tpu.memory_space<semaphore_mem>>)
      %dma_wait3A_50 = arith.constant 0 : i32
      %dma_wait3A_51 = tpu.memref_slice %arg8[%add3A_8, %dma_wait3A_50] : memref<10240x128xf32, #tpu.memory_space<vmem_shared>> -> memref<112x128xf32, #tpu.memory_space<vmem_shared>>
      %dma_wait3A_52 = arith.constant 0 : i32
      %dma_wait3A_53 = arith.constant 0 : i32
      %dma_wait3A_54 = tpu.memref_slice %arg4[%dma_wait3A_52, %dma_wait3A_53] : memref<112x128xf32, #tpu.memory_space<hbm>> -> memref<112x128xf32, #tpu.memory_space<hbm>>
      tpu.wait_dma2 semaphore(%run_scoped3A : memref<!tpu.dma_semaphore, #tpu.memory_space<semaphore_mem>>) src(%dma_wait3A_54 : memref<112x128xf32, #tpu.memory_space<hbm>>) dst(%dma_wait3A_51 : memref<112x128xf32, #tpu.memory_space<vmem_shared>>)
      tpu.yield
    }) : () -> ()
    %add3A_9 = arith.constant 336 : i32
    %add3A_10 = arith.addi %mul3A_2, %add3A_9 : i32
    "tpu.region"() ({
      %run_scoped3A = tpu.sem_alloc : memref<!tpu.dma_semaphore, #tpu.memory_space<semaphore_mem>>
      %dma_start3A = arith.constant 0 : i32
      %dma_start3A_46 = tpu.memref_slice %arg8[%add3A_10, %dma_start3A] : memref<10240x128xf32, #tpu.memory_space<vmem_shared>> -> memref<112x128xf32, #tpu.memory_space<vmem_shared>>
      %dma_start3A_47 = arith.constant 0 : i32
      %dma_start3A_48 = arith.constant 0 : i32
      %dma_start3A_49 = tpu.memref_slice %arg4[%dma_start3A_47, %dma_start3A_48] : memref<112x128xf32, #tpu.memory_space<hbm>> -> memref<112x128xf32, #tpu.memory_space<hbm>>
      tpu.enqueue_dma source(%dma_start3A_49 : memref<112x128xf32, #tpu.memory_space<hbm>>) target(%dma_start3A_46 : memref<112x128xf32, #tpu.memory_space<vmem_shared>>) target_semaphore(%run_scoped3A : memref<!tpu.dma_semaphore, #tpu.memory_space<semaphore_mem>>)
      %dma_wait3A_50 = arith.constant 0 : i32
      %dma_wait3A_51 = tpu.memref_slice %arg8[%add3A_10, %dma_wait3A_50] : memref<10240x128xf32, #tpu.memory_space<vmem_shared>> -> memref<112x128xf32, #tpu.memory_space<vmem_shared>>
      %dma_wait3A_52 = arith.constant 0 : i32
      %dma_wait3A_53 = arith.constant 0 : i32
      %dma_wait3A_54 = tpu.memref_slice %arg4[%dma_wait3A_52, %dma_wait3A_53] : memref<112x128xf32, #tpu.memory_space<hbm>> -> memref<112x128xf32, #tpu.memory_space<hbm>>
      tpu.wait_dma2 semaphore(%run_scoped3A : memref<!tpu.dma_semaphore, #tpu.memory_space<semaphore_mem>>) src(%dma_wait3A_54 : memref<112x128xf32, #tpu.memory_space<hbm>>) dst(%dma_wait3A_51 : memref<112x128xf32, #tpu.memory_space<vmem_shared>>)
      tpu.yield
    }) : () -> ()
    %add3A_11 = arith.constant 448 : i32
    %add3A_12 = arith.addi %mul3A_2, %add3A_11 : i32
    "tpu.region"() ({
      %run_scoped3A = tpu.sem_alloc : memref<!tpu.dma_semaphore, #tpu.memory_space<semaphore_mem>>
      %dma_start3A = arith.constant 0 : i32
      %dma_start3A_46 = tpu.memref_slice %arg8[%add3A_12, %dma_start3A] : memref<10240x128xf32, #tpu.memory_space<vmem_shared>> -> memref<112x128xf32, #tpu.memory_space<vmem_shared>>
      %dma_start3A_47 = arith.constant 0 : i32
      %dma_start3A_48 = arith.constant 0 : i32
      %dma_start3A_49 = tpu.memref_slice %arg4[%dma_start3A_47, %dma_start3A_48] : memref<112x128xf32, #tpu.memory_space<hbm>> -> memref<112x128xf32, #tpu.memory_space<hbm>>
      tpu.enqueue_dma source(%dma_start3A_49 : memref<112x128xf32, #tpu.memory_space<hbm>>) target(%dma_start3A_46 : memref<112x128xf32, #tpu.memory_space<vmem_shared>>) target_semaphore(%run_scoped3A : memref<!tpu.dma_semaphore, #tpu.memory_space<semaphore_mem>>)
      %dma_wait3A_50 = arith.constant 0 : i32
      %dma_wait3A_51 = tpu.memref_slice %arg8[%add3A_12, %dma_wait3A_50] : memref<10240x128xf32, #tpu.memory_space<vmem_shared>> -> memref<112x128xf32, #tpu.memory_space<vmem_shared>>
      %dma_wait3A_52 = arith.constant 0 : i32
      %dma_wait3A_53 = arith.constant 0 : i32
      %dma_wait3A_54 = tpu.memref_slice %arg4[%dma_wait3A_52, %dma_wait3A_53] : memref<112x128xf32, #tpu.memory_space<hbm>> -> memref<112x128xf32, #tpu.memory_space<hbm>>
      tpu.wait_dma2 semaphore(%run_scoped3A : memref<!tpu.dma_semaphore, #tpu.memory_space<semaphore_mem>>) src(%dma_wait3A_54 : memref<112x128xf32, #tpu.memory_space<hbm>>) dst(%dma_wait3A_51 : memref<112x128xf32, #tpu.memory_space<vmem_shared>>)
      tpu.yield
    }) : () -> ()
    %add3A_13 = arith.constant 560 : i32
    %add3A_14 = arith.addi %mul3A_2, %add3A_13 : i32
    "tpu.region"() ({
      %run_scoped3A = tpu.sem_alloc : memref<!tpu.dma_semaphore, #tpu.memory_space<semaphore_mem>>
      %dma_start3A = arith.constant 0 : i32
      %dma_start3A_46 = tpu.memref_slice %arg8[%add3A_14, %dma_start3A] : memref<10240x128xf32, #tpu.memory_space<vmem_shared>> -> memref<80x128xf32, #tpu.memory_space<vmem_shared>>
      %dma_start3A_47 = arith.constant 0 : i32
      %dma_start3A_48 = arith.constant 0 : i32
      %dma_start3A_49 = tpu.memref_slice %arg4[%dma_start3A_47, %dma_start3A_48] : memref<112x128xf32, #tpu.memory_space<hbm>> -> memref<80x128xf32, #tpu.memory_space<hbm>>
      tpu.enqueue_dma source(%dma_start3A_49 : memref<80x128xf32, #tpu.memory_space<hbm>>) target(%dma_start3A_46 : memref<80x128xf32, #tpu.memory_space<vmem_shared>>) target_semaphore(%run_scoped3A : memref<!tpu.dma_semaphore, #tpu.memory_space<semaphore_mem>>)
      %dma_wait3A_50 = arith.constant 0 : i32
      %dma_wait3A_51 = tpu.memref_slice %arg8[%add3A_14, %dma_wait3A_50] : memref<10240x128xf32, #tpu.memory_space<vmem_shared>> -> memref<80x128xf32, #tpu.memory_space<vmem_shared>>
      %dma_wait3A_52 = arith.constant 0 : i32
      %dma_wait3A_53 = arith.constant 0 : i32
      %dma_wait3A_54 = tpu.memref_slice %arg4[%dma_wait3A_52, %dma_wait3A_53] : memref<112x128xf32, #tpu.memory_space<hbm>> -> memref<80x128xf32, #tpu.memory_space<hbm>>
      tpu.wait_dma2 semaphore(%run_scoped3A : memref<!tpu.dma_semaphore, #tpu.memory_space<semaphore_mem>>) src(%dma_wait3A_54 : memref<80x128xf32, #tpu.memory_space<hbm>>) dst(%dma_wait3A_51 : memref<80x128xf32, #tpu.memory_space<vmem_shared>>)
      tpu.yield
    }) : () -> ()
    "tpu.region"() ({
      %run_scoped3A = tpu.sem_alloc : memref<!tpu.dma_semaphore, #tpu.memory_space<semaphore_mem>>
      %dma_start3A = arith.constant 0 : i32
      %dma_start3A_46 = arith.constant 0 : i32
      %dma_start3A_47 = tpu.memref_slice %arg2[%add3A, %dma_start3A, %dma_start3A_46] : memref<32x90x112xi32, #tpu.memory_space<hbm>> -> memref<1x90x112xi32, #tpu.memory_space<hbm>>
      %dma_start3A_48 = tpu.memref_squeeze %dma_start3A_47 : memref<1x90x112xi32, #tpu.memory_space<hbm>> -> memref<90x112xi32, #tpu.memory_space<hbm>>
      %dma_start3A_49 = arith.constant 0 : i32
      %dma_start3A_50 = arith.constant 0 : i32
      %dma_start3A_51 = tpu.memref_slice %arg2[%add3A, %dma_start3A_49, %dma_start3A_50] : memref<32x90x112xi32, #tpu.memory_space<hbm>> -> memref<1x90x112xi32, #tpu.memory_space<hbm>>
      %dma_start3A_52 = tpu.memref_squeeze %dma_start3A_51 : memref<1x90x112xi32, #tpu.memory_space<hbm>> -> memref<90x112xi32, #tpu.memory_space<hbm>>
      tpu.enqueue_dma source(%dma_start3A_52 : memref<90x112xi32, #tpu.memory_space<hbm>>) target(%arg6 : memref<90x112xi32, #tpu.memory_space<vmem>>) target_semaphore(%run_scoped3A : memref<!tpu.dma_semaphore, #tpu.memory_space<semaphore_mem>>)
      %dma_wait3A_53 = arith.constant 0 : i32
      %dma_wait3A_54 = arith.constant 0 : i32
      %dma_wait3A_55 = tpu.memref_slice %arg2[%add3A, %dma_wait3A_53, %dma_wait3A_54] : memref<32x90x112xi32, #tpu.memory_space<hbm>> -> memref<1x90x112xi32, #tpu.memory_space<hbm>>
      %dma_wait3A_56 = tpu.memref_squeeze %dma_wait3A_55 : memref<1x90x112xi32, #tpu.memory_space<hbm>> -> memref<90x112xi32, #tpu.memory_space<hbm>>
      %dma_wait3A_57 = arith.constant 0 : i32
      %dma_wait3A_58 = arith.constant 0 : i32
      %dma_wait3A_59 = tpu.memref_slice %arg2[%add3A, %dma_wait3A_57, %dma_wait3A_58] : memref<32x90x112xi32, #tpu.memory_space<hbm>> -> memref<1x90x112xi32, #tpu.memory_space<hbm>>
      %dma_wait3A_60 = tpu.memref_squeeze %dma_wait3A_59 : memref<1x90x112xi32, #tpu.memory_space<hbm>> -> memref<90x112xi32, #tpu.memory_space<hbm>>
      tpu.wait_dma2 semaphore(%run_scoped3A : memref<!tpu.dma_semaphore, #tpu.memory_space<semaphore_mem>>) src(%dma_wait3A_60 : memref<90x112xi32, #tpu.memory_space<hbm>>) dst(%arg6 : memref<90x112xi32, #tpu.memory_space<vmem>>)
      tpu.yield
    }) : () -> ()
    %barrier3A = arith.constant 0 : index
    tpu.barrier barrier_id(%barrier3A)
    %scan3A = arith.constant 0 : i32
    %scan3A_15 = arith.constant 0 : i32
    %scan3A_16 = arith.constant 45 : i32
    %scan3A_17 = arith.addi %scan3A_15, %scan3A_16 : i32
    %scan3A_18 = arith.constant 1 : i32
    scf.for %scan3A_46 = %scan3A_15 to %scan3A_17 step %scan3A_18  : i32 {
      %mul3A_47 = arith.constant 2 : i32
      %mul3A_48 = arith.muli %scan3A_46, %mul3A_47 : i32
      %ge3A = arith.constant 1 : i32
      %ge3A_49 = arith.cmpi sge, %scan3A_46, %ge3A : i32
      %convert_element_type3A = arith.extui %ge3A_49 : i1 to i32
      %cond3A = arith.constant 0 : i32
      %cond3A_50 = arith.cmpi ne, %convert_element_type3A, %cond3A : i32
      scf.if %cond3A_50 {
        %dma_wait3A_69 = arith.constant 0 : i32
        %dma_wait3A_70 = tpu.memref_slice %arg6[%mul3A_48, %dma_wait3A_69] : memref<90x112xi32, #tpu.memory_space<vmem>> -> memref<1x112xi32, #tpu.memory_space<vmem>>
        %dma_wait3A_71 = tpu.memref_squeeze %dma_wait3A_70 : memref<1x112xi32, #tpu.memory_space<vmem>> -> memref<112xi32, #tpu.memory_space<vmem>>
        %dma_wait3A_72 = arith.constant 0 : i32
        %dma_wait3A_73 = arith.constant 0 : i32
        %dma_wait3A_74 = tpu.memref_slice %arg8[%dma_wait3A_72, %dma_wait3A_73] : memref<10240x128xf32, #tpu.memory_space<vmem_shared>> -> memref<10240x128xf32, #tpu.memory_space<vmem_shared>>
        tpu.wait_indirect_dma semaphore(%arg9 : memref<!tpu.dma_semaphore, #tpu.memory_space<semaphore_mem>>) src(%arg7 : memref<112x128xf32, #tpu.memory_space<vmem>>) dst(%dma_wait3A_74 : memref<10240x128xf32, #tpu.memory_space<vmem_shared>>)
      } else {
      }
      %dma_start3A = arith.constant 0 : i32
      %dma_start3A_51 = tpu.memref_slice %arg6[%mul3A_48, %dma_start3A] : memref<90x112xi32, #tpu.memory_space<vmem>> -> memref<1x112xi32, #tpu.memory_space<vmem>>
      %dma_start3A_52 = tpu.memref_squeeze %dma_start3A_51 : memref<1x112xi32, #tpu.memory_space<vmem>> -> memref<112xi32, #tpu.memory_space<vmem>>
      %dma_start3A_53 = arith.constant 0 : i32
      %dma_start3A_54 = arith.constant 0 : i32
      %dma_start3A_55 = tpu.memref_slice %arg8[%dma_start3A_53, %dma_start3A_54] : memref<10240x128xf32, #tpu.memory_space<vmem_shared>> -> memref<10240x128xf32, #tpu.memory_space<vmem_shared>>
      tpu.enqueue_indirect_dma source(%arg7 : memref<112x128xf32, #tpu.memory_space<vmem>>) target(%dma_start3A_55 : memref<10240x128xf32, #tpu.memory_space<vmem_shared>>) offsets(%dma_start3A_52 : memref<112xi32, #tpu.memory_space<vmem>>) semaphore(%arg9 : memref<!tpu.dma_semaphore, #tpu.memory_space<semaphore_mem>>) {add = true}
      %ge3A_56 = arith.constant 1 : i32
      %ge3A_57 = arith.cmpi sge, %scan3A_46, %ge3A_56 : i32
      %convert_element_type3A_58 = arith.extui %ge3A_57 : i1 to i32
      %cond3A_59 = arith.constant 0 : i32
      %cond3A_60 = arith.cmpi ne, %convert_element_type3A_58, %cond3A_59 : i32
      scf.if %cond3A_60 {
        %add3A_69 = arith.constant 1 : i32
        %add3A_70 = arith.addi %mul3A_48, %add3A_69 : i32
        %dma_wait3A_71 = arith.constant 0 : i32
        %dma_wait3A_72 = tpu.memref_slice %arg6[%add3A_70, %dma_wait3A_71] : memref<90x112xi32, #tpu.memory_space<vmem>> -> memref<1x112xi32, #tpu.memory_space<vmem>>
        %dma_wait3A_73 = tpu.memref_squeeze %dma_wait3A_72 : memref<1x112xi32, #tpu.memory_space<vmem>> -> memref<112xi32, #tpu.memory_space<vmem>>
        %dma_wait3A_74 = arith.constant 0 : i32
        %dma_wait3A_75 = arith.constant 0 : i32
        %dma_wait3A_76 = tpu.memref_slice %arg8[%dma_wait3A_74, %dma_wait3A_75] : memref<10240x128xf32, #tpu.memory_space<vmem_shared>> -> memref<10240x128xf32, #tpu.memory_space<vmem_shared>>
        tpu.wait_indirect_dma semaphore(%arg10 : memref<!tpu.dma_semaphore, #tpu.memory_space<semaphore_mem>>) src(%arg7 : memref<112x128xf32, #tpu.memory_space<vmem>>) dst(%dma_wait3A_76 : memref<10240x128xf32, #tpu.memory_space<vmem_shared>>)
      } else {
      }
      %add3A_61 = arith.constant 1 : i32
      %add3A_62 = arith.addi %mul3A_48, %add3A_61 : i32
      %dma_start3A_63 = arith.constant 0 : i32
      %dma_start3A_64 = tpu.memref_slice %arg6[%add3A_62, %dma_start3A_63] : memref<90x112xi32, #tpu.memory_space<vmem>> -> memref<1x112xi32, #tpu.memory_space<vmem>>
      %dma_start3A_65 = tpu.memref_squeeze %dma_start3A_64 : memref<1x112xi32, #tpu.memory_space<vmem>> -> memref<112xi32, #tpu.memory_space<vmem>>
      %dma_start3A_66 = arith.constant 0 : i32
      %dma_start3A_67 = arith.constant 0 : i32
      %dma_start3A_68 = tpu.memref_slice %arg8[%dma_start3A_66, %dma_start3A_67] : memref<10240x128xf32, #tpu.memory_space<vmem_shared>> -> memref<10240x128xf32, #tpu.memory_space<vmem_shared>>
      tpu.enqueue_indirect_dma source(%arg7 : memref<112x128xf32, #tpu.memory_space<vmem>>) target(%dma_start3A_68 : memref<10240x128xf32, #tpu.memory_space<vmem_shared>>) offsets(%dma_start3A_65 : memref<112xi32, #tpu.memory_space<vmem>>) semaphore(%arg10 : memref<!tpu.dma_semaphore, #tpu.memory_space<semaphore_mem>>) {add = true}
    }
    %scan3A_19 = arith.constant 45 : i32
    %dma_wait3A = arith.constant 0 : i32
    %dma_wait3A_20 = arith.constant 0 : i32
    %dma_wait3A_21 = tpu.memref_slice %arg6[%dma_wait3A, %dma_wait3A_20] : memref<90x112xi32, #tpu.memory_space<vmem>> -> memref<1x112xi32, #tpu.memory_space<vmem>>
    %dma_wait3A_22 = tpu.memref_squeeze %dma_wait3A_21 : memref<1x112xi32, #tpu.memory_space<vmem>> -> memref<112xi32, #tpu.memory_space<vmem>>
    %dma_wait3A_23 = arith.constant 0 : i32
    %dma_wait3A_24 = arith.constant 0 : i32
    %dma_wait3A_25 = tpu.memref_slice %arg8[%dma_wait3A_23, %dma_wait3A_24] : memref<10240x128xf32, #tpu.memory_space<vmem_shared>> -> memref<10240x128xf32, #tpu.memory_space<vmem_shared>>
    tpu.wait_indirect_dma semaphore(%arg9 : memref<!tpu.dma_semaphore, #tpu.memory_space<semaphore_mem>>) src(%arg7 : memref<112x128xf32, #tpu.memory_space<vmem>>) dst(%dma_wait3A_25 : memref<10240x128xf32, #tpu.memory_space<vmem_shared>>)
    %dma_wait3A_26 = arith.constant 0 : i32
    %dma_wait3A_27 = arith.constant 0 : i32
    %dma_wait3A_28 = tpu.memref_slice %arg6[%dma_wait3A_26, %dma_wait3A_27] : memref<90x112xi32, #tpu.memory_space<vmem>> -> memref<1x112xi32, #tpu.memory_space<vmem>>
    %dma_wait3A_29 = tpu.memref_squeeze %dma_wait3A_28 : memref<1x112xi32, #tpu.memory_space<vmem>> -> memref<112xi32, #tpu.memory_space<vmem>>
    %dma_wait3A_30 = arith.constant 0 : i32
    %dma_wait3A_31 = arith.constant 0 : i32
    %dma_wait3A_32 = tpu.memref_slice %arg8[%dma_wait3A_30, %dma_wait3A_31] : memref<10240x128xf32, #tpu.memory_space<vmem_shared>> -> memref<10240x128xf32, #tpu.memory_space<vmem_shared>>
    tpu.wait_indirect_dma semaphore(%arg10 : memref<!tpu.dma_semaphore, #tpu.memory_space<semaphore_mem>>) src(%arg7 : memref<112x128xf32, #tpu.memory_space<vmem>>) dst(%dma_wait3A_32 : memref<10240x128xf32, #tpu.memory_space<vmem_shared>>)
    %barrier3A_33 = arith.constant 0 : index
    tpu.barrier barrier_id(%barrier3A_33)
    %add3A_34 = arith.constant 0 : i32
    %add3A_35 = arith.addi %mul3A_2, %add3A_34 : i32
    "tpu.region"() ({
      %run_scoped3A = tpu.sem_alloc : memref<!tpu.dma_semaphore, #tpu.memory_space<semaphore_mem>>
      %dma_start3A = arith.constant 0 : i32
      %dma_start3A_46 = tpu.memref_slice %arg5[%arg0, %add3A_35, %dma_start3A] : memref<2x10240x128xf32, #tpu.memory_space<hbm>> -> memref<1x112x128xf32, #tpu.memory_space<hbm>>
      %dma_start3A_47 = tpu.memref_squeeze %dma_start3A_46 : memref<1x112x128xf32, #tpu.memory_space<hbm>> -> memref<112x128xf32, #tpu.memory_space<hbm>>
      %dma_start3A_48 = arith.constant 0 : i32
      %dma_start3A_49 = tpu.memref_slice %arg8[%add3A_35, %dma_start3A_48] : memref<10240x128xf32, #tpu.memory_space<vmem_shared>> -> memref<112x128xf32, #tpu.memory_space<vmem_shared>>
      tpu.enqueue_dma source(%dma_start3A_49 : memref<112x128xf32, #tpu.memory_space<vmem_shared>>) target(%dma_start3A_47 : memref<112x128xf32, #tpu.memory_space<hbm>>) target_semaphore(%run_scoped3A : memref<!tpu.dma_semaphore, #tpu.memory_space<semaphore_mem>>)
      %dma_wait3A_50 = arith.constant 0 : i32
      %dma_wait3A_51 = tpu.memref_slice %arg5[%arg0, %add3A_35, %dma_wait3A_50] : memref<2x10240x128xf32, #tpu.memory_space<hbm>> -> memref<1x112x128xf32, #tpu.memory_space<hbm>>
      %dma_wait3A_52 = tpu.memref_squeeze %dma_wait3A_51 : memref<1x112x128xf32, #tpu.memory_space<hbm>> -> memref<112x128xf32, #tpu.memory_space<hbm>>
      %dma_wait3A_53 = arith.constant 0 : i32
      %dma_wait3A_54 = tpu.memref_slice %arg8[%add3A_35, %dma_wait3A_53] : memref<10240x128xf32, #tpu.memory_space<vmem_shared>> -> memref<112x128xf32, #tpu.memory_space<vmem_shared>>
      tpu.wait_dma2 semaphore(%run_scoped3A : memref<!tpu.dma_semaphore, #tpu.memory_space<semaphore_mem>>) src(%dma_wait3A_54 : memref<112x128xf32, #tpu.memory_space<vmem_shared>>) dst(%dma_wait3A_52 : memref<112x128xf32, #tpu.memory_space<hbm>>)
      tpu.yield
    }) : () -> ()
    %add3A_36 = arith.constant 112 : i32
    %add3A_37 = arith.addi %mul3A_2, %add3A_36 : i32
    "tpu.region"() ({
      %run_scoped3A = tpu.sem_alloc : memref<!tpu.dma_semaphore, #tpu.memory_space<semaphore_mem>>
      %dma_start3A = arith.constant 0 : i32
      %dma_start3A_46 = tpu.memref_slice %arg5[%arg0, %add3A_37, %dma_start3A] : memref<2x10240x128xf32, #tpu.memory_space<hbm>> -> memref<1x112x128xf32, #tpu.memory_space<hbm>>
      %dma_start3A_47 = tpu.memref_squeeze %dma_start3A_46 : memref<1x112x128xf32, #tpu.memory_space<hbm>> -> memref<112x128xf32, #tpu.memory_space<hbm>>
      %dma_start3A_48 = arith.constant 0 : i32
      %dma_start3A_49 = tpu.memref_slice %arg8[%add3A_37, %dma_start3A_48] : memref<10240x128xf32, #tpu.memory_space<vmem_shared>> -> memref<112x128xf32, #tpu.memory_space<vmem_shared>>
      tpu.enqueue_dma source(%dma_start3A_49 : memref<112x128xf32, #tpu.memory_space<vmem_shared>>) target(%dma_start3A_47 : memref<112x128xf32, #tpu.memory_space<hbm>>) target_semaphore(%run_scoped3A : memref<!tpu.dma_semaphore, #tpu.memory_space<semaphore_mem>>)
      %dma_wait3A_50 = arith.constant 0 : i32
      %dma_wait3A_51 = tpu.memref_slice %arg5[%arg0, %add3A_37, %dma_wait3A_50] : memref<2x10240x128xf32, #tpu.memory_space<hbm>> -> memref<1x112x128xf32, #tpu.memory_space<hbm>>
      %dma_wait3A_52 = tpu.memref_squeeze %dma_wait3A_51 : memref<1x112x128xf32, #tpu.memory_space<hbm>> -> memref<112x128xf32, #tpu.memory_space<hbm>>
      %dma_wait3A_53 = arith.constant 0 : i32
      %dma_wait3A_54 = tpu.memref_slice %arg8[%add3A_37, %dma_wait3A_53] : memref<10240x128xf32, #tpu.memory_space<vmem_shared>> -> memref<112x128xf32, #tpu.memory_space<vmem_shared>>
      tpu.wait_dma2 semaphore(%run_scoped3A : memref<!tpu.dma_semaphore, #tpu.memory_space<semaphore_mem>>) src(%dma_wait3A_54 : memref<112x128xf32, #tpu.memory_space<vmem_shared>>) dst(%dma_wait3A_52 : memref<112x128xf32, #tpu.memory_space<hbm>>)
      tpu.yield
    }) : () -> ()
    %add3A_38 = arith.constant 224 : i32
    %add3A_39 = arith.addi %mul3A_2, %add3A_38 : i32
    "tpu.region"() ({
      %run_scoped3A = tpu.sem_alloc : memref<!tpu.dma_semaphore, #tpu.memory_space<semaphore_mem>>
      %dma_start3A = arith.constant 0 : i32
      %dma_start3A_46 = tpu.memref_slice %arg5[%arg0, %add3A_39, %dma_start3A] : memref<2x10240x128xf32, #tpu.memory_space<hbm>> -> memref<1x112x128xf32, #tpu.memory_space<hbm>>
      %dma_start3A_47 = tpu.memref_squeeze %dma_start3A_46 : memref<1x112x128xf32, #tpu.memory_space<hbm>> -> memref<112x128xf32, #tpu.memory_space<hbm>>
      %dma_start3A_48 = arith.constant 0 : i32
      %dma_start3A_49 = tpu.memref_slice %arg8[%add3A_39, %dma_start3A_48] : memref<10240x128xf32, #tpu.memory_space<vmem_shared>> -> memref<112x128xf32, #tpu.memory_space<vmem_shared>>
      tpu.enqueue_dma source(%dma_start3A_49 : memref<112x128xf32, #tpu.memory_space<vmem_shared>>) target(%dma_start3A_47 : memref<112x128xf32, #tpu.memory_space<hbm>>) target_semaphore(%run_scoped3A : memref<!tpu.dma_semaphore, #tpu.memory_space<semaphore_mem>>)
      %dma_wait3A_50 = arith.constant 0 : i32
      %dma_wait3A_51 = tpu.memref_slice %arg5[%arg0, %add3A_39, %dma_wait3A_50] : memref<2x10240x128xf32, #tpu.memory_space<hbm>> -> memref<1x112x128xf32, #tpu.memory_space<hbm>>
      %dma_wait3A_52 = tpu.memref_squeeze %dma_wait3A_51 : memref<1x112x128xf32, #tpu.memory_space<hbm>> -> memref<112x128xf32, #tpu.memory_space<hbm>>
      %dma_wait3A_53 = arith.constant 0 : i32
      %dma_wait3A_54 = tpu.memref_slice %arg8[%add3A_39, %dma_wait3A_53] : memref<10240x128xf32, #tpu.memory_space<vmem_shared>> -> memref<112x128xf32, #tpu.memory_space<vmem_shared>>
      tpu.wait_dma2 semaphore(%run_scoped3A : memref<!tpu.dma_semaphore, #tpu.memory_space<semaphore_mem>>) src(%dma_wait3A_54 : memref<112x128xf32, #tpu.memory_space<vmem_shared>>) dst(%dma_wait3A_52 : memref<112x128xf32, #tpu.memory_space<hbm>>)
      tpu.yield
    }) : () -> ()
    %add3A_40 = arith.constant 336 : i32
    %add3A_41 = arith.addi %mul3A_2, %add3A_40 : i32
    "tpu.region"() ({
      %run_scoped3A = tpu.sem_alloc : memref<!tpu.dma_semaphore, #tpu.memory_space<semaphore_mem>>
      %dma_start3A = arith.constant 0 : i32
      %dma_start3A_46 = tpu.memref_slice %arg5[%arg0, %add3A_41, %dma_start3A] : memref<2x10240x128xf32, #tpu.memory_space<hbm>> -> memref<1x112x128xf32, #tpu.memory_space<hbm>>
      %dma_start3A_47 = tpu.memref_squeeze %dma_start3A_46 : memref<1x112x128xf32, #tpu.memory_space<hbm>> -> memref<112x128xf32, #tpu.memory_space<hbm>>
      %dma_start3A_48 = arith.constant 0 : i32
      %dma_start3A_49 = tpu.memref_slice %arg8[%add3A_41, %dma_start3A_48] : memref<10240x128xf32, #tpu.memory_space<vmem_shared>> -> memref<112x128xf32, #tpu.memory_space<vmem_shared>>
      tpu.enqueue_dma source(%dma_start3A_49 : memref<112x128xf32, #tpu.memory_space<vmem_shared>>) target(%dma_start3A_47 : memref<112x128xf32, #tpu.memory_space<hbm>>) target_semaphore(%run_scoped3A : memref<!tpu.dma_semaphore, #tpu.memory_space<semaphore_mem>>)
      %dma_wait3A_50 = arith.constant 0 : i32
      %dma_wait3A_51 = tpu.memref_slice %arg5[%arg0, %add3A_41, %dma_wait3A_50] : memref<2x10240x128xf32, #tpu.memory_space<hbm>> -> memref<1x112x128xf32, #tpu.memory_space<hbm>>
      %dma_wait3A_52 = tpu.memref_squeeze %dma_wait3A_51 : memref<1x112x128xf32, #tpu.memory_space<hbm>> -> memref<112x128xf32, #tpu.memory_space<hbm>>
      %dma_wait3A_53 = arith.constant 0 : i32
      %dma_wait3A_54 = tpu.memref_slice %arg8[%add3A_41, %dma_wait3A_53] : memref<10240x128xf32, #tpu.memory_space<vmem_shared>> -> memref<112x128xf32, #tpu.memory_space<vmem_shared>>
      tpu.wait_dma2 semaphore(%run_scoped3A : memref<!tpu.dma_semaphore, #tpu.memory_space<semaphore_mem>>) src(%dma_wait3A_54 : memref<112x128xf32, #tpu.memory_space<vmem_shared>>) dst(%dma_wait3A_52 : memref<112x128xf32, #tpu.memory_space<hbm>>)
      tpu.yield
    }) : () -> ()
    %add3A_42 = arith.constant 448 : i32
    %add3A_43 = arith.addi %mul3A_2, %add3A_42 : i32
    "tpu.region"() ({
      %run_scoped3A = tpu.sem_alloc : memref<!tpu.dma_semaphore, #tpu.memory_space<semaphore_mem>>
      %dma_start3A = arith.constant 0 : i32
      %dma_start3A_46 = tpu.memref_slice %arg5[%arg0, %add3A_43, %dma_start3A] : memref<2x10240x128xf32, #tpu.memory_space<hbm>> -> memref<1x112x128xf32, #tpu.memory_space<hbm>>
      %dma_start3A_47 = tpu.memref_squeeze %dma_start3A_46 : memref<1x112x128xf32, #tpu.memory_space<hbm>> -> memref<112x128xf32, #tpu.memory_space<hbm>>
      %dma_start3A_48 = arith.constant 0 : i32
      %dma_start3A_49 = tpu.memref_slice %arg8[%add3A_43, %dma_start3A_48] : memref<10240x128xf32, #tpu.memory_space<vmem_shared>> -> memref<112x128xf32, #tpu.memory_space<vmem_shared>>
      tpu.enqueue_dma source(%dma_start3A_49 : memref<112x128xf32, #tpu.memory_space<vmem_shared>>) target(%dma_start3A_47 : memref<112x128xf32, #tpu.memory_space<hbm>>) target_semaphore(%run_scoped3A : memref<!tpu.dma_semaphore, #tpu.memory_space<semaphore_mem>>)
      %dma_wait3A_50 = arith.constant 0 : i32
      %dma_wait3A_51 = tpu.memref_slice %arg5[%arg0, %add3A_43, %dma_wait3A_50] : memref<2x10240x128xf32, #tpu.memory_space<hbm>> -> memref<1x112x128xf32, #tpu.memory_space<hbm>>
      %dma_wait3A_52 = tpu.memref_squeeze %dma_wait3A_51 : memref<1x112x128xf32, #tpu.memory_space<hbm>> -> memref<112x128xf32, #tpu.memory_space<hbm>>
      %dma_wait3A_53 = arith.constant 0 : i32
      %dma_wait3A_54 = tpu.memref_slice %arg8[%add3A_43, %dma_wait3A_53] : memref<10240x128xf32, #tpu.memory_space<vmem_shared>> -> memref<112x128xf32, #tpu.memory_space<vmem_shared>>
      tpu.wait_dma2 semaphore(%run_scoped3A : memref<!tpu.dma_semaphore, #tpu.memory_space<semaphore_mem>>) src(%dma_wait3A_54 : memref<112x128xf32, #tpu.memory_space<vmem_shared>>) dst(%dma_wait3A_52 : memref<112x128xf32, #tpu.memory_space<hbm>>)
      tpu.yield
    }) : () -> ()
    %add3A_44 = arith.constant 560 : i32
    %add3A_45 = arith.addi %mul3A_2, %add3A_44 : i32
    "tpu.region"() ({
      %run_scoped3A = tpu.sem_alloc : memref<!tpu.dma_semaphore, #tpu.memory_space<semaphore_mem>>
      %dma_start3A = arith.constant 0 : i32
      %dma_start3A_46 = tpu.memref_slice %arg5[%arg0, %add3A_45, %dma_start3A] : memref<2x10240x128xf32, #tpu.memory_space<hbm>> -> memref<1x80x128xf32, #tpu.memory_space<hbm>>
      %dma_start3A_47 = tpu.memref_squeeze %dma_start3A_46 : memref<1x80x128xf32, #tpu.memory_space<hbm>> -> memref<80x128xf32, #tpu.memory_space<hbm>>
      %dma_start3A_48 = arith.constant 0 : i32
      %dma_start3A_49 = tpu.memref_slice %arg8[%add3A_45, %dma_start3A_48] : memref<10240x128xf32, #tpu.memory_space<vmem_shared>> -> memref<80x128xf32, #tpu.memory_space<vmem_shared>>
      tpu.enqueue_dma source(%dma_start3A_49 : memref<80x128xf32, #tpu.memory_space<vmem_shared>>) target(%dma_start3A_47 : memref<80x128xf32, #tpu.memory_space<hbm>>) target_semaphore(%run_scoped3A : memref<!tpu.dma_semaphore, #tpu.memory_space<semaphore_mem>>)
      %dma_wait3A_50 = arith.constant 0 : i32
      %dma_wait3A_51 = tpu.memref_slice %arg5[%arg0, %add3A_45, %dma_wait3A_50] : memref<2x10240x128xf32, #tpu.memory_space<hbm>> -> memref<1x80x128xf32, #tpu.memory_space<hbm>>
      %dma_wait3A_52 = tpu.memref_squeeze %dma_wait3A_51 : memref<1x80x128xf32, #tpu.memory_space<hbm>> -> memref<80x128xf32, #tpu.memory_space<hbm>>
      %dma_wait3A_53 = arith.constant 0 : i32
      %dma_wait3A_54 = tpu.memref_slice %arg8[%add3A_45, %dma_wait3A_53] : memref<10240x128xf32, #tpu.memory_space<vmem_shared>> -> memref<80x128xf32, #tpu.memory_space<vmem_shared>>
      tpu.wait_dma2 semaphore(%run_scoped3A : memref<!tpu.dma_semaphore, #tpu.memory_space<semaphore_mem>>) src(%dma_wait3A_54 : memref<80x128xf32, #tpu.memory_space<vmem_shared>>) dst(%dma_wait3A_52 : memref<80x128xf32, #tpu.memory_space<hbm>>)
      tpu.yield
    }) : () -> ()
    return
  }
}

#map = affine_map<(d0, d1) -> (0, 0)>
#map1 = affine_map<(d0, d1) -> (0, 0, 0, 0)>
#map2 = affine_map<(d0, d1) -> (0, 0, 0)>
module attributes {stable_mosaic.version = 14 : i64} {
  func.func @_scatter_body(%arg0: i32, %arg1: i32, %arg2: memref<10240x128xf32, #tpu.memory_space<hbm>>, %arg3: memref<32x15x6x112xi32, #tpu.memory_space<hbm>>, %arg4: memref<32x15x6x112xi32, #tpu.memory_space<hbm>>, %arg5: memref<112x128xf32, #tpu.memory_space<hbm>>, %arg6: memref<2x10240x128xf32, #tpu.memory_space<hbm>>, %arg7: memref<2x6x112xi32, #tpu.memory_space<vmem>>, %arg8: memref<2x6x112xi32, #tpu.memory_space<vmem>>, %arg9: memref<112x128xf32, #tpu.memory_space<vmem>>, %arg10: memref<112x128xf32, #tpu.memory_space<vmem>>, %arg11: memref<112x128xf32, #tpu.memory_space<vmem>>, %arg12: memref<10240x128xf32, #tpu.memory_space<vmem_shared>>, %arg13: memref<!tpu.dma_semaphore, #tpu.memory_space<semaphore_mem>>, %arg14: memref<!tpu.dma_semaphore, #tpu.memory_space<semaphore_mem>>, %arg15: memref<!tpu.dma_semaphore, #tpu.memory_space<semaphore_mem>>, %arg16: memref<!tpu.dma_semaphore, #tpu.memory_space<semaphore_mem>>, %arg17: memref<!tpu.dma_semaphore, #tpu.memory_space<semaphore_mem>>, %arg18: memref<!tpu.dma_semaphore, #tpu.memory_space<semaphore_mem>>, %arg19: memref<!tpu.dma_semaphore, #tpu.memory_space<semaphore_mem>>) attributes {dimension_semantics = [#tpu.dimension_semantics<core_parallel>, #tpu.dimension_semantics<subcore_parallel>], iteration_bounds = array<i64: 2, 16>, scalar_prefetch = 0 : i64, scratch_operands = 13 : i64, tpu.core_type = #tpu.core_type<sc_vector_subcore>, window_params = [{transform_indices = #map}, {transform_indices = #map1}, {transform_indices = #map1}, {transform_indices = #map}, {transform_indices = #map2}]} {
    %mul3A = arith.constant 16 : i32
    %mul3A_0 = arith.muli %arg0, %mul3A : i32
    %add3A = arith.addi %mul3A_0, %arg1 : i32
    "tpu.region"() ({
      %run_scoped3A_94 = tpu.sem_alloc : memref<!tpu.dma_semaphore, #tpu.memory_space<semaphore_mem>>
      tpu.enqueue_dma source(%arg5 : memref<112x128xf32, #tpu.memory_space<hbm>>) target(%arg9 : memref<112x128xf32, #tpu.memory_space<vmem>>) target_semaphore(%run_scoped3A_94 : memref<!tpu.dma_semaphore, #tpu.memory_space<semaphore_mem>>)
      tpu.wait_dma2 semaphore(%run_scoped3A_94 : memref<!tpu.dma_semaphore, #tpu.memory_space<semaphore_mem>>) src(%arg5 : memref<112x128xf32, #tpu.memory_space<hbm>>) dst(%arg9 : memref<112x128xf32, #tpu.memory_space<vmem>>)
      tpu.yield
    }) : () -> ()
    %mul3A_1 = arith.constant 640 : i32
    %mul3A_2 = arith.muli %arg1, %mul3A_1 : i32
    %add3A_3 = arith.constant 0 : i32
    %add3A_4 = arith.addi %mul3A_2, %add3A_3 : i32
    "tpu.region"() ({
      %run_scoped3A_94 = tpu.sem_alloc : memref<!tpu.dma_semaphore, #tpu.memory_space<semaphore_mem>>
      %dma_start3A_95 = arith.constant 0 : i32
      %dma_start3A_96 = arith.constant 0 : i32
      %dma_start3A_97 = tpu.memref_slice %arg9[%dma_start3A_95, %dma_start3A_96] : memref<112x128xf32, #tpu.memory_space<vmem>> -> memref<112x128xf32, #tpu.memory_space<vmem>>
      %dma_start3A_98 = arith.constant 0 : i32
      %dma_start3A_99 = tpu.memref_slice %arg12[%add3A_4, %dma_start3A_98] : memref<10240x128xf32, #tpu.memory_space<vmem_shared>> -> memref<112x128xf32, #tpu.memory_space<vmem_shared>>
      %dma_start3A_100 = arith.constant 0 : i32
      %dma_start3A_101 = tpu.memref_slice %arg12[%add3A_4, %dma_start3A_100] : memref<10240x128xf32, #tpu.memory_space<vmem_shared>> -> memref<112x128xf32, #tpu.memory_space<vmem_shared>>
      %dma_start3A_102 = arith.constant 0 : i32
      %dma_start3A_103 = arith.constant 0 : i32
      %dma_start3A_104 = tpu.memref_slice %arg9[%dma_start3A_102, %dma_start3A_103] : memref<112x128xf32, #tpu.memory_space<vmem>> -> memref<112x128xf32, #tpu.memory_space<vmem>>
      tpu.enqueue_dma source(%dma_start3A_104 : memref<112x128xf32, #tpu.memory_space<vmem>>) target(%dma_start3A_101 : memref<112x128xf32, #tpu.memory_space<vmem_shared>>) target_semaphore(%run_scoped3A_94 : memref<!tpu.dma_semaphore, #tpu.memory_space<semaphore_mem>>)
      %dma_wait3A_105 = arith.constant 0 : i32
      %dma_wait3A_106 = arith.constant 0 : i32
      %dma_wait3A_107 = tpu.memref_slice %arg9[%dma_wait3A_105, %dma_wait3A_106] : memref<112x128xf32, #tpu.memory_space<vmem>> -> memref<112x128xf32, #tpu.memory_space<vmem>>
      %dma_wait3A_108 = arith.constant 0 : i32
      %dma_wait3A_109 = tpu.memref_slice %arg12[%add3A_4, %dma_wait3A_108] : memref<10240x128xf32, #tpu.memory_space<vmem_shared>> -> memref<112x128xf32, #tpu.memory_space<vmem_shared>>
      %dma_wait3A_110 = arith.constant 0 : i32
      %dma_wait3A_111 = tpu.memref_slice %arg12[%add3A_4, %dma_wait3A_110] : memref<10240x128xf32, #tpu.memory_space<vmem_shared>> -> memref<112x128xf32, #tpu.memory_space<vmem_shared>>
      %dma_wait3A_112 = arith.constant 0 : i32
      %dma_wait3A_113 = arith.constant 0 : i32
      %dma_wait3A_114 = tpu.memref_slice %arg9[%dma_wait3A_112, %dma_wait3A_113] : memref<112x128xf32, #tpu.memory_space<vmem>> -> memref<112x128xf32, #tpu.memory_space<vmem>>
      tpu.wait_dma2 semaphore(%run_scoped3A_94 : memref<!tpu.dma_semaphore, #tpu.memory_space<semaphore_mem>>) src(%dma_wait3A_114 : memref<112x128xf32, #tpu.memory_space<vmem>>) dst(%dma_wait3A_111 : memref<112x128xf32, #tpu.memory_space<vmem_shared>>)
      tpu.yield
    }) : () -> ()
    %add3A_5 = arith.constant 112 : i32
    %add3A_6 = arith.addi %mul3A_2, %add3A_5 : i32
    "tpu.region"() ({
      %run_scoped3A_94 = tpu.sem_alloc : memref<!tpu.dma_semaphore, #tpu.memory_space<semaphore_mem>>
      %dma_start3A_95 = arith.constant 0 : i32
      %dma_start3A_96 = arith.constant 0 : i32
      %dma_start3A_97 = tpu.memref_slice %arg9[%dma_start3A_95, %dma_start3A_96] : memref<112x128xf32, #tpu.memory_space<vmem>> -> memref<112x128xf32, #tpu.memory_space<vmem>>
      %dma_start3A_98 = arith.constant 0 : i32
      %dma_start3A_99 = tpu.memref_slice %arg12[%add3A_6, %dma_start3A_98] : memref<10240x128xf32, #tpu.memory_space<vmem_shared>> -> memref<112x128xf32, #tpu.memory_space<vmem_shared>>
      %dma_start3A_100 = arith.constant 0 : i32
      %dma_start3A_101 = tpu.memref_slice %arg12[%add3A_6, %dma_start3A_100] : memref<10240x128xf32, #tpu.memory_space<vmem_shared>> -> memref<112x128xf32, #tpu.memory_space<vmem_shared>>
      %dma_start3A_102 = arith.constant 0 : i32
      %dma_start3A_103 = arith.constant 0 : i32
      %dma_start3A_104 = tpu.memref_slice %arg9[%dma_start3A_102, %dma_start3A_103] : memref<112x128xf32, #tpu.memory_space<vmem>> -> memref<112x128xf32, #tpu.memory_space<vmem>>
      tpu.enqueue_dma source(%dma_start3A_104 : memref<112x128xf32, #tpu.memory_space<vmem>>) target(%dma_start3A_101 : memref<112x128xf32, #tpu.memory_space<vmem_shared>>) target_semaphore(%run_scoped3A_94 : memref<!tpu.dma_semaphore, #tpu.memory_space<semaphore_mem>>)
      %dma_wait3A_105 = arith.constant 0 : i32
      %dma_wait3A_106 = arith.constant 0 : i32
      %dma_wait3A_107 = tpu.memref_slice %arg9[%dma_wait3A_105, %dma_wait3A_106] : memref<112x128xf32, #tpu.memory_space<vmem>> -> memref<112x128xf32, #tpu.memory_space<vmem>>
      %dma_wait3A_108 = arith.constant 0 : i32
      %dma_wait3A_109 = tpu.memref_slice %arg12[%add3A_6, %dma_wait3A_108] : memref<10240x128xf32, #tpu.memory_space<vmem_shared>> -> memref<112x128xf32, #tpu.memory_space<vmem_shared>>
      %dma_wait3A_110 = arith.constant 0 : i32
      %dma_wait3A_111 = tpu.memref_slice %arg12[%add3A_6, %dma_wait3A_110] : memref<10240x128xf32, #tpu.memory_space<vmem_shared>> -> memref<112x128xf32, #tpu.memory_space<vmem_shared>>
      %dma_wait3A_112 = arith.constant 0 : i32
      %dma_wait3A_113 = arith.constant 0 : i32
      %dma_wait3A_114 = tpu.memref_slice %arg9[%dma_wait3A_112, %dma_wait3A_113] : memref<112x128xf32, #tpu.memory_space<vmem>> -> memref<112x128xf32, #tpu.memory_space<vmem>>
      tpu.wait_dma2 semaphore(%run_scoped3A_94 : memref<!tpu.dma_semaphore, #tpu.memory_space<semaphore_mem>>) src(%dma_wait3A_114 : memref<112x128xf32, #tpu.memory_space<vmem>>) dst(%dma_wait3A_111 : memref<112x128xf32, #tpu.memory_space<vmem_shared>>)
      tpu.yield
    }) : () -> ()
    %add3A_7 = arith.constant 224 : i32
    %add3A_8 = arith.addi %mul3A_2, %add3A_7 : i32
    "tpu.region"() ({
      %run_scoped3A_94 = tpu.sem_alloc : memref<!tpu.dma_semaphore, #tpu.memory_space<semaphore_mem>>
      %dma_start3A_95 = arith.constant 0 : i32
      %dma_start3A_96 = arith.constant 0 : i32
      %dma_start3A_97 = tpu.memref_slice %arg9[%dma_start3A_95, %dma_start3A_96] : memref<112x128xf32, #tpu.memory_space<vmem>> -> memref<112x128xf32, #tpu.memory_space<vmem>>
      %dma_start3A_98 = arith.constant 0 : i32
      %dma_start3A_99 = tpu.memref_slice %arg12[%add3A_8, %dma_start3A_98] : memref<10240x128xf32, #tpu.memory_space<vmem_shared>> -> memref<112x128xf32, #tpu.memory_space<vmem_shared>>
      %dma_start3A_100 = arith.constant 0 : i32
      %dma_start3A_101 = tpu.memref_slice %arg12[%add3A_8, %dma_start3A_100] : memref<10240x128xf32, #tpu.memory_space<vmem_shared>> -> memref<112x128xf32, #tpu.memory_space<vmem_shared>>
      %dma_start3A_102 = arith.constant 0 : i32
      %dma_start3A_103 = arith.constant 0 : i32
      %dma_start3A_104 = tpu.memref_slice %arg9[%dma_start3A_102, %dma_start3A_103] : memref<112x128xf32, #tpu.memory_space<vmem>> -> memref<112x128xf32, #tpu.memory_space<vmem>>
      tpu.enqueue_dma source(%dma_start3A_104 : memref<112x128xf32, #tpu.memory_space<vmem>>) target(%dma_start3A_101 : memref<112x128xf32, #tpu.memory_space<vmem_shared>>) target_semaphore(%run_scoped3A_94 : memref<!tpu.dma_semaphore, #tpu.memory_space<semaphore_mem>>)
      %dma_wait3A_105 = arith.constant 0 : i32
      %dma_wait3A_106 = arith.constant 0 : i32
      %dma_wait3A_107 = tpu.memref_slice %arg9[%dma_wait3A_105, %dma_wait3A_106] : memref<112x128xf32, #tpu.memory_space<vmem>> -> memref<112x128xf32, #tpu.memory_space<vmem>>
      %dma_wait3A_108 = arith.constant 0 : i32
      %dma_wait3A_109 = tpu.memref_slice %arg12[%add3A_8, %dma_wait3A_108] : memref<10240x128xf32, #tpu.memory_space<vmem_shared>> -> memref<112x128xf32, #tpu.memory_space<vmem_shared>>
      %dma_wait3A_110 = arith.constant 0 : i32
      %dma_wait3A_111 = tpu.memref_slice %arg12[%add3A_8, %dma_wait3A_110] : memref<10240x128xf32, #tpu.memory_space<vmem_shared>> -> memref<112x128xf32, #tpu.memory_space<vmem_shared>>
      %dma_wait3A_112 = arith.constant 0 : i32
      %dma_wait3A_113 = arith.constant 0 : i32
      %dma_wait3A_114 = tpu.memref_slice %arg9[%dma_wait3A_112, %dma_wait3A_113] : memref<112x128xf32, #tpu.memory_space<vmem>> -> memref<112x128xf32, #tpu.memory_space<vmem>>
      tpu.wait_dma2 semaphore(%run_scoped3A_94 : memref<!tpu.dma_semaphore, #tpu.memory_space<semaphore_mem>>) src(%dma_wait3A_114 : memref<112x128xf32, #tpu.memory_space<vmem>>) dst(%dma_wait3A_111 : memref<112x128xf32, #tpu.memory_space<vmem_shared>>)
      tpu.yield
    }) : () -> ()
    %add3A_9 = arith.constant 336 : i32
    %add3A_10 = arith.addi %mul3A_2, %add3A_9 : i32
    "tpu.region"() ({
      %run_scoped3A_94 = tpu.sem_alloc : memref<!tpu.dma_semaphore, #tpu.memory_space<semaphore_mem>>
      %dma_start3A_95 = arith.constant 0 : i32
      %dma_start3A_96 = arith.constant 0 : i32
      %dma_start3A_97 = tpu.memref_slice %arg9[%dma_start3A_95, %dma_start3A_96] : memref<112x128xf32, #tpu.memory_space<vmem>> -> memref<112x128xf32, #tpu.memory_space<vmem>>
      %dma_start3A_98 = arith.constant 0 : i32
      %dma_start3A_99 = tpu.memref_slice %arg12[%add3A_10, %dma_start3A_98] : memref<10240x128xf32, #tpu.memory_space<vmem_shared>> -> memref<112x128xf32, #tpu.memory_space<vmem_shared>>
      %dma_start3A_100 = arith.constant 0 : i32
      %dma_start3A_101 = tpu.memref_slice %arg12[%add3A_10, %dma_start3A_100] : memref<10240x128xf32, #tpu.memory_space<vmem_shared>> -> memref<112x128xf32, #tpu.memory_space<vmem_shared>>
      %dma_start3A_102 = arith.constant 0 : i32
      %dma_start3A_103 = arith.constant 0 : i32
      %dma_start3A_104 = tpu.memref_slice %arg9[%dma_start3A_102, %dma_start3A_103] : memref<112x128xf32, #tpu.memory_space<vmem>> -> memref<112x128xf32, #tpu.memory_space<vmem>>
      tpu.enqueue_dma source(%dma_start3A_104 : memref<112x128xf32, #tpu.memory_space<vmem>>) target(%dma_start3A_101 : memref<112x128xf32, #tpu.memory_space<vmem_shared>>) target_semaphore(%run_scoped3A_94 : memref<!tpu.dma_semaphore, #tpu.memory_space<semaphore_mem>>)
      %dma_wait3A_105 = arith.constant 0 : i32
      %dma_wait3A_106 = arith.constant 0 : i32
      %dma_wait3A_107 = tpu.memref_slice %arg9[%dma_wait3A_105, %dma_wait3A_106] : memref<112x128xf32, #tpu.memory_space<vmem>> -> memref<112x128xf32, #tpu.memory_space<vmem>>
      %dma_wait3A_108 = arith.constant 0 : i32
      %dma_wait3A_109 = tpu.memref_slice %arg12[%add3A_10, %dma_wait3A_108] : memref<10240x128xf32, #tpu.memory_space<vmem_shared>> -> memref<112x128xf32, #tpu.memory_space<vmem_shared>>
      %dma_wait3A_110 = arith.constant 0 : i32
      %dma_wait3A_111 = tpu.memref_slice %arg12[%add3A_10, %dma_wait3A_110] : memref<10240x128xf32, #tpu.memory_space<vmem_shared>> -> memref<112x128xf32, #tpu.memory_space<vmem_shared>>
      %dma_wait3A_112 = arith.constant 0 : i32
      %dma_wait3A_113 = arith.constant 0 : i32
      %dma_wait3A_114 = tpu.memref_slice %arg9[%dma_wait3A_112, %dma_wait3A_113] : memref<112x128xf32, #tpu.memory_space<vmem>> -> memref<112x128xf32, #tpu.memory_space<vmem>>
      tpu.wait_dma2 semaphore(%run_scoped3A_94 : memref<!tpu.dma_semaphore, #tpu.memory_space<semaphore_mem>>) src(%dma_wait3A_114 : memref<112x128xf32, #tpu.memory_space<vmem>>) dst(%dma_wait3A_111 : memref<112x128xf32, #tpu.memory_space<vmem_shared>>)
      tpu.yield
    }) : () -> ()
    %add3A_11 = arith.constant 448 : i32
    %add3A_12 = arith.addi %mul3A_2, %add3A_11 : i32
    "tpu.region"() ({
      %run_scoped3A_94 = tpu.sem_alloc : memref<!tpu.dma_semaphore, #tpu.memory_space<semaphore_mem>>
      %dma_start3A_95 = arith.constant 0 : i32
      %dma_start3A_96 = arith.constant 0 : i32
      %dma_start3A_97 = tpu.memref_slice %arg9[%dma_start3A_95, %dma_start3A_96] : memref<112x128xf32, #tpu.memory_space<vmem>> -> memref<112x128xf32, #tpu.memory_space<vmem>>
      %dma_start3A_98 = arith.constant 0 : i32
      %dma_start3A_99 = tpu.memref_slice %arg12[%add3A_12, %dma_start3A_98] : memref<10240x128xf32, #tpu.memory_space<vmem_shared>> -> memref<112x128xf32, #tpu.memory_space<vmem_shared>>
      %dma_start3A_100 = arith.constant 0 : i32
      %dma_start3A_101 = tpu.memref_slice %arg12[%add3A_12, %dma_start3A_100] : memref<10240x128xf32, #tpu.memory_space<vmem_shared>> -> memref<112x128xf32, #tpu.memory_space<vmem_shared>>
      %dma_start3A_102 = arith.constant 0 : i32
      %dma_start3A_103 = arith.constant 0 : i32
      %dma_start3A_104 = tpu.memref_slice %arg9[%dma_start3A_102, %dma_start3A_103] : memref<112x128xf32, #tpu.memory_space<vmem>> -> memref<112x128xf32, #tpu.memory_space<vmem>>
      tpu.enqueue_dma source(%dma_start3A_104 : memref<112x128xf32, #tpu.memory_space<vmem>>) target(%dma_start3A_101 : memref<112x128xf32, #tpu.memory_space<vmem_shared>>) target_semaphore(%run_scoped3A_94 : memref<!tpu.dma_semaphore, #tpu.memory_space<semaphore_mem>>)
      %dma_wait3A_105 = arith.constant 0 : i32
      %dma_wait3A_106 = arith.constant 0 : i32
      %dma_wait3A_107 = tpu.memref_slice %arg9[%dma_wait3A_105, %dma_wait3A_106] : memref<112x128xf32, #tpu.memory_space<vmem>> -> memref<112x128xf32, #tpu.memory_space<vmem>>
      %dma_wait3A_108 = arith.constant 0 : i32
      %dma_wait3A_109 = tpu.memref_slice %arg12[%add3A_12, %dma_wait3A_108] : memref<10240x128xf32, #tpu.memory_space<vmem_shared>> -> memref<112x128xf32, #tpu.memory_space<vmem_shared>>
      %dma_wait3A_110 = arith.constant 0 : i32
      %dma_wait3A_111 = tpu.memref_slice %arg12[%add3A_12, %dma_wait3A_110] : memref<10240x128xf32, #tpu.memory_space<vmem_shared>> -> memref<112x128xf32, #tpu.memory_space<vmem_shared>>
      %dma_wait3A_112 = arith.constant 0 : i32
      %dma_wait3A_113 = arith.constant 0 : i32
      %dma_wait3A_114 = tpu.memref_slice %arg9[%dma_wait3A_112, %dma_wait3A_113] : memref<112x128xf32, #tpu.memory_space<vmem>> -> memref<112x128xf32, #tpu.memory_space<vmem>>
      tpu.wait_dma2 semaphore(%run_scoped3A_94 : memref<!tpu.dma_semaphore, #tpu.memory_space<semaphore_mem>>) src(%dma_wait3A_114 : memref<112x128xf32, #tpu.memory_space<vmem>>) dst(%dma_wait3A_111 : memref<112x128xf32, #tpu.memory_space<vmem_shared>>)
      tpu.yield
    }) : () -> ()
    %add3A_13 = arith.constant 560 : i32
    %add3A_14 = arith.addi %mul3A_2, %add3A_13 : i32
    "tpu.region"() ({
      %run_scoped3A_94 = tpu.sem_alloc : memref<!tpu.dma_semaphore, #tpu.memory_space<semaphore_mem>>
      %dma_start3A_95 = arith.constant 0 : i32
      %dma_start3A_96 = arith.constant 0 : i32
      %dma_start3A_97 = tpu.memref_slice %arg9[%dma_start3A_95, %dma_start3A_96] : memref<112x128xf32, #tpu.memory_space<vmem>> -> memref<80x128xf32, #tpu.memory_space<vmem>>
      %dma_start3A_98 = arith.constant 0 : i32
      %dma_start3A_99 = tpu.memref_slice %arg12[%add3A_14, %dma_start3A_98] : memref<10240x128xf32, #tpu.memory_space<vmem_shared>> -> memref<80x128xf32, #tpu.memory_space<vmem_shared>>
      %dma_start3A_100 = arith.constant 0 : i32
      %dma_start3A_101 = tpu.memref_slice %arg12[%add3A_14, %dma_start3A_100] : memref<10240x128xf32, #tpu.memory_space<vmem_shared>> -> memref<80x128xf32, #tpu.memory_space<vmem_shared>>
      %dma_start3A_102 = arith.constant 0 : i32
      %dma_start3A_103 = arith.constant 0 : i32
      %dma_start3A_104 = tpu.memref_slice %arg9[%dma_start3A_102, %dma_start3A_103] : memref<112x128xf32, #tpu.memory_space<vmem>> -> memref<80x128xf32, #tpu.memory_space<vmem>>
      tpu.enqueue_dma source(%dma_start3A_104 : memref<80x128xf32, #tpu.memory_space<vmem>>) target(%dma_start3A_101 : memref<80x128xf32, #tpu.memory_space<vmem_shared>>) target_semaphore(%run_scoped3A_94 : memref<!tpu.dma_semaphore, #tpu.memory_space<semaphore_mem>>)
      %dma_wait3A_105 = arith.constant 0 : i32
      %dma_wait3A_106 = arith.constant 0 : i32
      %dma_wait3A_107 = tpu.memref_slice %arg9[%dma_wait3A_105, %dma_wait3A_106] : memref<112x128xf32, #tpu.memory_space<vmem>> -> memref<80x128xf32, #tpu.memory_space<vmem>>
      %dma_wait3A_108 = arith.constant 0 : i32
      %dma_wait3A_109 = tpu.memref_slice %arg12[%add3A_14, %dma_wait3A_108] : memref<10240x128xf32, #tpu.memory_space<vmem_shared>> -> memref<80x128xf32, #tpu.memory_space<vmem_shared>>
      %dma_wait3A_110 = arith.constant 0 : i32
      %dma_wait3A_111 = tpu.memref_slice %arg12[%add3A_14, %dma_wait3A_110] : memref<10240x128xf32, #tpu.memory_space<vmem_shared>> -> memref<80x128xf32, #tpu.memory_space<vmem_shared>>
      %dma_wait3A_112 = arith.constant 0 : i32
      %dma_wait3A_113 = arith.constant 0 : i32
      %dma_wait3A_114 = tpu.memref_slice %arg9[%dma_wait3A_112, %dma_wait3A_113] : memref<112x128xf32, #tpu.memory_space<vmem>> -> memref<80x128xf32, #tpu.memory_space<vmem>>
      tpu.wait_dma2 semaphore(%run_scoped3A_94 : memref<!tpu.dma_semaphore, #tpu.memory_space<semaphore_mem>>) src(%dma_wait3A_114 : memref<80x128xf32, #tpu.memory_space<vmem>>) dst(%dma_wait3A_111 : memref<80x128xf32, #tpu.memory_space<vmem_shared>>)
      tpu.yield
    }) : () -> ()
    %run_scoped3A = arith.constant 0 : i32
    %run_scoped3A_15 = arith.constant 0 : i32
    "tpu.region"() ({
      %run_scoped3A_94 = tpu.sem_alloc : memref<!tpu.dma_semaphore, #tpu.memory_space<semaphore_mem>>
      %dma_start3A_95 = arith.constant 0 : i32
      %dma_start3A_96 = arith.constant 0 : i32
      %dma_start3A_97 = tpu.memref_slice %arg7[%run_scoped3A_15, %dma_start3A_95, %dma_start3A_96] : memref<2x6x112xi32, #tpu.memory_space<vmem>> -> memref<1x6x112xi32, #tpu.memory_space<vmem>>
      %dma_start3A_98 = tpu.memref_squeeze %dma_start3A_97 : memref<1x6x112xi32, #tpu.memory_space<vmem>> -> memref<6x112xi32, #tpu.memory_space<vmem>>
      %dma_start3A_99 = arith.constant 0 : i32
      %dma_start3A_100 = arith.constant 0 : i32
      %dma_start3A_101 = tpu.memref_slice %arg3[%add3A, %run_scoped3A, %dma_start3A_99, %dma_start3A_100] : memref<32x15x6x112xi32, #tpu.memory_space<hbm>> -> memref<1x1x6x112xi32, #tpu.memory_space<hbm>>
      %dma_start3A_102 = tpu.memref_squeeze %dma_start3A_101 : memref<1x1x6x112xi32, #tpu.memory_space<hbm>> -> memref<6x112xi32, #tpu.memory_space<hbm>>
      %dma_start3A_103 = arith.constant 0 : i32
      %dma_start3A_104 = arith.constant 0 : i32
      %dma_start3A_105 = tpu.memref_slice %arg7[%run_scoped3A_15, %dma_start3A_103, %dma_start3A_104] : memref<2x6x112xi32, #tpu.memory_space<vmem>> -> memref<1x6x112xi32, #tpu.memory_space<vmem>>
      %dma_start3A_106 = tpu.memref_squeeze %dma_start3A_105 : memref<1x6x112xi32, #tpu.memory_space<vmem>> -> memref<6x112xi32, #tpu.memory_space<vmem>>
      %dma_start3A_107 = arith.constant 0 : i32
      %dma_start3A_108 = arith.constant 0 : i32
      %dma_start3A_109 = tpu.memref_slice %arg3[%add3A, %run_scoped3A, %dma_start3A_107, %dma_start3A_108] : memref<32x15x6x112xi32, #tpu.memory_space<hbm>> -> memref<1x1x6x112xi32, #tpu.memory_space<hbm>>
      %dma_start3A_110 = tpu.memref_squeeze %dma_start3A_109 : memref<1x1x6x112xi32, #tpu.memory_space<hbm>> -> memref<6x112xi32, #tpu.memory_space<hbm>>
      tpu.enqueue_dma source(%dma_start3A_110 : memref<6x112xi32, #tpu.memory_space<hbm>>) target(%dma_start3A_106 : memref<6x112xi32, #tpu.memory_space<vmem>>) target_semaphore(%run_scoped3A_94 : memref<!tpu.dma_semaphore, #tpu.memory_space<semaphore_mem>>)
      %dma_wait3A_111 = arith.constant 0 : i32
      %dma_wait3A_112 = arith.constant 0 : i32
      %dma_wait3A_113 = tpu.memref_slice %arg7[%run_scoped3A_15, %dma_wait3A_111, %dma_wait3A_112] : memref<2x6x112xi32, #tpu.memory_space<vmem>> -> memref<1x6x112xi32, #tpu.memory_space<vmem>>
      %dma_wait3A_114 = tpu.memref_squeeze %dma_wait3A_113 : memref<1x6x112xi32, #tpu.memory_space<vmem>> -> memref<6x112xi32, #tpu.memory_space<vmem>>
      %dma_wait3A_115 = arith.constant 0 : i32
      %dma_wait3A_116 = arith.constant 0 : i32
      %dma_wait3A_117 = tpu.memref_slice %arg3[%add3A, %run_scoped3A, %dma_wait3A_115, %dma_wait3A_116] : memref<32x15x6x112xi32, #tpu.memory_space<hbm>> -> memref<1x1x6x112xi32, #tpu.memory_space<hbm>>
      %dma_wait3A_118 = tpu.memref_squeeze %dma_wait3A_117 : memref<1x1x6x112xi32, #tpu.memory_space<hbm>> -> memref<6x112xi32, #tpu.memory_space<hbm>>
      %dma_wait3A_119 = arith.constant 0 : i32
      %dma_wait3A_120 = arith.constant 0 : i32
      %dma_wait3A_121 = tpu.memref_slice %arg7[%run_scoped3A_15, %dma_wait3A_119, %dma_wait3A_120] : memref<2x6x112xi32, #tpu.memory_space<vmem>> -> memref<1x6x112xi32, #tpu.memory_space<vmem>>
      %dma_wait3A_122 = tpu.memref_squeeze %dma_wait3A_121 : memref<1x6x112xi32, #tpu.memory_space<vmem>> -> memref<6x112xi32, #tpu.memory_space<vmem>>
      %dma_wait3A_123 = arith.constant 0 : i32
      %dma_wait3A_124 = arith.constant 0 : i32
      %dma_wait3A_125 = tpu.memref_slice %arg3[%add3A, %run_scoped3A, %dma_wait3A_123, %dma_wait3A_124] : memref<32x15x6x112xi32, #tpu.memory_space<hbm>> -> memref<1x1x6x112xi32, #tpu.memory_space<hbm>>
      %dma_wait3A_126 = tpu.memref_squeeze %dma_wait3A_125 : memref<1x1x6x112xi32, #tpu.memory_space<hbm>> -> memref<6x112xi32, #tpu.memory_space<hbm>>
      tpu.wait_dma2 semaphore(%run_scoped3A_94 : memref<!tpu.dma_semaphore, #tpu.memory_space<semaphore_mem>>) src(%dma_wait3A_126 : memref<6x112xi32, #tpu.memory_space<hbm>>) dst(%dma_wait3A_122 : memref<6x112xi32, #tpu.memory_space<vmem>>)
      tpu.yield
    }) : () -> ()
    %run_scoped3A_16 = arith.constant 0 : i32
    %run_scoped3A_17 = arith.constant 0 : i32
    "tpu.region"() ({
      %run_scoped3A_94 = tpu.sem_alloc : memref<!tpu.dma_semaphore, #tpu.memory_space<semaphore_mem>>
      %dma_start3A_95 = arith.constant 0 : i32
      %dma_start3A_96 = arith.constant 0 : i32
      %dma_start3A_97 = tpu.memref_slice %arg8[%run_scoped3A_17, %dma_start3A_95, %dma_start3A_96] : memref<2x6x112xi32, #tpu.memory_space<vmem>> -> memref<1x6x112xi32, #tpu.memory_space<vmem>>
      %dma_start3A_98 = tpu.memref_squeeze %dma_start3A_97 : memref<1x6x112xi32, #tpu.memory_space<vmem>> -> memref<6x112xi32, #tpu.memory_space<vmem>>
      %dma_start3A_99 = arith.constant 0 : i32
      %dma_start3A_100 = arith.constant 0 : i32
      %dma_start3A_101 = tpu.memref_slice %arg4[%add3A, %run_scoped3A_16, %dma_start3A_99, %dma_start3A_100] : memref<32x15x6x112xi32, #tpu.memory_space<hbm>> -> memref<1x1x6x112xi32, #tpu.memory_space<hbm>>
      %dma_start3A_102 = tpu.memref_squeeze %dma_start3A_101 : memref<1x1x6x112xi32, #tpu.memory_space<hbm>> -> memref<6x112xi32, #tpu.memory_space<hbm>>
      %dma_start3A_103 = arith.constant 0 : i32
      %dma_start3A_104 = arith.constant 0 : i32
      %dma_start3A_105 = tpu.memref_slice %arg8[%run_scoped3A_17, %dma_start3A_103, %dma_start3A_104] : memref<2x6x112xi32, #tpu.memory_space<vmem>> -> memref<1x6x112xi32, #tpu.memory_space<vmem>>
      %dma_start3A_106 = tpu.memref_squeeze %dma_start3A_105 : memref<1x6x112xi32, #tpu.memory_space<vmem>> -> memref<6x112xi32, #tpu.memory_space<vmem>>
      %dma_start3A_107 = arith.constant 0 : i32
      %dma_start3A_108 = arith.constant 0 : i32
      %dma_start3A_109 = tpu.memref_slice %arg4[%add3A, %run_scoped3A_16, %dma_start3A_107, %dma_start3A_108] : memref<32x15x6x112xi32, #tpu.memory_space<hbm>> -> memref<1x1x6x112xi32, #tpu.memory_space<hbm>>
      %dma_start3A_110 = tpu.memref_squeeze %dma_start3A_109 : memref<1x1x6x112xi32, #tpu.memory_space<hbm>> -> memref<6x112xi32, #tpu.memory_space<hbm>>
      tpu.enqueue_dma source(%dma_start3A_110 : memref<6x112xi32, #tpu.memory_space<hbm>>) target(%dma_start3A_106 : memref<6x112xi32, #tpu.memory_space<vmem>>) target_semaphore(%run_scoped3A_94 : memref<!tpu.dma_semaphore, #tpu.memory_space<semaphore_mem>>)
      %dma_wait3A_111 = arith.constant 0 : i32
      %dma_wait3A_112 = arith.constant 0 : i32
      %dma_wait3A_113 = tpu.memref_slice %arg8[%run_scoped3A_17, %dma_wait3A_111, %dma_wait3A_112] : memref<2x6x112xi32, #tpu.memory_space<vmem>> -> memref<1x6x112xi32, #tpu.memory_space<vmem>>
      %dma_wait3A_114 = tpu.memref_squeeze %dma_wait3A_113 : memref<1x6x112xi32, #tpu.memory_space<vmem>> -> memref<6x112xi32, #tpu.memory_space<vmem>>
      %dma_wait3A_115 = arith.constant 0 : i32
      %dma_wait3A_116 = arith.constant 0 : i32
      %dma_wait3A_117 = tpu.memref_slice %arg4[%add3A, %run_scoped3A_16, %dma_wait3A_115, %dma_wait3A_116] : memref<32x15x6x112xi32, #tpu.memory_space<hbm>> -> memref<1x1x6x112xi32, #tpu.memory_space<hbm>>
      %dma_wait3A_118 = tpu.memref_squeeze %dma_wait3A_117 : memref<1x1x6x112xi32, #tpu.memory_space<hbm>> -> memref<6x112xi32, #tpu.memory_space<hbm>>
      %dma_wait3A_119 = arith.constant 0 : i32
      %dma_wait3A_120 = arith.constant 0 : i32
      %dma_wait3A_121 = tpu.memref_slice %arg8[%run_scoped3A_17, %dma_wait3A_119, %dma_wait3A_120] : memref<2x6x112xi32, #tpu.memory_space<vmem>> -> memref<1x6x112xi32, #tpu.memory_space<vmem>>
      %dma_wait3A_122 = tpu.memref_squeeze %dma_wait3A_121 : memref<1x6x112xi32, #tpu.memory_space<vmem>> -> memref<6x112xi32, #tpu.memory_space<vmem>>
      %dma_wait3A_123 = arith.constant 0 : i32
      %dma_wait3A_124 = arith.constant 0 : i32
      %dma_wait3A_125 = tpu.memref_slice %arg4[%add3A, %run_scoped3A_16, %dma_wait3A_123, %dma_wait3A_124] : memref<32x15x6x112xi32, #tpu.memory_space<hbm>> -> memref<1x1x6x112xi32, #tpu.memory_space<hbm>>
      %dma_wait3A_126 = tpu.memref_squeeze %dma_wait3A_125 : memref<1x1x6x112xi32, #tpu.memory_space<hbm>> -> memref<6x112xi32, #tpu.memory_space<hbm>>
      tpu.wait_dma2 semaphore(%run_scoped3A_94 : memref<!tpu.dma_semaphore, #tpu.memory_space<semaphore_mem>>) src(%dma_wait3A_126 : memref<6x112xi32, #tpu.memory_space<hbm>>) dst(%dma_wait3A_122 : memref<6x112xi32, #tpu.memory_space<vmem>>)
      tpu.yield
    }) : () -> ()
    %dma_start3A = arith.constant 1 : i32
    %dma_start3A_18 = arith.constant 1 : i32
    %dma_start3A_19 = arith.constant 0 : i32
    %dma_start3A_20 = arith.constant 0 : i32
    %dma_start3A_21 = tpu.memref_slice %arg7[%dma_start3A_18, %dma_start3A_19, %dma_start3A_20] : memref<2x6x112xi32, #tpu.memory_space<vmem>> -> memref<1x6x112xi32, #tpu.memory_space<vmem>>
    %dma_start3A_22 = tpu.memref_squeeze %dma_start3A_21 : memref<1x6x112xi32, #tpu.memory_space<vmem>> -> memref<6x112xi32, #tpu.memory_space<vmem>>
    %dma_start3A_23 = arith.constant 0 : i32
    %dma_start3A_24 = arith.constant 0 : i32
    %dma_start3A_25 = tpu.memref_slice %arg3[%add3A, %dma_start3A, %dma_start3A_23, %dma_start3A_24] : memref<32x15x6x112xi32, #tpu.memory_space<hbm>> -> memref<1x1x6x112xi32, #tpu.memory_space<hbm>>
    %dma_start3A_26 = tpu.memref_squeeze %dma_start3A_25 : memref<1x1x6x112xi32, #tpu.memory_space<hbm>> -> memref<6x112xi32, #tpu.memory_space<hbm>>
    %dma_start3A_27 = arith.constant 0 : i32
    %dma_start3A_28 = arith.constant 0 : i32
    %dma_start3A_29 = tpu.memref_slice %arg7[%dma_start3A_18, %dma_start3A_27, %dma_start3A_28] : memref<2x6x112xi32, #tpu.memory_space<vmem>> -> memref<1x6x112xi32, #tpu.memory_space<vmem>>
    %dma_start3A_30 = tpu.memref_squeeze %dma_start3A_29 : memref<1x6x112xi32, #tpu.memory_space<vmem>> -> memref<6x112xi32, #tpu.memory_space<vmem>>
    %dma_start3A_31 = arith.constant 0 : i32
    %dma_start3A_32 = arith.constant 0 : i32
    %dma_start3A_33 = tpu.memref_slice %arg3[%add3A, %dma_start3A, %dma_start3A_31, %dma_start3A_32] : memref<32x15x6x112xi32, #tpu.memory_space<hbm>> -> memref<1x1x6x112xi32, #tpu.memory_space<hbm>>
    %dma_start3A_34 = tpu.memref_squeeze %dma_start3A_33 : memref<1x1x6x112xi32, #tpu.memory_space<hbm>> -> memref<6x112xi32, #tpu.memory_space<hbm>>
    tpu.enqueue_dma source(%dma_start3A_34 : memref<6x112xi32, #tpu.memory_space<hbm>>) target(%dma_start3A_30 : memref<6x112xi32, #tpu.memory_space<vmem>>) target_semaphore(%arg19 : memref<!tpu.dma_semaphore, #tpu.memory_space<semaphore_mem>>)
    %dma_start3A_35 = arith.constant 1 : i32
    %dma_start3A_36 = arith.constant 1 : i32
    %dma_start3A_37 = arith.constant 0 : i32
    %dma_start3A_38 = arith.constant 0 : i32
    %dma_start3A_39 = tpu.memref_slice %arg8[%dma_start3A_36, %dma_start3A_37, %dma_start3A_38] : memref<2x6x112xi32, #tpu.memory_space<vmem>> -> memref<1x6x112xi32, #tpu.memory_space<vmem>>
    %dma_start3A_40 = tpu.memref_squeeze %dma_start3A_39 : memref<1x6x112xi32, #tpu.memory_space<vmem>> -> memref<6x112xi32, #tpu.memory_space<vmem>>
    %dma_start3A_41 = arith.constant 0 : i32
    %dma_start3A_42 = arith.constant 0 : i32
    %dma_start3A_43 = tpu.memref_slice %arg4[%add3A, %dma_start3A_35, %dma_start3A_41, %dma_start3A_42] : memref<32x15x6x112xi32, #tpu.memory_space<hbm>> -> memref<1x1x6x112xi32, #tpu.memory_space<hbm>>
    %dma_start3A_44 = tpu.memref_squeeze %dma_start3A_43 : memref<1x1x6x112xi32, #tpu.memory_space<hbm>> -> memref<6x112xi32, #tpu.memory_space<hbm>>
    %dma_start3A_45 = arith.constant 0 : i32
    %dma_start3A_46 = arith.constant 0 : i32
    %dma_start3A_47 = tpu.memref_slice %arg8[%dma_start3A_36, %dma_start3A_45, %dma_start3A_46] : memref<2x6x112xi32, #tpu.memory_space<vmem>> -> memref<1x6x112xi32, #tpu.memory_space<vmem>>
    %dma_start3A_48 = tpu.memref_squeeze %dma_start3A_47 : memref<1x6x112xi32, #tpu.memory_space<vmem>> -> memref<6x112xi32, #tpu.memory_space<vmem>>
    %dma_start3A_49 = arith.constant 0 : i32
    %dma_start3A_50 = arith.constant 0 : i32
    %dma_start3A_51 = tpu.memref_slice %arg4[%add3A, %dma_start3A_35, %dma_start3A_49, %dma_start3A_50] : memref<32x15x6x112xi32, #tpu.memory_space<hbm>> -> memref<1x1x6x112xi32, #tpu.memory_space<hbm>>
    %dma_start3A_52 = tpu.memref_squeeze %dma_start3A_51 : memref<1x1x6x112xi32, #tpu.memory_space<hbm>> -> memref<6x112xi32, #tpu.memory_space<hbm>>
    tpu.enqueue_dma source(%dma_start3A_52 : memref<6x112xi32, #tpu.memory_space<hbm>>) target(%dma_start3A_48 : memref<6x112xi32, #tpu.memory_space<vmem>>) target_semaphore(%arg19 : memref<!tpu.dma_semaphore, #tpu.memory_space<semaphore_mem>>)
    %barrier3A = arith.constant 0 : index
    tpu.barrier barrier_id(%barrier3A)
    %dma_start3A_53 = arith.constant 0 : i32
    %dma_start3A_54 = arith.constant 0 : i32
    %dma_start3A_55 = arith.constant 0 : i32
    %dma_start3A_56 = tpu.memref_slice %arg7[%dma_start3A_53, %dma_start3A_54, %dma_start3A_55] : memref<2x6x112xi32, #tpu.memory_space<vmem>> -> memref<1x1x112xi32, #tpu.memory_space<vmem>>
    %dma_start3A_57 = tpu.memref_squeeze %dma_start3A_56 : memref<1x1x112xi32, #tpu.memory_space<vmem>> -> memref<112xi32, #tpu.memory_space<vmem>>
    %dma_start3A_58 = arith.constant 0 : i32
    %dma_start3A_59 = arith.constant 0 : i32
    %dma_start3A_60 = tpu.memref_slice %arg2[%dma_start3A_58, %dma_start3A_59] : memref<10240x128xf32, #tpu.memory_space<hbm>> -> memref<10240x128xf32, #tpu.memory_space<hbm>>
    tpu.enqueue_indirect_dma source(%dma_start3A_60 : memref<10240x128xf32, #tpu.memory_space<hbm>>) target(%arg9 : memref<112x128xf32, #tpu.memory_space<vmem>>) offsets(%dma_start3A_57 : memref<112xi32, #tpu.memory_space<vmem>>) semaphore(%arg13 : memref<!tpu.dma_semaphore, #tpu.memory_space<semaphore_mem>>)
    %dma_start3A_61 = arith.constant 0 : i32
    %dma_start3A_62 = arith.constant 1 : i32
    %dma_start3A_63 = arith.constant 0 : i32
    %dma_start3A_64 = tpu.memref_slice %arg7[%dma_start3A_61, %dma_start3A_62, %dma_start3A_63] : memref<2x6x112xi32, #tpu.memory_space<vmem>> -> memref<1x1x112xi32, #tpu.memory_space<vmem>>
    %dma_start3A_65 = tpu.memref_squeeze %dma_start3A_64 : memref<1x1x112xi32, #tpu.memory_space<vmem>> -> memref<112xi32, #tpu.memory_space<vmem>>
    %dma_start3A_66 = arith.constant 0 : i32
    %dma_start3A_67 = arith.constant 0 : i32
    %dma_start3A_68 = tpu.memref_slice %arg2[%dma_start3A_66, %dma_start3A_67] : memref<10240x128xf32, #tpu.memory_space<hbm>> -> memref<10240x128xf32, #tpu.memory_space<hbm>>
    tpu.enqueue_indirect_dma source(%dma_start3A_68 : memref<10240x128xf32, #tpu.memory_space<hbm>>) target(%arg10 : memref<112x128xf32, #tpu.memory_space<vmem>>) offsets(%dma_start3A_65 : memref<112xi32, #tpu.memory_space<vmem>>) semaphore(%arg14 : memref<!tpu.dma_semaphore, #tpu.memory_space<semaphore_mem>>)
    %scan3A = arith.constant 0 : i32
    %scan3A_69 = arith.constant 0 : i32
    %scan3A_70 = arith.constant 15 : i32
    %scan3A_71 = arith.addi %scan3A_69, %scan3A_70 : i32
    %scan3A_72 = arith.constant 1 : i32
    scf.for %scan3A_94 = %scan3A_69 to %scan3A_71 step %scan3A_72  : i32 {
      %rem3A = arith.constant 2 : i32
      %rem3A_95 = arith.remsi %scan3A_94, %rem3A : i32
      %sub3A = arith.constant 1 : i32
      %sub3A_96 = arith.subi %sub3A, %rem3A_95 : i32
      %mul3A_97 = arith.constant 6 : i32
      %mul3A_98 = arith.muli %scan3A_94, %mul3A_97 : i32
      %add3A_99 = arith.constant 0 : i32
      %add3A_100 = arith.addi %mul3A_98, %add3A_99 : i32
      %ge3A = arith.constant 1 : i32
      %ge3A_101 = arith.cmpi sge, %add3A_100, %ge3A : i32
      %convert_element_type3A = arith.extui %ge3A_101 : i1 to i32
      %cond3A = arith.constant 0 : i32
      %cond3A_102 = arith.cmpi ne, %convert_element_type3A, %cond3A : i32
      scf.if %cond3A_102 {
        %dma_wait3A_292 = arith.constant 5 : i32
        %dma_wait3A_293 = arith.constant 0 : i32
        %dma_wait3A_294 = tpu.memref_slice %arg8[%sub3A_96, %dma_wait3A_292, %dma_wait3A_293] : memref<2x6x112xi32, #tpu.memory_space<vmem>> -> memref<1x1x112xi32, #tpu.memory_space<vmem>>
        %dma_wait3A_295 = tpu.memref_squeeze %dma_wait3A_294 : memref<1x1x112xi32, #tpu.memory_space<vmem>> -> memref<112xi32, #tpu.memory_space<vmem>>
        %dma_wait3A_296 = arith.constant 0 : i32
        %dma_wait3A_297 = arith.constant 0 : i32
        %dma_wait3A_298 = tpu.memref_slice %arg12[%dma_wait3A_296, %dma_wait3A_297] : memref<10240x128xf32, #tpu.memory_space<vmem_shared>> -> memref<10240x128xf32, #tpu.memory_space<vmem_shared>>
        tpu.wait_indirect_dma semaphore(%arg18 : memref<!tpu.dma_semaphore, #tpu.memory_space<semaphore_mem>>) src(%arg11 : memref<112x128xf32, #tpu.memory_space<vmem>>) dst(%dma_wait3A_298 : memref<10240x128xf32, #tpu.memory_space<vmem_shared>>)
      } else {
      }
      %ge3A_103 = arith.constant 1 : i32
      %ge3A_104 = arith.cmpi sge, %scan3A_94, %ge3A_103 : i32
      %add3A_105 = arith.constant 1 : i32
      %add3A_106 = arith.addi %scan3A_94, %add3A_105 : i32
      %lt3A = arith.constant 15 : i32
      %lt3A_107 = arith.cmpi slt, %add3A_106, %lt3A : i32
      %and3A = arith.andi %ge3A_104, %lt3A_107 : i1
      %convert_element_type3A_108 = arith.extui %and3A : i1 to i32
      %cond3A_109 = arith.constant 0 : i32
      %cond3A_110 = arith.cmpi ne, %convert_element_type3A_108, %cond3A_109 : i32
      scf.if %cond3A_110 {
        %add3A_292 = arith.constant 1 : i32
        %add3A_293 = arith.addi %scan3A_94, %add3A_292 : i32
        %dma_start3A_294 = arith.constant 0 : i32
        %dma_start3A_295 = arith.constant 0 : i32
        %dma_start3A_296 = tpu.memref_slice %arg7[%sub3A_96, %dma_start3A_294, %dma_start3A_295] : memref<2x6x112xi32, #tpu.memory_space<vmem>> -> memref<1x6x112xi32, #tpu.memory_space<vmem>>
        %dma_start3A_297 = tpu.memref_squeeze %dma_start3A_296 : memref<1x6x112xi32, #tpu.memory_space<vmem>> -> memref<6x112xi32, #tpu.memory_space<vmem>>
        %dma_start3A_298 = arith.constant 0 : i32
        %dma_start3A_299 = arith.constant 0 : i32
        %dma_start3A_300 = tpu.memref_slice %arg3[%add3A, %add3A_293, %dma_start3A_298, %dma_start3A_299] : memref<32x15x6x112xi32, #tpu.memory_space<hbm>> -> memref<1x1x6x112xi32, #tpu.memory_space<hbm>>
        %dma_start3A_301 = tpu.memref_squeeze %dma_start3A_300 : memref<1x1x6x112xi32, #tpu.memory_space<hbm>> -> memref<6x112xi32, #tpu.memory_space<hbm>>
        %dma_start3A_302 = arith.constant 0 : i32
        %dma_start3A_303 = arith.constant 0 : i32
        %dma_start3A_304 = tpu.memref_slice %arg7[%sub3A_96, %dma_start3A_302, %dma_start3A_303] : memref<2x6x112xi32, #tpu.memory_space<vmem>> -> memref<1x6x112xi32, #tpu.memory_space<vmem>>
        %dma_start3A_305 = tpu.memref_squeeze %dma_start3A_304 : memref<1x6x112xi32, #tpu.memory_space<vmem>> -> memref<6x112xi32, #tpu.memory_space<vmem>>
        %dma_start3A_306 = arith.constant 0 : i32
        %dma_start3A_307 = arith.constant 0 : i32
        %dma_start3A_308 = tpu.memref_slice %arg3[%add3A, %add3A_293, %dma_start3A_306, %dma_start3A_307] : memref<32x15x6x112xi32, #tpu.memory_space<hbm>> -> memref<1x1x6x112xi32, #tpu.memory_space<hbm>>
        %dma_start3A_309 = tpu.memref_squeeze %dma_start3A_308 : memref<1x1x6x112xi32, #tpu.memory_space<hbm>> -> memref<6x112xi32, #tpu.memory_space<hbm>>
        tpu.enqueue_dma source(%dma_start3A_309 : memref<6x112xi32, #tpu.memory_space<hbm>>) target(%dma_start3A_305 : memref<6x112xi32, #tpu.memory_space<vmem>>) target_semaphore(%arg19 : memref<!tpu.dma_semaphore, #tpu.memory_space<semaphore_mem>>)
        %add3A_310 = arith.constant 1 : i32
        %add3A_311 = arith.addi %scan3A_94, %add3A_310 : i32
        %dma_start3A_312 = arith.constant 0 : i32
        %dma_start3A_313 = arith.constant 0 : i32
        %dma_start3A_314 = tpu.memref_slice %arg8[%sub3A_96, %dma_start3A_312, %dma_start3A_313] : memref<2x6x112xi32, #tpu.memory_space<vmem>> -> memref<1x6x112xi32, #tpu.memory_space<vmem>>
        %dma_start3A_315 = tpu.memref_squeeze %dma_start3A_314 : memref<1x6x112xi32, #tpu.memory_space<vmem>> -> memref<6x112xi32, #tpu.memory_space<vmem>>
        %dma_start3A_316 = arith.constant 0 : i32
        %dma_start3A_317 = arith.constant 0 : i32
        %dma_start3A_318 = tpu.memref_slice %arg4[%add3A, %add3A_311, %dma_start3A_316, %dma_start3A_317] : memref<32x15x6x112xi32, #tpu.memory_space<hbm>> -> memref<1x1x6x112xi32, #tpu.memory_space<hbm>>
        %dma_start3A_319 = tpu.memref_squeeze %dma_start3A_318 : memref<1x1x6x112xi32, #tpu.memory_space<hbm>> -> memref<6x112xi32, #tpu.memory_space<hbm>>
        %dma_start3A_320 = arith.constant 0 : i32
        %dma_start3A_321 = arith.constant 0 : i32
        %dma_start3A_322 = tpu.memref_slice %arg8[%sub3A_96, %dma_start3A_320, %dma_start3A_321] : memref<2x6x112xi32, #tpu.memory_space<vmem>> -> memref<1x6x112xi32, #tpu.memory_space<vmem>>
        %dma_start3A_323 = tpu.memref_squeeze %dma_start3A_322 : memref<1x6x112xi32, #tpu.memory_space<vmem>> -> memref<6x112xi32, #tpu.memory_space<vmem>>
        %dma_start3A_324 = arith.constant 0 : i32
        %dma_start3A_325 = arith.constant 0 : i32
        %dma_start3A_326 = tpu.memref_slice %arg4[%add3A, %add3A_311, %dma_start3A_324, %dma_start3A_325] : memref<32x15x6x112xi32, #tpu.memory_space<hbm>> -> memref<1x1x6x112xi32, #tpu.memory_space<hbm>>
        %dma_start3A_327 = tpu.memref_squeeze %dma_start3A_326 : memref<1x1x6x112xi32, #tpu.memory_space<hbm>> -> memref<6x112xi32, #tpu.memory_space<hbm>>
        tpu.enqueue_dma source(%dma_start3A_327 : memref<6x112xi32, #tpu.memory_space<hbm>>) target(%dma_start3A_323 : memref<6x112xi32, #tpu.memory_space<vmem>>) target_semaphore(%arg19 : memref<!tpu.dma_semaphore, #tpu.memory_space<semaphore_mem>>)
      } else {
      }
      %dma_start3A_111 = arith.constant 2 : i32
      %dma_start3A_112 = arith.constant 0 : i32
      %dma_start3A_113 = tpu.memref_slice %arg7[%rem3A_95, %dma_start3A_111, %dma_start3A_112] : memref<2x6x112xi32, #tpu.memory_space<vmem>> -> memref<1x1x112xi32, #tpu.memory_space<vmem>>
      %dma_start3A_114 = tpu.memref_squeeze %dma_start3A_113 : memref<1x1x112xi32, #tpu.memory_space<vmem>> -> memref<112xi32, #tpu.memory_space<vmem>>
      %dma_start3A_115 = arith.constant 0 : i32
      %dma_start3A_116 = arith.constant 0 : i32
      %dma_start3A_117 = tpu.memref_slice %arg2[%dma_start3A_115, %dma_start3A_116] : memref<10240x128xf32, #tpu.memory_space<hbm>> -> memref<10240x128xf32, #tpu.memory_space<hbm>>
      tpu.enqueue_indirect_dma source(%dma_start3A_117 : memref<10240x128xf32, #tpu.memory_space<hbm>>) target(%arg11 : memref<112x128xf32, #tpu.memory_space<vmem>>) offsets(%dma_start3A_114 : memref<112xi32, #tpu.memory_space<vmem>>) semaphore(%arg15 : memref<!tpu.dma_semaphore, #tpu.memory_space<semaphore_mem>>)
      %dma_wait3A_118 = arith.constant 0 : i32
      %dma_wait3A_119 = arith.constant 0 : i32
      %dma_wait3A_120 = tpu.memref_slice %arg7[%rem3A_95, %dma_wait3A_118, %dma_wait3A_119] : memref<2x6x112xi32, #tpu.memory_space<vmem>> -> memref<1x1x112xi32, #tpu.memory_space<vmem>>
      %dma_wait3A_121 = tpu.memref_squeeze %dma_wait3A_120 : memref<1x1x112xi32, #tpu.memory_space<vmem>> -> memref<112xi32, #tpu.memory_space<vmem>>
      %dma_wait3A_122 = arith.constant 0 : i32
      %dma_wait3A_123 = arith.constant 0 : i32
      %dma_wait3A_124 = tpu.memref_slice %arg2[%dma_wait3A_122, %dma_wait3A_123] : memref<10240x128xf32, #tpu.memory_space<hbm>> -> memref<10240x128xf32, #tpu.memory_space<hbm>>
      tpu.wait_indirect_dma semaphore(%arg13 : memref<!tpu.dma_semaphore, #tpu.memory_space<semaphore_mem>>) src(%dma_wait3A_124 : memref<10240x128xf32, #tpu.memory_space<hbm>>) dst(%arg9 : memref<112x128xf32, #tpu.memory_space<vmem>>)
      %dma_start3A_125 = arith.constant 0 : i32
      %dma_start3A_126 = arith.constant 0 : i32
      %dma_start3A_127 = tpu.memref_slice %arg8[%rem3A_95, %dma_start3A_125, %dma_start3A_126] : memref<2x6x112xi32, #tpu.memory_space<vmem>> -> memref<1x1x112xi32, #tpu.memory_space<vmem>>
      %dma_start3A_128 = tpu.memref_squeeze %dma_start3A_127 : memref<1x1x112xi32, #tpu.memory_space<vmem>> -> memref<112xi32, #tpu.memory_space<vmem>>
      %dma_start3A_129 = arith.constant 0 : i32
      %dma_start3A_130 = arith.constant 0 : i32
      %dma_start3A_131 = tpu.memref_slice %arg12[%dma_start3A_129, %dma_start3A_130] : memref<10240x128xf32, #tpu.memory_space<vmem_shared>> -> memref<10240x128xf32, #tpu.memory_space<vmem_shared>>
      tpu.enqueue_indirect_dma source(%arg9 : memref<112x128xf32, #tpu.memory_space<vmem>>) target(%dma_start3A_131 : memref<10240x128xf32, #tpu.memory_space<vmem_shared>>) offsets(%dma_start3A_128 : memref<112xi32, #tpu.memory_space<vmem>>) semaphore(%arg16 : memref<!tpu.dma_semaphore, #tpu.memory_space<semaphore_mem>>) {add = true}
      %mul3A_132 = arith.constant 6 : i32
      %mul3A_133 = arith.muli %scan3A_94, %mul3A_132 : i32
      %add3A_134 = arith.constant 1 : i32
      %add3A_135 = arith.addi %mul3A_133, %add3A_134 : i32
      %dma_wait3A_136 = arith.constant 0 : i32
      %dma_wait3A_137 = arith.constant 0 : i32
      %dma_wait3A_138 = tpu.memref_slice %arg8[%rem3A_95, %dma_wait3A_136, %dma_wait3A_137] : memref<2x6x112xi32, #tpu.memory_space<vmem>> -> memref<1x1x112xi32, #tpu.memory_space<vmem>>
      %dma_wait3A_139 = tpu.memref_squeeze %dma_wait3A_138 : memref<1x1x112xi32, #tpu.memory_space<vmem>> -> memref<112xi32, #tpu.memory_space<vmem>>
      %dma_wait3A_140 = arith.constant 0 : i32
      %dma_wait3A_141 = arith.constant 0 : i32
      %dma_wait3A_142 = tpu.memref_slice %arg12[%dma_wait3A_140, %dma_wait3A_141] : memref<10240x128xf32, #tpu.memory_space<vmem_shared>> -> memref<10240x128xf32, #tpu.memory_space<vmem_shared>>
      tpu.wait_indirect_dma semaphore(%arg16 : memref<!tpu.dma_semaphore, #tpu.memory_space<semaphore_mem>>) src(%arg9 : memref<112x128xf32, #tpu.memory_space<vmem>>) dst(%dma_wait3A_142 : memref<10240x128xf32, #tpu.memory_space<vmem_shared>>)
      %dma_start3A_143 = arith.constant 3 : i32
      %dma_start3A_144 = arith.constant 0 : i32
      %dma_start3A_145 = tpu.memref_slice %arg7[%rem3A_95, %dma_start3A_143, %dma_start3A_144] : memref<2x6x112xi32, #tpu.memory_space<vmem>> -> memref<1x1x112xi32, #tpu.memory_space<vmem>>
      %dma_start3A_146 = tpu.memref_squeeze %dma_start3A_145 : memref<1x1x112xi32, #tpu.memory_space<vmem>> -> memref<112xi32, #tpu.memory_space<vmem>>
      %dma_start3A_147 = arith.constant 0 : i32
      %dma_start3A_148 = arith.constant 0 : i32
      %dma_start3A_149 = tpu.memref_slice %arg2[%dma_start3A_147, %dma_start3A_148] : memref<10240x128xf32, #tpu.memory_space<hbm>> -> memref<10240x128xf32, #tpu.memory_space<hbm>>
      tpu.enqueue_indirect_dma source(%dma_start3A_149 : memref<10240x128xf32, #tpu.memory_space<hbm>>) target(%arg9 : memref<112x128xf32, #tpu.memory_space<vmem>>) offsets(%dma_start3A_146 : memref<112xi32, #tpu.memory_space<vmem>>) semaphore(%arg13 : memref<!tpu.dma_semaphore, #tpu.memory_space<semaphore_mem>>)
      %dma_wait3A_150 = arith.constant 1 : i32
      %dma_wait3A_151 = arith.constant 0 : i32
      %dma_wait3A_152 = tpu.memref_slice %arg7[%rem3A_95, %dma_wait3A_150, %dma_wait3A_151] : memref<2x6x112xi32, #tpu.memory_space<vmem>> -> memref<1x1x112xi32, #tpu.memory_space<vmem>>
      %dma_wait3A_153 = tpu.memref_squeeze %dma_wait3A_152 : memref<1x1x112xi32, #tpu.memory_space<vmem>> -> memref<112xi32, #tpu.memory_space<vmem>>
      %dma_wait3A_154 = arith.constant 0 : i32
      %dma_wait3A_155 = arith.constant 0 : i32
      %dma_wait3A_156 = tpu.memref_slice %arg2[%dma_wait3A_154, %dma_wait3A_155] : memref<10240x128xf32, #tpu.memory_space<hbm>> -> memref<10240x128xf32, #tpu.memory_space<hbm>>
      tpu.wait_indirect_dma semaphore(%arg14 : memref<!tpu.dma_semaphore, #tpu.memory_space<semaphore_mem>>) src(%dma_wait3A_156 : memref<10240x128xf32, #tpu.memory_space<hbm>>) dst(%arg10 : memref<112x128xf32, #tpu.memory_space<vmem>>)
      %dma_start3A_157 = arith.constant 1 : i32
      %dma_start3A_158 = arith.constant 0 : i32
      %dma_start3A_159 = tpu.memref_slice %arg8[%rem3A_95, %dma_start3A_157, %dma_start3A_158] : memref<2x6x112xi32, #tpu.memory_space<vmem>> -> memref<1x1x112xi32, #tpu.memory_space<vmem>>
      %dma_start3A_160 = tpu.memref_squeeze %dma_start3A_159 : memref<1x1x112xi32, #tpu.memory_space<vmem>> -> memref<112xi32, #tpu.memory_space<vmem>>
      %dma_start3A_161 = arith.constant 0 : i32
      %dma_start3A_162 = arith.constant 0 : i32
      %dma_start3A_163 = tpu.memref_slice %arg12[%dma_start3A_161, %dma_start3A_162] : memref<10240x128xf32, #tpu.memory_space<vmem_shared>> -> memref<10240x128xf32, #tpu.memory_space<vmem_shared>>
      tpu.enqueue_indirect_dma source(%arg10 : memref<112x128xf32, #tpu.memory_space<vmem>>) target(%dma_start3A_163 : memref<10240x128xf32, #tpu.memory_space<vmem_shared>>) offsets(%dma_start3A_160 : memref<112xi32, #tpu.memory_space<vmem>>) semaphore(%arg17 : memref<!tpu.dma_semaphore, #tpu.memory_space<semaphore_mem>>) {add = true}
      %mul3A_164 = arith.constant 6 : i32
      %mul3A_165 = arith.muli %scan3A_94, %mul3A_164 : i32
      %add3A_166 = arith.constant 2 : i32
      %add3A_167 = arith.addi %mul3A_165, %add3A_166 : i32
      %dma_wait3A_168 = arith.constant 1 : i32
      %dma_wait3A_169 = arith.constant 0 : i32
      %dma_wait3A_170 = tpu.memref_slice %arg8[%rem3A_95, %dma_wait3A_168, %dma_wait3A_169] : memref<2x6x112xi32, #tpu.memory_space<vmem>> -> memref<1x1x112xi32, #tpu.memory_space<vmem>>
      %dma_wait3A_171 = tpu.memref_squeeze %dma_wait3A_170 : memref<1x1x112xi32, #tpu.memory_space<vmem>> -> memref<112xi32, #tpu.memory_space<vmem>>
      %dma_wait3A_172 = arith.constant 0 : i32
      %dma_wait3A_173 = arith.constant 0 : i32
      %dma_wait3A_174 = tpu.memref_slice %arg12[%dma_wait3A_172, %dma_wait3A_173] : memref<10240x128xf32, #tpu.memory_space<vmem_shared>> -> memref<10240x128xf32, #tpu.memory_space<vmem_shared>>
      tpu.wait_indirect_dma semaphore(%arg17 : memref<!tpu.dma_semaphore, #tpu.memory_space<semaphore_mem>>) src(%arg10 : memref<112x128xf32, #tpu.memory_space<vmem>>) dst(%dma_wait3A_174 : memref<10240x128xf32, #tpu.memory_space<vmem_shared>>)
      %dma_start3A_175 = arith.constant 4 : i32
      %dma_start3A_176 = arith.constant 0 : i32
      %dma_start3A_177 = tpu.memref_slice %arg7[%rem3A_95, %dma_start3A_175, %dma_start3A_176] : memref<2x6x112xi32, #tpu.memory_space<vmem>> -> memref<1x1x112xi32, #tpu.memory_space<vmem>>
      %dma_start3A_178 = tpu.memref_squeeze %dma_start3A_177 : memref<1x1x112xi32, #tpu.memory_space<vmem>> -> memref<112xi32, #tpu.memory_space<vmem>>
      %dma_start3A_179 = arith.constant 0 : i32
      %dma_start3A_180 = arith.constant 0 : i32
      %dma_start3A_181 = tpu.memref_slice %arg2[%dma_start3A_179, %dma_start3A_180] : memref<10240x128xf32, #tpu.memory_space<hbm>> -> memref<10240x128xf32, #tpu.memory_space<hbm>>
      tpu.enqueue_indirect_dma source(%dma_start3A_181 : memref<10240x128xf32, #tpu.memory_space<hbm>>) target(%arg10 : memref<112x128xf32, #tpu.memory_space<vmem>>) offsets(%dma_start3A_178 : memref<112xi32, #tpu.memory_space<vmem>>) semaphore(%arg14 : memref<!tpu.dma_semaphore, #tpu.memory_space<semaphore_mem>>)
      %dma_wait3A_182 = arith.constant 2 : i32
      %dma_wait3A_183 = arith.constant 0 : i32
      %dma_wait3A_184 = tpu.memref_slice %arg7[%rem3A_95, %dma_wait3A_182, %dma_wait3A_183] : memref<2x6x112xi32, #tpu.memory_space<vmem>> -> memref<1x1x112xi32, #tpu.memory_space<vmem>>
      %dma_wait3A_185 = tpu.memref_squeeze %dma_wait3A_184 : memref<1x1x112xi32, #tpu.memory_space<vmem>> -> memref<112xi32, #tpu.memory_space<vmem>>
      %dma_wait3A_186 = arith.constant 0 : i32
      %dma_wait3A_187 = arith.constant 0 : i32
      %dma_wait3A_188 = tpu.memref_slice %arg2[%dma_wait3A_186, %dma_wait3A_187] : memref<10240x128xf32, #tpu.memory_space<hbm>> -> memref<10240x128xf32, #tpu.memory_space<hbm>>
      tpu.wait_indirect_dma semaphore(%arg15 : memref<!tpu.dma_semaphore, #tpu.memory_space<semaphore_mem>>) src(%dma_wait3A_188 : memref<10240x128xf32, #tpu.memory_space<hbm>>) dst(%arg11 : memref<112x128xf32, #tpu.memory_space<vmem>>)
      %dma_start3A_189 = arith.constant 2 : i32
      %dma_start3A_190 = arith.constant 0 : i32
      %dma_start3A_191 = tpu.memref_slice %arg8[%rem3A_95, %dma_start3A_189, %dma_start3A_190] : memref<2x6x112xi32, #tpu.memory_space<vmem>> -> memref<1x1x112xi32, #tpu.memory_space<vmem>>
      %dma_start3A_192 = tpu.memref_squeeze %dma_start3A_191 : memref<1x1x112xi32, #tpu.memory_space<vmem>> -> memref<112xi32, #tpu.memory_space<vmem>>
      %dma_start3A_193 = arith.constant 0 : i32
      %dma_start3A_194 = arith.constant 0 : i32
      %dma_start3A_195 = tpu.memref_slice %arg12[%dma_start3A_193, %dma_start3A_194] : memref<10240x128xf32, #tpu.memory_space<vmem_shared>> -> memref<10240x128xf32, #tpu.memory_space<vmem_shared>>
      tpu.enqueue_indirect_dma source(%arg11 : memref<112x128xf32, #tpu.memory_space<vmem>>) target(%dma_start3A_195 : memref<10240x128xf32, #tpu.memory_space<vmem_shared>>) offsets(%dma_start3A_192 : memref<112xi32, #tpu.memory_space<vmem>>) semaphore(%arg18 : memref<!tpu.dma_semaphore, #tpu.memory_space<semaphore_mem>>) {add = true}
      %mul3A_196 = arith.constant 6 : i32
      %mul3A_197 = arith.muli %scan3A_94, %mul3A_196 : i32
      %add3A_198 = arith.constant 3 : i32
      %add3A_199 = arith.addi %mul3A_197, %add3A_198 : i32
      %dma_wait3A_200 = arith.constant 2 : i32
      %dma_wait3A_201 = arith.constant 0 : i32
      %dma_wait3A_202 = tpu.memref_slice %arg8[%rem3A_95, %dma_wait3A_200, %dma_wait3A_201] : memref<2x6x112xi32, #tpu.memory_space<vmem>> -> memref<1x1x112xi32, #tpu.memory_space<vmem>>
      %dma_wait3A_203 = tpu.memref_squeeze %dma_wait3A_202 : memref<1x1x112xi32, #tpu.memory_space<vmem>> -> memref<112xi32, #tpu.memory_space<vmem>>
      %dma_wait3A_204 = arith.constant 0 : i32
      %dma_wait3A_205 = arith.constant 0 : i32
      %dma_wait3A_206 = tpu.memref_slice %arg12[%dma_wait3A_204, %dma_wait3A_205] : memref<10240x128xf32, #tpu.memory_space<vmem_shared>> -> memref<10240x128xf32, #tpu.memory_space<vmem_shared>>
      tpu.wait_indirect_dma semaphore(%arg18 : memref<!tpu.dma_semaphore, #tpu.memory_space<semaphore_mem>>) src(%arg11 : memref<112x128xf32, #tpu.memory_space<vmem>>) dst(%dma_wait3A_206 : memref<10240x128xf32, #tpu.memory_space<vmem_shared>>)
      %dma_start3A_207 = arith.constant 5 : i32
      %dma_start3A_208 = arith.constant 0 : i32
      %dma_start3A_209 = tpu.memref_slice %arg7[%rem3A_95, %dma_start3A_207, %dma_start3A_208] : memref<2x6x112xi32, #tpu.memory_space<vmem>> -> memref<1x1x112xi32, #tpu.memory_space<vmem>>
      %dma_start3A_210 = tpu.memref_squeeze %dma_start3A_209 : memref<1x1x112xi32, #tpu.memory_space<vmem>> -> memref<112xi32, #tpu.memory_space<vmem>>
      %dma_start3A_211 = arith.constant 0 : i32
      %dma_start3A_212 = arith.constant 0 : i32
      %dma_start3A_213 = tpu.memref_slice %arg2[%dma_start3A_211, %dma_start3A_212] : memref<10240x128xf32, #tpu.memory_space<hbm>> -> memref<10240x128xf32, #tpu.memory_space<hbm>>
      tpu.enqueue_indirect_dma source(%dma_start3A_213 : memref<10240x128xf32, #tpu.memory_space<hbm>>) target(%arg11 : memref<112x128xf32, #tpu.memory_space<vmem>>) offsets(%dma_start3A_210 : memref<112xi32, #tpu.memory_space<vmem>>) semaphore(%arg15 : memref<!tpu.dma_semaphore, #tpu.memory_space<semaphore_mem>>)
      %dma_wait3A_214 = arith.constant 3 : i32
      %dma_wait3A_215 = arith.constant 0 : i32
      %dma_wait3A_216 = tpu.memref_slice %arg7[%rem3A_95, %dma_wait3A_214, %dma_wait3A_215] : memref<2x6x112xi32, #tpu.memory_space<vmem>> -> memref<1x1x112xi32, #tpu.memory_space<vmem>>
      %dma_wait3A_217 = tpu.memref_squeeze %dma_wait3A_216 : memref<1x1x112xi32, #tpu.memory_space<vmem>> -> memref<112xi32, #tpu.memory_space<vmem>>
      %dma_wait3A_218 = arith.constant 0 : i32
      %dma_wait3A_219 = arith.constant 0 : i32
      %dma_wait3A_220 = tpu.memref_slice %arg2[%dma_wait3A_218, %dma_wait3A_219] : memref<10240x128xf32, #tpu.memory_space<hbm>> -> memref<10240x128xf32, #tpu.memory_space<hbm>>
      tpu.wait_indirect_dma semaphore(%arg13 : memref<!tpu.dma_semaphore, #tpu.memory_space<semaphore_mem>>) src(%dma_wait3A_220 : memref<10240x128xf32, #tpu.memory_space<hbm>>) dst(%arg9 : memref<112x128xf32, #tpu.memory_space<vmem>>)
      %dma_start3A_221 = arith.constant 3 : i32
      %dma_start3A_222 = arith.constant 0 : i32
      %dma_start3A_223 = tpu.memref_slice %arg8[%rem3A_95, %dma_start3A_221, %dma_start3A_222] : memref<2x6x112xi32, #tpu.memory_space<vmem>> -> memref<1x1x112xi32, #tpu.memory_space<vmem>>
      %dma_start3A_224 = tpu.memref_squeeze %dma_start3A_223 : memref<1x1x112xi32, #tpu.memory_space<vmem>> -> memref<112xi32, #tpu.memory_space<vmem>>
      %dma_start3A_225 = arith.constant 0 : i32
      %dma_start3A_226 = arith.constant 0 : i32
      %dma_start3A_227 = tpu.memref_slice %arg12[%dma_start3A_225, %dma_start3A_226] : memref<10240x128xf32, #tpu.memory_space<vmem_shared>> -> memref<10240x128xf32, #tpu.memory_space<vmem_shared>>
      tpu.enqueue_indirect_dma source(%arg9 : memref<112x128xf32, #tpu.memory_space<vmem>>) target(%dma_start3A_227 : memref<10240x128xf32, #tpu.memory_space<vmem_shared>>) offsets(%dma_start3A_224 : memref<112xi32, #tpu.memory_space<vmem>>) semaphore(%arg16 : memref<!tpu.dma_semaphore, #tpu.memory_space<semaphore_mem>>) {add = true}
      %mul3A_228 = arith.constant 6 : i32
      %mul3A_229 = arith.muli %scan3A_94, %mul3A_228 : i32
      %add3A_230 = arith.constant 4 : i32
      %add3A_231 = arith.addi %mul3A_229, %add3A_230 : i32
      %dma_wait3A_232 = arith.constant 3 : i32
      %dma_wait3A_233 = arith.constant 0 : i32
      %dma_wait3A_234 = tpu.memref_slice %arg8[%rem3A_95, %dma_wait3A_232, %dma_wait3A_233] : memref<2x6x112xi32, #tpu.memory_space<vmem>> -> memref<1x1x112xi32, #tpu.memory_space<vmem>>
      %dma_wait3A_235 = tpu.memref_squeeze %dma_wait3A_234 : memref<1x1x112xi32, #tpu.memory_space<vmem>> -> memref<112xi32, #tpu.memory_space<vmem>>
      %dma_wait3A_236 = arith.constant 0 : i32
      %dma_wait3A_237 = arith.constant 0 : i32
      %dma_wait3A_238 = tpu.memref_slice %arg12[%dma_wait3A_236, %dma_wait3A_237] : memref<10240x128xf32, #tpu.memory_space<vmem_shared>> -> memref<10240x128xf32, #tpu.memory_space<vmem_shared>>
      tpu.wait_indirect_dma semaphore(%arg16 : memref<!tpu.dma_semaphore, #tpu.memory_space<semaphore_mem>>) src(%arg9 : memref<112x128xf32, #tpu.memory_space<vmem>>) dst(%dma_wait3A_238 : memref<10240x128xf32, #tpu.memory_space<vmem_shared>>)
      %add3A_239 = arith.constant 1 : i32
      %add3A_240 = arith.addi %scan3A_94, %add3A_239 : i32
      %lt3A_241 = arith.constant 15 : i32
      %lt3A_242 = arith.cmpi slt, %add3A_240, %lt3A_241 : i32
      %convert_element_type3A_243 = arith.extui %lt3A_242 : i1 to i32
      %cond3A_244 = arith.constant 0 : i32
      %cond3A_245 = arith.cmpi ne, %convert_element_type3A_243, %cond3A_244 : i32
      scf.if %cond3A_245 {
        %add3A_292 = arith.constant 1 : i32
        %add3A_293 = arith.addi %scan3A_94, %add3A_292 : i32
        %dma_wait3A_294 = arith.constant 0 : i32
        %dma_wait3A_295 = arith.constant 0 : i32
        %dma_wait3A_296 = tpu.memref_slice %arg7[%sub3A_96, %dma_wait3A_294, %dma_wait3A_295] : memref<2x6x112xi32, #tpu.memory_space<vmem>> -> memref<1x6x112xi32, #tpu.memory_space<vmem>>
        %dma_wait3A_297 = tpu.memref_squeeze %dma_wait3A_296 : memref<1x6x112xi32, #tpu.memory_space<vmem>> -> memref<6x112xi32, #tpu.memory_space<vmem>>
        %dma_wait3A_298 = arith.constant 0 : i32
        %dma_wait3A_299 = arith.constant 0 : i32
        %dma_wait3A_300 = tpu.memref_slice %arg3[%add3A, %add3A_293, %dma_wait3A_298, %dma_wait3A_299] : memref<32x15x6x112xi32, #tpu.memory_space<hbm>> -> memref<1x1x6x112xi32, #tpu.memory_space<hbm>>
        %dma_wait3A_301 = tpu.memref_squeeze %dma_wait3A_300 : memref<1x1x6x112xi32, #tpu.memory_space<hbm>> -> memref<6x112xi32, #tpu.memory_space<hbm>>
        %dma_wait3A_302 = arith.constant 0 : i32
        %dma_wait3A_303 = arith.constant 0 : i32
        %dma_wait3A_304 = tpu.memref_slice %arg7[%sub3A_96, %dma_wait3A_302, %dma_wait3A_303] : memref<2x6x112xi32, #tpu.memory_space<vmem>> -> memref<1x6x112xi32, #tpu.memory_space<vmem>>
        %dma_wait3A_305 = tpu.memref_squeeze %dma_wait3A_304 : memref<1x6x112xi32, #tpu.memory_space<vmem>> -> memref<6x112xi32, #tpu.memory_space<vmem>>
        %dma_wait3A_306 = arith.constant 0 : i32
        %dma_wait3A_307 = arith.constant 0 : i32
        %dma_wait3A_308 = tpu.memref_slice %arg3[%add3A, %add3A_293, %dma_wait3A_306, %dma_wait3A_307] : memref<32x15x6x112xi32, #tpu.memory_space<hbm>> -> memref<1x1x6x112xi32, #tpu.memory_space<hbm>>
        %dma_wait3A_309 = tpu.memref_squeeze %dma_wait3A_308 : memref<1x1x6x112xi32, #tpu.memory_space<hbm>> -> memref<6x112xi32, #tpu.memory_space<hbm>>
        tpu.wait_dma2 semaphore(%arg19 : memref<!tpu.dma_semaphore, #tpu.memory_space<semaphore_mem>>) src(%dma_wait3A_309 : memref<6x112xi32, #tpu.memory_space<hbm>>) dst(%dma_wait3A_305 : memref<6x112xi32, #tpu.memory_space<vmem>>)
        %add3A_310 = arith.constant 1 : i32
        %add3A_311 = arith.addi %scan3A_94, %add3A_310 : i32
        %dma_wait3A_312 = arith.constant 0 : i32
        %dma_wait3A_313 = arith.constant 0 : i32
        %dma_wait3A_314 = tpu.memref_slice %arg8[%sub3A_96, %dma_wait3A_312, %dma_wait3A_313] : memref<2x6x112xi32, #tpu.memory_space<vmem>> -> memref<1x6x112xi32, #tpu.memory_space<vmem>>
        %dma_wait3A_315 = tpu.memref_squeeze %dma_wait3A_314 : memref<1x6x112xi32, #tpu.memory_space<vmem>> -> memref<6x112xi32, #tpu.memory_space<vmem>>
        %dma_wait3A_316 = arith.constant 0 : i32
        %dma_wait3A_317 = arith.constant 0 : i32
        %dma_wait3A_318 = tpu.memref_slice %arg4[%add3A, %add3A_311, %dma_wait3A_316, %dma_wait3A_317] : memref<32x15x6x112xi32, #tpu.memory_space<hbm>> -> memref<1x1x6x112xi32, #tpu.memory_space<hbm>>
        %dma_wait3A_319 = tpu.memref_squeeze %dma_wait3A_318 : memref<1x1x6x112xi32, #tpu.memory_space<hbm>> -> memref<6x112xi32, #tpu.memory_space<hbm>>
        %dma_wait3A_320 = arith.constant 0 : i32
        %dma_wait3A_321 = arith.constant 0 : i32
        %dma_wait3A_322 = tpu.memref_slice %arg8[%sub3A_96, %dma_wait3A_320, %dma_wait3A_321] : memref<2x6x112xi32, #tpu.memory_space<vmem>> -> memref<1x6x112xi32, #tpu.memory_space<vmem>>
        %dma_wait3A_323 = tpu.memref_squeeze %dma_wait3A_322 : memref<1x6x112xi32, #tpu.memory_space<vmem>> -> memref<6x112xi32, #tpu.memory_space<vmem>>
        %dma_wait3A_324 = arith.constant 0 : i32
        %dma_wait3A_325 = arith.constant 0 : i32
        %dma_wait3A_326 = tpu.memref_slice %arg4[%add3A, %add3A_311, %dma_wait3A_324, %dma_wait3A_325] : memref<32x15x6x112xi32, #tpu.memory_space<hbm>> -> memref<1x1x6x112xi32, #tpu.memory_space<hbm>>
        %dma_wait3A_327 = tpu.memref_squeeze %dma_wait3A_326 : memref<1x1x6x112xi32, #tpu.memory_space<hbm>> -> memref<6x112xi32, #tpu.memory_space<hbm>>
        tpu.wait_dma2 semaphore(%arg19 : memref<!tpu.dma_semaphore, #tpu.memory_space<semaphore_mem>>) src(%dma_wait3A_327 : memref<6x112xi32, #tpu.memory_space<hbm>>) dst(%dma_wait3A_323 : memref<6x112xi32, #tpu.memory_space<vmem>>)
        %dma_start3A_328 = arith.constant 0 : i32
        %dma_start3A_329 = arith.constant 0 : i32
        %dma_start3A_330 = tpu.memref_slice %arg7[%sub3A_96, %dma_start3A_328, %dma_start3A_329] : memref<2x6x112xi32, #tpu.memory_space<vmem>> -> memref<1x1x112xi32, #tpu.memory_space<vmem>>
        %dma_start3A_331 = tpu.memref_squeeze %dma_start3A_330 : memref<1x1x112xi32, #tpu.memory_space<vmem>> -> memref<112xi32, #tpu.memory_space<vmem>>
        %dma_start3A_332 = arith.constant 0 : i32
        %dma_start3A_333 = arith.constant 0 : i32
        %dma_start3A_334 = tpu.memref_slice %arg2[%dma_start3A_332, %dma_start3A_333] : memref<10240x128xf32, #tpu.memory_space<hbm>> -> memref<10240x128xf32, #tpu.memory_space<hbm>>
        tpu.enqueue_indirect_dma source(%dma_start3A_334 : memref<10240x128xf32, #tpu.memory_space<hbm>>) target(%arg9 : memref<112x128xf32, #tpu.memory_space<vmem>>) offsets(%dma_start3A_331 : memref<112xi32, #tpu.memory_space<vmem>>) semaphore(%arg13 : memref<!tpu.dma_semaphore, #tpu.memory_space<semaphore_mem>>)
      } else {
      }
      %dma_wait3A_246 = arith.constant 4 : i32
      %dma_wait3A_247 = arith.constant 0 : i32
      %dma_wait3A_248 = tpu.memref_slice %arg7[%rem3A_95, %dma_wait3A_246, %dma_wait3A_247] : memref<2x6x112xi32, #tpu.memory_space<vmem>> -> memref<1x1x112xi32, #tpu.memory_space<vmem>>
      %dma_wait3A_249 = tpu.memref_squeeze %dma_wait3A_248 : memref<1x1x112xi32, #tpu.memory_space<vmem>> -> memref<112xi32, #tpu.memory_space<vmem>>
      %dma_wait3A_250 = arith.constant 0 : i32
      %dma_wait3A_251 = arith.constant 0 : i32
      %dma_wait3A_252 = tpu.memref_slice %arg2[%dma_wait3A_250, %dma_wait3A_251] : memref<10240x128xf32, #tpu.memory_space<hbm>> -> memref<10240x128xf32, #tpu.memory_space<hbm>>
      tpu.wait_indirect_dma semaphore(%arg14 : memref<!tpu.dma_semaphore, #tpu.memory_space<semaphore_mem>>) src(%dma_wait3A_252 : memref<10240x128xf32, #tpu.memory_space<hbm>>) dst(%arg10 : memref<112x128xf32, #tpu.memory_space<vmem>>)
      %dma_start3A_253 = arith.constant 4 : i32
      %dma_start3A_254 = arith.constant 0 : i32
      %dma_start3A_255 = tpu.memref_slice %arg8[%rem3A_95, %dma_start3A_253, %dma_start3A_254] : memref<2x6x112xi32, #tpu.memory_space<vmem>> -> memref<1x1x112xi32, #tpu.memory_space<vmem>>
      %dma_start3A_256 = tpu.memref_squeeze %dma_start3A_255 : memref<1x1x112xi32, #tpu.memory_space<vmem>> -> memref<112xi32, #tpu.memory_space<vmem>>
      %dma_start3A_257 = arith.constant 0 : i32
      %dma_start3A_258 = arith.constant 0 : i32
      %dma_start3A_259 = tpu.memref_slice %arg12[%dma_start3A_257, %dma_start3A_258] : memref<10240x128xf32, #tpu.memory_space<vmem_shared>> -> memref<10240x128xf32, #tpu.memory_space<vmem_shared>>
      tpu.enqueue_indirect_dma source(%arg10 : memref<112x128xf32, #tpu.memory_space<vmem>>) target(%dma_start3A_259 : memref<10240x128xf32, #tpu.memory_space<vmem_shared>>) offsets(%dma_start3A_256 : memref<112xi32, #tpu.memory_space<vmem>>) semaphore(%arg17 : memref<!tpu.dma_semaphore, #tpu.memory_space<semaphore_mem>>) {add = true}
      %mul3A_260 = arith.constant 6 : i32
      %mul3A_261 = arith.muli %scan3A_94, %mul3A_260 : i32
      %add3A_262 = arith.constant 5 : i32
      %add3A_263 = arith.addi %mul3A_261, %add3A_262 : i32
      %dma_wait3A_264 = arith.constant 4 : i32
      %dma_wait3A_265 = arith.constant 0 : i32
      %dma_wait3A_266 = tpu.memref_slice %arg8[%rem3A_95, %dma_wait3A_264, %dma_wait3A_265] : memref<2x6x112xi32, #tpu.memory_space<vmem>> -> memref<1x1x112xi32, #tpu.memory_space<vmem>>
      %dma_wait3A_267 = tpu.memref_squeeze %dma_wait3A_266 : memref<1x1x112xi32, #tpu.memory_space<vmem>> -> memref<112xi32, #tpu.memory_space<vmem>>
      %dma_wait3A_268 = arith.constant 0 : i32
      %dma_wait3A_269 = arith.constant 0 : i32
      %dma_wait3A_270 = tpu.memref_slice %arg12[%dma_wait3A_268, %dma_wait3A_269] : memref<10240x128xf32, #tpu.memory_space<vmem_shared>> -> memref<10240x128xf32, #tpu.memory_space<vmem_shared>>
      tpu.wait_indirect_dma semaphore(%arg17 : memref<!tpu.dma_semaphore, #tpu.memory_space<semaphore_mem>>) src(%arg10 : memref<112x128xf32, #tpu.memory_space<vmem>>) dst(%dma_wait3A_270 : memref<10240x128xf32, #tpu.memory_space<vmem_shared>>)
      %add3A_271 = arith.constant 1 : i32
      %add3A_272 = arith.addi %scan3A_94, %add3A_271 : i32
      %lt3A_273 = arith.constant 15 : i32
      %lt3A_274 = arith.cmpi slt, %add3A_272, %lt3A_273 : i32
      %convert_element_type3A_275 = arith.extui %lt3A_274 : i1 to i32
      %cond3A_276 = arith.constant 0 : i32
      %cond3A_277 = arith.cmpi ne, %convert_element_type3A_275, %cond3A_276 : i32
      scf.if %cond3A_277 {
        %dma_start3A_292 = arith.constant 1 : i32
        %dma_start3A_293 = arith.constant 0 : i32
        %dma_start3A_294 = tpu.memref_slice %arg7[%sub3A_96, %dma_start3A_292, %dma_start3A_293] : memref<2x6x112xi32, #tpu.memory_space<vmem>> -> memref<1x1x112xi32, #tpu.memory_space<vmem>>
        %dma_start3A_295 = tpu.memref_squeeze %dma_start3A_294 : memref<1x1x112xi32, #tpu.memory_space<vmem>> -> memref<112xi32, #tpu.memory_space<vmem>>
        %dma_start3A_296 = arith.constant 0 : i32
        %dma_start3A_297 = arith.constant 0 : i32
        %dma_start3A_298 = tpu.memref_slice %arg2[%dma_start3A_296, %dma_start3A_297] : memref<10240x128xf32, #tpu.memory_space<hbm>> -> memref<10240x128xf32, #tpu.memory_space<hbm>>
        tpu.enqueue_indirect_dma source(%dma_start3A_298 : memref<10240x128xf32, #tpu.memory_space<hbm>>) target(%arg10 : memref<112x128xf32, #tpu.memory_space<vmem>>) offsets(%dma_start3A_295 : memref<112xi32, #tpu.memory_space<vmem>>) semaphore(%arg14 : memref<!tpu.dma_semaphore, #tpu.memory_space<semaphore_mem>>)
      } else {
      }
      %dma_wait3A_278 = arith.constant 5 : i32
      %dma_wait3A_279 = arith.constant 0 : i32
      %dma_wait3A_280 = tpu.memref_slice %arg7[%rem3A_95, %dma_wait3A_278, %dma_wait3A_279] : memref<2x6x112xi32, #tpu.memory_space<vmem>> -> memref<1x1x112xi32, #tpu.memory_space<vmem>>
      %dma_wait3A_281 = tpu.memref_squeeze %dma_wait3A_280 : memref<1x1x112xi32, #tpu.memory_space<vmem>> -> memref<112xi32, #tpu.memory_space<vmem>>
      %dma_wait3A_282 = arith.constant 0 : i32
      %dma_wait3A_283 = arith.constant 0 : i32
      %dma_wait3A_284 = tpu.memref_slice %arg2[%dma_wait3A_282, %dma_wait3A_283] : memref<10240x128xf32, #tpu.memory_space<hbm>> -> memref<10240x128xf32, #tpu.memory_space<hbm>>
      tpu.wait_indirect_dma semaphore(%arg15 : memref<!tpu.dma_semaphore, #tpu.memory_space<semaphore_mem>>) src(%dma_wait3A_284 : memref<10240x128xf32, #tpu.memory_space<hbm>>) dst(%arg11 : memref<112x128xf32, #tpu.memory_space<vmem>>)
      %dma_start3A_285 = arith.constant 5 : i32
      %dma_start3A_286 = arith.constant 0 : i32
      %dma_start3A_287 = tpu.memref_slice %arg8[%rem3A_95, %dma_start3A_285, %dma_start3A_286] : memref<2x6x112xi32, #tpu.memory_space<vmem>> -> memref<1x1x112xi32, #tpu.memory_space<vmem>>
      %dma_start3A_288 = tpu.memref_squeeze %dma_start3A_287 : memref<1x1x112xi32, #tpu.memory_space<vmem>> -> memref<112xi32, #tpu.memory_space<vmem>>
      %dma_start3A_289 = arith.constant 0 : i32
      %dma_start3A_290 = arith.constant 0 : i32
      %dma_start3A_291 = tpu.memref_slice %arg12[%dma_start3A_289, %dma_start3A_290] : memref<10240x128xf32, #tpu.memory_space<vmem_shared>> -> memref<10240x128xf32, #tpu.memory_space<vmem_shared>>
      tpu.enqueue_indirect_dma source(%arg11 : memref<112x128xf32, #tpu.memory_space<vmem>>) target(%dma_start3A_291 : memref<10240x128xf32, #tpu.memory_space<vmem_shared>>) offsets(%dma_start3A_288 : memref<112xi32, #tpu.memory_space<vmem>>) semaphore(%arg18 : memref<!tpu.dma_semaphore, #tpu.memory_space<semaphore_mem>>) {add = true}
    }
    %scan3A_73 = arith.constant 15 : i32
    %dma_wait3A = arith.constant 0 : i32
    %dma_wait3A_74 = arith.constant 5 : i32
    %dma_wait3A_75 = arith.constant 0 : i32
    %dma_wait3A_76 = tpu.memref_slice %arg8[%dma_wait3A, %dma_wait3A_74, %dma_wait3A_75] : memref<2x6x112xi32, #tpu.memory_space<vmem>> -> memref<1x1x112xi32, #tpu.memory_space<vmem>>
    %dma_wait3A_77 = tpu.memref_squeeze %dma_wait3A_76 : memref<1x1x112xi32, #tpu.memory_space<vmem>> -> memref<112xi32, #tpu.memory_space<vmem>>
    %dma_wait3A_78 = arith.constant 0 : i32
    %dma_wait3A_79 = arith.constant 0 : i32
    %dma_wait3A_80 = tpu.memref_slice %arg12[%dma_wait3A_78, %dma_wait3A_79] : memref<10240x128xf32, #tpu.memory_space<vmem_shared>> -> memref<10240x128xf32, #tpu.memory_space<vmem_shared>>
    tpu.wait_indirect_dma semaphore(%arg18 : memref<!tpu.dma_semaphore, #tpu.memory_space<semaphore_mem>>) src(%arg11 : memref<112x128xf32, #tpu.memory_space<vmem>>) dst(%dma_wait3A_80 : memref<10240x128xf32, #tpu.memory_space<vmem_shared>>)
    %barrier3A_81 = arith.constant 0 : index
    tpu.barrier barrier_id(%barrier3A_81)
    %add3A_82 = arith.constant 0 : i32
    %add3A_83 = arith.addi %mul3A_2, %add3A_82 : i32
    "tpu.region"() ({
      %run_scoped3A_94 = tpu.sem_alloc : memref<!tpu.dma_semaphore, #tpu.memory_space<semaphore_mem>>
      %dma_start3A_95 = arith.constant 0 : i32
      %dma_start3A_96 = tpu.memref_slice %arg6[%arg0, %add3A_83, %dma_start3A_95] : memref<2x10240x128xf32, #tpu.memory_space<hbm>> -> memref<1x112x128xf32, #tpu.memory_space<hbm>>
      %dma_start3A_97 = tpu.memref_squeeze %dma_start3A_96 : memref<1x112x128xf32, #tpu.memory_space<hbm>> -> memref<112x128xf32, #tpu.memory_space<hbm>>
      %dma_start3A_98 = arith.constant 0 : i32
      %dma_start3A_99 = tpu.memref_slice %arg12[%add3A_83, %dma_start3A_98] : memref<10240x128xf32, #tpu.memory_space<vmem_shared>> -> memref<112x128xf32, #tpu.memory_space<vmem_shared>>
      tpu.enqueue_dma source(%dma_start3A_99 : memref<112x128xf32, #tpu.memory_space<vmem_shared>>) target(%dma_start3A_97 : memref<112x128xf32, #tpu.memory_space<hbm>>) target_semaphore(%run_scoped3A_94 : memref<!tpu.dma_semaphore, #tpu.memory_space<semaphore_mem>>)
      %dma_wait3A_100 = arith.constant 0 : i32
      %dma_wait3A_101 = tpu.memref_slice %arg6[%arg0, %add3A_83, %dma_wait3A_100] : memref<2x10240x128xf32, #tpu.memory_space<hbm>> -> memref<1x112x128xf32, #tpu.memory_space<hbm>>
      %dma_wait3A_102 = tpu.memref_squeeze %dma_wait3A_101 : memref<1x112x128xf32, #tpu.memory_space<hbm>> -> memref<112x128xf32, #tpu.memory_space<hbm>>
      %dma_wait3A_103 = arith.constant 0 : i32
      %dma_wait3A_104 = tpu.memref_slice %arg12[%add3A_83, %dma_wait3A_103] : memref<10240x128xf32, #tpu.memory_space<vmem_shared>> -> memref<112x128xf32, #tpu.memory_space<vmem_shared>>
      tpu.wait_dma2 semaphore(%run_scoped3A_94 : memref<!tpu.dma_semaphore, #tpu.memory_space<semaphore_mem>>) src(%dma_wait3A_104 : memref<112x128xf32, #tpu.memory_space<vmem_shared>>) dst(%dma_wait3A_102 : memref<112x128xf32, #tpu.memory_space<hbm>>)
      tpu.yield
    }) : () -> ()
    %add3A_84 = arith.constant 112 : i32
    %add3A_85 = arith.addi %mul3A_2, %add3A_84 : i32
    "tpu.region"() ({
      %run_scoped3A_94 = tpu.sem_alloc : memref<!tpu.dma_semaphore, #tpu.memory_space<semaphore_mem>>
      %dma_start3A_95 = arith.constant 0 : i32
      %dma_start3A_96 = tpu.memref_slice %arg6[%arg0, %add3A_85, %dma_start3A_95] : memref<2x10240x128xf32, #tpu.memory_space<hbm>> -> memref<1x112x128xf32, #tpu.memory_space<hbm>>
      %dma_start3A_97 = tpu.memref_squeeze %dma_start3A_96 : memref<1x112x128xf32, #tpu.memory_space<hbm>> -> memref<112x128xf32, #tpu.memory_space<hbm>>
      %dma_start3A_98 = arith.constant 0 : i32
      %dma_start3A_99 = tpu.memref_slice %arg12[%add3A_85, %dma_start3A_98] : memref<10240x128xf32, #tpu.memory_space<vmem_shared>> -> memref<112x128xf32, #tpu.memory_space<vmem_shared>>
      tpu.enqueue_dma source(%dma_start3A_99 : memref<112x128xf32, #tpu.memory_space<vmem_shared>>) target(%dma_start3A_97 : memref<112x128xf32, #tpu.memory_space<hbm>>) target_semaphore(%run_scoped3A_94 : memref<!tpu.dma_semaphore, #tpu.memory_space<semaphore_mem>>)
      %dma_wait3A_100 = arith.constant 0 : i32
      %dma_wait3A_101 = tpu.memref_slice %arg6[%arg0, %add3A_85, %dma_wait3A_100] : memref<2x10240x128xf32, #tpu.memory_space<hbm>> -> memref<1x112x128xf32, #tpu.memory_space<hbm>>
      %dma_wait3A_102 = tpu.memref_squeeze %dma_wait3A_101 : memref<1x112x128xf32, #tpu.memory_space<hbm>> -> memref<112x128xf32, #tpu.memory_space<hbm>>
      %dma_wait3A_103 = arith.constant 0 : i32
      %dma_wait3A_104 = tpu.memref_slice %arg12[%add3A_85, %dma_wait3A_103] : memref<10240x128xf32, #tpu.memory_space<vmem_shared>> -> memref<112x128xf32, #tpu.memory_space<vmem_shared>>
      tpu.wait_dma2 semaphore(%run_scoped3A_94 : memref<!tpu.dma_semaphore, #tpu.memory_space<semaphore_mem>>) src(%dma_wait3A_104 : memref<112x128xf32, #tpu.memory_space<vmem_shared>>) dst(%dma_wait3A_102 : memref<112x128xf32, #tpu.memory_space<hbm>>)
      tpu.yield
    }) : () -> ()
    %add3A_86 = arith.constant 224 : i32
    %add3A_87 = arith.addi %mul3A_2, %add3A_86 : i32
    "tpu.region"() ({
      %run_scoped3A_94 = tpu.sem_alloc : memref<!tpu.dma_semaphore, #tpu.memory_space<semaphore_mem>>
      %dma_start3A_95 = arith.constant 0 : i32
      %dma_start3A_96 = tpu.memref_slice %arg6[%arg0, %add3A_87, %dma_start3A_95] : memref<2x10240x128xf32, #tpu.memory_space<hbm>> -> memref<1x112x128xf32, #tpu.memory_space<hbm>>
      %dma_start3A_97 = tpu.memref_squeeze %dma_start3A_96 : memref<1x112x128xf32, #tpu.memory_space<hbm>> -> memref<112x128xf32, #tpu.memory_space<hbm>>
      %dma_start3A_98 = arith.constant 0 : i32
      %dma_start3A_99 = tpu.memref_slice %arg12[%add3A_87, %dma_start3A_98] : memref<10240x128xf32, #tpu.memory_space<vmem_shared>> -> memref<112x128xf32, #tpu.memory_space<vmem_shared>>
      tpu.enqueue_dma source(%dma_start3A_99 : memref<112x128xf32, #tpu.memory_space<vmem_shared>>) target(%dma_start3A_97 : memref<112x128xf32, #tpu.memory_space<hbm>>) target_semaphore(%run_scoped3A_94 : memref<!tpu.dma_semaphore, #tpu.memory_space<semaphore_mem>>)
      %dma_wait3A_100 = arith.constant 0 : i32
      %dma_wait3A_101 = tpu.memref_slice %arg6[%arg0, %add3A_87, %dma_wait3A_100] : memref<2x10240x128xf32, #tpu.memory_space<hbm>> -> memref<1x112x128xf32, #tpu.memory_space<hbm>>
      %dma_wait3A_102 = tpu.memref_squeeze %dma_wait3A_101 : memref<1x112x128xf32, #tpu.memory_space<hbm>> -> memref<112x128xf32, #tpu.memory_space<hbm>>
      %dma_wait3A_103 = arith.constant 0 : i32
      %dma_wait3A_104 = tpu.memref_slice %arg12[%add3A_87, %dma_wait3A_103] : memref<10240x128xf32, #tpu.memory_space<vmem_shared>> -> memref<112x128xf32, #tpu.memory_space<vmem_shared>>
      tpu.wait_dma2 semaphore(%run_scoped3A_94 : memref<!tpu.dma_semaphore, #tpu.memory_space<semaphore_mem>>) src(%dma_wait3A_104 : memref<112x128xf32, #tpu.memory_space<vmem_shared>>) dst(%dma_wait3A_102 : memref<112x128xf32, #tpu.memory_space<hbm>>)
      tpu.yield
    }) : () -> ()
    %add3A_88 = arith.constant 336 : i32
    %add3A_89 = arith.addi %mul3A_2, %add3A_88 : i32
    "tpu.region"() ({
      %run_scoped3A_94 = tpu.sem_alloc : memref<!tpu.dma_semaphore, #tpu.memory_space<semaphore_mem>>
      %dma_start3A_95 = arith.constant 0 : i32
      %dma_start3A_96 = tpu.memref_slice %arg6[%arg0, %add3A_89, %dma_start3A_95] : memref<2x10240x128xf32, #tpu.memory_space<hbm>> -> memref<1x112x128xf32, #tpu.memory_space<hbm>>
      %dma_start3A_97 = tpu.memref_squeeze %dma_start3A_96 : memref<1x112x128xf32, #tpu.memory_space<hbm>> -> memref<112x128xf32, #tpu.memory_space<hbm>>
      %dma_start3A_98 = arith.constant 0 : i32
      %dma_start3A_99 = tpu.memref_slice %arg12[%add3A_89, %dma_start3A_98] : memref<10240x128xf32, #tpu.memory_space<vmem_shared>> -> memref<112x128xf32, #tpu.memory_space<vmem_shared>>
      tpu.enqueue_dma source(%dma_start3A_99 : memref<112x128xf32, #tpu.memory_space<vmem_shared>>) target(%dma_start3A_97 : memref<112x128xf32, #tpu.memory_space<hbm>>) target_semaphore(%run_scoped3A_94 : memref<!tpu.dma_semaphore, #tpu.memory_space<semaphore_mem>>)
      %dma_wait3A_100 = arith.constant 0 : i32
      %dma_wait3A_101 = tpu.memref_slice %arg6[%arg0, %add3A_89, %dma_wait3A_100] : memref<2x10240x128xf32, #tpu.memory_space<hbm>> -> memref<1x112x128xf32, #tpu.memory_space<hbm>>
      %dma_wait3A_102 = tpu.memref_squeeze %dma_wait3A_101 : memref<1x112x128xf32, #tpu.memory_space<hbm>> -> memref<112x128xf32, #tpu.memory_space<hbm>>
      %dma_wait3A_103 = arith.constant 0 : i32
      %dma_wait3A_104 = tpu.memref_slice %arg12[%add3A_89, %dma_wait3A_103] : memref<10240x128xf32, #tpu.memory_space<vmem_shared>> -> memref<112x128xf32, #tpu.memory_space<vmem_shared>>
      tpu.wait_dma2 semaphore(%run_scoped3A_94 : memref<!tpu.dma_semaphore, #tpu.memory_space<semaphore_mem>>) src(%dma_wait3A_104 : memref<112x128xf32, #tpu.memory_space<vmem_shared>>) dst(%dma_wait3A_102 : memref<112x128xf32, #tpu.memory_space<hbm>>)
      tpu.yield
    }) : () -> ()
    %add3A_90 = arith.constant 448 : i32
    %add3A_91 = arith.addi %mul3A_2, %add3A_90 : i32
    "tpu.region"() ({
      %run_scoped3A_94 = tpu.sem_alloc : memref<!tpu.dma_semaphore, #tpu.memory_space<semaphore_mem>>
      %dma_start3A_95 = arith.constant 0 : i32
      %dma_start3A_96 = tpu.memref_slice %arg6[%arg0, %add3A_91, %dma_start3A_95] : memref<2x10240x128xf32, #tpu.memory_space<hbm>> -> memref<1x112x128xf32, #tpu.memory_space<hbm>>
      %dma_start3A_97 = tpu.memref_squeeze %dma_start3A_96 : memref<1x112x128xf32, #tpu.memory_space<hbm>> -> memref<112x128xf32, #tpu.memory_space<hbm>>
      %dma_start3A_98 = arith.constant 0 : i32
      %dma_start3A_99 = tpu.memref_slice %arg12[%add3A_91, %dma_start3A_98] : memref<10240x128xf32, #tpu.memory_space<vmem_shared>> -> memref<112x128xf32, #tpu.memory_space<vmem_shared>>
      tpu.enqueue_dma source(%dma_start3A_99 : memref<112x128xf32, #tpu.memory_space<vmem_shared>>) target(%dma_start3A_97 : memref<112x128xf32, #tpu.memory_space<hbm>>) target_semaphore(%run_scoped3A_94 : memref<!tpu.dma_semaphore, #tpu.memory_space<semaphore_mem>>)
      %dma_wait3A_100 = arith.constant 0 : i32
      %dma_wait3A_101 = tpu.memref_slice %arg6[%arg0, %add3A_91, %dma_wait3A_100] : memref<2x10240x128xf32, #tpu.memory_space<hbm>> -> memref<1x112x128xf32, #tpu.memory_space<hbm>>
      %dma_wait3A_102 = tpu.memref_squeeze %dma_wait3A_101 : memref<1x112x128xf32, #tpu.memory_space<hbm>> -> memref<112x128xf32, #tpu.memory_space<hbm>>
      %dma_wait3A_103 = arith.constant 0 : i32
      %dma_wait3A_104 = tpu.memref_slice %arg12[%add3A_91, %dma_wait3A_103] : memref<10240x128xf32, #tpu.memory_space<vmem_shared>> -> memref<112x128xf32, #tpu.memory_space<vmem_shared>>
      tpu.wait_dma2 semaphore(%run_scoped3A_94 : memref<!tpu.dma_semaphore, #tpu.memory_space<semaphore_mem>>) src(%dma_wait3A_104 : memref<112x128xf32, #tpu.memory_space<vmem_shared>>) dst(%dma_wait3A_102 : memref<112x128xf32, #tpu.memory_space<hbm>>)
      tpu.yield
    }) : () -> ()
    %add3A_92 = arith.constant 560 : i32
    %add3A_93 = arith.addi %mul3A_2, %add3A_92 : i32
    "tpu.region"() ({
      %run_scoped3A_94 = tpu.sem_alloc : memref<!tpu.dma_semaphore, #tpu.memory_space<semaphore_mem>>
      %dma_start3A_95 = arith.constant 0 : i32
      %dma_start3A_96 = tpu.memref_slice %arg6[%arg0, %add3A_93, %dma_start3A_95] : memref<2x10240x128xf32, #tpu.memory_space<hbm>> -> memref<1x80x128xf32, #tpu.memory_space<hbm>>
      %dma_start3A_97 = tpu.memref_squeeze %dma_start3A_96 : memref<1x80x128xf32, #tpu.memory_space<hbm>> -> memref<80x128xf32, #tpu.memory_space<hbm>>
      %dma_start3A_98 = arith.constant 0 : i32
      %dma_start3A_99 = tpu.memref_slice %arg12[%add3A_93, %dma_start3A_98] : memref<10240x128xf32, #tpu.memory_space<vmem_shared>> -> memref<80x128xf32, #tpu.memory_space<vmem_shared>>
      tpu.enqueue_dma source(%dma_start3A_99 : memref<80x128xf32, #tpu.memory_space<vmem_shared>>) target(%dma_start3A_97 : memref<80x128xf32, #tpu.memory_space<hbm>>) target_semaphore(%run_scoped3A_94 : memref<!tpu.dma_semaphore, #tpu.memory_space<semaphore_mem>>)
      %dma_wait3A_100 = arith.constant 0 : i32
      %dma_wait3A_101 = tpu.memref_slice %arg6[%arg0, %add3A_93, %dma_wait3A_100] : memref<2x10240x128xf32, #tpu.memory_space<hbm>> -> memref<1x80x128xf32, #tpu.memory_space<hbm>>
      %dma_wait3A_102 = tpu.memref_squeeze %dma_wait3A_101 : memref<1x80x128xf32, #tpu.memory_space<hbm>> -> memref<80x128xf32, #tpu.memory_space<hbm>>
      %dma_wait3A_103 = arith.constant 0 : i32
      %dma_wait3A_104 = tpu.memref_slice %arg12[%add3A_93, %dma_wait3A_103] : memref<10240x128xf32, #tpu.memory_space<vmem_shared>> -> memref<80x128xf32, #tpu.memory_space<vmem_shared>>
      tpu.wait_dma2 semaphore(%run_scoped3A_94 : memref<!tpu.dma_semaphore, #tpu.memory_space<semaphore_mem>>) src(%dma_wait3A_104 : memref<80x128xf32, #tpu.memory_space<vmem_shared>>) dst(%dma_wait3A_102 : memref<80x128xf32, #tpu.memory_space<hbm>>)
      tpu.yield
    }) : () -> ()
    return
  }
}

module attributes {stable_mosaic.version = 14 : i64} {
  func.func @_tpre_body(%arg0: i32, %arg1: memref<2048x128xf32, #tpu.memory_space<vmem>>, %arg2: memref<2x2048x128xf32, #tpu.memory_space<vmem>>, %arg3: memref<128x128xf32, #tpu.memory_space<vmem>>, %arg4: memref<2048x128xf32, #tpu.memory_space<vmem>>, %arg5: memref<2048x8xf32, #tpu.memory_space<vmem>>) attributes {dimension_semantics = [#tpu.dimension_semantics<arbitrary>], iteration_bounds = array<i64: 5>, scalar_prefetch = 0 : i64, scratch_operands = 0 : i64, tpu.core_type = #tpu.core_type<tc>, window_params = [{transform_indices = @transform_0, window_bounds = array<i64: 2048, 128>}, {transform_indices = @transform_1, window_bounds = array<i64: 2, 2048, 128>}, {pipeline_mode = #tpu.pipeline_mode<synchronous>, transform_indices = @transform_2, window_bounds = array<i64: 128, 128>}, {transform_indices = @transform_3, window_bounds = array<i64: 2048, 128>}, {transform_indices = @transform_4, window_bounds = array<i64: 2048, 8>}]} {
    %get3A = arith.constant 0 : index
    %get3A_0 = arith.constant 0 : index
    %get3A_1 = arith.constant 0 : index
    %get3A_2 = vector.load %arg2[%get3A, %get3A_0, %get3A_1] : memref<2x2048x128xf32, #tpu.memory_space<vmem>>, vector<1x2048x128xf32>
    %get3A_3 = vector.shape_cast %get3A_2 : vector<1x2048x128xf32> to vector<2048x128xf32>
    %slice3A = vector.extract_strided_slice %get3A_3 {offsets = [0, 0], sizes = [2048, 1], strides = [1, 1]} : vector<2048x128xf32> to vector<2048x1xf32>
    %get3A_4 = arith.constant 1 : index
    %get3A_5 = arith.constant 0 : index
    %get3A_6 = arith.constant 0 : index
    %get3A_7 = vector.load %arg2[%get3A_4, %get3A_5, %get3A_6] : memref<2x2048x128xf32, #tpu.memory_space<vmem>>, vector<1x2048x128xf32>
    %get3A_8 = vector.shape_cast %get3A_7 : vector<1x2048x128xf32> to vector<2048x128xf32>
    %slice3A_9 = vector.extract_strided_slice %get3A_8 {offsets = [0, 0], sizes = [2048, 1], strides = [1, 1]} : vector<2048x128xf32> to vector<2048x1xf32>
    %add3A = arith.addf %slice3A, %slice3A_9 : vector<2048x1xf32>
    %add3A_10 = arith.constant 1.000000e+00 : f32
    %add3A_11 = vector.broadcast %add3A_10 : f32 to vector<2048x1xf32>
    %add3A_12 = arith.addf %add3A, %add3A_11 : vector<2048x1xf32>
    %rsqrt3A = math.rsqrt %add3A_12 : vector<2048x1xf32>
    %broadcast_in_dim3A = vector.shape_cast %rsqrt3A : vector<2048x1xf32> to vector<2048x1xf32>
    %broadcast_in_dim3A_13 = vector.broadcast %broadcast_in_dim3A : vector<2048x1xf32> to vector<2048x128xf32>
    %broadcast_in_dim3A_14 = vector.shape_cast %rsqrt3A : vector<2048x1xf32> to vector<2048x1xf32>
    %broadcast_in_dim3A_15 = vector.broadcast %broadcast_in_dim3A_14 : vector<2048x1xf32> to vector<2048x8xf32>
    %swap3A = arith.constant 0 : index
    %swap3A_16 = arith.constant 0 : index
    %swap3A_17 = vector.load %arg5[%swap3A, %swap3A_16] : memref<2048x8xf32, #tpu.memory_space<vmem>>, vector<2048x8xf32>
    tpu.vector_store %arg5[%swap3A, %swap3A_16], %broadcast_in_dim3A_15 {strides = array<i32>} : memref<2048x8xf32, #tpu.memory_space<vmem>>, vector<2048x8xf32>,
    %get3A_18 = arith.constant 0 : index
    %get3A_19 = arith.constant 0 : index
    %get3A_20 = vector.load %arg1[%get3A_18, %get3A_19] : memref<2048x128xf32, #tpu.memory_space<vmem>>, vector<2048x128xf32>
    %get3A_21 = arith.constant 0 : index
    %get3A_22 = arith.constant 0 : index
    %get3A_23 = vector.load %arg3[%get3A_21, %get3A_22] : memref<128x128xf32, #tpu.memory_space<vmem>>, vector<128x128xf32>
    %dot_general3A = arith.constant dense<0.000000e+00> : vector<2048x128xf32>
    %dot_general3A_24 = tpu.matmul %get3A_20, %get3A_23, %dot_general3A {dimension_numbers = #tpu.dot_dimension_numbers<[1], [0], [0], [1], [0, 0, 1, 1], [], []>, transpose_lhs_hint = false} : vector<2048x128xf32>, vector<128x128xf32>, vector<2048x128xf32> -> vector<2048x128xf32>
    %mul3A = arith.mulf %dot_general3A_24, %broadcast_in_dim3A_13 : vector<2048x128xf32>
    %swap3A_25 = arith.constant 0 : index
    %swap3A_26 = arith.constant 0 : index
    %swap3A_27 = vector.load %arg4[%swap3A_25, %swap3A_26] : memref<2048x128xf32, #tpu.memory_space<vmem>>, vector<2048x128xf32>
    tpu.vector_store %arg4[%swap3A_25, %swap3A_26], %mul3A {strides = array<i32>} : memref<2048x128xf32, #tpu.memory_space<vmem>>, vector<2048x128xf32>,
    return
  }
  func.func @transform_0(%arg0: i32) -> (i32, i32) {
    %c0_i32 = arith.constant 0 : i32
    %c0_i32_0 = arith.constant 0 : i32
    return %arg0, %c0_i32 : i32, i32
  }
  func.func @transform_1(%arg0: i32) -> (i32, i32, i32) {
    %c0_i32 = arith.constant 0 : i32
    %c0_i32_0 = arith.constant 0 : i32
    %c0_i32_1 = arith.constant 0 : i32
    return %c0_i32, %arg0, %c0_i32_0 : i32, i32, i32
  }
  func.func @transform_2(%arg0: i32) -> (i32, i32) {
    %c0_i32 = arith.constant 0 : i32
    %c0_i32_0 = arith.constant 0 : i32
    %c0_i32_1 = arith.constant 0 : i32
    return %c0_i32, %c0_i32_0 : i32, i32
  }
  func.func @transform_3(%arg0: i32) -> (i32, i32) {
    %c0_i32 = arith.constant 0 : i32
    %c0_i32_0 = arith.constant 0 : i32
    return %arg0, %c0_i32 : i32, i32
  }
  func.func @transform_4(%arg0: i32) -> (i32, i32) {
    %c0_i32 = arith.constant 0 : i32
    %c0_i32_0 = arith.constant 0 : i32
    return %arg0, %c0_i32 : i32, i32
  }
}

module attributes {stable_mosaic.version = 14 : i64} {
  func.func @_tlayer_body(%arg0: i32, %arg1: memref<2x2048x128xf32, #tpu.memory_space<vmem>>, %arg2: memref<2048x128xf32, #tpu.memory_space<vmem>>, %arg3: memref<2048x8xf32, #tpu.memory_space<vmem>>, %arg4: memref<128x128xf32, #tpu.memory_space<vmem>>, %arg5: memref<1x128xf32, #tpu.memory_space<vmem>>, %arg6: memref<2048x128xf32, #tpu.memory_space<vmem>>) attributes {dimension_semantics = [#tpu.dimension_semantics<arbitrary>], iteration_bounds = array<i64: 5>, scalar_prefetch = 0 : i64, scratch_operands = 0 : i64, tpu.core_type = #tpu.core_type<tc>, window_params = [{transform_indices = @transform_0, window_bounds = array<i64: 2, 2048, 128>}, {transform_indices = @transform_1, window_bounds = array<i64: 2048, 128>}, {transform_indices = @transform_2, window_bounds = array<i64: 2048, 8>}, {pipeline_mode = #tpu.pipeline_mode<synchronous>, transform_indices = @transform_3, window_bounds = array<i64: 128, 128>}, {pipeline_mode = #tpu.pipeline_mode<synchronous>, transform_indices = @transform_4, window_bounds = array<i64: 1, 128>}, {transform_indices = @transform_5, window_bounds = array<i64: 2048, 128>}]} {
    %get3A = arith.constant 0 : index
    %get3A_0 = arith.constant 0 : index
    %get3A_1 = vector.load %arg3[%get3A, %get3A_0] : memref<2048x8xf32, #tpu.memory_space<vmem>>, vector<2048x8xf32>
    %slice3A = vector.extract_strided_slice %get3A_1 {offsets = [0, 0], sizes = [2048, 1], strides = [1, 1]} : vector<2048x8xf32> to vector<2048x1xf32>
    %broadcast_in_dim3A = vector.shape_cast %slice3A : vector<2048x1xf32> to vector<2048x1xf32>
    %broadcast_in_dim3A_2 = vector.broadcast %broadcast_in_dim3A : vector<2048x1xf32> to vector<2048x128xf32>
    %get3A_3 = arith.constant 0 : index
    %get3A_4 = arith.constant 0 : index
    %get3A_5 = arith.constant 0 : index
    %get3A_6 = vector.load %arg1[%get3A_3, %get3A_4, %get3A_5] : memref<2x2048x128xf32, #tpu.memory_space<vmem>>, vector<1x2048x128xf32>
    %get3A_7 = vector.shape_cast %get3A_6 : vector<1x2048x128xf32> to vector<2048x128xf32>
    %get3A_8 = arith.constant 1 : index
    %get3A_9 = arith.constant 0 : index
    %get3A_10 = arith.constant 0 : index
    %get3A_11 = vector.load %arg1[%get3A_8, %get3A_9, %get3A_10] : memref<2x2048x128xf32, #tpu.memory_space<vmem>>, vector<1x2048x128xf32>
    %get3A_12 = vector.shape_cast %get3A_11 : vector<1x2048x128xf32> to vector<2048x128xf32>
    %add3A = arith.addf %get3A_7, %get3A_12 : vector<2048x128xf32>
    %get3A_13 = arith.constant 0 : index
    %get3A_14 = arith.constant 0 : index
    %get3A_15 = vector.load %arg2[%get3A_13, %get3A_14] : memref<2048x128xf32, #tpu.memory_space<vmem>>, vector<2048x128xf32>
    %add3A_16 = arith.addf %add3A, %get3A_15 : vector<2048x128xf32>
    %mul3A = arith.mulf %broadcast_in_dim3A_2, %add3A_16 : vector<2048x128xf32>
    %get3A_17 = arith.constant 0 : index
    %get3A_18 = arith.constant 0 : index
    %get3A_19 = vector.load %arg5[%get3A_17, %get3A_18] : memref<1x128xf32, #tpu.memory_space<vmem>>, vector<1x128xf32>
    %add3A_20 = vector.broadcast %get3A_19 : vector<1x128xf32> to vector<2048x128xf32>
    %add3A_21 = arith.addf %mul3A, %add3A_20 : vector<2048x128xf32>
    %max3A = arith.constant 0.000000e+00 : f32
    %max3A_22 = vector.broadcast %max3A : f32 to vector<2048x128xf32>
    %max3A_23 = arith.maximumf %add3A_21, %max3A_22 : vector<2048x128xf32>
    %get3A_24 = arith.constant 0 : index
    %get3A_25 = arith.constant 0 : index
    %get3A_26 = vector.load %arg4[%get3A_24, %get3A_25] : memref<128x128xf32, #tpu.memory_space<vmem>>, vector<128x128xf32>
    %dot_general3A = arith.constant dense<0.000000e+00> : vector<2048x128xf32>
    %dot_general3A_27 = tpu.matmul %max3A_23, %get3A_26, %dot_general3A {dimension_numbers = #tpu.dot_dimension_numbers<[1], [0], [0], [1], [0, 0, 1, 1], [], []>, transpose_lhs_hint = false} : vector<2048x128xf32>, vector<128x128xf32>, vector<2048x128xf32> -> vector<2048x128xf32>
    %mul3A_28 = arith.mulf %dot_general3A_27, %broadcast_in_dim3A_2 : vector<2048x128xf32>
    %swap3A = arith.constant 0 : index
    %swap3A_29 = arith.constant 0 : index
    %swap3A_30 = vector.load %arg6[%swap3A, %swap3A_29] : memref<2048x128xf32, #tpu.memory_space<vmem>>, vector<2048x128xf32>
    tpu.vector_store %arg6[%swap3A, %swap3A_29], %mul3A_28 {strides = array<i32>} : memref<2048x128xf32, #tpu.memory_space<vmem>>, vector<2048x128xf32>,
    return
  }
  func.func @transform_0(%arg0: i32) -> (i32, i32, i32) {
    %c0_i32 = arith.constant 0 : i32
    %c0_i32_0 = arith.constant 0 : i32
    %c0_i32_1 = arith.constant 0 : i32
    return %c0_i32, %arg0, %c0_i32_0 : i32, i32, i32
  }
  func.func @transform_1(%arg0: i32) -> (i32, i32) {
    %c0_i32 = arith.constant 0 : i32
    %c0_i32_0 = arith.constant 0 : i32
    return %arg0, %c0_i32 : i32, i32
  }
  func.func @transform_2(%arg0: i32) -> (i32, i32) {
    %c0_i32 = arith.constant 0 : i32
    %c0_i32_0 = arith.constant 0 : i32
    return %arg0, %c0_i32 : i32, i32
  }
  func.func @transform_3(%arg0: i32) -> (i32, i32) {
    %c0_i32 = arith.constant 0 : i32
    %c0_i32_0 = arith.constant 0 : i32
    %c0_i32_1 = arith.constant 0 : i32
    return %c0_i32, %c0_i32_0 : i32, i32
  }
  func.func @transform_4(%arg0: i32) -> (i32, i32) {
    %c0_i32 = arith.constant 0 : i32
    %c0_i32_0 = arith.constant 0 : i32
    %c0_i32_1 = arith.constant 0 : i32
    return %c0_i32, %c0_i32_0 : i32, i32
  }
  func.func @transform_5(%arg0: i32) -> (i32, i32) {
    %c0_i32 = arith.constant 0 : i32
    %c0_i32_0 = arith.constant 0 : i32
    return %arg0, %c0_i32 : i32, i32
  }
}

module attributes {stable_mosaic.version = 14 : i64} {
  func.func @_tfinal_body(%arg0: i32, %arg1: memref<2x2048x128xf32, #tpu.memory_space<vmem>>, %arg2: memref<2048x128xf32, #tpu.memory_space<vmem>>, %arg3: memref<2048x8xf32, #tpu.memory_space<vmem>>, %arg4: memref<1x128xf32, #tpu.memory_space<vmem>>, %arg5: memref<1x1x2048xi32, #tpu.memory_space<vmem>>, %arg6: memref<128x128xf32, #tpu.memory_space<vmem>>, %arg7: memref<1x128xf32, #tpu.memory_space<vmem>>, %arg8: memref<128x128xf32, #tpu.memory_space<vmem>>, %arg9: memref<1x128xf32, #tpu.memory_space<vmem>>, %arg10: memref<128x128xf32, #tpu.memory_space<vmem>>, %arg11: memref<1x128xf32, #tpu.memory_space<vmem>>, %arg12: memref<32x128xf32, #tpu.memory_space<vmem>>, %arg13: memref<32x128xf32, #tpu.memory_space<vmem>>) attributes {dimension_semantics = [#tpu.dimension_semantics<arbitrary>], iteration_bounds = array<i64: 5>, scalar_prefetch = 0 : i64, scratch_operands = 1 : i64, tpu.core_type = #tpu.core_type<tc>, window_params = [{transform_indices = @transform_0, window_bounds = array<i64: 2, 2048, 128>}, {transform_indices = @transform_1, window_bounds = array<i64: 2048, 128>}, {transform_indices = @transform_2, window_bounds = array<i64: 2048, 8>}, {pipeline_mode = #tpu.pipeline_mode<synchronous>, transform_indices = @transform_3, window_bounds = array<i64: 1, 128>}, {transform_indices = @transform_4, window_bounds = array<i64: 1, 1, 2048>}, {pipeline_mode = #tpu.pipeline_mode<synchronous>, transform_indices = @transform_5, window_bounds = array<i64: 128, 128>}, {pipeline_mode = #tpu.pipeline_mode<synchronous>, transform_indices = @transform_6, window_bounds = array<i64: 1, 128>}, {pipeline_mode = #tpu.pipeline_mode<synchronous>, transform_indices = @transform_7, window_bounds = array<i64: 128, 128>}, {pipeline_mode = #tpu.pipeline_mode<synchronous>, transform_indices = @transform_8, window_bounds = array<i64: 1, 128>}, {pipeline_mode = #tpu.pipeline_mode<synchronous>, transform_indices = @transform_9, window_bounds = array<i64: 128, 128>}, {pipeline_mode = #tpu.pipeline_mode<synchronous>, transform_indices = @transform_10, window_bounds = array<i64: 1, 128>}, {pipeline_mode = #tpu.pipeline_mode<synchronous>, transform_indices = @transform_11, window_bounds = array<i64: 32, 128>}]} {
    %get3A = arith.constant 0 : index
    %get3A_0 = arith.constant 0 : index
    %get3A_1 = vector.load %arg3[%get3A, %get3A_0] : memref<2048x8xf32, #tpu.memory_space<vmem>>, vector<2048x8xf32>
    %slice3A = vector.extract_strided_slice %get3A_1 {offsets = [0, 0], sizes = [2048, 1], strides = [1, 1]} : vector<2048x8xf32> to vector<2048x1xf32>
    %broadcast_in_dim3A = vector.shape_cast %slice3A : vector<2048x1xf32> to vector<2048x1xf32>
    %broadcast_in_dim3A_2 = vector.broadcast %broadcast_in_dim3A : vector<2048x1xf32> to vector<2048x128xf32>
    %get3A_3 = arith.constant 0 : index
    %get3A_4 = arith.constant 0 : index
    %get3A_5 = arith.constant 0 : index
    %get3A_6 = vector.load %arg1[%get3A_3, %get3A_4, %get3A_5] : memref<2x2048x128xf32, #tpu.memory_space<vmem>>, vector<1x2048x128xf32>
    %get3A_7 = vector.shape_cast %get3A_6 : vector<1x2048x128xf32> to vector<2048x128xf32>
    %get3A_8 = arith.constant 1 : index
    %get3A_9 = arith.constant 0 : index
    %get3A_10 = arith.constant 0 : index
    %get3A_11 = vector.load %arg1[%get3A_8, %get3A_9, %get3A_10] : memref<2x2048x128xf32, #tpu.memory_space<vmem>>, vector<1x2048x128xf32>
    %get3A_12 = vector.shape_cast %get3A_11 : vector<1x2048x128xf32> to vector<2048x128xf32>
    %add3A = arith.addf %get3A_7, %get3A_12 : vector<2048x128xf32>
    %get3A_13 = arith.constant 0 : index
    %get3A_14 = arith.constant 0 : index
    %get3A_15 = vector.load %arg2[%get3A_13, %get3A_14] : memref<2048x128xf32, #tpu.memory_space<vmem>>, vector<2048x128xf32>
    %add3A_16 = arith.addf %add3A, %get3A_15 : vector<2048x128xf32>
    %mul3A = arith.mulf %broadcast_in_dim3A_2, %add3A_16 : vector<2048x128xf32>
    %get3A_17 = arith.constant 0 : index
    %get3A_18 = arith.constant 0 : index
    %get3A_19 = vector.load %arg4[%get3A_17, %get3A_18] : memref<1x128xf32, #tpu.memory_space<vmem>>, vector<1x128xf32>
    %add3A_20 = vector.broadcast %get3A_19 : vector<1x128xf32> to vector<2048x128xf32>
    %add3A_21 = arith.addf %mul3A, %add3A_20 : vector<2048x128xf32>
    %max3A = arith.constant 0.000000e+00 : f32
    %max3A_22 = vector.broadcast %max3A : f32 to vector<2048x128xf32>
    %max3A_23 = arith.maximumf %add3A_21, %max3A_22 : vector<2048x128xf32>
    %iota3A = tpu.iota {dimensions = array<i32: 0>} : vector<32x2048xi32>
    %get3A_24 = arith.constant 0 : index
    %get3A_25 = arith.constant 0 : index
    %get3A_26 = arith.constant 0 : index
    %get3A_27 = vector.load %arg5[%get3A_24, %get3A_25, %get3A_26] : memref<1x1x2048xi32, #tpu.memory_space<vmem>>, vector<1x1x2048xi32>
    %get3A_28 = vector.shape_cast %get3A_27 : vector<1x1x2048xi32> to vector<1x2048xi32>
    %eq3A = vector.broadcast %get3A_28 : vector<1x2048xi32> to vector<32x2048xi32>
    %eq3A_29 = arith.cmpi eq, %eq3A, %iota3A : vector<32x2048xi32>
    %convert_element_type3A = arith.extui %eq3A_29 : vector<32x2048xi1> to vector<32x2048xi32>
    %convert_element_type3A_30 = arith.sitofp %convert_element_type3A : vector<32x2048xi32> to vector<32x2048xf32>
    %dot_general3A = arith.constant dense<0.000000e+00> : vector<32x128xf32>
    %dot_general3A_31 = tpu.matmul %convert_element_type3A_30, %max3A_23, %dot_general3A {dimension_numbers = #tpu.dot_dimension_numbers<[1], [0], [0], [1], [0, 0, 1, 1], [], []>, transpose_lhs_hint = false} : vector<32x2048xf32>, vector<2048x128xf32>, vector<32x128xf32> -> vector<32x128xf32>
    %eq3A_32 = arith.constant 0 : i32
    %eq3A_33 = arith.cmpi eq, %arg0, %eq3A_32 : i32
    %convert_element_type3A_34 = arith.extui %eq3A_33 : i1 to i32
    %cond3A = arith.constant 0 : i32
    %cond3A_35 = arith.cmpi ne, %convert_element_type3A_34, %cond3A : i32
    scf.if %cond3A_35 {
      %swap3A = arith.constant 0 : index
      %swap3A_45 = arith.constant 0 : index
      %swap3A_46 = vector.load %arg13[%swap3A, %swap3A_45] : memref<32x128xf32, #tpu.memory_space<vmem>>, vector<32x128xf32>
      tpu.vector_store %arg13[%swap3A, %swap3A_45], %dot_general3A_31 {strides = array<i32>} : memref<32x128xf32, #tpu.memory_space<vmem>>, vector<32x128xf32>,
    } else {
    }
    %gt3A = arith.constant 0 : i32
    %gt3A_36 = arith.cmpi sgt, %arg0, %gt3A : i32
    %convert_element_type3A_37 = arith.extui %gt3A_36 : i1 to i32
    %cond3A_38 = arith.constant 0 : i32
    %cond3A_39 = arith.cmpi ne, %convert_element_type3A_37, %cond3A_38 : i32
    scf.if %cond3A_39 {
      %get3A_45 = arith.constant 0 : index
      %get3A_46 = arith.constant 0 : index
      %get3A_47 = vector.load %arg13[%get3A_45, %get3A_46] : memref<32x128xf32, #tpu.memory_space<vmem>>, vector<32x128xf32>
      %add3A_48 = arith.addf %get3A_47, %dot_general3A_31 : vector<32x128xf32>
      %swap3A = arith.constant 0 : index
      %swap3A_49 = arith.constant 0 : index
      %swap3A_50 = vector.load %arg13[%swap3A, %swap3A_49] : memref<32x128xf32, #tpu.memory_space<vmem>>, vector<32x128xf32>
      tpu.vector_store %arg13[%swap3A, %swap3A_49], %add3A_48 {strides = array<i32>} : memref<32x128xf32, #tpu.memory_space<vmem>>, vector<32x128xf32>,
    } else {
    }
    %eq3A_40 = arith.constant 4 : i32
    %eq3A_41 = arith.cmpi eq, %arg0, %eq3A_40 : i32
    %convert_element_type3A_42 = arith.extui %eq3A_41 : i1 to i32
    %cond3A_43 = arith.constant 0 : i32
    %cond3A_44 = arith.cmpi ne, %convert_element_type3A_42, %cond3A_43 : i32
    scf.if %cond3A_44 {
      %get3A_45 = arith.constant 0 : index
      %get3A_46 = arith.constant 0 : index
      %get3A_47 = vector.load %arg13[%get3A_45, %get3A_46] : memref<32x128xf32, #tpu.memory_space<vmem>>, vector<32x128xf32>
      %get3A_48 = arith.constant 0 : index
      %get3A_49 = arith.constant 0 : index
      %get3A_50 = vector.load %arg6[%get3A_48, %get3A_49] : memref<128x128xf32, #tpu.memory_space<vmem>>, vector<128x128xf32>
      %dot_general3A_51 = arith.constant dense<0.000000e+00> : vector<32x128xf32>
      %dot_general3A_52 = tpu.matmul %get3A_47, %get3A_50, %dot_general3A_51 {dimension_numbers = #tpu.dot_dimension_numbers<[1], [0], [0], [1], [0, 0, 1, 1], [], []>, transpose_lhs_hint = false} : vector<32x128xf32>, vector<128x128xf32>, vector<32x128xf32> -> vector<32x128xf32>
      %get3A_53 = arith.constant 0 : index
      %get3A_54 = arith.constant 0 : index
      %get3A_55 = vector.load %arg7[%get3A_53, %get3A_54] : memref<1x128xf32, #tpu.memory_space<vmem>>, vector<1x128xf32>
      %add3A_56 = vector.broadcast %get3A_55 : vector<1x128xf32> to vector<32x128xf32>
      %add3A_57 = arith.addf %dot_general3A_52, %add3A_56 : vector<32x128xf32>
      %max3A_58 = arith.constant 0.000000e+00 : f32
      %max3A_59 = vector.broadcast %max3A_58 : f32 to vector<32x128xf32>
      %max3A_60 = arith.maximumf %add3A_57, %max3A_59 : vector<32x128xf32>
      %get3A_61 = arith.constant 0 : index
      %get3A_62 = arith.constant 0 : index
      %get3A_63 = vector.load %arg8[%get3A_61, %get3A_62] : memref<128x128xf32, #tpu.memory_space<vmem>>, vector<128x128xf32>
      %dot_general3A_64 = arith.constant dense<0.000000e+00> : vector<32x128xf32>
      %dot_general3A_65 = tpu.matmul %max3A_60, %get3A_63, %dot_general3A_64 {dimension_numbers = #tpu.dot_dimension_numbers<[1], [0], [0], [1], [0, 0, 1, 1], [], []>, transpose_lhs_hint = false} : vector<32x128xf32>, vector<128x128xf32>, vector<32x128xf32> -> vector<32x128xf32>
      %get3A_66 = arith.constant 0 : index
      %get3A_67 = arith.constant 0 : index
      %get3A_68 = vector.load %arg9[%get3A_66, %get3A_67] : memref<1x128xf32, #tpu.memory_space<vmem>>, vector<1x128xf32>
      %add3A_69 = vector.broadcast %get3A_68 : vector<1x128xf32> to vector<32x128xf32>
      %add3A_70 = arith.addf %dot_general3A_65, %add3A_69 : vector<32x128xf32>
      %max3A_71 = arith.constant 0.000000e+00 : f32
      %max3A_72 = vector.broadcast %max3A_71 : f32 to vector<32x128xf32>
      %max3A_73 = arith.maximumf %add3A_70, %max3A_72 : vector<32x128xf32>
      %get3A_74 = arith.constant 0 : index
      %get3A_75 = arith.constant 0 : index
      %get3A_76 = vector.load %arg10[%get3A_74, %get3A_75] : memref<128x128xf32, #tpu.memory_space<vmem>>, vector<128x128xf32>
      %dot_general3A_77 = arith.constant dense<0.000000e+00> : vector<32x128xf32>
      %dot_general3A_78 = tpu.matmul %max3A_73, %get3A_76, %dot_general3A_77 {dimension_numbers = #tpu.dot_dimension_numbers<[1], [0], [0], [1], [0, 0, 1, 1], [], []>, transpose_lhs_hint = false} : vector<32x128xf32>, vector<128x128xf32>, vector<32x128xf32> -> vector<32x128xf32>
      %get3A_79 = arith.constant 0 : index
      %get3A_80 = arith.constant 0 : index
      %get3A_81 = vector.load %arg11[%get3A_79, %get3A_80] : memref<1x128xf32, #tpu.memory_space<vmem>>, vector<1x128xf32>
      %add3A_82 = vector.broadcast %get3A_81 : vector<1x128xf32> to vector<32x128xf32>
      %add3A_83 = arith.addf %dot_general3A_78, %add3A_82 : vector<32x128xf32>
      %max3A_84 = arith.constant 0.000000e+00 : f32
      %max3A_85 = vector.broadcast %max3A_84 : f32 to vector<32x128xf32>
      %max3A_86 = arith.maximumf %add3A_83, %max3A_85 : vector<32x128xf32>
      %swap3A = arith.constant 0 : index
      %swap3A_87 = arith.constant 0 : index
      %swap3A_88 = vector.load %arg12[%swap3A, %swap3A_87] : memref<32x128xf32, #tpu.memory_space<vmem>>, vector<32x128xf32>
      tpu.vector_store %arg12[%swap3A, %swap3A_87], %max3A_86 {strides = array<i32>} : memref<32x128xf32, #tpu.memory_space<vmem>>, vector<32x128xf32>,
    } else {
    }
    return
  }
  func.func @transform_0(%arg0: i32) -> (i32, i32, i32) {
    %c0_i32 = arith.constant 0 : i32
    %c0_i32_0 = arith.constant 0 : i32
    %c0_i32_1 = arith.constant 0 : i32
    return %c0_i32, %arg0, %c0_i32_0 : i32, i32, i32
  }
  func.func @transform_1(%arg0: i32) -> (i32, i32) {
    %c0_i32 = arith.constant 0 : i32
    %c0_i32_0 = arith.constant 0 : i32
    return %arg0, %c0_i32 : i32, i32
  }
  func.func @transform_2(%arg0: i32) -> (i32, i32) {
    %c0_i32 = arith.constant 0 : i32
    %c0_i32_0 = arith.constant 0 : i32
    return %arg0, %c0_i32 : i32, i32
  }
  func.func @transform_3(%arg0: i32) -> (i32, i32) {
    %c0_i32 = arith.constant 0 : i32
    %c0_i32_0 = arith.constant 0 : i32
    %c0_i32_1 = arith.constant 0 : i32
    return %c0_i32, %c0_i32_0 : i32, i32
  }
  func.func @transform_4(%arg0: i32) -> (i32, i32, i32) {
    %c0_i32 = arith.constant 0 : i32
    %c0_i32_0 = arith.constant 0 : i32
    %c0_i32_1 = arith.constant 0 : i32
    return %arg0, %c0_i32, %c0_i32_0 : i32, i32, i32
  }
  func.func @transform_5(%arg0: i32) -> (i32, i32) {
    %c0_i32 = arith.constant 0 : i32
    %c0_i32_0 = arith.constant 0 : i32
    %c0_i32_1 = arith.constant 0 : i32
    return %c0_i32, %c0_i32_0 : i32, i32
  }
  func.func @transform_6(%arg0: i32) -> (i32, i32) {
    %c0_i32 = arith.constant 0 : i32
    %c0_i32_0 = arith.constant 0 : i32
    %c0_i32_1 = arith.constant 0 : i32
    return %c0_i32, %c0_i32_0 : i32, i32
  }
  func.func @transform_7(%arg0: i32) -> (i32, i32) {
    %c0_i32 = arith.constant 0 : i32
    %c0_i32_0 = arith.constant 0 : i32
    %c0_i32_1 = arith.constant 0 : i32
    return %c0_i32, %c0_i32_0 : i32, i32
  }
  func.func @transform_8(%arg0: i32) -> (i32, i32) {
    %c0_i32 = arith.constant 0 : i32
    %c0_i32_0 = arith.constant 0 : i32
    %c0_i32_1 = arith.constant 0 : i32
    return %c0_i32, %c0_i32_0 : i32, i32
  }
  func.func @transform_9(%arg0: i32) -> (i32, i32) {
    %c0_i32 = arith.constant 0 : i32
    %c0_i32_0 = arith.constant 0 : i32
    %c0_i32_1 = arith.constant 0 : i32
    return %c0_i32, %c0_i32_0 : i32, i32
  }
  func.func @transform_10(%arg0: i32) -> (i32, i32) {
    %c0_i32 = arith.constant 0 : i32
    %c0_i32_0 = arith.constant 0 : i32
    %c0_i32_1 = arith.constant 0 : i32
    return %c0_i32, %c0_i32_0 : i32, i32
  }
  func.func @transform_11(%arg0: i32) -> (i32, i32) {
    %c0_i32 = arith.constant 0 : i32
    %c0_i32_0 = arith.constant 0 : i32
    %c0_i32_1 = arith.constant 0 : i32
    return %c0_i32, %c0_i32_0 : i32, i32
  }
}

</mosaic_0001>

<sc_bundles>
// kernel: kernel.10.cloned.1.call-start
scs
__scs_entry_jumppad:
0x0: {  	(pc) =	sbr.rel $0x88, $3  }
0x1: {  	(tag) =	ssettag $0x0;
	lr =	simm.s32 $0x1  }
0x2: {  	[smem:$0x3F92] =	sst lr;
	_ =	strace $0xD0000000  }
0x3: {  	_ = 	snop  }
0x4: {  	_ = 	snop  }
0x5: {  	_ = 	snop  }
0x6: {  	_ = 	snop  }
0x7: {  	_ = 	snop  }
__scs_overlays_trampoline_lowered:
0x8: {  	[smem:$0x3FA1] =	sst s0  }
0x9: {  	[smem:$0x3FA2] =	sst s1  }
0xa: {  	[smem:$0x3FA3] =	sst s2  }
0xb: {  	[smem:$0x3FA4] =	sst s3  }
0xc: {  	[smem:$0x3FA5] =	sst s4  }
0xd: {  	[smem:$0x3FA6] =	sst s5  }
0xe: {  	[smem:$0x3FA7] =	sst s6  }
0xf: {  	[smem:$0x3FA8] =	sst s7  }
0x10: {  	[smem:$0x3FA9] =	sst s8  }
0x11: {  	[smem:$0x3FAA] =	sst s9;
	s0 =	simm.s32 @!p0 $0x0  }
0x12: {  	s1 =	sld [smem:$0x3F90];
	s0 =	simm.s32 @p0 $0x1  }
0x13: {  	[smem:$0x3FAB] =	sst s0;
	s0 =	simm.s32 @!p1 $0x0  }
0x14: {  	s2 =	sld [smem:$0x3F8F];
	s0 =	simm.s32 @p1 $0x1  }
0x15: {  	[smem:$0x3FAC] =	sst s0;
	s0 =	simm.s32 @!p2 $0x0  }
0x16: {  	s3 =	sld [smem:$0x3FDB];
	s0 =	simm.s32 @p2 $0x1  }
0x17: {  	s4 =	simm.s32 $0x1BF5;
	[smem:$0x3FAE] =	sst s0  }
0x18: {  	s0 =	sld [smem:$0x3F91];
	_ =	swait.ge [sflag:s4], $0x0  }
0x19: {  	s7 =	sld [smem:$0x3F92]  }
0x1a: {  	s8 =	sadd.s32 $0xFFFFE003, lr  }
0x1b: {  	s9 =	sadd.s32 $0xFFFFFEF7, lr;
	s5 =	simm.s32 $0xFFFFFFFF;
	p2 =	slt.u32 s8, $0xFFFFF086  }
0x1c: {  	p1 =	slt.u32 s9, $0xF7A;
	s5 =	simm.s32 @!p2 $0x0  }
0x1d: {  	s5 =	simm.s32 @p1 $0x1;
	p0 =	seq.s32 s7, s2  }
0x1e: {  	s7 =	smul.u32 @!p0 $0xF7A, s2;
	p2 =	seq.s32 @!p0 s5, $0x0  }
0x1f: {  	s9 =	smul.u32 $0xF7A, s1;
	s8 =	simm.s32 @!p0 $0x1BF5;
	p2 =	por !p2, p0  }
0x20: {  	[sflag:s8] =	ssyncset.s32 @!p0 $0xFFFFF086;
	s6 =	sadd.s32 @!p0 s3, s7;
	s7 =	simm.s32 @!p0 $0x108  }
0x21: {  	s3 =	sadd.s32 s3, s9;
	s6 =	sadd.s32 @!p0 $0x88, s6;
	s7 =	simm.s32 @p2 $0x1082  }
0x22: {  	[simem:s7], [sflag:s8] =	dma.local @!p0 [hbm:s6], $0xF7A  }
0x23: {  	s9 =	sor.u32 $0xD0000000, s2;
	s6 =	simm.s32 $0x108;
	_ =	swait.ge @!p0 [sflag:s8], $0x0  }
0x24: {  	s3 =	sadd.s32 $0x88, s3;
	s6 =	simm.s32 @!p1 $0x1082;
	[sflag:s4] =	ssyncset.s32 $0xFFFFF086  }
0x25: {  	[simem:s6], [sflag:s4] =	dma.local [hbm:s3], $0xF7A  }
0x26: {  	[smem:$0x3F92] =	sst s1;
	(tag) =	ssettag s2;
	_ =	strace s9  }
0x27: {  	s1 =	sld [smem:$0x3FA2]  }
0x28: {  	s2 =	sld [smem:$0x3FA3]  }
0x29: {  	s4 =	sld [smem:$0x3FA5]  }
0x2a: {  	p0 =	seq.s32 s5, $0x0;
	s5 =	sld [smem:$0x3FA6]  }
0x2b: {  	s6 =	sld [smem:$0x3FA7]  }
0x2c: {  	s7 =	sld [smem:$0x3FA8]  }
0x2d: {  	s3 =	simm.s32 $0x108;
	s8 =	sld [smem:$0x3FA9]  }
0x2e: {  	s3 =	simm.s32 @!p0 $0x1082;
	s9 =	sld [smem:$0x3FAA]  }
0x2f: {  	lr =	sadd.s32 s0, s3;
	s0 =	sld [smem:$0x3FA1]  }
0x30: {  	s3 =	sld [smem:$0x3FA4]  }
0x31: {  	[smem:$0x3FAD] =	sst s10  }
0x32: {  	s10 =	sld [smem:$0x3FAB];
	_ =	sdelay $0x3  }
0x33: {  	p0 =	seq.s32 s10, $0x1;
	s10 =	sld [smem:$0x3FAD];
	_ =	sdelay $0x3  }
0x34: {  	[smem:$0x3FAD] =	sst s10  }
0x35: {  	s10 =	sld [smem:$0x3FAC];
	_ =	sdelay $0x3  }
0x36: {  	p1 =	seq.s32 s10, $0x1;
	s10 =	sld [smem:$0x3FAD];
	_ =	sdelay $0x3  }
0x37: {  	[smem:$0x3FAD] =	sst s10  }
0x38: {  	s10 =	sld [smem:$0x3FAE]  }
0x39: {  	_ = 	snop;
	(pc) =	sbr.ind lr, $3  }
0x3a: {  	_ = 	snop  }
0x3b: {  	_ = 	snop  }
0x3c: {  	p2 =	seq.s32 s10, $0x1;
	s10 =	sld [smem:$0x3FAD]  }
0x3d: {  	_ =	shalt  }
0x3e: {  	_ =	shalt  }
0x3f: {  	_ =	shalt  }
0x40: {  	_ =	shalt  }
0x41: {  	_ =	shalt  }
0x42: {  	_ =	shalt  }
0x43: {  	_ =	shalt  }
0x44: {  	_ =	shalt  }
0x45: {  	_ =	shalt  }
0x46: {  	_ =	shalt  }
0x47: {  	_ =	shalt  }
0x48: {  	_ =	shalt  }
0x49: {  	_ =	shalt  }
0x4a: {  	_ =	shalt  }
0x4b: {  	_ =	shalt  }
0x4c: {  	_ =	shalt  }
0x4d: {  	_ =	shalt  }
0x4e: {  	_ =	shalt  }
0x4f: {  	_ =	shalt  }
0x50: {  	_ =	shalt  }
0x51: {  	_ =	shalt  }
0x52: {  	_ =	shalt  }
0x53: {  	_ =	shalt  }
0x54: {  	_ =	shalt  }
0x55: {  	_ =	shalt  }
0x56: {  	_ =	shalt  }
0x57: {  	_ =	shalt  }
0x58: {  	_ =	shalt  }
0x59: {  	_ =	shalt  }
0x5a: {  	_ =	shalt  }
0x5b: {  	_ =	shalt  }
0x5c: {  	_ =	shalt  }
0x5d: {  	_ =	shalt  }
0x5e: {  	_ =	shalt  }
0x5f: {  	_ =	shalt  }
0x60: {  	_ =	shalt  }
0x61: {  	_ =	shalt  }
0x62: {  	_ =	shalt  }
0x63: {  	_ =	shalt  }
0x64: {  	_ =	shalt  }
0x65: {  	_ =	shalt  }
0x66: {  	_ =	shalt  }
0x67: {  	_ =	shalt  }
0x68: {  	_ =	shalt  }
0x69: {  	_ =	shalt  }
0x6a: {  	_ =	shalt  }
0x6b: {  	_ =	shalt  }
0x6c: {  	_ =	shalt  }
0x6d: {  	_ =	shalt  }
0x6e: {  	_ =	shalt  }
0x6f: {  	_ =	shalt  }
0x70: {  	_ =	shalt  }
0x71: {  	_ =	shalt  }
0x72: {  	_ =	shalt  }
0x73: {  	_ =	shalt  }
0x74: {  	_ =	shalt  }
0x75: {  	_ =	shalt  }
0x76: {  	_ =	shalt  }
0x77: {  	_ =	shalt  }
0x78: {  	_ =	shalt  }
0x79: {  	_ =	shalt  }
0x7a: {  	_ =	shalt  }
0x7b: {  	_ =	shalt  }
0x7c: {  	_ =	shalt  }
0x7d: {  	_ =	shalt  }
0x7e: {  	_ =	shalt  }
0x7f: {  	_ =	shalt  }
0x80: {  	_ =	shalt  }
0x81: {  	_ =	shalt  }
0x82: {  	_ =	shalt  }
0x83: {  	_ =	shalt  }
0x84: {  	_ =	shalt  }
0x85: {  	_ =	shalt  }
0x86: {  	_ =	shalt  }
0x87: {  	_ =	shalt  }
.Lfunc_end0:
.L_simem_size_0:
called_computation_lowered:
.L_overlay_start_0:
0x88: {  	s2 =	sld [smem:$0x3FD9]  }
0x89: {  	s3 =	sld [smem:$0x3FFE];
	_ =	sdelay $0x1  }
0x8a: {  	s1 =	srdreg.scid  }
0x8b: {  	s0 =	sand.u32 $0x1, s1  }
0x8c: {  	s16 =	sshll.u32 s0, $0xA;
	s2 =	sadd.s32 s3, s2  }
0x8d: {  	s2 =	sadd.s32 s2, s16  }
0x8e: {  	[smem:$0x3FB9] =	sst s2  }
0x8f: {  	_ = 	snop  }
0x90: {  	(tm) =	ssettm $0x1  }
0x91: {  	s17 =	sld [smem:$0x3FFB];
	_ =	sdelay $0x3  }
0x92: {  	_ =	strace s17  }
0x93: {  	s2 =	sld [smem:$0x3FFC];
	_ =	sdelay $0x3  }
0x94: {  	_ =	strace s2  }
0x95: {  	s2 =	sld [smem:$0x3FFD];
	_ =	sdelay $0x3  }
0x96: {  	_ =	strace s2  }
0x97: {  	_ =	strace $0x8FFFFFFF  }
0x98: {  	s18 =	sld [smem:$0x3FDB];
	_ =	sdelay $0x1  }
0x99: {  	s19 =	simm.s32 $_scs_section_size  }
0x9a: {  	s4 =	simm.s32 $_size__tile_overlayer_lowered;
	s5 =	simm.s32 $_tile_overlayer_lowered  }
0x9b: {  	s22 =	simm.s32 $0x1BFF;
	s21 =	sshll.u32 s5, $0x1;
	s2 =	sadd.s32 s19, s18  }
0x9c: {  	s6 =	simm.s32 $0x0;
	s20 =	sshll.u32 s4, $0x1;
	s4 =	sadd.s32 s21, s2  }
0x9d: {  	[timem:s6], [sflag:s22] =	dma.local [hbm:s4], s20  }
0x9e: {  	_ =	swait.ge [sflag:s22], s20  }
0x9f: {  	s3 =	ssub.s32 $0x0, s20;
	[sflag:s22] =	ssyncset.done $0x0  }
0xa0: {  	[sflag:s22] =	ssyncadd.s32 s3;
	_ =	sdelay $0x1  }
0xa1: {  	s23 =	simm.s32 $0x1B8B  }
0xa2: {  	_ =	swait.ge [sflag:s23], $0x1  }
0xa3: {  	[sflag:s23] =	ssyncset.done $0x0  }
0xa4: {  	s25 =	simm.s32 $0x1B8E;
	s24 =	sld [smem:$0x3FFE];
	[sflag:s23] =	ssyncadd.s32 $0xFFFFFFFF  }
0xa5: {  	s26 =	simm.s32 $execute0_lowered;
	[smem:$0x3FD2] =	sst s25  }
0xa6: {  	s4 =	sshll.u32 s26, $0x1;
	_ =	strace $0x80000046;
	[dreg:$0x1] =	wrdreg $0xFFFFFFFF  }
0xa7: {  	s28 =	simm.s32 $_size_execute0_lowered;
	s2 =	sadd.s32 s2, s4;
	[dreg:$0x0] =	wrdreg $0x0  }
0xa8: {  	s4 =	sshll.u32 s28, $0x1;
	[dreg:$0x2] =	wrdreg s2  }
0xa9: {  	[dreg:$0x3] =	wrdreg s4  }
0xaa: {  	[dreg:$0x4] =	wrdreg $0xC0  }
0xab: {  	_ =	task [dreg:s6], $0x5FFFF  }
0xac: {  	[dreg:$0x1] =	wrdreg $0xFFFFFFFF  }
0xad: {  	[dreg:$0x0] =	wrdreg $0x60  }
0xae: {  	[dreg:$0x2] =	wrdreg s24  }
0xaf: {  	[dreg:$0x3] =	wrdreg $0x68000  }
0xb0: {  	[dreg:$0x4] =	wrdreg $0x9  }
0xb1: {  	_ =	task.clear_ibuf [dreg:s6], $0x5FFFF;
	_ =	strace $0x90000046  }
0xb2: {  	s29 =	simm.s32 $0x9;
	_ =	strace $0x80000048  }
0xb3: {  	_ =	swait.ge [sflag:s29], $0x1  }
0xb4: {  	[sflag:s29] =	ssyncadd.s32 $0xFFFFFFFF  }
0xb5: {  	_ =	strace $0x90000048  }
0xb6: {  	_ =	sfence  }
0xb7: {  	s30 =	sld [smem:$0x0];
	_ =	sdelay $0x2  }
0xb8: {  	s31 =	sshll.u32 s1, $0xD;
	s1 =	sshrl.u32 s1, $0x2  }
0xb9: {  	s3 =	sand.u32 $0x4000, s31;
	s1 =	sadd.s32 s1, s30  }
0xba: {  	s0 =	sor.u32 s3, s0;
	s1 =	sshll.u32 s1, $0x11  }
0xbb: {  	s0 =	sor.u32 s1, s0  }
0xbc: {  	s0 =	sadd.s32 $0x8F2B, s0  }
0xbd: {  	[sflag:s0] =	ssyncadd.remote.s32 $0x1  }
0xbe: {  	_ =	sfence.sel $0xFFFF  }
0xbf: {  	[dreg:$0x0] =	wrdreg $0xFFFFFFFF;
	(pc) =	sbr.abs _section_cstart, $3  }
0xc0: {  	[dreg:$0x1] =	wrdreg $0xFFFFFFFF  }
0xc1: {  	_ =	task.clear_ibuf [dreg:s6], $0x2FFFF;
	_ =	strace $0x9FFFFFFF  }
0xc2: {  	(tm) =	ssettm $0x7FFFFFFF  }
0xc3: {  	_ =	shalt  }
tec
execute0_lowered:
.L_overlay_start_1:
0x0: {  	(tag) =	ssettag $0x1  }
0x1: {  	s0 =	srdreg.scid;
	s1 =	rddreg [dreg:$0x0]  }
0x2: {  	s9 =	stileid.u32;
	s2 =	rddreg [dreg:$0x1];
	s20 =	simm.s32 $0x3000  }
0x3: {  	s21 =	simm.s32 $0x3;
	s22 =	simm.s32 $0x70;
	s24 =	simm.s32 $0x1  }
0x4: {  	s0 =	sand.u32 $0x1, s0;
	s5 =	sadd.s32 $0x10C00, s1;
	s7 =	smul.u32 $0x50000, s9  }
0x5: {  	s13 =	smul.u32 $0x14000, s9;
	s3 =	sshll.u32 s0, $0x4;
	s6 =	ssub.s32 $0x2, s0  }
0x6: {  	s0 =	smul.u32 $0x140000, s0;
	s4 =	sor.u32 s9, s3;
	s3 =	simm.s32 $0x0  }
0x7: {  	s8 =	sshrl.u32 s6, $0x1;
	s7 =	sshrl.u32 s7, $0x2;
	s14 =	sor.u32 $0x3800, s13  }
0x8: {  	s15 =	sadd.s32 $0x7000, s13;
	s16 =	sadd.s32 $0xA800, s13;
	s17 =	sadd.s32 $0xE000, s13  }
0x9: {  	s18 =	sadd.s32 $0x11800, s13;
	s4 =	smul.u32 $0x600, s4;
	[smem:$0x7FF] =	sst s3  }
0xa: {  	s6 =	ssub.s32 s6, s8;
	s7 =	sadd.s32 s7, s2;
	s25 =	sadd.s32 s14, s2  }
0xb: {  	s8 =	sadd.s32 s15, s2;
	s9 =	sadd.s32 s16, s2;
	s10 =	sadd.s32 s17, s2  }
0xc: {  	s11 =	sadd.s32 s18, s2;
	s26 =	sadd.s32 s13, s0;
	s28 =	sadd.s32 s0, s14  }
0xd: {  	s15 =	sadd.s32 s0, s15;
	_ =	strace $0x80000047;
	[dreg:$0x3] =	wrdreg s5  }
0xe: {  	s30 =	sadd.s32 s0, s16;
	s31 =	sadd.s32 s0, s17;
	[dreg:$0x4] =	wrdreg s7  }
0xf: {  	s0 =	sadd.s32 s0, s18;
	s5 =	sadd.s32 $0x10400, s1;
	[dreg:$0x5] =	wrdreg s25  }
0x10: {  	s14 =	sshrl.u32 s28, $0x3;
	s29 =	sshrl.u32 s15, $0x3;
	s17 =	sshrl.u32 s31, $0x3  }
0x11: {  	s0 =	sshrl.u32 s0, $0x3;
	s19 =	smax.u32 s6, $0x1;
	s4 =	sadd.s32 s4, s1  }
0x12: {  	s25 =	simm.s32 $0x2;
	s1 =	sadd.s32 $0x11400, s1;
	s12 =	sadd.s32 $0x4400, s4  }
0x13: {  	s4 =	sshrl.u32 s26, $0x3;
	s14 =	sadd.s32 s1, s14;
	s15 =	sadd.s32 s1, s29  }
0x14: {  	s17 =	sadd.s32 s1, s17;
	s13 =	sadd.s32 s1, s4;
	s4 =	sshrl.u32 s30, $0x3  }
0x15: {  	s18 =	sadd.s32 s1, s0;
	s26 =	simm.s32 $0x0;
	s16 =	sadd.s32 s1, s4  }
.LBB2_1:
0x16: {  	s0 =	rddreg [dreg:$0x3]  }
0x17: {  	[tilespmem:s20], [sflag:$0x3] =	stream.linear.gather [hbm4b:s0+s3], $0x3800, $0x38;
	[tilespmem:$0x1A800] =	vst v63  }
0x18: {  	s1 =	stileid.u32;
	_ =	swait.ge [sflag:s21], $0x3800  }
0x19: {  	s0 =	sshll.u32 s1, $0x6;
	[sflag:s21] =	ssyncset.done $0x0;
	s4 =	rddreg [dreg:$0x4]  }
0x1a: {  	s28 =	sor.u32 $0x1C03, s0;
	[sflag:s21] =	ssyncadd.s32 $0xFFFFC800;
	s29 =	sshrl.u32 s4, $0x3  }
0x1b: {  	[spmem:s29], [sflag:s28] =	dma.local [hbm:s5], $0x700  }
0x1c: {  	_ =	swait.ge [sflag:s21], $0x700  }
0x1d: {  	[sflag:s21] =	ssyncset.done $0x0;
	s6 =	rddreg [dreg:$0x5]  }
0x1e: {  	[sflag:s21] =	ssyncadd.s32 $0xFFFFF900;
	s30 =	sshrl.u32 s6, $0x3  }
0x1f: {  	[spmem:s30], [sflag:s28] =	dma.local [hbm:s5], $0x700  }
0x20: {  	_ =	swait.ge [sflag:s21], $0x700  }
0x21: {  	[sflag:s21] =	ssyncset.done $0x0  }
0x22: {  	s31 =	sshrl.u32 s8, $0x3;
	[sflag:s21] =	ssyncadd.s32 $0xFFFFF900  }
0x23: {  	[spmem:s31], [sflag:s28] =	dma.local [hbm:s5], $0x700  }
0x24: {  	_ =	swait.ge [sflag:s21], $0x700  }
0x25: {  	[sflag:s21] =	ssyncset.done $0x0  }
0x26: {  	s1 =	sshrl.u32 s9, $0x3;
	[sflag:s21] =	ssyncadd.s32 $0xFFFFF900  }
0x27: {  	[spmem:s1], [sflag:s28] =	dma.local [hbm:s5], $0x700  }
0x28: {  	_ =	swait.ge [sflag:s21], $0x700  }
0x29: {  	[sflag:s21] =	ssyncset.done $0x0  }
0x2a: {  	s0 =	sshrl.u32 s10, $0x3;
	[sflag:s21] =	ssyncadd.s32 $0xFFFFF900  }
0x2b: {  	[spmem:s0], [sflag:s28] =	dma.local [hbm:s5], $0x700  }
0x2c: {  	_ =	swait.ge [sflag:s21], $0x700  }
0x2d: {  	[sflag:s21] =	ssyncset.done $0x0  }
0x2e: {  	s23 =	sshrl.u32 s11, $0x3;
	[sflag:s21] =	ssyncadd.s32 $0xFFFFF900  }
0x2f: {  	[spmem:s23], [sflag:s28] =	dma.local [hbm:s5], $0x500  }
0x30: {  	_ =	swait.ge [sflag:s21], $0x500  }
0x31: {  	[sflag:s21] =	ssyncset.done $0x0  }
0x32: {  	[sflag:s21] =	ssyncadd.s32 $0xFFFFFB00  }
0x33: {  	[tilespmem:s3], [sflag:$0x3] =	stream.linear.gather [hbm4b:s12+s3], $0x2D00, $0x38;
	[tilespmem:$0x1A800] =	vst v63  }
0x34: {  	_ =	swait.ge [sflag:s21], $0x2D00  }
0x35: {  	[sflag:s21] =	ssyncset.done $0x0  }
0x36: {  	[sflag:s21] =	ssyncadd.s32 $0xFFFFD300  }
0x37: {  	[bflag:$0x0] =	sbarrier.arrive $0xFFFF  }
0x38: {  	[spmem:s2] =	stream.indirect.scatter.add.f32 [tilespmem:s20], [sflag:$0x1], $0x80, s3, s22, $0xb8;
	[tilespmem:$0x1A800] =	vst v63  }
0x39: {  	s4 =	simm.s32 $0x80  }
0x3a: {  	[spmem:s2] =	stream.indirect.scatter.add.f32 [tilespmem:s20], [sflag:$0x2], $0x80, s4, s22, $0xb8;
	[tilespmem:$0x1A800] =	vst v63  }
0x3b: {  	_ =	swait.ge [sflag:s24], $0x3800  }
0x3c: {  	[sflag:s24] =	ssyncset.done $0x0  }
0x3d: {  	s7 =	simm.s32 $0x100;
	[sflag:s24] =	ssyncadd.s32 $0xFFFFC800  }
0x3e: {  	[spmem:s2] =	stream.indirect.scatter.add.f32 [tilespmem:s20], [sflag:$0x1], $0x80, s7, s22, $0xb8;
	[tilespmem:$0x1A800] =	vst v63  }
0x3f: {  	_ =	swait.ge [sflag:s25], $0x3800  }
0x40: {  	[sflag:s25] =	ssyncset.done $0x0  }
0x41: {  	s6 =	simm.s32 $0x180;
	s4 =	simm.s32 $0xFFFF5400;
	[sflag:s25] =	ssyncadd.s32 $0xFFFFC800  }
.LBB2_2:
0x42: {  	[spmem:s2] =	stream.indirect.scatter.add.f32 [tilespmem:s20], [sflag:$0x2], $0x80, s6, s22, $0xb8;
	[tilespmem:$0x1A800] =	vst v63  }
0x43: {  	s6 =	smov.u32 s4  }
0x44: {  	p0 =	sne.s32 s4, $0xFFFFFC00;
	s4 =	sadd.s32 $0x400, s4;
	_ =	swait.ge [sflag:s24], $0x3800  }
0x45: {  	s6 =	sshra.s32 s6, $0x2;
	[sflag:s24] =	ssyncset.done $0x0  }
.Ltmp0:
0x46: {  	s7 =	sadd.s32 $0x2D00, s6;
	[sflag:s24] =	ssyncadd.s32 $0xFFFFC800;
	(pc) =	sbr.rel @p0 .LBB2_2-.Ltmp0, $4  }
0x47: {  	[spmem:s2] =	stream.indirect.scatter.add.f32 [tilespmem:s20], [sflag:$0x1], $0x80, s7, s22, $0xb8;
	[tilespmem:$0x1A800] =	vst v63  }
0x48: {  	_ =	swait.ge [sflag:s25], $0x3800  }
0x49: {  	[sflag:s25] =	ssyncset.done $0x0  }
0x4a: {  	s6 =	sadd.s32 $0x2D80, s6;
	[sflag:s25] =	ssyncadd.s32 $0xFFFFC800  }
0x4b: {  	[spmem:s2] =	stream.indirect.scatter.add.f32 [tilespmem:s20], [sflag:$0x2], $0x80, s6, s22, $0xb8;
	[tilespmem:$0x1A800] =	vst v63  }
0x4c: {  	_ =	swait.ge [sflag:s24], $0x3800  }
0x4d: {  	[sflag:s24] =	ssyncset.done $0x0  }
0x4e: {  	[sflag:s24] =	ssyncadd.s32 $0xFFFFC800  }
0x4f: {  	_ =	swait.ge [sflag:s25], $0x3800  }
0x50: {  	[sflag:s25] =	ssyncset.done $0x0  }
0x51: {  	[sflag:s25] =	ssyncadd.s32 $0xFFFFC800  }
0x52: {  	[bflag:$0x0] =	sbarrier.arrive $0xFFFF  }
0x53: {  	[hbm:s13], [sflag:s28] =	dma.local [spmem:s29], $0x700  }
0x54: {  	_ =	swait.ge [sflag:s21], $0x700  }
0x55: {  	[sflag:s21] =	ssyncset.done $0x0  }
0x56: {  	[sflag:s21] =	ssyncadd.s32 $0xFFFFF900  }
0x57: {  	[hbm:s14], [sflag:s28] =	dma.local [spmem:s30], $0x700  }
0x58: {  	_ =	swait.ge [sflag:s21], $0x700  }
0x59: {  	[sflag:s21] =	ssyncset.done $0x0  }
0x5a: {  	[sflag:s21] =	ssyncadd.s32 $0xFFFFF900  }
0x5b: {  	[hbm:s15], [sflag:s28] =	dma.local [spmem:s31], $0x700  }
0x5c: {  	_ =	swait.ge [sflag:s21], $0x700  }
0x5d: {  	[sflag:s21] =	ssyncset.done $0x0  }
0x5e: {  	[sflag:s21] =	ssyncadd.s32 $0xFFFFF900  }
0x5f: {  	[hbm:s16], [sflag:s28] =	dma.local [spmem:s1], $0x700  }
0x60: {  	_ =	swait.ge [sflag:s21], $0x700  }
0x61: {  	[sflag:s21] =	ssyncset.done $0x0  }
0x62: {  	[sflag:s21] =	ssyncadd.s32 $0xFFFFF900  }
0x63: {  	[hbm:s17], [sflag:s28] =	dma.local [spmem:s0], $0x700  }
0x64: {  	s26 =	sadd.s32 $0x1, s26;
	_ =	swait.ge [sflag:s21], $0x700  }
0x65: {  	p0 =	sne.s32 s26, s19;
	[sflag:s21] =	ssyncset.done $0x0  }
.Ltmp1:
0x66: {  	[sflag:s21] =	ssyncadd.s32 $0xFFFFF900;
	(pc) =	sbr.rel @p0 .LBB2_1-.Ltmp1, $4  }
0x67: {  	[hbm:s18], [sflag:s28] =	dma.local [spmem:s23], $0x500  }
0x68: {  	_ =	swait.ge [sflag:s21], $0x500  }
0x69: {  	[sflag:s21] =	ssyncset.done $0x0  }
0x6a: {  	[sflag:s21] =	ssyncadd.s32 $0xFFFFFB00  }
0x6b: {  	_ =	sfence.sel $0x180000  }
0x6c: {  	[bflag:$0x0] =	sbarrier.arrive $0xFFFF  }
0x6d: {  	_ =	strace $0x90000047  }
0x6e: {  	s0 =	stileid.u32;
	[bflag:$0x2] =	sbarrier.arrive $0xFFFF  }
0x6f: {  	p0 =	sne.s32 s0, $0x0;
	s0 =	rddreg [dreg:$0x2]  }
0x70: {  	s0 =	sadd.s32 @!p0 $0x100000, s0  }
0x71: {  	[sflag:s0] =	ssyncadd.tile.s32 @!p0 $0x1;
	_ =	shalt  }
.Lfunc_end2:
_tile_overlayer_lowered:
.L_overlay_start_2:
0x72: {  	(tag) =	ssettag $0x2  }
0x73: {  	s0 =	rddreg [dreg:$0x0];
	s2 =	stileid.u32  }
0x74: {  	s1 =	rddreg [dreg:$0x1];
	p0 =	sne.s32 s2, $0x0  }
0x75: {  	s3 =	rddreg [dreg:$0x2];
	[bflag:$0x3] =	sbarrier.arrive $0xFFFF;
	s2 =	simm.s32 @!p0 $0x1C03  }
0x76: {  	[timem:s3], [sflag:s2] =	dma.local @!p0 [hbm:s0], s1  }
0x77: {  	s0 =	simm.s32 @!p0 $0x3  }
0x78: {  	_ =	swait.ge @!p0 [sflag:s0], s1  }
0x79: {  	s1 =	ssub.s32 @!p0 $0x0, s1;
	[sflag:s0] =	ssyncset.done @!p0 $0x0  }
0x7a: {  	[sflag:s0] =	ssyncadd.s32 @!p0 s1  }
0x7b: {  	[bflag:$0x3] =	sbarrier.arrive $0xFFFF  }
0x7c: {  	_ =	shalt  }

// kernel: kernel.13.cloned.1.call-start
scs
__scs_entry_jumppad:
0x0: {  	(pc) =	sbr.rel $0x88, $3  }
0x1: {  	(tag) =	ssettag $0x0;
	lr =	simm.s32 $0x1  }
0x2: {  	[smem:$0x3F92] =	sst lr;
	_ =	strace $0xD0000000  }
0x3: {  	_ = 	snop  }
0x4: {  	_ = 	snop  }
0x5: {  	_ = 	snop  }
0x6: {  	_ = 	snop  }
0x7: {  	_ = 	snop  }
__scs_overlays_trampoline_lowered:
0x8: {  	[smem:$0x3FA1] =	sst s0  }
0x9: {  	[smem:$0x3FA2] =	sst s1  }
0xa: {  	[smem:$0x3FA3] =	sst s2  }
0xb: {  	[smem:$0x3FA4] =	sst s3  }
0xc: {  	[smem:$0x3FA5] =	sst s4  }
0xd: {  	[smem:$0x3FA6] =	sst s5  }
0xe: {  	[smem:$0x3FA7] =	sst s6  }
0xf: {  	[smem:$0x3FA8] =	sst s7  }
0x10: {  	[smem:$0x3FA9] =	sst s8  }
0x11: {  	[smem:$0x3FAA] =	sst s9;
	s0 =	simm.s32 @!p0 $0x0  }
0x12: {  	s1 =	sld [smem:$0x3F90];
	s0 =	simm.s32 @p0 $0x1  }
0x13: {  	[smem:$0x3FAB] =	sst s0;
	s0 =	simm.s32 @!p1 $0x0  }
0x14: {  	s2 =	sld [smem:$0x3F8F];
	s0 =	simm.s32 @p1 $0x1  }
0x15: {  	[smem:$0x3FAC] =	sst s0;
	s0 =	simm.s32 @!p2 $0x0  }
0x16: {  	s3 =	sld [smem:$0x3FDB];
	s0 =	simm.s32 @p2 $0x1  }
0x17: {  	s4 =	simm.s32 $0x1BF5;
	[smem:$0x3FAE] =	sst s0  }
0x18: {  	s0 =	sld [smem:$0x3F91];
	_ =	swait.ge [sflag:s4], $0x0  }
0x19: {  	s7 =	sld [smem:$0x3F92]  }
0x1a: {  	s8 =	sadd.s32 $0xFFFFE003, lr  }
0x1b: {  	s9 =	sadd.s32 $0xFFFFFEF7, lr;
	s5 =	simm.s32 $0xFFFFFFFF;
	p2 =	slt.u32 s8, $0xFFFFF086  }
0x1c: {  	p1 =	slt.u32 s9, $0xF7A;
	s5 =	simm.s32 @!p2 $0x0  }
0x1d: {  	s5 =	simm.s32 @p1 $0x1;
	p0 =	seq.s32 s7, s2  }
0x1e: {  	s7 =	smul.u32 @!p0 $0xF7A, s2;
	p2 =	seq.s32 @!p0 s5, $0x0  }
0x1f: {  	s9 =	smul.u32 $0xF7A, s1;
	s8 =	simm.s32 @!p0 $0x1BF5;
	p2 =	por !p2, p0  }
0x20: {  	[sflag:s8] =	ssyncset.s32 @!p0 $0xFFFFF086;
	s6 =	sadd.s32 @!p0 s3, s7;
	s7 =	simm.s32 @!p0 $0x108  }
0x21: {  	s3 =	sadd.s32 s3, s9;
	s6 =	sadd.s32 @!p0 $0x88, s6;
	s7 =	simm.s32 @p2 $0x1082  }
0x22: {  	[simem:s7], [sflag:s8] =	dma.local @!p0 [hbm:s6], $0xF7A  }
0x23: {  	s9 =	sor.u32 $0xD0000000, s2;
	s6 =	simm.s32 $0x108;
	_ =	swait.ge @!p0 [sflag:s8], $0x0  }
0x24: {  	s3 =	sadd.s32 $0x88, s3;
	s6 =	simm.s32 @!p1 $0x1082;
	[sflag:s4] =	ssyncset.s32 $0xFFFFF086  }
0x25: {  	[simem:s6], [sflag:s4] =	dma.local [hbm:s3], $0xF7A  }
0x26: {  	[smem:$0x3F92] =	sst s1;
	(tag) =	ssettag s2;
	_ =	strace s9  }
0x27: {  	s1 =	sld [smem:$0x3FA2]  }
0x28: {  	s2 =	sld [smem:$0x3FA3]  }
0x29: {  	s4 =	sld [smem:$0x3FA5]  }
0x2a: {  	p0 =	seq.s32 s5, $0x0;
	s5 =	sld [smem:$0x3FA6]  }
0x2b: {  	s6 =	sld [smem:$0x3FA7]  }
0x2c: {  	s7 =	sld [smem:$0x3FA8]  }
0x2d: {  	s3 =	simm.s32 $0x108;
	s8 =	sld [smem:$0x3FA9]  }
0x2e: {  	s3 =	simm.s32 @!p0 $0x1082;
	s9 =	sld [smem:$0x3FAA]  }
0x2f: {  	lr =	sadd.s32 s0, s3;
	s0 =	sld [smem:$0x3FA1]  }
0x30: {  	s3 =	sld [smem:$0x3FA4]  }
0x31: {  	[smem:$0x3FAD] =	sst s10  }
0x32: {  	s10 =	sld [smem:$0x3FAB];
	_ =	sdelay $0x3  }
0x33: {  	p0 =	seq.s32 s10, $0x1;
	s10 =	sld [smem:$0x3FAD];
	_ =	sdelay $0x3  }
0x34: {  	[smem:$0x3FAD] =	sst s10  }
0x35: {  	s10 =	sld [smem:$0x3FAC];
	_ =	sdelay $0x3  }
0x36: {  	p1 =	seq.s32 s10, $0x1;
	s10 =	sld [smem:$0x3FAD];
	_ =	sdelay $0x3  }
0x37: {  	[smem:$0x3FAD] =	sst s10  }
0x38: {  	s10 =	sld [smem:$0x3FAE]  }
0x39: {  	_ = 	snop;
	(pc) =	sbr.ind lr, $3  }
0x3a: {  	_ = 	snop  }
0x3b: {  	_ = 	snop  }
0x3c: {  	p2 =	seq.s32 s10, $0x1;
	s10 =	sld [smem:$0x3FAD]  }
0x3d: {  	_ =	shalt  }
0x3e: {  	_ =	shalt  }
0x3f: {  	_ =	shalt  }
0x40: {  	_ =	shalt  }
0x41: {  	_ =	shalt  }
0x42: {  	_ =	shalt  }
0x43: {  	_ =	shalt  }
0x44: {  	_ =	shalt  }
0x45: {  	_ =	shalt  }
0x46: {  	_ =	shalt  }
0x47: {  	_ =	shalt  }
0x48: {  	_ =	shalt  }
0x49: {  	_ =	shalt  }
0x4a: {  	_ =	shalt  }
0x4b: {  	_ =	shalt  }
0x4c: {  	_ =	shalt  }
0x4d: {  	_ =	shalt  }
0x4e: {  	_ =	shalt  }
0x4f: {  	_ =	shalt  }
0x50: {  	_ =	shalt  }
0x51: {  	_ =	shalt  }
0x52: {  	_ =	shalt  }
0x53: {  	_ =	shalt  }
0x54: {  	_ =	shalt  }
0x55: {  	_ =	shalt  }
0x56: {  	_ =	shalt  }
0x57: {  	_ =	shalt  }
0x58: {  	_ =	shalt  }
0x59: {  	_ =	shalt  }
0x5a: {  	_ =	shalt  }
0x5b: {  	_ =	shalt  }
0x5c: {  	_ =	shalt  }
0x5d: {  	_ =	shalt  }
0x5e: {  	_ =	shalt  }
0x5f: {  	_ =	shalt  }
0x60: {  	_ =	shalt  }
0x61: {  	_ =	shalt  }
0x62: {  	_ =	shalt  }
0x63: {  	_ =	shalt  }
0x64: {  	_ =	shalt  }
0x65: {  	_ =	shalt  }
0x66: {  	_ =	shalt  }
0x67: {  	_ =	shalt  }
0x68: {  	_ =	shalt  }
0x69: {  	_ =	shalt  }
0x6a: {  	_ =	shalt  }
0x6b: {  	_ =	shalt  }
0x6c: {  	_ =	shalt  }
0x6d: {  	_ =	shalt  }
0x6e: {  	_ =	shalt  }
0x6f: {  	_ =	shalt  }
0x70: {  	_ =	shalt  }
0x71: {  	_ =	shalt  }
0x72: {  	_ =	shalt  }
0x73: {  	_ =	shalt  }
0x74: {  	_ =	shalt  }
0x75: {  	_ =	shalt  }
0x76: {  	_ =	shalt  }
0x77: {  	_ =	shalt  }
0x78: {  	_ =	shalt  }
0x79: {  	_ =	shalt  }
0x7a: {  	_ =	shalt  }
0x7b: {  	_ =	shalt  }
0x7c: {  	_ =	shalt  }
0x7d: {  	_ =	shalt  }
0x7e: {  	_ =	shalt  }
0x7f: {  	_ =	shalt  }
0x80: {  	_ =	shalt  }
0x81: {  	_ =	shalt  }
0x82: {  	_ =	shalt  }
0x83: {  	_ =	shalt  }
0x84: {  	_ =	shalt  }
0x85: {  	_ =	shalt  }
0x86: {  	_ =	shalt  }
0x87: {  	_ =	shalt  }
.Lfunc_end0:
.L_simem_size_0:
called_computation.1_lowered:
.L_overlay_start_0:
0x88: {  	s2 =	sld [smem:$0x3FD9]  }
0x89: {  	s3 =	sld [smem:$0x3FFE];
	_ =	sdelay $0x1  }
0x8a: {  	s1 =	srdreg.scid  }
0x8b: {  	s0 =	sand.u32 $0x1, s1  }
0x8c: {  	s16 =	sshll.u32 s0, $0xA;
	s2 =	sadd.s32 s3, s2  }
0x8d: {  	s2 =	sadd.s32 s2, s16  }
0x8e: {  	[smem:$0x3FB9] =	sst s2  }
0x8f: {  	_ = 	snop  }
0x90: {  	(tm) =	ssettm $0x1  }
0x91: {  	s17 =	sld [smem:$0x3FFB];
	_ =	sdelay $0x3  }
0x92: {  	_ =	strace s17  }
0x93: {  	s2 =	sld [smem:$0x3FFC];
	_ =	sdelay $0x3  }
0x94: {  	_ =	strace s2  }
0x95: {  	s2 =	sld [smem:$0x3FFD];
	_ =	sdelay $0x3  }
0x96: {  	_ =	strace s2  }
0x97: {  	_ =	strace $0x8FFFFFFF  }
0x98: {  	s18 =	sld [smem:$0x3FDB];
	_ =	sdelay $0x1  }
0x99: {  	s19 =	simm.s32 $_scs_section_size  }
0x9a: {  	s4 =	simm.s32 $_size__tile_overlayer_lowered;
	s5 =	simm.s32 $_tile_overlayer_lowered  }
0x9b: {  	s22 =	simm.s32 $0x1BFF;
	s21 =	sshll.u32 s5, $0x1;
	s2 =	sadd.s32 s19, s18  }
0x9c: {  	s6 =	simm.s32 $0x0;
	s20 =	sshll.u32 s4, $0x1;
	s4 =	sadd.s32 s21, s2  }
0x9d: {  	[timem:s6], [sflag:s22] =	dma.local [hbm:s4], s20  }
0x9e: {  	_ =	swait.ge [sflag:s22], s20  }
0x9f: {  	s3 =	ssub.s32 $0x0, s20;
	[sflag:s22] =	ssyncset.done $0x0  }
0xa0: {  	[sflag:s22] =	ssyncadd.s32 s3;
	_ =	sdelay $0x1  }
0xa1: {  	s23 =	simm.s32 $0x1B8B  }
0xa2: {  	_ =	swait.ge [sflag:s23], $0x1  }
0xa3: {  	[sflag:s23] =	ssyncset.done $0x0  }
0xa4: {  	s25 =	simm.s32 $0x1B8E;
	s24 =	sld [smem:$0x3FFE];
	[sflag:s23] =	ssyncadd.s32 $0xFFFFFFFF  }
0xa5: {  	s26 =	simm.s32 $execute0_lowered;
	[smem:$0x3FD2] =	sst s25  }
0xa6: {  	s4 =	sshll.u32 s26, $0x1;
	_ =	strace $0x80000049;
	[dreg:$0x1] =	wrdreg $0xFFFFFFFF  }
0xa7: {  	s28 =	simm.s32 $_size_execute0_lowered;
	s2 =	sadd.s32 s2, s4;
	[dreg:$0x0] =	wrdreg $0x0  }
0xa8: {  	s4 =	sshll.u32 s28, $0x1;
	[dreg:$0x2] =	wrdreg s2  }
0xa9: {  	[dreg:$0x3] =	wrdreg s4  }
0xaa: {  	[dreg:$0x4] =	wrdreg $0xC0  }
0xab: {  	_ =	task [dreg:s6], $0x5FFFF  }
0xac: {  	[dreg:$0x1] =	wrdreg $0xFFFFFFFF  }
0xad: {  	[dreg:$0x0] =	wrdreg $0x60  }
0xae: {  	[dreg:$0x2] =	wrdreg s24  }
0xaf: {  	[dreg:$0x3] =	wrdreg $0xB8000  }
0xb0: {  	[dreg:$0x4] =	wrdreg $0x9  }
0xb1: {  	_ =	task.clear_ibuf [dreg:s6], $0x5FFFF;
	_ =	strace $0x90000049  }
0xb2: {  	s29 =	simm.s32 $0x9;
	_ =	strace $0x8000004B  }
0xb3: {  	_ =	swait.ge [sflag:s29], $0x1  }
0xb4: {  	[sflag:s29] =	ssyncadd.s32 $0xFFFFFFFF  }
0xb5: {  	_ =	strace $0x9000004B  }
0xb6: {  	_ =	sfence  }
0xb7: {  	s30 =	sld [smem:$0x0];
	_ =	sdelay $0x2  }
0xb8: {  	s31 =	sshll.u32 s1, $0xD;
	s1 =	sshrl.u32 s1, $0x2  }
0xb9: {  	s3 =	sand.u32 $0x4000, s31;
	s1 =	sadd.s32 s1, s30  }
0xba: {  	s0 =	sor.u32 s3, s0;
	s1 =	sshll.u32 s1, $0x11  }
0xbb: {  	s0 =	sor.u32 s1, s0  }
0xbc: {  	s0 =	sadd.s32 $0x8F2B, s0  }
0xbd: {  	[sflag:s0] =	ssyncadd.remote.s32 $0x1  }
0xbe: {  	_ =	sfence.sel $0xFFFF  }
0xbf: {  	[dreg:$0x0] =	wrdreg $0xFFFFFFFF;
	(pc) =	sbr.abs _section_cstart, $3  }
0xc0: {  	[dreg:$0x1] =	wrdreg $0xFFFFFFFF  }
0xc1: {  	_ =	task.clear_ibuf [dreg:s6], $0x2FFFF;
	_ =	strace $0x9FFFFFFF  }
0xc2: {  	(tm) =	ssettm $0x7FFFFFFF  }
0xc3: {  	_ =	shalt  }
tec
execute0_lowered:
.L_overlay_start_1:
0x0: {  	(tag) =	ssettag $0x1  }
0x1: {  	s0 =	rddreg [dreg:$0x0]  }
0x2: {  	s1 =	rddreg [dreg:$0x1]  }
0x3: {  	s2 =	simm.s32 $0x0;
	s3 =	srdreg.scid;
	s10 =	stileid.u32  }
0x4: {  	s28 =	simm.s32 $0x8;
	s29 =	simm.s32 $0x4800;
	s30 =	simm.s32 $0x1  }
0x5: {  	s31 =	simm.s32 $0x8000;
	[smem:$0x7FF] =	sst s2;
	s4 =	sadd.s32 $0x10C00, s0  }
0x6: {  	s3 =	sand.u32 $0x1, s3;
	s5 =	sadd.s32 $0x70400, s0;
	s8 =	smul.u32 $0x50000, s10  }
0x7: {  	s6 =	sadd.s32 $0x61400, s0;
	s15 =	smul.u32 $0x14000, s10;
	s11 =	sadd.s32 $0x10400, s0  }
0x8: {  	s0 =	sadd.s32 $0x7F400, s0;
	_ =	strace $0x8000004A;
	s7 =	ssub.s32 $0x2, s3  }
0x9: {  	[dreg:$0x3] =	wrdreg s11;
	s24 =	sshll.u32 s3, $0x4;
	s3 =	smul.u32 $0x140000, s3  }
0xa: {  	s9 =	sshrl.u32 s7, $0x1;
	s8 =	sshrl.u32 s8, $0x2;
	s16 =	sor.u32 $0x3800, s15  }
0xb: {  	s10 =	sor.u32 s10, s24;
	s17 =	sadd.s32 $0x7000, s15;
	s18 =	sadd.s32 $0xA800, s15  }
0xc: {  	s19 =	sadd.s32 $0xE000, s15;
	s20 =	sadd.s32 $0x11800, s15;
	s7 =	ssub.s32 s7, s9  }
0xd: {  	s8 =	sadd.s32 s8, s1;
	s9 =	sadd.s32 s16, s1;
	s10 =	smul.u32 $0x3C00, s10  }
0xe: {  	s11 =	sadd.s32 s17, s1;
	s12 =	sadd.s32 s18, s1;
	s13 =	sadd.s32 s19, s1  }
0xf: {  	s14 =	sadd.s32 s20, s1;
	s15 =	sadd.s32 s15, s3;
	s16 =	sadd.s32 s3, s16  }
0x10: {  	s17 =	sadd.s32 s3, s17;
	s18 =	sadd.s32 s3, s18;
	s19 =	sadd.s32 s3, s19  }
0x11: {  	s3 =	sadd.s32 s3, s20;
	s15 =	sshrl.u32 s15, $0x3;
	s16 =	sshrl.u32 s16, $0x3  }
0x12: {  	s17 =	sshrl.u32 s17, $0x3;
	s21 =	sshrl.u32 s10, $0x3;
	s15 =	sadd.s32 s0, s15  }
0x13: {  	s23 =	sshrl.u32 s19, $0x3;
	s22 =	sadd.s32 s5, s21;
	[dreg:$0x6] =	wrdreg s15  }
0x14: {  	s3 =	sshrl.u32 s3, $0x3;
	s25 =	sadd.s32 s6, s21;
	[dreg:$0x4] =	wrdreg s22  }
0x15: {  	s26 =	sadd.s32 $0x80, s21;
	s15 =	sadd.s32 s0, s16;
	[dreg:$0x5] =	wrdreg s25  }
0x16: {  	s21 =	sadd.s32 s0, s17;
	s16 =	simm.s32 $0x3;
	[dreg:$0x7] =	wrdreg s15  }
0x17: {  	s17 =	simm.s32 $0x6;
	[dreg:$0x8] =	wrdreg s21;
	s24 =	sadd.s32 s5, s26  }
0x18: {  	s22 =	sshrl.u32 s18, $0x3;
	s25 =	sadd.s32 s6, s26;
	[dreg:$0xc] =	wrdreg s24  }
0x19: {  	s26 =	smax.u32 s7, $0x1;
	s7 =	simm.s32 $0x2;
	[dreg:$0xd] =	wrdreg s25  }
0x1a: {  	s18 =	simm.s32 $0x0;
	s15 =	sadd.s32 s0, s22;
	[dreg:$0xe] =	wrdreg s26  }
0x1b: {  	s26 =	simm.s32 $0x1000;
	[dreg:$0x9] =	wrdreg s15;
	s15 =	sadd.s32 s0, s23  }
0x1c: {  	s0 =	sadd.s32 s0, s3;
	s3 =	simm.s32 $0x4;
	[dreg:$0xa] =	wrdreg s15  }
0x1d: {  	[dreg:$0xb] =	wrdreg s0;
	s0 =	simm.s32 $0x70;
	s15 =	simm.s32 $0x5  }
.LBB2_1:
0x1e: {  	s19 =	rddreg [dreg:$0x3]  }
0x1f: {  	[tilespmem:s26], [sflag:$0x8] =	stream.linear.gather [hbm4b:s19+s2], $0x3800, $0x38;
	[tilespmem:$0x1F800] =	vst v63  }
0x20: {  	_ =	swait.ge [sflag:s28], $0x3800  }
0x21: {  	[sflag:s28] =	ssyncset.done $0x0  }
0x22: {  	[sflag:s28] =	ssyncadd.s32 $0xFFFFC800  }
0x23: {  	[spmem:s8] =	stream.linear.scatter [tilespmem:s26], [sflag:$0x8], $0x3800, $0x38;
	[tilespmem:$0x1F800] =	vst v63  }
0x24: {  	_ =	swait.ge [sflag:s28], $0x3800  }
0x25: {  	[sflag:s28] =	ssyncset.done $0x0  }
0x26: {  	[sflag:s28] =	ssyncadd.s32 $0xFFFFC800  }
0x27: {  	[spmem:s9] =	stream.linear.scatter [tilespmem:s26], [sflag:$0x8], $0x3800, $0x38;
	[tilespmem:$0x1F800] =	vst v63  }
0x28: {  	_ =	swait.ge [sflag:s28], $0x3800  }
0x29: {  	[sflag:s28] =	ssyncset.done $0x0  }
0x2a: {  	[sflag:s28] =	ssyncadd.s32 $0xFFFFC800  }
0x2b: {  	[spmem:s11] =	stream.linear.scatter [tilespmem:s26], [sflag:$0x8], $0x3800, $0x38;
	[tilespmem:$0x1F800] =	vst v63  }
0x2c: {  	_ =	swait.ge [sflag:s28], $0x3800  }
0x2d: {  	[sflag:s28] =	ssyncset.done $0x0  }
0x2e: {  	[sflag:s28] =	ssyncadd.s32 $0xFFFFC800  }
0x2f: {  	[spmem:s12] =	stream.linear.scatter [tilespmem:s26], [sflag:$0x8], $0x3800, $0x38;
	[tilespmem:$0x1F800] =	vst v63  }
0x30: {  	_ =	swait.ge [sflag:s28], $0x3800  }
0x31: {  	[sflag:s28] =	ssyncset.done $0x0  }
0x32: {  	[sflag:s28] =	ssyncadd.s32 $0xFFFFC800  }
0x33: {  	[spmem:s13] =	stream.linear.scatter [tilespmem:s26], [sflag:$0x8], $0x3800, $0x38;
	[tilespmem:$0x1F800] =	vst v63  }
0x34: {  	_ =	swait.ge [sflag:s28], $0x3800  }
0x35: {  	[sflag:s28] =	ssyncset.done $0x0  }
0x36: {  	[sflag:s28] =	ssyncadd.s32 $0xFFFFC800  }
0x37: {  	[spmem:s14] =	stream.linear.scatter [tilespmem:s26], [sflag:$0x8], $0x2800, $0x38;
	[tilespmem:$0x1F800] =	vst v63  }
0x38: {  	_ =	swait.ge [sflag:s28], $0x2800  }
0x39: {  	[sflag:s28] =	ssyncset.done $0x0  }
0x3a: {  	s24 =	rddreg [dreg:$0x4];
	[sflag:s28] =	ssyncadd.s32 $0xFFFFD800  }
0x3b: {  	[tilespmem:s2], [sflag:$0x8] =	stream.linear.gather [hbm4b:s24+s2], $0x300, $0x38;
	[tilespmem:$0x1F800] =	vst v63  }
0x3c: {  	_ =	swait.ge [sflag:s28], $0x300  }
0x3d: {  	[sflag:s28] =	ssyncset.done $0x0  }
0x3e: {  	s20 =	simm.s32 $0x800;
	s25 =	rddreg [dreg:$0x5];
	[sflag:s28] =	ssyncadd.s32 $0xFFFFFD00  }
0x3f: {  	[tilespmem:s20], [sflag:$0x8] =	stream.linear.gather [hbm4b:s25+s2], $0x300, $0x38;
	[tilespmem:$0x1F800] =	vst v63  }
0x40: {  	_ =	swait.ge [sflag:s28], $0x300  }
0x41: {  	[sflag:s28] =	ssyncset.done $0x0  }
0x42: {  	s22 =	simm.s32 $0x400;
	s21 =	rddreg [dreg:$0xc];
	[sflag:s28] =	ssyncadd.s32 $0xFFFFFD00  }
0x43: {  	[tilespmem:s22], [sflag:$0x7] =	stream.linear.gather [hbm4b:s21+s2], $0x300, $0x38;
	[tilespmem:$0x1F800] =	vst v63  }
0x44: {  	s24 =	simm.s32 $0xC00;
	s23 =	rddreg [dreg:$0xd]  }
0x45: {  	[tilespmem:s24], [sflag:$0x7] =	stream.linear.gather [hbm4b:s23+s2], $0x300, $0x38;
	[tilespmem:$0x1F800] =	vst v63  }
0x46: {  	[bflag:$0x0] =	sbarrier.arrive $0xFFFF  }
0x47: {  	[tilespmem:s26], [sflag:$0x1] =	stream.indirect.gather [hbm4b:s4+s0], $0x80, s2, s0, $0xb8;
	[tilespmem:$0x1F800] =	vst v63  }
0x48: {  	s19 =	simm.s32 $0x0;
	s25 =	simm.s32 $0x80  }
0x49: {  	[tilespmem:s29], [sflag:$0x2] =	stream.indirect.gather [hbm4b:s4+s0], $0x80, s25, s0, $0xb8;
	[tilespmem:$0x1F800] =	vst v63  }
.LBB2_2:
0x4a: {  	p0 =	seq.s32 s19, $0x0  }
0x4b: {  	p1 =	seq.s32 @!p0 s19, $0xE  }
0x4c: {  	p2 =	por p1, p0  }
0x4d: {  	s21 =	sand.u32 $0x1, s19;
	s22 =	simm.s32 @!p0 $0x6;
	s19 =	sadd.s32 @!p2 $0x1, s19  }
0x4e: {  	_ =	swait.ge @!p0 [sflag:s22], $0x3800;
	s20 =	sshll.u32 @!p2 s19, $0xA  }
0x4f: {  	[sflag:s22] =	ssyncset.done @!p0 $0x0;
	s23 =	sadd.s32 @!p2 s10, s20  }
0x50: {  	[sflag:s22] =	ssyncadd.s32 @!p0 $0xFFFFC800;
	s20 =	sxor.u32 $0x1, s21;
	s22 =	sshrl.u32 @!p2 s23, $0x3  }
0x51: {  	s25 =	simm.s32 @!p2 $0x0;
	s23 =	sshll.u32 @!p2 s20, $0xA;
	s24 =	sadd.s32 @!p2 s5, s22  }
0x52: {  	[tilespmem:s23], [sflag:$0x7] =	stream.linear.gather @!p2 [hbm4b:s24+s25], $0x300, $0x38;
	[tilespmem:$0x1F800] =	vst v63  }
0x53: {  	s21 =	sshll.u32 s21, $0xA;
	s22 =	sadd.s32 @!p2 s6, s22;
	s23 =	sor.u32 @!p2 $0x800, s23  }
0x54: {  	[tilespmem:s23], [sflag:$0x7] =	stream.linear.gather @!p2 [hbm4b:s22+s25], $0x300, $0x38;
	[tilespmem:$0x1F800] =	vst v63  }
0x55: {  	s23 =	sor.u32 $0x100, s21  }
0x56: {  	[tilespmem:s31], [sflag:$0x3] =	stream.indirect.gather [hbm4b:s4+s0], $0x80, s23, s0, $0xb8;
	[tilespmem:$0x1F800] =	vst v63  }
0x57: {  	_ =	swait.ge [sflag:s30], $0x3800  }
0x58: {  	[sflag:s30] =	ssyncset.done $0x0  }
0x59: {  	s24 =	sor.u32 $0x800, s21;
	[sflag:s30] =	ssyncadd.s32 $0xFFFFC800  }
0x5a: {  	[spmem:s1] =	stream.indirect.scatter.add.f32 [tilespmem:s26], [sflag:$0x4], $0x80, s24, s0, $0xb8;
	[tilespmem:$0x1F800] =	vst v63  }
0x5b: {  	_ =	swait.ge [sflag:s3], $0x3800  }
0x5c: {  	[sflag:s3] =	ssyncset.done $0x0  }
0x5d: {  	s25 =	sor.u32 $0x180, s21;
	[sflag:s3] =	ssyncadd.s32 $0xFFFFC800  }
0x5e: {  	[tilespmem:s26], [sflag:$0x1] =	stream.indirect.gather [hbm4b:s4+s0], $0x80, s25, s0, $0xb8;
	[tilespmem:$0x1F800] =	vst v63  }
0x5f: {  	_ =	swait.ge [sflag:s7], $0x3800  }
0x60: {  	[sflag:s7] =	ssyncset.done $0x0  }
0x61: {  	s23 =	sor.u32 $0x880, s21;
	[sflag:s7] =	ssyncadd.s32 $0xFFFFC800  }
0x62: {  	[spmem:s1] =	stream.indirect.scatter.add.f32 [tilespmem:s29], [sflag:$0x5], $0x80, s23, s0, $0xb8;
	[tilespmem:$0x1F800] =	vst v63  }
0x63: {  	_ =	swait.ge [sflag:s15], $0x3800  }
0x64: {  	[sflag:s15] =	ssyncset.done $0x0  }
0x65: {  	s22 =	sor.u32 $0x200, s21;
	[sflag:s15] =	ssyncadd.s32 $0xFFFFC800  }
0x66: {  	[tilespmem:s29], [sflag:$0x2] =	stream.indirect.gather [hbm4b:s4+s0], $0x80, s22, s0, $0xb8;
	[tilespmem:$0x1F800] =	vst v63  }
0x67: {  	_ =	swait.ge [sflag:s16], $0x3800  }
0x68: {  	[sflag:s16] =	ssyncset.done $0x0  }
0x69: {  	s24 =	sor.u32 $0x900, s21;
	[sflag:s16] =	ssyncadd.s32 $0xFFFFC800  }
0x6a: {  	[spmem:s1] =	stream.indirect.scatter.add.f32 [tilespmem:s31], [sflag:$0x6], $0x80, s24, s0, $0xb8;
	[tilespmem:$0x1F800] =	vst v63  }
0x6b: {  	_ =	swait.ge [sflag:s17], $0x3800  }
0x6c: {  	[sflag:s17] =	ssyncset.done $0x0  }
0x6d: {  	s23 =	sor.u32 $0x280, s21;
	[sflag:s17] =	ssyncadd.s32 $0xFFFFC800  }
0x6e: {  	[tilespmem:s31], [sflag:$0x3] =	stream.indirect.gather [hbm4b:s4+s0], $0x80, s23, s0, $0xb8;
	[tilespmem:$0x1F800] =	vst v63  }
0x6f: {  	_ =	swait.ge [sflag:s30], $0x3800  }
0x70: {  	p3 =	por @!p0 $0x0, $0x0;
	p1 =	por !p1, p0;
	[sflag:s30] =	ssyncset.done $0x0  }
0x71: {  	p4 =	por @!p2 $0x1, $0x1;
	s21 =	sor.u32 $0x980, s21;
	[sflag:s30] =	ssyncadd.s32 $0xFFFFC800  }
0x72: {  	[spmem:s1] =	stream.indirect.scatter.add.f32 [tilespmem:s26], [sflag:$0x4], $0x80, s21, s0, $0xb8;
	[tilespmem:$0x1F800] =	vst v63  }
0x73: {  	p4 =	por @!p1 p3, p3;
	p2 =	por $0x1, $0x1;
	_ =	swait.ge [sflag:s3], $0x3800  }
0x74: {  	p2 =	por @!p0 p4, p4;
	[sflag:s3] =	ssyncset.done $0x0  }
0x75: {  	s21 =	simm.s32 @!p2 $0x2;
	[sflag:s3] =	ssyncadd.s32 $0xFFFFC800  }
0x76: {  	_ =	swait.ge @!p2 [sflag:s21], $0x3800  }
0x77: {  	s25 =	simm.s32 @!p2 $0x4800;
	[sflag:s21] =	ssyncset.done @!p2 $0x0  }
0x78: {  	s24 =	simm.s32 @!p2 $0x70;
	[sflag:s21] =	ssyncadd.s32 @!p2 $0xFFFFC800;
	s21 =	sor.u32 @!p2 $0x800, s22  }
0x79: {  	[spmem:s1] =	stream.indirect.scatter.add.f32 @!p2 [tilespmem:s25], [sflag:$0x5], $0x80, s21, s24, $0xb8;
	[tilespmem:$0x1F800] =	vst v63  }
0x7a: {  	s21 =	simm.s32 @!p2 $0x5  }
0x7b: {  	_ =	swait.ge @!p2 [sflag:s21], $0x3800  }
0x7c: {  	[sflag:s21] =	ssyncset.done @!p2 $0x0  }
0x7d: {  	[sflag:s21] =	ssyncadd.s32 @!p2 $0xFFFFC800;
	s21 =	simm.s32 @p2 $0x7  }
0x7e: {  	_ =	swait.ge @p2 [sflag:s21], $0x300  }
0x7f: {  	[sflag:s21] =	ssyncset.done @p2 $0x0  }
0x80: {  	[sflag:s21] =	ssyncadd.s32 @p2 $0xFFFFFD00  }
0x81: {  	_ =	swait.ge @p2 [sflag:s21], $0x300  }
0x82: {  	s20 =	sshll.u32 @p2 s20, $0xA;
	[sflag:s21] =	ssyncset.done @p2 $0x0  }
0x83: {  	s24 =	simm.s32 @p2 $0x1000;
	[sflag:s21] =	ssyncadd.s32 @p2 $0xFFFFFD00;
	s21 =	simm.s32 @p2 $0x70  }
0x84: {  	[tilespmem:s24], [sflag:$0x1] =	stream.indirect.gather @p2 [hbm4b:s4+s21], $0x80, s20, s21, $0xb8;
	[tilespmem:$0x1F800] =	vst v63  }
0x85: {  	s24 =	simm.s32 @p2 $0x2  }
0x86: {  	_ =	swait.ge @p2 [sflag:s24], $0x3800  }
0x87: {  	[sflag:s24] =	ssyncset.done @p2 $0x0  }
0x88: {  	s22 =	sor.u32 @p2 $0x800, s22;
	[sflag:s24] =	ssyncadd.s32 @p2 $0xFFFFC800;
	s24 =	simm.s32 @p2 $0x4800  }
0x89: {  	[spmem:s1] =	stream.indirect.scatter.add.f32 @p2 [tilespmem:s24], [sflag:$0x5], $0x80, s22, s21, $0xb8;
	[tilespmem:$0x1F800] =	vst v63  }
0x8a: {  	s22 =	simm.s32 @p2 $0x5  }
0x8b: {  	s19 =	simm.s32 @!p1 $0xF;
	_ =	swait.ge @p2 [sflag:s22], $0x3800  }
0x8c: {  	s19 =	simm.s32 @p0 $0x1;
	[sflag:s22] =	ssyncset.done @p2 $0x0  }
0x8d: {  	p0 =	slt.u32 s19, $0xF;
	s20 =	sor.u32 @p2 $0x80, s20;
	[sflag:s22] =	ssyncadd.s32 @p2 $0xFFFFC800  }
0x8e: {  	[tilespmem:s24], [sflag:$0x2] =	stream.indirect.gather @p2 [hbm4b:s4+s21], $0x80, s20, s21, $0xb8;
	[tilespmem:$0x1F800] =	vst v63  }
.Ltmp0:
0x8f: {  	_ = 	snop;
	(pc) =	sbr.rel @p0 .LBB2_2-.Ltmp0, $4  }
0x90: {  	_ =	swait.ge [sflag:s16], $0x3800  }
0x91: {  	[sflag:s16] =	ssyncset.done $0x0  }
0x92: {  	s25 =	sor.u32 $0x800, s23;
	[sflag:s16] =	ssyncadd.s32 $0xFFFFC800  }
0x93: {  	[spmem:s1] =	stream.indirect.scatter.add.f32 [tilespmem:s31], [sflag:$0x6], $0x80, s25, s0, $0xb8;
	[tilespmem:$0x1F800] =	vst v63  }
0x94: {  	_ =	swait.ge [sflag:s17], $0x3800  }
0x95: {  	[sflag:s17] =	ssyncset.done $0x0  }
0x96: {  	s19 =	stileid.u32;
	[sflag:s17] =	ssyncadd.s32 $0xFFFFC800  }
0x97: {  	s19 =	sshll.u32 s19, $0x6;
	[bflag:$0x0] =	sbarrier.arrive $0xFFFF  }
0x98: {  	s20 =	sshrl.u32 s8, $0x3;
	s19 =	sor.u32 $0x1C08, s19;
	s21 =	rddreg [dreg:$0x6]  }
0x99: {  	[hbm:s21], [sflag:s19] =	dma.local [spmem:s20], $0x700  }
0x9a: {  	_ =	swait.ge [sflag:s28], $0x700  }
0x9b: {  	[sflag:s28] =	ssyncset.done $0x0  }
0x9c: {  	s24 =	sshrl.u32 s9, $0x3;
	s25 =	rddreg [dreg:$0x7];
	[sflag:s28] =	ssyncadd.s32 $0xFFFFF900  }
0x9d: {  	[hbm:s25], [sflag:s19] =	dma.local [spmem:s24], $0x700  }
0x9e: {  	_ =	swait.ge [sflag:s28], $0x700  }
0x9f: {  	[sflag:s28] =	ssyncset.done $0x0  }
0xa0: {  	s22 =	sshrl.u32 s11, $0x3;
	s23 =	rddreg [dreg:$0x8];
	[sflag:s28] =	ssyncadd.s32 $0xFFFFF900  }
0xa1: {  	[hbm:s23], [sflag:s19] =	dma.local [spmem:s22], $0x700  }
0xa2: {  	_ =	swait.ge [sflag:s28], $0x700  }
0xa3: {  	[sflag:s28] =	ssyncset.done $0x0  }
0xa4: {  	s24 =	sshrl.u32 s12, $0x3;
	s25 =	rddreg [dreg:$0x9];
	[sflag:s28] =	ssyncadd.s32 $0xFFFFF900  }
0xa5: {  	[hbm:s25], [sflag:s19] =	dma.local [spmem:s24], $0x700  }
0xa6: {  	_ =	swait.ge [sflag:s28], $0x700  }
0xa7: {  	[sflag:s28] =	ssyncset.done $0x0  }
0xa8: {  	s21 =	sshrl.u32 s13, $0x3;
	s22 =	rddreg [dreg:$0xa];
	[sflag:s28] =	ssyncadd.s32 $0xFFFFF900  }
0xa9: {  	[hbm:s22], [sflag:s19] =	dma.local [spmem:s21], $0x700  }
0xaa: {  	_ =	swait.ge [sflag:s28], $0x700  }
0xab: {  	[sflag:s28] =	ssyncset.done $0x0  }
0xac: {  	s23 =	sshrl.u32 s14, $0x3;
	s24 =	rddreg [dreg:$0xb];
	[sflag:s28] =	ssyncadd.s32 $0xFFFFF900  }
0xad: {  	[hbm:s24], [sflag:s19] =	dma.local [spmem:s23], $0x500  }
0xae: {  	_ =	swait.ge [sflag:s28], $0x500  }
0xaf: {  	s18 =	sadd.s32 $0x1, s18;
	s25 =	rddreg [dreg:$0xe]  }
0xb0: {  	p0 =	sne.s32 s18, s25  }
.Ltmp1:
0xb1: {  	_ = 	snop;
	(pc) =	sbr.rel @p0 .LBB2_1-.Ltmp1, $3  }
0xb2: {  	_ =	sdelay $0x1  }
0xb3: {  	[sflag:s28] =	ssyncset.done $0x0  }
0xb4: {  	[sflag:s28] =	ssyncadd.s32 $0xFFFFFB00  }
0xb5: {  	_ =	sfence.sel $0x180000  }
0xb6: {  	[bflag:$0x0] =	sbarrier.arrive $0xFFFF  }
0xb7: {  	_ =	strace $0x9000004A  }
0xb8: {  	s0 =	stileid.u32;
	[bflag:$0x2] =	sbarrier.arrive $0xFFFF  }
0xb9: {  	p0 =	sne.s32 s0, $0x0;
	s0 =	rddreg [dreg:$0x2]  }
0xba: {  	s0 =	sadd.s32 @!p0 $0x100000, s0  }
0xbb: {  	[sflag:s0] =	ssyncadd.tile.s32 @!p0 $0x1;
	_ =	shalt  }
.Lfunc_end2:
_tile_overlayer_lowered:
.L_overlay_start_2:
0xbc: {  	(tag) =	ssettag $0x2  }
0xbd: {  	s0 =	rddreg [dreg:$0x0];
	s2 =	stileid.u32  }
0xbe: {  	s1 =	rddreg [dreg:$0x1];
	p0 =	sne.s32 s2, $0x0  }
0xbf: {  	s3 =	rddreg [dreg:$0x2];
	[bflag:$0x3] =	sbarrier.arrive $0xFFFF;
	s2 =	simm.s32 @!p0 $0x1C08  }
0xc0: {  	[timem:s3], [sflag:s2] =	dma.local @!p0 [hbm:s0], s1  }
0xc1: {  	s0 =	simm.s32 @!p0 $0x8  }
0xc2: {  	_ =	swait.ge @!p0 [sflag:s0], s1  }
0xc3: {  	s1 =	ssub.s32 @!p0 $0x0, s1;
	[sflag:s0] =	ssyncset.done @!p0 $0x0  }
0xc4: {  	[sflag:s0] =	ssyncadd.s32 @!p0 s1  }
0xc5: {  	[bflag:$0x3] =	sbarrier.arrive $0xFFFF  }
0xc6: {  	_ =	shalt  }

// kernel: kernel.16.cloned.1.call-start
scs
__scs_entry_jumppad:
0x0: {  	(pc) =	sbr.rel $0x88, $3  }
0x1: {  	(tag) =	ssettag $0x0;
	lr =	simm.s32 $0x1  }
0x2: {  	[smem:$0x3F92] =	sst lr;
	_ =	strace $0xD0000000  }
0x3: {  	_ = 	snop  }
0x4: {  	_ = 	snop  }
0x5: {  	_ = 	snop  }
0x6: {  	_ = 	snop  }
0x7: {  	_ = 	snop  }
__scs_overlays_trampoline_lowered:
0x8: {  	[smem:$0x3FA1] =	sst s0  }
0x9: {  	[smem:$0x3FA2] =	sst s1  }
0xa: {  	[smem:$0x3FA3] =	sst s2  }
0xb: {  	[smem:$0x3FA4] =	sst s3  }
0xc: {  	[smem:$0x3FA5] =	sst s4  }
0xd: {  	[smem:$0x3FA6] =	sst s5  }
0xe: {  	[smem:$0x3FA7] =	sst s6  }
0xf: {  	[smem:$0x3FA8] =	sst s7  }
0x10: {  	[smem:$0x3FA9] =	sst s8  }
0x11: {  	[smem:$0x3FAA] =	sst s9;
	s0 =	simm.s32 @!p0 $0x0  }
0x12: {  	s1 =	sld [smem:$0x3F90];
	s0 =	simm.s32 @p0 $0x1  }
0x13: {  	[smem:$0x3FAB] =	sst s0;
	s0 =	simm.s32 @!p1 $0x0  }
0x14: {  	s2 =	sld [smem:$0x3F8F];
	s0 =	simm.s32 @p1 $0x1  }
0x15: {  	[smem:$0x3FAC] =	sst s0;
	s0 =	simm.s32 @!p2 $0x0  }
0x16: {  	s3 =	sld [smem:$0x3FDB];
	s0 =	simm.s32 @p2 $0x1  }
0x17: {  	s4 =	simm.s32 $0x1BF5;
	[smem:$0x3FAE] =	sst s0  }
0x18: {  	s0 =	sld [smem:$0x3F91];
	_ =	swait.ge [sflag:s4], $0x0  }
0x19: {  	s7 =	sld [smem:$0x3F92]  }
0x1a: {  	s8 =	sadd.s32 $0xFFFFE003, lr  }
0x1b: {  	s9 =	sadd.s32 $0xFFFFFEF7, lr;
	s5 =	simm.s32 $0xFFFFFFFF;
	p2 =	slt.u32 s8, $0xFFFFF086  }
0x1c: {  	p1 =	slt.u32 s9, $0xF7A;
	s5 =	simm.s32 @!p2 $0x0  }
0x1d: {  	s5 =	simm.s32 @p1 $0x1;
	p0 =	seq.s32 s7, s2  }
0x1e: {  	s7 =	smul.u32 @!p0 $0xF7A, s2;
	p2 =	seq.s32 @!p0 s5, $0x0  }
0x1f: {  	s9 =	smul.u32 $0xF7A, s1;
	s8 =	simm.s32 @!p0 $0x1BF5;
	p2 =	por !p2, p0  }
0x20: {  	[sflag:s8] =	ssyncset.s32 @!p0 $0xFFFFF086;
	s6 =	sadd.s32 @!p0 s3, s7;
	s7 =	simm.s32 @!p0 $0x108  }
0x21: {  	s3 =	sadd.s32 s3, s9;
	s6 =	sadd.s32 @!p0 $0x88, s6;
	s7 =	simm.s32 @p2 $0x1082  }
0x22: {  	[simem:s7], [sflag:s8] =	dma.local @!p0 [hbm:s6], $0xF7A  }
0x23: {  	s9 =	sor.u32 $0xD0000000, s2;
	s6 =	simm.s32 $0x108;
	_ =	swait.ge @!p0 [sflag:s8], $0x0  }
0x24: {  	s3 =	sadd.s32 $0x88, s3;
	s6 =	simm.s32 @!p1 $0x1082;
	[sflag:s4] =	ssyncset.s32 $0xFFFFF086  }
0x25: {  	[simem:s6], [sflag:s4] =	dma.local [hbm:s3], $0xF7A  }
0x26: {  	[smem:$0x3F92] =	sst s1;
	(tag) =	ssettag s2;
	_ =	strace s9  }
0x27: {  	s1 =	sld [smem:$0x3FA2]  }
0x28: {  	s2 =	sld [smem:$0x3FA3]  }
0x29: {  	s4 =	sld [smem:$0x3FA5]  }
0x2a: {  	p0 =	seq.s32 s5, $0x0;
	s5 =	sld [smem:$0x3FA6]  }
0x2b: {  	s6 =	sld [smem:$0x3FA7]  }
0x2c: {  	s7 =	sld [smem:$0x3FA8]  }
0x2d: {  	s3 =	simm.s32 $0x108;
	s8 =	sld [smem:$0x3FA9]  }
0x2e: {  	s3 =	simm.s32 @!p0 $0x1082;
	s9 =	sld [smem:$0x3FAA]  }
0x2f: {  	lr =	sadd.s32 s0, s3;
	s0 =	sld [smem:$0x3FA1]  }
0x30: {  	s3 =	sld [smem:$0x3FA4]  }
0x31: {  	[smem:$0x3FAD] =	sst s10  }
0x32: {  	s10 =	sld [smem:$0x3FAB];
	_ =	sdelay $0x3  }
0x33: {  	p0 =	seq.s32 s10, $0x1;
	s10 =	sld [smem:$0x3FAD];
	_ =	sdelay $0x3  }
0x34: {  	[smem:$0x3FAD] =	sst s10  }
0x35: {  	s10 =	sld [smem:$0x3FAC];
	_ =	sdelay $0x3  }
0x36: {  	p1 =	seq.s32 s10, $0x1;
	s10 =	sld [smem:$0x3FAD];
	_ =	sdelay $0x3  }
0x37: {  	[smem:$0x3FAD] =	sst s10  }
0x38: {  	s10 =	sld [smem:$0x3FAE]  }
0x39: {  	_ = 	snop;
	(pc) =	sbr.ind lr, $3  }
0x3a: {  	_ = 	snop  }
0x3b: {  	_ = 	snop  }
0x3c: {  	p2 =	seq.s32 s10, $0x1;
	s10 =	sld [smem:$0x3FAD]  }
0x3d: {  	_ =	shalt  }
0x3e: {  	_ =	shalt  }
0x3f: {  	_ =	shalt  }
0x40: {  	_ =	shalt  }
0x41: {  	_ =	shalt  }
0x42: {  	_ =	shalt  }
0x43: {  	_ =	shalt  }
0x44: {  	_ =	shalt  }
0x45: {  	_ =	shalt  }
0x46: {  	_ =	shalt  }
0x47: {  	_ =	shalt  }
0x48: {  	_ =	shalt  }
0x49: {  	_ =	shalt  }
0x4a: {  	_ =	shalt  }
0x4b: {  	_ =	shalt  }
0x4c: {  	_ =	shalt  }
0x4d: {  	_ =	shalt  }
0x4e: {  	_ =	shalt  }
0x4f: {  	_ =	shalt  }
0x50: {  	_ =	shalt  }
0x51: {  	_ =	shalt  }
0x52: {  	_ =	shalt  }
0x53: {  	_ =	shalt  }
0x54: {  	_ =	shalt  }
0x55: {  	_ =	shalt  }
0x56: {  	_ =	shalt  }
0x57: {  	_ =	shalt  }
0x58: {  	_ =	shalt  }
0x59: {  	_ =	shalt  }
0x5a: {  	_ =	shalt  }
0x5b: {  	_ =	shalt  }
0x5c: {  	_ =	shalt  }
0x5d: {  	_ =	shalt  }
0x5e: {  	_ =	shalt  }
0x5f: {  	_ =	shalt  }
0x60: {  	_ =	shalt  }
0x61: {  	_ =	shalt  }
0x62: {  	_ =	shalt  }
0x63: {  	_ =	shalt  }
0x64: {  	_ =	shalt  }
0x65: {  	_ =	shalt  }
0x66: {  	_ =	shalt  }
0x67: {  	_ =	shalt  }
0x68: {  	_ =	shalt  }
0x69: {  	_ =	shalt  }
0x6a: {  	_ =	shalt  }
0x6b: {  	_ =	shalt  }
0x6c: {  	_ =	shalt  }
0x6d: {  	_ =	shalt  }
0x6e: {  	_ =	shalt  }
0x6f: {  	_ =	shalt  }
0x70: {  	_ =	shalt  }
0x71: {  	_ =	shalt  }
0x72: {  	_ =	shalt  }
0x73: {  	_ =	shalt  }
0x74: {  	_ =	shalt  }
0x75: {  	_ =	shalt  }
0x76: {  	_ =	shalt  }
0x77: {  	_ =	shalt  }
0x78: {  	_ =	shalt  }
0x79: {  	_ =	shalt  }
0x7a: {  	_ =	shalt  }
0x7b: {  	_ =	shalt  }
0x7c: {  	_ =	shalt  }
0x7d: {  	_ =	shalt  }
0x7e: {  	_ =	shalt  }
0x7f: {  	_ =	shalt  }
0x80: {  	_ =	shalt  }
0x81: {  	_ =	shalt  }
0x82: {  	_ =	shalt  }
0x83: {  	_ =	shalt  }
0x84: {  	_ =	shalt  }
0x85: {  	_ =	shalt  }
0x86: {  	_ =	shalt  }
0x87: {  	_ =	shalt  }
.Lfunc_end0:
.L_simem_size_0:
called_computation.2_lowered:
.L_overlay_start_0:
0x88: {  	s2 =	sld [smem:$0x3FD9]  }
0x89: {  	s3 =	sld [smem:$0x3FFE];
	_ =	sdelay $0x1  }
0x8a: {  	s1 =	srdreg.scid  }
0x8b: {  	s0 =	sand.u32 $0x1, s1  }
0x8c: {  	s16 =	sshll.u32 s0, $0xA;
	s2 =	sadd.s32 s3, s2  }
0x8d: {  	s2 =	sadd.s32 s2, s16  }
0x8e: {  	[smem:$0x3FB9] =	sst s2  }
0x8f: {  	_ = 	snop  }
0x90: {  	(tm) =	ssettm $0x1  }
0x91: {  	s17 =	sld [smem:$0x3FFB];
	_ =	sdelay $0x3  }
0x92: {  	_ =	strace s17  }
0x93: {  	s2 =	sld [smem:$0x3FFC];
	_ =	sdelay $0x3  }
0x94: {  	_ =	strace s2  }
0x95: {  	s2 =	sld [smem:$0x3FFD];
	_ =	sdelay $0x3  }
0x96: {  	_ =	strace s2  }
0x97: {  	_ =	strace $0x8FFFFFFF  }
0x98: {  	s18 =	sld [smem:$0x3FDB];
	_ =	sdelay $0x1  }
0x99: {  	s19 =	simm.s32 $_scs_section_size  }
0x9a: {  	s4 =	simm.s32 $_size__tile_overlayer_lowered;
	s5 =	simm.s32 $_tile_overlayer_lowered  }
0x9b: {  	s22 =	simm.s32 $0x1BFF;
	s21 =	sshll.u32 s5, $0x1;
	s2 =	sadd.s32 s19, s18  }
0x9c: {  	s6 =	simm.s32 $0x0;
	s20 =	sshll.u32 s4, $0x1;
	s4 =	sadd.s32 s21, s2  }
0x9d: {  	[timem:s6], [sflag:s22] =	dma.local [hbm:s4], s20  }
0x9e: {  	_ =	swait.ge [sflag:s22], s20  }
0x9f: {  	s3 =	ssub.s32 $0x0, s20;
	[sflag:s22] =	ssyncset.done $0x0  }
0xa0: {  	[sflag:s22] =	ssyncadd.s32 s3;
	_ =	sdelay $0x1  }
0xa1: {  	s23 =	simm.s32 $0x1B8B  }
0xa2: {  	_ =	swait.ge [sflag:s23], $0x1  }
0xa3: {  	[sflag:s23] =	ssyncset.done $0x0  }
0xa4: {  	s25 =	simm.s32 $0x1B8E;
	s24 =	sld [smem:$0x3FFE];
	[sflag:s23] =	ssyncadd.s32 $0xFFFFFFFF  }
0xa5: {  	s26 =	simm.s32 $execute0_lowered;
	[smem:$0x3FD2] =	sst s25  }
0xa6: {  	s4 =	sshll.u32 s26, $0x1;
	_ =	strace $0x8000004C;
	[dreg:$0x1] =	wrdreg $0xFFFFFFFF  }
0xa7: {  	s28 =	simm.s32 $_size_execute0_lowered;
	s2 =	sadd.s32 s2, s4;
	[dreg:$0x0] =	wrdreg $0x0  }
0xa8: {  	s4 =	sshll.u32 s28, $0x1;
	[dreg:$0x2] =	wrdreg s2  }
0xa9: {  	[dreg:$0x3] =	wrdreg s4  }
0xaa: {  	[dreg:$0x4] =	wrdreg $0xC0  }
0xab: {  	_ =	task [dreg:s6], $0x5FFFF  }
0xac: {  	[dreg:$0x1] =	wrdreg $0xFFFFFFFF  }
0xad: {  	[dreg:$0x0] =	wrdreg $0x60  }
0xae: {  	[dreg:$0x2] =	wrdreg s24  }
0xaf: {  	[dreg:$0x3] =	wrdreg $0xB8000  }
0xb0: {  	[dreg:$0x4] =	wrdreg $0x9  }
0xb1: {  	_ =	task.clear_ibuf [dreg:s6], $0x5FFFF;
	_ =	strace $0x9000004C  }
0xb2: {  	s29 =	simm.s32 $0x9;
	_ =	strace $0x8000004E  }
0xb3: {  	_ =	swait.ge [sflag:s29], $0x1  }
0xb4: {  	[sflag:s29] =	ssyncadd.s32 $0xFFFFFFFF  }
0xb5: {  	_ =	strace $0x9000004E  }
0xb6: {  	_ =	sfence  }
0xb7: {  	s30 =	sld [smem:$0x0];
	_ =	sdelay $0x2  }
0xb8: {  	s31 =	sshll.u32 s1, $0xD;
	s1 =	sshrl.u32 s1, $0x2  }
0xb9: {  	s3 =	sand.u32 $0x4000, s31;
	s1 =	sadd.s32 s1, s30  }
0xba: {  	s0 =	sor.u32 s3, s0;
	s1 =	sshll.u32 s1, $0x11  }
0xbb: {  	s0 =	sor.u32 s1, s0  }
0xbc: {  	s0 =	sadd.s32 $0x8F2B, s0  }
0xbd: {  	[sflag:s0] =	ssyncadd.remote.s32 $0x1  }
0xbe: {  	_ =	sfence.sel $0xFFFF  }
0xbf: {  	[dreg:$0x0] =	wrdreg $0xFFFFFFFF;
	(pc) =	sbr.abs _section_cstart, $3  }
0xc0: {  	[dreg:$0x1] =	wrdreg $0xFFFFFFFF  }
0xc1: {  	_ =	task.clear_ibuf [dreg:s6], $0x2FFFF;
	_ =	strace $0x9FFFFFFF  }
0xc2: {  	(tm) =	ssettm $0x7FFFFFFF  }
0xc3: {  	_ =	shalt  }
tec
execute0_lowered:
.L_overlay_start_1:
0x0: {  	(tag) =	ssettag $0x1  }
0x1: {  	s0 =	rddreg [dreg:$0x0]  }
0x2: {  	s1 =	rddreg [dreg:$0x1]  }
0x3: {  	s2 =	simm.s32 $0x0;
	s3 =	srdreg.scid;
	s10 =	stileid.u32  }
0x4: {  	s28 =	simm.s32 $0x8;
	s29 =	simm.s32 $0x4800;
	s30 =	simm.s32 $0x1  }
0x5: {  	s31 =	simm.s32 $0x8000;
	[smem:$0x7FF] =	sst s2;
	s4 =	sadd.s32 $0x10C00, s0  }
0x6: {  	s3 =	sand.u32 $0x1, s3;
	s5 =	sadd.s32 $0x70400, s0;
	s8 =	smul.u32 $0x50000, s10  }
0x7: {  	s6 =	sadd.s32 $0x61400, s0;
	s15 =	smul.u32 $0x14000, s10;
	s11 =	sadd.s32 $0x10400, s0  }
0x8: {  	s0 =	sadd.s32 $0x7F400, s0;
	_ =	strace $0x8000004D;
	s7 =	ssub.s32 $0x2, s3  }
0x9: {  	[dreg:$0x3] =	wrdreg s11;
	s24 =	sshll.u32 s3, $0x4;
	s3 =	smul.u32 $0x140000, s3  }
0xa: {  	s9 =	sshrl.u32 s7, $0x1;
	s8 =	sshrl.u32 s8, $0x2;
	s16 =	sor.u32 $0x3800, s15  }
0xb: {  	s10 =	sor.u32 s10, s24;
	s17 =	sadd.s32 $0x7000, s15;
	s18 =	sadd.s32 $0xA800, s15  }
0xc: {  	s19 =	sadd.s32 $0xE000, s15;
	s20 =	sadd.s32 $0x11800, s15;
	s7 =	ssub.s32 s7, s9  }
0xd: {  	s8 =	sadd.s32 s8, s1;
	s9 =	sadd.s32 s16, s1;
	s10 =	smul.u32 $0x3C00, s10  }
0xe: {  	s11 =	sadd.s32 s17, s1;
	s12 =	sadd.s32 s18, s1;
	s13 =	sadd.s32 s19, s1  }
0xf: {  	s14 =	sadd.s32 s20, s1;
	s15 =	sadd.s32 s15, s3;
	s16 =	sadd.s32 s3, s16  }
0x10: {  	s17 =	sadd.s32 s3, s17;
	s18 =	sadd.s32 s3, s18;
	s19 =	sadd.s32 s3, s19  }
0x11: {  	s3 =	sadd.s32 s3, s20;
	s15 =	sshrl.u32 s15, $0x3;
	s16 =	sshrl.u32 s16, $0x3  }
0x12: {  	s17 =	sshrl.u32 s17, $0x3;
	s21 =	sshrl.u32 s10, $0x3;
	s15 =	sadd.s32 s0, s15  }
0x13: {  	s23 =	sshrl.u32 s19, $0x3;
	s22 =	sadd.s32 s5, s21;
	[dreg:$0x6] =	wrdreg s15  }
0x14: {  	s3 =	sshrl.u32 s3, $0x3;
	s25 =	sadd.s32 s6, s21;
	[dreg:$0x4] =	wrdreg s22  }
0x15: {  	s26 =	sadd.s32 $0x80, s21;
	s15 =	sadd.s32 s0, s16;
	[dreg:$0x5] =	wrdreg s25  }
0x16: {  	s21 =	sadd.s32 s0, s17;
	s16 =	simm.s32 $0x3;
	[dreg:$0x7] =	wrdreg s15  }
0x17: {  	s17 =	simm.s32 $0x6;
	[dreg:$0x8] =	wrdreg s21;
	s24 =	sadd.s32 s5, s26  }
0x18: {  	s22 =	sshrl.u32 s18, $0x3;
	s25 =	sadd.s32 s6, s26;
	[dreg:$0xc] =	wrdreg s24  }
0x19: {  	s26 =	smax.u32 s7, $0x1;
	s7 =	simm.s32 $0x2;
	[dreg:$0xd] =	wrdreg s25  }
0x1a: {  	s18 =	simm.s32 $0x0;
	s15 =	sadd.s32 s0, s22;
	[dreg:$0xe] =	wrdreg s26  }
0x1b: {  	s26 =	simm.s32 $0x1000;
	[dreg:$0x9] =	wrdreg s15;
	s15 =	sadd.s32 s0, s23  }
0x1c: {  	s0 =	sadd.s32 s0, s3;
	s3 =	simm.s32 $0x4;
	[dreg:$0xa] =	wrdreg s15  }
0x1d: {  	[dreg:$0xb] =	wrdreg s0;
	s0 =	simm.s32 $0x70;
	s15 =	simm.s32 $0x5  }
.LBB2_1:
0x1e: {  	s19 =	rddreg [dreg:$0x3]  }
0x1f: {  	[tilespmem:s26], [sflag:$0x8] =	stream.linear.gather [hbm4b:s19+s2], $0x3800, $0x38;
	[tilespmem:$0x1F800] =	vst v63  }
0x20: {  	_ =	swait.ge [sflag:s28], $0x3800  }
0x21: {  	[sflag:s28] =	ssyncset.done $0x0  }
0x22: {  	[sflag:s28] =	ssyncadd.s32 $0xFFFFC800  }
0x23: {  	[spmem:s8] =	stream.linear.scatter [tilespmem:s26], [sflag:$0x8], $0x3800, $0x38;
	[tilespmem:$0x1F800] =	vst v63  }
0x24: {  	_ =	swait.ge [sflag:s28], $0x3800  }
0x25: {  	[sflag:s28] =	ssyncset.done $0x0  }
0x26: {  	[sflag:s28] =	ssyncadd.s32 $0xFFFFC800  }
0x27: {  	[spmem:s9] =	stream.linear.scatter [tilespmem:s26], [sflag:$0x8], $0x3800, $0x38;
	[tilespmem:$0x1F800] =	vst v63  }
0x28: {  	_ =	swait.ge [sflag:s28], $0x3800  }
0x29: {  	[sflag:s28] =	ssyncset.done $0x0  }
0x2a: {  	[sflag:s28] =	ssyncadd.s32 $0xFFFFC800  }
0x2b: {  	[spmem:s11] =	stream.linear.scatter [tilespmem:s26], [sflag:$0x8], $0x3800, $0x38;
	[tilespmem:$0x1F800] =	vst v63  }
0x2c: {  	_ =	swait.ge [sflag:s28], $0x3800  }
0x2d: {  	[sflag:s28] =	ssyncset.done $0x0  }
0x2e: {  	[sflag:s28] =	ssyncadd.s32 $0xFFFFC800  }
0x2f: {  	[spmem:s12] =	stream.linear.scatter [tilespmem:s26], [sflag:$0x8], $0x3800, $0x38;
	[tilespmem:$0x1F800] =	vst v63  }
0x30: {  	_ =	swait.ge [sflag:s28], $0x3800  }
0x31: {  	[sflag:s28] =	ssyncset.done $0x0  }
0x32: {  	[sflag:s28] =	ssyncadd.s32 $0xFFFFC800  }
0x33: {  	[spmem:s13] =	stream.linear.scatter [tilespmem:s26], [sflag:$0x8], $0x3800, $0x38;
	[tilespmem:$0x1F800] =	vst v63  }
0x34: {  	_ =	swait.ge [sflag:s28], $0x3800  }
0x35: {  	[sflag:s28] =	ssyncset.done $0x0  }
0x36: {  	[sflag:s28] =	ssyncadd.s32 $0xFFFFC800  }
0x37: {  	[spmem:s14] =	stream.linear.scatter [tilespmem:s26], [sflag:$0x8], $0x2800, $0x38;
	[tilespmem:$0x1F800] =	vst v63  }
0x38: {  	_ =	swait.ge [sflag:s28], $0x2800  }
0x39: {  	[sflag:s28] =	ssyncset.done $0x0  }
0x3a: {  	s24 =	rddreg [dreg:$0x4];
	[sflag:s28] =	ssyncadd.s32 $0xFFFFD800  }
0x3b: {  	[tilespmem:s2], [sflag:$0x8] =	stream.linear.gather [hbm4b:s24+s2], $0x300, $0x38;
	[tilespmem:$0x1F800] =	vst v63  }
0x3c: {  	_ =	swait.ge [sflag:s28], $0x300  }
0x3d: {  	[sflag:s28] =	ssyncset.done $0x0  }
0x3e: {  	s20 =	simm.s32 $0x800;
	s25 =	rddreg [dreg:$0x5];
	[sflag:s28] =	ssyncadd.s32 $0xFFFFFD00  }
0x3f: {  	[tilespmem:s20], [sflag:$0x8] =	stream.linear.gather [hbm4b:s25+s2], $0x300, $0x38;
	[tilespmem:$0x1F800] =	vst v63  }
0x40: {  	_ =	swait.ge [sflag:s28], $0x300  }
0x41: {  	[sflag:s28] =	ssyncset.done $0x0  }
0x42: {  	s22 =	simm.s32 $0x400;
	s21 =	rddreg [dreg:$0xc];
	[sflag:s28] =	ssyncadd.s32 $0xFFFFFD00  }
0x43: {  	[tilespmem:s22], [sflag:$0x7] =	stream.linear.gather [hbm4b:s21+s2], $0x300, $0x38;
	[tilespmem:$0x1F800] =	vst v63  }
0x44: {  	s24 =	simm.s32 $0xC00;
	s23 =	rddreg [dreg:$0xd]  }
0x45: {  	[tilespmem:s24], [sflag:$0x7] =	stream.linear.gather [hbm4b:s23+s2], $0x300, $0x38;
	[tilespmem:$0x1F800] =	vst v63  }
0x46: {  	[bflag:$0x0] =	sbarrier.arrive $0xFFFF  }
0x47: {  	[tilespmem:s26], [sflag:$0x1] =	stream.indirect.gather [hbm4b:s4+s0], $0x80, s2, s0, $0xb8;
	[tilespmem:$0x1F800] =	vst v63  }
0x48: {  	s19 =	simm.s32 $0x0;
	s25 =	simm.s32 $0x80  }
0x49: {  	[tilespmem:s29], [sflag:$0x2] =	stream.indirect.gather [hbm4b:s4+s0], $0x80, s25, s0, $0xb8;
	[tilespmem:$0x1F800] =	vst v63  }
.LBB2_2:
0x4a: {  	p0 =	seq.s32 s19, $0x0  }
0x4b: {  	p1 =	seq.s32 @!p0 s19, $0xE  }
0x4c: {  	p2 =	por p1, p0  }
0x4d: {  	s21 =	sand.u32 $0x1, s19;
	s22 =	simm.s32 @!p0 $0x6;
	s19 =	sadd.s32 @!p2 $0x1, s19  }
0x4e: {  	_ =	swait.ge @!p0 [sflag:s22], $0x3800;
	s20 =	sshll.u32 @!p2 s19, $0xA  }
0x4f: {  	[sflag:s22] =	ssyncset.done @!p0 $0x0;
	s23 =	sadd.s32 @!p2 s10, s20  }
0x50: {  	[sflag:s22] =	ssyncadd.s32 @!p0 $0xFFFFC800;
	s20 =	sxor.u32 $0x1, s21;
	s22 =	sshrl.u32 @!p2 s23, $0x3  }
0x51: {  	s25 =	simm.s32 @!p2 $0x0;
	s23 =	sshll.u32 @!p2 s20, $0xA;
	s24 =	sadd.s32 @!p2 s5, s22  }
0x52: {  	[tilespmem:s23], [sflag:$0x7] =	stream.linear.gather @!p2 [hbm4b:s24+s25], $0x300, $0x38;
	[tilespmem:$0x1F800] =	vst v63  }
0x53: {  	s21 =	sshll.u32 s21, $0xA;
	s22 =	sadd.s32 @!p2 s6, s22;
	s23 =	sor.u32 @!p2 $0x800, s23  }
0x54: {  	[tilespmem:s23], [sflag:$0x7] =	stream.linear.gather @!p2 [hbm4b:s22+s25], $0x300, $0x38;
	[tilespmem:$0x1F800] =	vst v63  }
0x55: {  	s23 =	sor.u32 $0x100, s21  }
0x56: {  	[tilespmem:s31], [sflag:$0x3] =	stream.indirect.gather [hbm4b:s4+s0], $0x80, s23, s0, $0xb8;
	[tilespmem:$0x1F800] =	vst v63  }
0x57: {  	_ =	swait.ge [sflag:s30], $0x3800  }
0x58: {  	[sflag:s30] =	ssyncset.done $0x0  }
0x59: {  	s24 =	sor.u32 $0x800, s21;
	[sflag:s30] =	ssyncadd.s32 $0xFFFFC800  }
0x5a: {  	[spmem:s1] =	stream.indirect.scatter.add.f32 [tilespmem:s26], [sflag:$0x4], $0x80, s24, s0, $0xb8;
	[tilespmem:$0x1F800] =	vst v63  }
0x5b: {  	_ =	swait.ge [sflag:s3], $0x3800  }
0x5c: {  	[sflag:s3] =	ssyncset.done $0x0  }
0x5d: {  	s25 =	sor.u32 $0x180, s21;
	[sflag:s3] =	ssyncadd.s32 $0xFFFFC800  }
0x5e: {  	[tilespmem:s26], [sflag:$0x1] =	stream.indirect.gather [hbm4b:s4+s0], $0x80, s25, s0, $0xb8;
	[tilespmem:$0x1F800] =	vst v63  }
0x5f: {  	_ =	swait.ge [sflag:s7], $0x3800  }
0x60: {  	[sflag:s7] =	ssyncset.done $0x0  }
0x61: {  	s23 =	sor.u32 $0x880, s21;
	[sflag:s7] =	ssyncadd.s32 $0xFFFFC800  }
0x62: {  	[spmem:s1] =	stream.indirect.scatter.add.f32 [tilespmem:s29], [sflag:$0x5], $0x80, s23, s0, $0xb8;
	[tilespmem:$0x1F800] =	vst v63  }
0x63: {  	_ =	swait.ge [sflag:s15], $0x3800  }
0x64: {  	[sflag:s15] =	ssyncset.done $0x0  }
0x65: {  	s22 =	sor.u32 $0x200, s21;
	[sflag:s15] =	ssyncadd.s32 $0xFFFFC800  }
0x66: {  	[tilespmem:s29], [sflag:$0x2] =	stream.indirect.gather [hbm4b:s4+s0], $0x80, s22, s0, $0xb8;
	[tilespmem:$0x1F800] =	vst v63  }
0x67: {  	_ =	swait.ge [sflag:s16], $0x3800  }
0x68: {  	[sflag:s16] =	ssyncset.done $0x0  }
0x69: {  	s24 =	sor.u32 $0x900, s21;
	[sflag:s16] =	ssyncadd.s32 $0xFFFFC800  }
0x6a: {  	[spmem:s1] =	stream.indirect.scatter.add.f32 [tilespmem:s31], [sflag:$0x6], $0x80, s24, s0, $0xb8;
	[tilespmem:$0x1F800] =	vst v63  }
0x6b: {  	_ =	swait.ge [sflag:s17], $0x3800  }
0x6c: {  	[sflag:s17] =	ssyncset.done $0x0  }
0x6d: {  	s23 =	sor.u32 $0x280, s21;
	[sflag:s17] =	ssyncadd.s32 $0xFFFFC800  }
0x6e: {  	[tilespmem:s31], [sflag:$0x3] =	stream.indirect.gather [hbm4b:s4+s0], $0x80, s23, s0, $0xb8;
	[tilespmem:$0x1F800] =	vst v63  }
0x6f: {  	_ =	swait.ge [sflag:s30], $0x3800  }
0x70: {  	p3 =	por @!p0 $0x0, $0x0;
	p1 =	por !p1, p0;
	[sflag:s30] =	ssyncset.done $0x0  }
0x71: {  	p4 =	por @!p2 $0x1, $0x1;
	s21 =	sor.u32 $0x980, s21;
	[sflag:s30] =	ssyncadd.s32 $0xFFFFC800  }
0x72: {  	[spmem:s1] =	stream.indirect.scatter.add.f32 [tilespmem:s26], [sflag:$0x4], $0x80, s21, s0, $0xb8;
	[tilespmem:$0x1F800] =	vst v63  }
0x73: {  	p4 =	por @!p1 p3, p3;
	p2 =	por $0x1, $0x1;
	_ =	swait.ge [sflag:s3], $0x3800  }
0x74: {  	p2 =	por @!p0 p4, p4;
	[sflag:s3] =	ssyncset.done $0x0  }
0x75: {  	s21 =	simm.s32 @!p2 $0x2;
	[sflag:s3] =	ssyncadd.s32 $0xFFFFC800  }
0x76: {  	_ =	swait.ge @!p2 [sflag:s21], $0x3800  }
0x77: {  	s25 =	simm.s32 @!p2 $0x4800;
	[sflag:s21] =	ssyncset.done @!p2 $0x0  }
0x78: {  	s24 =	simm.s32 @!p2 $0x70;
	[sflag:s21] =	ssyncadd.s32 @!p2 $0xFFFFC800;
	s21 =	sor.u32 @!p2 $0x800, s22  }
0x79: {  	[spmem:s1] =	stream.indirect.scatter.add.f32 @!p2 [tilespmem:s25], [sflag:$0x5], $0x80, s21, s24, $0xb8;
	[tilespmem:$0x1F800] =	vst v63  }
0x7a: {  	s21 =	simm.s32 @!p2 $0x5  }
0x7b: {  	_ =	swait.ge @!p2 [sflag:s21], $0x3800  }
0x7c: {  	[sflag:s21] =	ssyncset.done @!p2 $0x0  }
0x7d: {  	[sflag:s21] =	ssyncadd.s32 @!p2 $0xFFFFC800;
	s21 =	simm.s32 @p2 $0x7  }
0x7e: {  	_ =	swait.ge @p2 [sflag:s21], $0x300  }
0x7f: {  	[sflag:s21] =	ssyncset.done @p2 $0x0  }
0x80: {  	[sflag:s21] =	ssyncadd.s32 @p2 $0xFFFFFD00  }
0x81: {  	_ =	swait.ge @p2 [sflag:s21], $0x300  }
0x82: {  	s20 =	sshll.u32 @p2 s20, $0xA;
	[sflag:s21] =	ssyncset.done @p2 $0x0  }
0x83: {  	s24 =	simm.s32 @p2 $0x1000;
	[sflag:s21] =	ssyncadd.s32 @p2 $0xFFFFFD00;
	s21 =	simm.s32 @p2 $0x70  }
0x84: {  	[tilespmem:s24], [sflag:$0x1] =	stream.indirect.gather @p2 [hbm4b:s4+s21], $0x80, s20, s21, $0xb8;
	[tilespmem:$0x1F800] =	vst v63  }
0x85: {  	s24 =	simm.s32 @p2 $0x2  }
0x86: {  	_ =	swait.ge @p2 [sflag:s24], $0x3800  }
0x87: {  	[sflag:s24] =	ssyncset.done @p2 $0x0  }
0x88: {  	s22 =	sor.u32 @p2 $0x800, s22;
	[sflag:s24] =	ssyncadd.s32 @p2 $0xFFFFC800;
	s24 =	simm.s32 @p2 $0x4800  }
0x89: {  	[spmem:s1] =	stream.indirect.scatter.add.f32 @p2 [tilespmem:s24], [sflag:$0x5], $0x80, s22, s21, $0xb8;
	[tilespmem:$0x1F800] =	vst v63  }
0x8a: {  	s22 =	simm.s32 @p2 $0x5  }
0x8b: {  	s19 =	simm.s32 @!p1 $0xF;
	_ =	swait.ge @p2 [sflag:s22], $0x3800  }
0x8c: {  	s19 =	simm.s32 @p0 $0x1;
	[sflag:s22] =	ssyncset.done @p2 $0x0  }
0x8d: {  	p0 =	slt.u32 s19, $0xF;
	s20 =	sor.u32 @p2 $0x80, s20;
	[sflag:s22] =	ssyncadd.s32 @p2 $0xFFFFC800  }
0x8e: {  	[tilespmem:s24], [sflag:$0x2] =	stream.indirect.gather @p2 [hbm4b:s4+s21], $0x80, s20, s21, $0xb8;
	[tilespmem:$0x1F800] =	vst v63  }
.Ltmp0:
0x8f: {  	_ = 	snop;
	(pc) =	sbr.rel @p0 .LBB2_2-.Ltmp0, $4  }
0x90: {  	_ =	swait.ge [sflag:s16], $0x3800  }
0x91: {  	[sflag:s16] =	ssyncset.done $0x0  }
0x92: {  	s25 =	sor.u32 $0x800, s23;
	[sflag:s16] =	ssyncadd.s32 $0xFFFFC800  }
0x93: {  	[spmem:s1] =	stream.indirect.scatter.add.f32 [tilespmem:s31], [sflag:$0x6], $0x80, s25, s0, $0xb8;
	[tilespmem:$0x1F800] =	vst v63  }
0x94: {  	_ =	swait.ge [sflag:s17], $0x3800  }
0x95: {  	[sflag:s17] =	ssyncset.done $0x0  }
0x96: {  	s19 =	stileid.u32;
	[sflag:s17] =	ssyncadd.s32 $0xFFFFC800  }
0x97: {  	s19 =	sshll.u32 s19, $0x6;
	[bflag:$0x0] =	sbarrier.arrive $0xFFFF  }
0x98: {  	s20 =	sshrl.u32 s8, $0x3;
	s19 =	sor.u32 $0x1C08, s19;
	s21 =	rddreg [dreg:$0x6]  }
0x99: {  	[hbm:s21], [sflag:s19] =	dma.local [spmem:s20], $0x700  }
0x9a: {  	_ =	swait.ge [sflag:s28], $0x700  }
0x9b: {  	[sflag:s28] =	ssyncset.done $0x0  }
0x9c: {  	s24 =	sshrl.u32 s9, $0x3;
	s25 =	rddreg [dreg:$0x7];
	[sflag:s28] =	ssyncadd.s32 $0xFFFFF900  }
0x9d: {  	[hbm:s25], [sflag:s19] =	dma.local [spmem:s24], $0x700  }
0x9e: {  	_ =	swait.ge [sflag:s28], $0x700  }
0x9f: {  	[sflag:s28] =	ssyncset.done $0x0  }
0xa0: {  	s22 =	sshrl.u32 s11, $0x3;
	s23 =	rddreg [dreg:$0x8];
	[sflag:s28] =	ssyncadd.s32 $0xFFFFF900  }
0xa1: {  	[hbm:s23], [sflag:s19] =	dma.local [spmem:s22], $0x700  }
0xa2: {  	_ =	swait.ge [sflag:s28], $0x700  }
0xa3: {  	[sflag:s28] =	ssyncset.done $0x0  }
0xa4: {  	s24 =	sshrl.u32 s12, $0x3;
	s25 =	rddreg [dreg:$0x9];
	[sflag:s28] =	ssyncadd.s32 $0xFFFFF900  }
0xa5: {  	[hbm:s25], [sflag:s19] =	dma.local [spmem:s24], $0x700  }
0xa6: {  	_ =	swait.ge [sflag:s28], $0x700  }
0xa7: {  	[sflag:s28] =	ssyncset.done $0x0  }
0xa8: {  	s21 =	sshrl.u32 s13, $0x3;
	s22 =	rddreg [dreg:$0xa];
	[sflag:s28] =	ssyncadd.s32 $0xFFFFF900  }
0xa9: {  	[hbm:s22], [sflag:s19] =	dma.local [spmem:s21], $0x700  }
0xaa: {  	_ =	swait.ge [sflag:s28], $0x700  }
0xab: {  	[sflag:s28] =	ssyncset.done $0x0  }
0xac: {  	s23 =	sshrl.u32 s14, $0x3;
	s24 =	rddreg [dreg:$0xb];
	[sflag:s28] =	ssyncadd.s32 $0xFFFFF900  }
0xad: {  	[hbm:s24], [sflag:s19] =	dma.local [spmem:s23], $0x500  }
0xae: {  	_ =	swait.ge [sflag:s28], $0x500  }
0xaf: {  	s18 =	sadd.s32 $0x1, s18;
	s25 =	rddreg [dreg:$0xe]  }
0xb0: {  	p0 =	sne.s32 s18, s25  }
.Ltmp1:
0xb1: {  	_ = 	snop;
	(pc) =	sbr.rel @p0 .LBB2_1-.Ltmp1, $3  }
0xb2: {  	_ =	sdelay $0x1  }
0xb3: {  	[sflag:s28] =	ssyncset.done $0x0  }
0xb4: {  	[sflag:s28] =	ssyncadd.s32 $0xFFFFFB00  }
0xb5: {  	_ =	sfence.sel $0x180000  }
0xb6: {  	[bflag:$0x0] =	sbarrier.arrive $0xFFFF  }
0xb7: {  	_ =	strace $0x9000004D  }
0xb8: {  	s0 =	stileid.u32;
	[bflag:$0x2] =	sbarrier.arrive $0xFFFF  }
0xb9: {  	p0 =	sne.s32 s0, $0x0;
	s0 =	rddreg [dreg:$0x2]  }
0xba: {  	s0 =	sadd.s32 @!p0 $0x100000, s0  }
0xbb: {  	[sflag:s0] =	ssyncadd.tile.s32 @!p0 $0x1;
	_ =	shalt  }
.Lfunc_end2:
_tile_overlayer_lowered:
.L_overlay_start_2:
0xbc: {  	(tag) =	ssettag $0x2  }
0xbd: {  	s0 =	rddreg [dreg:$0x0];
	s2 =	stileid.u32  }
0xbe: {  	s1 =	rddreg [dreg:$0x1];
	p0 =	sne.s32 s2, $0x0  }
0xbf: {  	s3 =	rddreg [dreg:$0x2];
	[bflag:$0x3] =	sbarrier.arrive $0xFFFF;
	s2 =	simm.s32 @!p0 $0x1C08  }
0xc0: {  	[timem:s3], [sflag:s2] =	dma.local @!p0 [hbm:s0], s1  }
0xc1: {  	s0 =	simm.s32 @!p0 $0x8  }
0xc2: {  	_ =	swait.ge @!p0 [sflag:s0], s1  }
0xc3: {  	s1 =	ssub.s32 @!p0 $0x0, s1;
	[sflag:s0] =	ssyncset.done @!p0 $0x0  }
0xc4: {  	[sflag:s0] =	ssyncadd.s32 @!p0 s1  }
0xc5: {  	[bflag:$0x3] =	sbarrier.arrive $0xFFFF  }
0xc6: {  	_ =	shalt  }

// kernel: kernel.19.cloned.1.call-start
scs
__scs_entry_jumppad:
0x0: {  	(pc) =	sbr.rel $0x88, $3  }
0x1: {  	(tag) =	ssettag $0x0;
	lr =	simm.s32 $0x1  }
0x2: {  	[smem:$0x3F92] =	sst lr;
	_ =	strace $0xD0000000  }
0x3: {  	_ = 	snop  }
0x4: {  	_ = 	snop  }
0x5: {  	_ = 	snop  }
0x6: {  	_ = 	snop  }
0x7: {  	_ = 	snop  }
__scs_overlays_trampoline_lowered:
0x8: {  	[smem:$0x3FA1] =	sst s0  }
0x9: {  	[smem:$0x3FA2] =	sst s1  }
0xa: {  	[smem:$0x3FA3] =	sst s2  }
0xb: {  	[smem:$0x3FA4] =	sst s3  }
0xc: {  	[smem:$0x3FA5] =	sst s4  }
0xd: {  	[smem:$0x3FA6] =	sst s5  }
0xe: {  	[smem:$0x3FA7] =	sst s6  }
0xf: {  	[smem:$0x3FA8] =	sst s7  }
0x10: {  	[smem:$0x3FA9] =	sst s8  }
0x11: {  	[smem:$0x3FAA] =	sst s9;
	s0 =	simm.s32 @!p0 $0x0  }
0x12: {  	s1 =	sld [smem:$0x3F90];
	s0 =	simm.s32 @p0 $0x1  }
0x13: {  	[smem:$0x3FAB] =	sst s0;
	s0 =	simm.s32 @!p1 $0x0  }
0x14: {  	s2 =	sld [smem:$0x3F8F];
	s0 =	simm.s32 @p1 $0x1  }
0x15: {  	[smem:$0x3FAC] =	sst s0;
	s0 =	simm.s32 @!p2 $0x0  }
0x16: {  	s3 =	sld [smem:$0x3FDB];
	s0 =	simm.s32 @p2 $0x1  }
0x17: {  	s4 =	simm.s32 $0x1BF5;
	[smem:$0x3FAE] =	sst s0  }
0x18: {  	s0 =	sld [smem:$0x3F91];
	_ =	swait.ge [sflag:s4], $0x0  }
0x19: {  	s7 =	sld [smem:$0x3F92]  }
0x1a: {  	s8 =	sadd.s32 $0xFFFFE003, lr  }
0x1b: {  	s9 =	sadd.s32 $0xFFFFFEF7, lr;
	s5 =	simm.s32 $0xFFFFFFFF;
	p2 =	slt.u32 s8, $0xFFFFF086  }
0x1c: {  	p1 =	slt.u32 s9, $0xF7A;
	s5 =	simm.s32 @!p2 $0x0  }
0x1d: {  	s5 =	simm.s32 @p1 $0x1;
	p0 =	seq.s32 s7, s2  }
0x1e: {  	s7 =	smul.u32 @!p0 $0xF7A, s2;
	p2 =	seq.s32 @!p0 s5, $0x0  }
0x1f: {  	s9 =	smul.u32 $0xF7A, s1;
	s8 =	simm.s32 @!p0 $0x1BF5;
	p2 =	por !p2, p0  }
0x20: {  	[sflag:s8] =	ssyncset.s32 @!p0 $0xFFFFF086;
	s6 =	sadd.s32 @!p0 s3, s7;
	s7 =	simm.s32 @!p0 $0x108  }
0x21: {  	s3 =	sadd.s32 s3, s9;
	s6 =	sadd.s32 @!p0 $0x88, s6;
	s7 =	simm.s32 @p2 $0x1082  }
0x22: {  	[simem:s7], [sflag:s8] =	dma.local @!p0 [hbm:s6], $0xF7A  }
0x23: {  	s9 =	sor.u32 $0xD0000000, s2;
	s6 =	simm.s32 $0x108;
	_ =	swait.ge @!p0 [sflag:s8], $0x0  }
0x24: {  	s3 =	sadd.s32 $0x88, s3;
	s6 =	simm.s32 @!p1 $0x1082;
	[sflag:s4] =	ssyncset.s32 $0xFFFFF086  }
0x25: {  	[simem:s6], [sflag:s4] =	dma.local [hbm:s3], $0xF7A  }
0x26: {  	[smem:$0x3F92] =	sst s1;
	(tag) =	ssettag s2;
	_ =	strace s9  }
0x27: {  	s1 =	sld [smem:$0x3FA2]  }
0x28: {  	s2 =	sld [smem:$0x3FA3]  }
0x29: {  	s4 =	sld [smem:$0x3FA5]  }
0x2a: {  	p0 =	seq.s32 s5, $0x0;
	s5 =	sld [smem:$0x3FA6]  }
0x2b: {  	s6 =	sld [smem:$0x3FA7]  }
0x2c: {  	s7 =	sld [smem:$0x3FA8]  }
0x2d: {  	s3 =	simm.s32 $0x108;
	s8 =	sld [smem:$0x3FA9]  }
0x2e: {  	s3 =	simm.s32 @!p0 $0x1082;
	s9 =	sld [smem:$0x3FAA]  }
0x2f: {  	lr =	sadd.s32 s0, s3;
	s0 =	sld [smem:$0x3FA1]  }
0x30: {  	s3 =	sld [smem:$0x3FA4]  }
0x31: {  	[smem:$0x3FAD] =	sst s10  }
0x32: {  	s10 =	sld [smem:$0x3FAB];
	_ =	sdelay $0x3  }
0x33: {  	p0 =	seq.s32 s10, $0x1;
	s10 =	sld [smem:$0x3FAD];
	_ =	sdelay $0x3  }
0x34: {  	[smem:$0x3FAD] =	sst s10  }
0x35: {  	s10 =	sld [smem:$0x3FAC];
	_ =	sdelay $0x3  }
0x36: {  	p1 =	seq.s32 s10, $0x1;
	s10 =	sld [smem:$0x3FAD];
	_ =	sdelay $0x3  }
0x37: {  	[smem:$0x3FAD] =	sst s10  }
0x38: {  	s10 =	sld [smem:$0x3FAE]  }
0x39: {  	_ = 	snop;
	(pc) =	sbr.ind lr, $3  }
0x3a: {  	_ = 	snop  }
0x3b: {  	_ = 	snop  }
0x3c: {  	p2 =	seq.s32 s10, $0x1;
	s10 =	sld [smem:$0x3FAD]  }
0x3d: {  	_ =	shalt  }
0x3e: {  	_ =	shalt  }
0x3f: {  	_ =	shalt  }
0x40: {  	_ =	shalt  }
0x41: {  	_ =	shalt  }
0x42: {  	_ =	shalt  }
0x43: {  	_ =	shalt  }
0x44: {  	_ =	shalt  }
0x45: {  	_ =	shalt  }
0x46: {  	_ =	shalt  }
0x47: {  	_ =	shalt  }
0x48: {  	_ =	shalt  }
0x49: {  	_ =	shalt  }
0x4a: {  	_ =	shalt  }
0x4b: {  	_ =	shalt  }
0x4c: {  	_ =	shalt  }
0x4d: {  	_ =	shalt  }
0x4e: {  	_ =	shalt  }
0x4f: {  	_ =	shalt  }
0x50: {  	_ =	shalt  }
0x51: {  	_ =	shalt  }
0x52: {  	_ =	shalt  }
0x53: {  	_ =	shalt  }
0x54: {  	_ =	shalt  }
0x55: {  	_ =	shalt  }
0x56: {  	_ =	shalt  }
0x57: {  	_ =	shalt  }
0x58: {  	_ =	shalt  }
0x59: {  	_ =	shalt  }
0x5a: {  	_ =	shalt  }
0x5b: {  	_ =	shalt  }
0x5c: {  	_ =	shalt  }
0x5d: {  	_ =	shalt  }
0x5e: {  	_ =	shalt  }
0x5f: {  	_ =	shalt  }
0x60: {  	_ =	shalt  }
0x61: {  	_ =	shalt  }
0x62: {  	_ =	shalt  }
0x63: {  	_ =	shalt  }
0x64: {  	_ =	shalt  }
0x65: {  	_ =	shalt  }
0x66: {  	_ =	shalt  }
0x67: {  	_ =	shalt  }
0x68: {  	_ =	shalt  }
0x69: {  	_ =	shalt  }
0x6a: {  	_ =	shalt  }
0x6b: {  	_ =	shalt  }
0x6c: {  	_ =	shalt  }
0x6d: {  	_ =	shalt  }
0x6e: {  	_ =	shalt  }
0x6f: {  	_ =	shalt  }
0x70: {  	_ =	shalt  }
0x71: {  	_ =	shalt  }
0x72: {  	_ =	shalt  }
0x73: {  	_ =	shalt  }
0x74: {  	_ =	shalt  }
0x75: {  	_ =	shalt  }
0x76: {  	_ =	shalt  }
0x77: {  	_ =	shalt  }
0x78: {  	_ =	shalt  }
0x79: {  	_ =	shalt  }
0x7a: {  	_ =	shalt  }
0x7b: {  	_ =	shalt  }
0x7c: {  	_ =	shalt  }
0x7d: {  	_ =	shalt  }
0x7e: {  	_ =	shalt  }
0x7f: {  	_ =	shalt  }
0x80: {  	_ =	shalt  }
0x81: {  	_ =	shalt  }
0x82: {  	_ =	shalt  }
0x83: {  	_ =	shalt  }
0x84: {  	_ =	shalt  }
0x85: {  	_ =	shalt  }
0x86: {  	_ =	shalt  }
0x87: {  	_ =	shalt  }
.Lfunc_end0:
.L_simem_size_0:
called_computation.3_lowered:
.L_overlay_start_0:
0x88: {  	s2 =	sld [smem:$0x3FD9]  }
0x89: {  	s3 =	sld [smem:$0x3FFE];
	_ =	sdelay $0x1  }
0x8a: {  	s1 =	srdreg.scid  }
0x8b: {  	s0 =	sand.u32 $0x1, s1  }
0x8c: {  	s16 =	sshll.u32 s0, $0xA;
	s2 =	sadd.s32 s3, s2  }
0x8d: {  	s2 =	sadd.s32 s2, s16  }
0x8e: {  	[smem:$0x3FB9] =	sst s2  }
0x8f: {  	_ = 	snop  }
0x90: {  	(tm) =	ssettm $0x1  }
0x91: {  	s17 =	sld [smem:$0x3FFB];
	_ =	sdelay $0x3  }
0x92: {  	_ =	strace s17  }
0x93: {  	s2 =	sld [smem:$0x3FFC];
	_ =	sdelay $0x3  }
0x94: {  	_ =	strace s2  }
0x95: {  	s2 =	sld [smem:$0x3FFD];
	_ =	sdelay $0x3  }
0x96: {  	_ =	strace s2  }
0x97: {  	_ =	strace $0x8FFFFFFF  }
0x98: {  	s18 =	sld [smem:$0x3FDB];
	_ =	sdelay $0x1  }
0x99: {  	s19 =	simm.s32 $_scs_section_size  }
0x9a: {  	s4 =	simm.s32 $_size__tile_overlayer_lowered;
	s5 =	simm.s32 $_tile_overlayer_lowered  }
0x9b: {  	s22 =	simm.s32 $0x1BFF;
	s21 =	sshll.u32 s5, $0x1;
	s2 =	sadd.s32 s19, s18  }
0x9c: {  	s6 =	simm.s32 $0x0;
	s20 =	sshll.u32 s4, $0x1;
	s4 =	sadd.s32 s21, s2  }
0x9d: {  	[timem:s6], [sflag:s22] =	dma.local [hbm:s4], s20  }
0x9e: {  	_ =	swait.ge [sflag:s22], s20  }
0x9f: {  	s3 =	ssub.s32 $0x0, s20;
	[sflag:s22] =	ssyncset.done $0x0  }
0xa0: {  	[sflag:s22] =	ssyncadd.s32 s3;
	_ =	sdelay $0x1  }
0xa1: {  	s23 =	simm.s32 $0x1B8B  }
0xa2: {  	_ =	swait.ge [sflag:s23], $0x1  }
0xa3: {  	[sflag:s23] =	ssyncset.done $0x0  }
0xa4: {  	s25 =	simm.s32 $0x1B8E;
	s24 =	sld [smem:$0x3FFE];
	[sflag:s23] =	ssyncadd.s32 $0xFFFFFFFF  }
0xa5: {  	s26 =	simm.s32 $execute0_lowered;
	[smem:$0x3FD2] =	sst s25  }
0xa6: {  	s4 =	sshll.u32 s26, $0x1;
	_ =	strace $0x8000004F;
	[dreg:$0x1] =	wrdreg $0xFFFFFFFF  }
0xa7: {  	s28 =	simm.s32 $_size_execute0_lowered;
	s2 =	sadd.s32 s2, s4;
	[dreg:$0x0] =	wrdreg $0x0  }
0xa8: {  	s4 =	sshll.u32 s28, $0x1;
	[dreg:$0x2] =	wrdreg s2  }
0xa9: {  	[dreg:$0x3] =	wrdreg s4  }
0xaa: {  	[dreg:$0x4] =	wrdreg $0xC0  }
0xab: {  	_ =	task [dreg:s6], $0x5FFFF  }
0xac: {  	[dreg:$0x1] =	wrdreg $0xFFFFFFFF  }
0xad: {  	[dreg:$0x0] =	wrdreg $0x60  }
0xae: {  	[dreg:$0x2] =	wrdreg s24  }
0xaf: {  	[dreg:$0x3] =	wrdreg $0xB8000  }
0xb0: {  	[dreg:$0x4] =	wrdreg $0x9  }
0xb1: {  	_ =	task.clear_ibuf [dreg:s6], $0x5FFFF;
	_ =	strace $0x9000004F  }
0xb2: {  	s29 =	simm.s32 $0x9;
	_ =	strace $0x80000051  }
0xb3: {  	_ =	swait.ge [sflag:s29], $0x1  }
0xb4: {  	[sflag:s29] =	ssyncadd.s32 $0xFFFFFFFF  }
0xb5: {  	_ =	strace $0x90000051  }
0xb6: {  	_ =	sfence  }
0xb7: {  	s30 =	sld [smem:$0x0];
	_ =	sdelay $0x2  }
0xb8: {  	s31 =	sshll.u32 s1, $0xD;
	s1 =	sshrl.u32 s1, $0x2  }
0xb9: {  	s3 =	sand.u32 $0x4000, s31;
	s1 =	sadd.s32 s1, s30  }
0xba: {  	s0 =	sor.u32 s3, s0;
	s1 =	sshll.u32 s1, $0x11  }
0xbb: {  	s0 =	sor.u32 s1, s0  }
0xbc: {  	s0 =	sadd.s32 $0x8F2B, s0  }
0xbd: {  	[sflag:s0] =	ssyncadd.remote.s32 $0x1  }
0xbe: {  	_ =	sfence.sel $0xFFFF  }
0xbf: {  	[dreg:$0x0] =	wrdreg $0xFFFFFFFF;
	(pc) =	sbr.abs _section_cstart, $3  }
0xc0: {  	[dreg:$0x1] =	wrdreg $0xFFFFFFFF  }
0xc1: {  	_ =	task.clear_ibuf [dreg:s6], $0x2FFFF;
	_ =	strace $0x9FFFFFFF  }
0xc2: {  	(tm) =	ssettm $0x7FFFFFFF  }
0xc3: {  	_ =	shalt  }
tec
execute0_lowered:
.L_overlay_start_1:
0x0: {  	(tag) =	ssettag $0x1  }
0x1: {  	s0 =	rddreg [dreg:$0x0]  }
0x2: {  	s1 =	rddreg [dreg:$0x1]  }
0x3: {  	s2 =	simm.s32 $0x0;
	s3 =	srdreg.scid;
	s10 =	stileid.u32  }
0x4: {  	s28 =	simm.s32 $0x8;
	s29 =	simm.s32 $0x4800;
	s30 =	simm.s32 $0x1  }
0x5: {  	s31 =	simm.s32 $0x8000;
	[smem:$0x7FF] =	sst s2;
	s4 =	sadd.s32 $0x10C00, s0  }
0x6: {  	s3 =	sand.u32 $0x1, s3;
	s5 =	sadd.s32 $0x70400, s0;
	s8 =	smul.u32 $0x50000, s10  }
0x7: {  	s6 =	sadd.s32 $0x61400, s0;
	s15 =	smul.u32 $0x14000, s10;
	s11 =	sadd.s32 $0x10400, s0  }
0x8: {  	s0 =	sadd.s32 $0x7F400, s0;
	_ =	strace $0x80000050;
	s7 =	ssub.s32 $0x2, s3  }
0x9: {  	[dreg:$0x3] =	wrdreg s11;
	s24 =	sshll.u32 s3, $0x4;
	s3 =	smul.u32 $0x140000, s3  }
0xa: {  	s9 =	sshrl.u32 s7, $0x1;
	s8 =	sshrl.u32 s8, $0x2;
	s16 =	sor.u32 $0x3800, s15  }
0xb: {  	s10 =	sor.u32 s10, s24;
	s17 =	sadd.s32 $0x7000, s15;
	s18 =	sadd.s32 $0xA800, s15  }
0xc: {  	s19 =	sadd.s32 $0xE000, s15;
	s20 =	sadd.s32 $0x11800, s15;
	s7 =	ssub.s32 s7, s9  }
0xd: {  	s8 =	sadd.s32 s8, s1;
	s9 =	sadd.s32 s16, s1;
	s10 =	smul.u32 $0x3C00, s10  }
0xe: {  	s11 =	sadd.s32 s17, s1;
	s12 =	sadd.s32 s18, s1;
	s13 =	sadd.s32 s19, s1  }
0xf: {  	s14 =	sadd.s32 s20, s1;
	s15 =	sadd.s32 s15, s3;
	s16 =	sadd.s32 s3, s16  }
0x10: {  	s17 =	sadd.s32 s3, s17;
	s18 =	sadd.s32 s3, s18;
	s19 =	sadd.s32 s3, s19  }
0x11: {  	s3 =	sadd.s32 s3, s20;
	s15 =	sshrl.u32 s15, $0x3;
	s16 =	sshrl.u32 s16, $0x3  }
0x12: {  	s17 =	sshrl.u32 s17, $0x3;
	s21 =	sshrl.u32 s10, $0x3;
	s15 =	sadd.s32 s0, s15  }
0x13: {  	s23 =	sshrl.u32 s19, $0x3;
	s22 =	sadd.s32 s5, s21;
	[dreg:$0x6] =	wrdreg s15  }
0x14: {  	s3 =	sshrl.u32 s3, $0x3;
	s25 =	sadd.s32 s6, s21;
	[dreg:$0x4] =	wrdreg s22  }
0x15: {  	s26 =	sadd.s32 $0x80, s21;
	s15 =	sadd.s32 s0, s16;
	[dreg:$0x5] =	wrdreg s25  }
0x16: {  	s21 =	sadd.s32 s0, s17;
	s16 =	simm.s32 $0x3;
	[dreg:$0x7] =	wrdreg s15  }
0x17: {  	s17 =	simm.s32 $0x6;
	[dreg:$0x8] =	wrdreg s21;
	s24 =	sadd.s32 s5, s26  }
0x18: {  	s22 =	sshrl.u32 s18, $0x3;
	s25 =	sadd.s32 s6, s26;
	[dreg:$0xc] =	wrdreg s24  }
0x19: {  	s26 =	smax.u32 s7, $0x1;
	s7 =	simm.s32 $0x2;
	[dreg:$0xd] =	wrdreg s25  }
0x1a: {  	s18 =	simm.s32 $0x0;
	s15 =	sadd.s32 s0, s22;
	[dreg:$0xe] =	wrdreg s26  }
0x1b: {  	s26 =	simm.s32 $0x1000;
	[dreg:$0x9] =	wrdreg s15;
	s15 =	sadd.s32 s0, s23  }
0x1c: {  	s0 =	sadd.s32 s0, s3;
	s3 =	simm.s32 $0x4;
	[dreg:$0xa] =	wrdreg s15  }
0x1d: {  	[dreg:$0xb] =	wrdreg s0;
	s0 =	simm.s32 $0x70;
	s15 =	simm.s32 $0x5  }
.LBB2_1:
0x1e: {  	s19 =	rddreg [dreg:$0x3]  }
0x1f: {  	[tilespmem:s26], [sflag:$0x8] =	stream.linear.gather [hbm4b:s19+s2], $0x3800, $0x38;
	[tilespmem:$0x1F800] =	vst v63  }
0x20: {  	_ =	swait.ge [sflag:s28], $0x3800  }
0x21: {  	[sflag:s28] =	ssyncset.done $0x0  }
0x22: {  	[sflag:s28] =	ssyncadd.s32 $0xFFFFC800  }
0x23: {  	[spmem:s8] =	stream.linear.scatter [tilespmem:s26], [sflag:$0x8], $0x3800, $0x38;
	[tilespmem:$0x1F800] =	vst v63  }
0x24: {  	_ =	swait.ge [sflag:s28], $0x3800  }
0x25: {  	[sflag:s28] =	ssyncset.done $0x0  }
0x26: {  	[sflag:s28] =	ssyncadd.s32 $0xFFFFC800  }
0x27: {  	[spmem:s9] =	stream.linear.scatter [tilespmem:s26], [sflag:$0x8], $0x3800, $0x38;
	[tilespmem:$0x1F800] =	vst v63  }
0x28: {  	_ =	swait.ge [sflag:s28], $0x3800  }
0x29: {  	[sflag:s28] =	ssyncset.done $0x0  }
0x2a: {  	[sflag:s28] =	ssyncadd.s32 $0xFFFFC800  }
0x2b: {  	[spmem:s11] =	stream.linear.scatter [tilespmem:s26], [sflag:$0x8], $0x3800, $0x38;
	[tilespmem:$0x1F800] =	vst v63  }
0x2c: {  	_ =	swait.ge [sflag:s28], $0x3800  }
0x2d: {  	[sflag:s28] =	ssyncset.done $0x0  }
0x2e: {  	[sflag:s28] =	ssyncadd.s32 $0xFFFFC800  }
0x2f: {  	[spmem:s12] =	stream.linear.scatter [tilespmem:s26], [sflag:$0x8], $0x3800, $0x38;
	[tilespmem:$0x1F800] =	vst v63  }
0x30: {  	_ =	swait.ge [sflag:s28], $0x3800  }
0x31: {  	[sflag:s28] =	ssyncset.done $0x0  }
0x32: {  	[sflag:s28] =	ssyncadd.s32 $0xFFFFC800  }
0x33: {  	[spmem:s13] =	stream.linear.scatter [tilespmem:s26], [sflag:$0x8], $0x3800, $0x38;
	[tilespmem:$0x1F800] =	vst v63  }
0x34: {  	_ =	swait.ge [sflag:s28], $0x3800  }
0x35: {  	[sflag:s28] =	ssyncset.done $0x0  }
0x36: {  	[sflag:s28] =	ssyncadd.s32 $0xFFFFC800  }
0x37: {  	[spmem:s14] =	stream.linear.scatter [tilespmem:s26], [sflag:$0x8], $0x2800, $0x38;
	[tilespmem:$0x1F800] =	vst v63  }
0x38: {  	_ =	swait.ge [sflag:s28], $0x2800  }
0x39: {  	[sflag:s28] =	ssyncset.done $0x0  }
0x3a: {  	s24 =	rddreg [dreg:$0x4];
	[sflag:s28] =	ssyncadd.s32 $0xFFFFD800  }
0x3b: {  	[tilespmem:s2], [sflag:$0x8] =	stream.linear.gather [hbm4b:s24+s2], $0x300, $0x38;
	[tilespmem:$0x1F800] =	vst v63  }
0x3c: {  	_ =	swait.ge [sflag:s28], $0x300  }
0x3d: {  	[sflag:s28] =	ssyncset.done $0x0  }
0x3e: {  	s20 =	simm.s32 $0x800;
	s25 =	rddreg [dreg:$0x5];
	[sflag:s28] =	ssyncadd.s32 $0xFFFFFD00  }
0x3f: {  	[tilespmem:s20], [sflag:$0x8] =	stream.linear.gather [hbm4b:s25+s2], $0x300, $0x38;
	[tilespmem:$0x1F800] =	vst v63  }
0x40: {  	_ =	swait.ge [sflag:s28], $0x300  }
0x41: {  	[sflag:s28] =	ssyncset.done $0x0  }
0x42: {  	s22 =	simm.s32 $0x400;
	s21 =	rddreg [dreg:$0xc];
	[sflag:s28] =	ssyncadd.s32 $0xFFFFFD00  }
0x43: {  	[tilespmem:s22], [sflag:$0x7] =	stream.linear.gather [hbm4b:s21+s2], $0x300, $0x38;
	[tilespmem:$0x1F800] =	vst v63  }
0x44: {  	s24 =	simm.s32 $0xC00;
	s23 =	rddreg [dreg:$0xd]  }
0x45: {  	[tilespmem:s24], [sflag:$0x7] =	stream.linear.gather [hbm4b:s23+s2], $0x300, $0x38;
	[tilespmem:$0x1F800] =	vst v63  }
0x46: {  	[bflag:$0x0] =	sbarrier.arrive $0xFFFF  }
0x47: {  	[tilespmem:s26], [sflag:$0x1] =	stream.indirect.gather [hbm4b:s4+s0], $0x80, s2, s0, $0xb8;
	[tilespmem:$0x1F800] =	vst v63  }
0x48: {  	s19 =	simm.s32 $0x0;
	s25 =	simm.s32 $0x80  }
0x49: {  	[tilespmem:s29], [sflag:$0x2] =	stream.indirect.gather [hbm4b:s4+s0], $0x80, s25, s0, $0xb8;
	[tilespmem:$0x1F800] =	vst v63  }
.LBB2_2:
0x4a: {  	p0 =	seq.s32 s19, $0x0  }
0x4b: {  	p1 =	seq.s32 @!p0 s19, $0xE  }
0x4c: {  	p2 =	por p1, p0  }
0x4d: {  	s21 =	sand.u32 $0x1, s19;
	s22 =	simm.s32 @!p0 $0x6;
	s19 =	sadd.s32 @!p2 $0x1, s19  }
0x4e: {  	_ =	swait.ge @!p0 [sflag:s22], $0x3800;
	s20 =	sshll.u32 @!p2 s19, $0xA  }
0x4f: {  	[sflag:s22] =	ssyncset.done @!p0 $0x0;
	s23 =	sadd.s32 @!p2 s10, s20  }
0x50: {  	[sflag:s22] =	ssyncadd.s32 @!p0 $0xFFFFC800;
	s20 =	sxor.u32 $0x1, s21;
	s22 =	sshrl.u32 @!p2 s23, $0x3  }
0x51: {  	s25 =	simm.s32 @!p2 $0x0;
	s23 =	sshll.u32 @!p2 s20, $0xA;
	s24 =	sadd.s32 @!p2 s5, s22  }
0x52: {  	[tilespmem:s23], [sflag:$0x7] =	stream.linear.gather @!p2 [hbm4b:s24+s25], $0x300, $0x38;
	[tilespmem:$0x1F800] =	vst v63  }
0x53: {  	s21 =	sshll.u32 s21, $0xA;
	s22 =	sadd.s32 @!p2 s6, s22;
	s23 =	sor.u32 @!p2 $0x800, s23  }
0x54: {  	[tilespmem:s23], [sflag:$0x7] =	stream.linear.gather @!p2 [hbm4b:s22+s25], $0x300, $0x38;
	[tilespmem:$0x1F800] =	vst v63  }
0x55: {  	s23 =	sor.u32 $0x100, s21  }
0x56: {  	[tilespmem:s31], [sflag:$0x3] =	stream.indirect.gather [hbm4b:s4+s0], $0x80, s23, s0, $0xb8;
	[tilespmem:$0x1F800] =	vst v63  }
0x57: {  	_ =	swait.ge [sflag:s30], $0x3800  }
0x58: {  	[sflag:s30] =	ssyncset.done $0x0  }
0x59: {  	s24 =	sor.u32 $0x800, s21;
	[sflag:s30] =	ssyncadd.s32 $0xFFFFC800  }
0x5a: {  	[spmem:s1] =	stream.indirect.scatter.add.f32 [tilespmem:s26], [sflag:$0x4], $0x80, s24, s0, $0xb8;
	[tilespmem:$0x1F800] =	vst v63  }
0x5b: {  	_ =	swait.ge [sflag:s3], $0x3800  }
0x5c: {  	[sflag:s3] =	ssyncset.done $0x0  }
0x5d: {  	s25 =	sor.u32 $0x180, s21;
	[sflag:s3] =	ssyncadd.s32 $0xFFFFC800  }
0x5e: {  	[tilespmem:s26], [sflag:$0x1] =	stream.indirect.gather [hbm4b:s4+s0], $0x80, s25, s0, $0xb8;
	[tilespmem:$0x1F800] =	vst v63  }
0x5f: {  	_ =	swait.ge [sflag:s7], $0x3800  }
0x60: {  	[sflag:s7] =	ssyncset.done $0x0  }
0x61: {  	s23 =	sor.u32 $0x880, s21;
	[sflag:s7] =	ssyncadd.s32 $0xFFFFC800  }
0x62: {  	[spmem:s1] =	stream.indirect.scatter.add.f32 [tilespmem:s29], [sflag:$0x5], $0x80, s23, s0, $0xb8;
	[tilespmem:$0x1F800] =	vst v63  }
0x63: {  	_ =	swait.ge [sflag:s15], $0x3800  }
0x64: {  	[sflag:s15] =	ssyncset.done $0x0  }
0x65: {  	s22 =	sor.u32 $0x200, s21;
	[sflag:s15] =	ssyncadd.s32 $0xFFFFC800  }
0x66: {  	[tilespmem:s29], [sflag:$0x2] =	stream.indirect.gather [hbm4b:s4+s0], $0x80, s22, s0, $0xb8;
	[tilespmem:$0x1F800] =	vst v63  }
0x67: {  	_ =	swait.ge [sflag:s16], $0x3800  }
0x68: {  	[sflag:s16] =	ssyncset.done $0x0  }
0x69: {  	s24 =	sor.u32 $0x900, s21;
	[sflag:s16] =	ssyncadd.s32 $0xFFFFC800  }
0x6a: {  	[spmem:s1] =	stream.indirect.scatter.add.f32 [tilespmem:s31], [sflag:$0x6], $0x80, s24, s0, $0xb8;
	[tilespmem:$0x1F800] =	vst v63  }
0x6b: {  	_ =	swait.ge [sflag:s17], $0x3800  }
0x6c: {  	[sflag:s17] =	ssyncset.done $0x0  }
0x6d: {  	s23 =	sor.u32 $0x280, s21;
	[sflag:s17] =	ssyncadd.s32 $0xFFFFC800  }
0x6e: {  	[tilespmem:s31], [sflag:$0x3] =	stream.indirect.gather [hbm4b:s4+s0], $0x80, s23, s0, $0xb8;
	[tilespmem:$0x1F800] =	vst v63  }
0x6f: {  	_ =	swait.ge [sflag:s30], $0x3800  }
0x70: {  	p3 =	por @!p0 $0x0, $0x0;
	p1 =	por !p1, p0;
	[sflag:s30] =	ssyncset.done $0x0  }
0x71: {  	p4 =	por @!p2 $0x1, $0x1;
	s21 =	sor.u32 $0x980, s21;
	[sflag:s30] =	ssyncadd.s32 $0xFFFFC800  }
0x72: {  	[spmem:s1] =	stream.indirect.scatter.add.f32 [tilespmem:s26], [sflag:$0x4], $0x80, s21, s0, $0xb8;
	[tilespmem:$0x1F800] =	vst v63  }
0x73: {  	p4 =	por @!p1 p3, p3;
	p2 =	por $0x1, $0x1;
	_ =	swait.ge [sflag:s3], $0x3800  }
0x74: {  	p2 =	por @!p0 p4, p4;
	[sflag:s3] =	ssyncset.done $0x0  }
0x75: {  	s21 =	simm.s32 @!p2 $0x2;
	[sflag:s3] =	ssyncadd.s32 $0xFFFFC800  }
0x76: {  	_ =	swait.ge @!p2 [sflag:s21], $0x3800  }
0x77: {  	s25 =	simm.s32 @!p2 $0x4800;
	[sflag:s21] =	ssyncset.done @!p2 $0x0  }
0x78: {  	s24 =	simm.s32 @!p2 $0x70;
	[sflag:s21] =	ssyncadd.s32 @!p2 $0xFFFFC800;
	s21 =	sor.u32 @!p2 $0x800, s22  }
0x79: {  	[spmem:s1] =	stream.indirect.scatter.add.f32 @!p2 [tilespmem:s25], [sflag:$0x5], $0x80, s21, s24, $0xb8;
	[tilespmem:$0x1F800] =	vst v63  }
0x7a: {  	s21 =	simm.s32 @!p2 $0x5  }
0x7b: {  	_ =	swait.ge @!p2 [sflag:s21], $0x3800  }
0x7c: {  	[sflag:s21] =	ssyncset.done @!p2 $0x0  }
0x7d: {  	[sflag:s21] =	ssyncadd.s32 @!p2 $0xFFFFC800;
	s21 =	simm.s32 @p2 $0x7  }
0x7e: {  	_ =	swait.ge @p2 [sflag:s21], $0x300  }
0x7f: {  	[sflag:s21] =	ssyncset.done @p2 $0x0  }
0x80: {  	[sflag:s21] =	ssyncadd.s32 @p2 $0xFFFFFD00  }
0x81: {  	_ =	swait.ge @p2 [sflag:s21], $0x300  }
0x82: {  	s20 =	sshll.u32 @p2 s20, $0xA;
	[sflag:s21] =	ssyncset.done @p2 $0x0  }
0x83: {  	s24 =	simm.s32 @p2 $0x1000;
	[sflag:s21] =	ssyncadd.s32 @p2 $0xFFFFFD00;
	s21 =	simm.s32 @p2 $0x70  }
0x84: {  	[tilespmem:s24], [sflag:$0x1] =	stream.indirect.gather @p2 [hbm4b:s4+s21], $0x80, s20, s21, $0xb8;
	[tilespmem:$0x1F800] =	vst v63  }
0x85: {  	s24 =	simm.s32 @p2 $0x2  }
0x86: {  	_ =	swait.ge @p2 [sflag:s24], $0x3800  }
0x87: {  	[sflag:s24] =	ssyncset.done @p2 $0x0  }
0x88: {  	s22 =	sor.u32 @p2 $0x800, s22;
	[sflag:s24] =	ssyncadd.s32 @p2 $0xFFFFC800;
	s24 =	simm.s32 @p2 $0x4800  }
0x89: {  	[spmem:s1] =	stream.indirect.scatter.add.f32 @p2 [tilespmem:s24], [sflag:$0x5], $0x80, s22, s21, $0xb8;
	[tilespmem:$0x1F800] =	vst v63  }
0x8a: {  	s22 =	simm.s32 @p2 $0x5  }
0x8b: {  	s19 =	simm.s32 @!p1 $0xF;
	_ =	swait.ge @p2 [sflag:s22], $0x3800  }
0x8c: {  	s19 =	simm.s32 @p0 $0x1;
	[sflag:s22] =	ssyncset.done @p2 $0x0  }
0x8d: {  	p0 =	slt.u32 s19, $0xF;
	s20 =	sor.u32 @p2 $0x80, s20;
	[sflag:s22] =	ssyncadd.s32 @p2 $0xFFFFC800  }
0x8e: {  	[tilespmem:s24], [sflag:$0x2] =	stream.indirect.gather @p2 [hbm4b:s4+s21], $0x80, s20, s21, $0xb8;
	[tilespmem:$0x1F800] =	vst v63  }
.Ltmp0:
0x8f: {  	_ = 	snop;
	(pc) =	sbr.rel @p0 .LBB2_2-.Ltmp0, $4  }
0x90: {  	_ =	swait.ge [sflag:s16], $0x3800  }
0x91: {  	[sflag:s16] =	ssyncset.done $0x0  }
0x92: {  	s25 =	sor.u32 $0x800, s23;
	[sflag:s16] =	ssyncadd.s32 $0xFFFFC800  }
0x93: {  	[spmem:s1] =	stream.indirect.scatter.add.f32 [tilespmem:s31], [sflag:$0x6], $0x80, s25, s0, $0xb8;
	[tilespmem:$0x1F800] =	vst v63  }
0x94: {  	_ =	swait.ge [sflag:s17], $0x3800  }
0x95: {  	[sflag:s17] =	ssyncset.done $0x0  }
0x96: {  	s19 =	stileid.u32;
	[sflag:s17] =	ssyncadd.s32 $0xFFFFC800  }
0x97: {  	s19 =	sshll.u32 s19, $0x6;
	[bflag:$0x0] =	sbarrier.arrive $0xFFFF  }
0x98: {  	s20 =	sshrl.u32 s8, $0x3;
	s19 =	sor.u32 $0x1C08, s19;
	s21 =	rddreg [dreg:$0x6]  }
0x99: {  	[hbm:s21], [sflag:s19] =	dma.local [spmem:s20], $0x700  }
0x9a: {  	_ =	swait.ge [sflag:s28], $0x700  }
0x9b: {  	[sflag:s28] =	ssyncset.done $0x0  }
0x9c: {  	s24 =	sshrl.u32 s9, $0x3;
	s25 =	rddreg [dreg:$0x7];
	[sflag:s28] =	ssyncadd.s32 $0xFFFFF900  }
0x9d: {  	[hbm:s25], [sflag:s19] =	dma.local [spmem:s24], $0x700  }
0x9e: {  	_ =	swait.ge [sflag:s28], $0x700  }
0x9f: {  	[sflag:s28] =	ssyncset.done $0x0  }
0xa0: {  	s22 =	sshrl.u32 s11, $0x3;
	s23 =	rddreg [dreg:$0x8];
	[sflag:s28] =	ssyncadd.s32 $0xFFFFF900  }
0xa1: {  	[hbm:s23], [sflag:s19] =	dma.local [spmem:s22], $0x700  }
0xa2: {  	_ =	swait.ge [sflag:s28], $0x700  }
0xa3: {  	[sflag:s28] =	ssyncset.done $0x0  }
0xa4: {  	s24 =	sshrl.u32 s12, $0x3;
	s25 =	rddreg [dreg:$0x9];
	[sflag:s28] =	ssyncadd.s32 $0xFFFFF900  }
0xa5: {  	[hbm:s25], [sflag:s19] =	dma.local [spmem:s24], $0x700  }
0xa6: {  	_ =	swait.ge [sflag:s28], $0x700  }
0xa7: {  	[sflag:s28] =	ssyncset.done $0x0  }
0xa8: {  	s21 =	sshrl.u32 s13, $0x3;
	s22 =	rddreg [dreg:$0xa];
	[sflag:s28] =	ssyncadd.s32 $0xFFFFF900  }
0xa9: {  	[hbm:s22], [sflag:s19] =	dma.local [spmem:s21], $0x700  }
0xaa: {  	_ =	swait.ge [sflag:s28], $0x700  }
0xab: {  	[sflag:s28] =	ssyncset.done $0x0  }
0xac: {  	s23 =	sshrl.u32 s14, $0x3;
	s24 =	rddreg [dreg:$0xb];
	[sflag:s28] =	ssyncadd.s32 $0xFFFFF900  }
0xad: {  	[hbm:s24], [sflag:s19] =	dma.local [spmem:s23], $0x500  }
0xae: {  	_ =	swait.ge [sflag:s28], $0x500  }
0xaf: {  	s18 =	sadd.s32 $0x1, s18;
	s25 =	rddreg [dreg:$0xe]  }
0xb0: {  	p0 =	sne.s32 s18, s25  }
.Ltmp1:
0xb1: {  	_ = 	snop;
	(pc) =	sbr.rel @p0 .LBB2_1-.Ltmp1, $3  }
0xb2: {  	_ =	sdelay $0x1  }
0xb3: {  	[sflag:s28] =	ssyncset.done $0x0  }
0xb4: {  	[sflag:s28] =	ssyncadd.s32 $0xFFFFFB00  }
0xb5: {  	_ =	sfence.sel $0x180000  }
0xb6: {  	[bflag:$0x0] =	sbarrier.arrive $0xFFFF  }
0xb7: {  	_ =	strace $0x90000050  }
0xb8: {  	s0 =	stileid.u32;
	[bflag:$0x2] =	sbarrier.arrive $0xFFFF  }
0xb9: {  	p0 =	sne.s32 s0, $0x0;
	s0 =	rddreg [dreg:$0x2]  }
0xba: {  	s0 =	sadd.s32 @!p0 $0x100000, s0  }
0xbb: {  	[sflag:s0] =	ssyncadd.tile.s32 @!p0 $0x1;
	_ =	shalt  }
.Lfunc_end2:
_tile_overlayer_lowered:
.L_overlay_start_2:
0xbc: {  	(tag) =	ssettag $0x2  }
0xbd: {  	s0 =	rddreg [dreg:$0x0];
	s2 =	stileid.u32  }
0xbe: {  	s1 =	rddreg [dreg:$0x1];
	p0 =	sne.s32 s2, $0x0  }
0xbf: {  	s3 =	rddreg [dreg:$0x2];
	[bflag:$0x3] =	sbarrier.arrive $0xFFFF;
	s2 =	simm.s32 @!p0 $0x1C08  }
0xc0: {  	[timem:s3], [sflag:s2] =	dma.local @!p0 [hbm:s0], s1  }
0xc1: {  	s0 =	simm.s32 @!p0 $0x8  }
0xc2: {  	_ =	swait.ge @!p0 [sflag:s0], s1  }
0xc3: {  	s1 =	ssub.s32 @!p0 $0x0, s1;
	[sflag:s0] =	ssyncset.done @!p0 $0x0  }
0xc4: {  	[sflag:s0] =	ssyncadd.s32 @!p0 s1  }
0xc5: {  	[bflag:$0x3] =	sbarrier.arrive $0xFFFF  }
0xc6: {  	_ =	shalt  }

</sc_bundles>
